<compile_context>
chip_gen: v7x
topology: tpu7x:2x2x1
jax: 0.10.2.dev20260603
libtpu: 0.0.44.dev20260713+nightly
codegen_flags: <defaults>
</compile_context>

<pallas_src>
import functools

import jax
import jax.numpy as jnp
from jax import lax
from jax.experimental import pallas as pl
from jax.experimental.pallas import tpu as pltpu
from jax.experimental.pallas import tpu_sc as plsc

L = 16
NC = 2
NS = 16
NW = NC * NS


def kernel(inputs, luts_float):
    B, NI = inputs.shape
    NI2, LS, D = luts_float.shape
    assert NI2 == NI and B % NW == 0 and D % L == 0
    bpw = B // NW
    nv = (NI + L - 1) // L
    NIP = nv * L
    NG = ((NI + 7) // 8) * 8
    dv = D // L
    off = float(LS) / 2.0
    hi = float(LS) - 1.0001

    table = luts_float.reshape(NI * LS, D)
    xpad = jnp.pad(inputs, ((0, 0), (0, NIP - NI)))

    mesh = plsc.VectorSubcoreMesh(
        core_axis_name="c", subcore_axis_name="s", num_cores=NC, num_subcores=NS
    )

    @functools.partial(
        pl.kernel,
        out_type=jax.ShapeDtypeStruct((B, D), jnp.float32),
        mesh=mesh,
        scratch_types=[
            pltpu.VMEM((bpw, NIP), jnp.int32),
            pltpu.VMEM((bpw, NIP), jnp.int32),
            pltpu.VMEM((bpw, NIP), jnp.float32),
            pltpu.VMEM((NG, D), jnp.float32),
            pltpu.VMEM((NG, D), jnp.float32),
            pltpu.VMEM((NG, D), jnp.float32),
            pltpu.VMEM((NG, D), jnp.float32),
            pltpu.VMEM((bpw, D), jnp.float32),
            pltpu.SemaphoreType.DMA,
            pltpu.SemaphoreType.DMA,
            pltpu.SemaphoreType.DMA,
            pltpu.SemaphoreType.DMA,
        ],
    )
    def lut_kernel(x_hbm, tab_hbm, out_hbm, idx0, idx1, frac,
                   rows0a, rows1a, rows0b, rows1b, accb,
                   semA0, semA1, semB0, semB1):
        wid = lax.axis_index("s") * NC + lax.axis_index("c")
        base = wid * bpw
        pltpu.sync_copy(x_hbm.at[pl.ds(base, bpw)], frac)

        def prep_row(b, carry):
            for v in range(nv):
                xv = frac[b, pl.ds(v * L, L)]
                x = jnp.minimum(jnp.maximum(xv + off, 0.0), hi)
                x0 = x.astype(jnp.int32)
                fr = x - x0.astype(jnp.float32)
                fl = x0 + (lax.iota(jnp.int32, L) + v * L) * LS
                if (v + 1) * L > NI:
                    ok = (lax.iota(jnp.int32, L) + v * L) < NI
                    fl = jnp.where(ok, fl, 0)
                idx0[b, pl.ds(v * L, L)] = fl
                idx1[b, pl.ds(v * L, L)] = fl + 1
                frac[b, pl.ds(v * L, L)] = fr
            return carry

        lax.fori_loop(0, bpw, prep_row, 0)

        nv_full = NI // L
        tail = NI - nv_full * L

        def issue(b, r0, r1, s0, s1):
            pltpu.async_copy(tab_hbm.at[idx0.at[b, pl.ds(0, NG)]], r0, s0)
            pltpu.async_copy(tab_hbm.at[idx1.at[b, pl.ds(0, NG)]], r1, s1)

        def wait_bufs(r0, r1, s0, s1):
            pltpu.make_async_copy(tab_hbm.at[pl.ds(0, NG)], r0, s0).wait()
            pltpu.make_async_copy(tab_hbm.at[pl.ds(0, NG)], r1, s1).wait()

        def compute(b, rows0, rows1):
            def accum_feature(i, fscalar, accs):
                fv = jnp.full((L,), fscalar, jnp.float32)
                new = []
                for j in range(dv):
                    r0 = rows0[i, pl.ds(j * L, L)]
                    r1 = rows1[i, pl.ds(j * L, L)]
                    new.append(accs[j] + (r0 + fv * (r1 - r0)))
                return tuple(new)

            def group(v, accs):
                fvec = frac[b, pl.ds(v * L, L)]
                for l in range(L):
                    accs = accum_feature(v * L + l, fvec[l], accs)
                return accs

            accs = lax.fori_loop(
                0, nv_full, group,
                tuple(jnp.zeros((L,), jnp.float32) for _ in range(dv)),
            )
            if tail:
                fvec = frac[b, pl.ds(nv_full * L, L)]
                for l in range(tail):
                    accs = accum_feature(nv_full * L + l, fvec[l], accs)
            for j in range(dv):
                accb[b, pl.ds(j * L, L)] = accs[j]

        issue(0, rows0a, rows1a, semA0, semA1)

        def pipe(u, carry):
            t0 = 2 * u
            issue(t0 + 1, rows0b, rows1b, semB0, semB1)
            wait_bufs(rows0a, rows1a, semA0, semA1)
            compute(t0, rows0a, rows1a)

            @pl.when(t0 + 2 < bpw)
            def _():
                issue(t0 + 2, rows0a, rows1a, semA0, semA1)

            wait_bufs(rows0b, rows1b, semB0, semB1)
            compute(t0 + 1, rows0b, rows1b)
            return carry

        lax.fori_loop(0, bpw // 2, pipe, 0)
        pltpu.sync_copy(accb, out_hbm.at[pl.ds(base, bpw)])

    return lut_kernel(xpad, table)

# --- scband reference (transcript-rebuilt; emitter-appended) ---
"""Pipeline reference for scband-lut-inter-layer-56367150793332 (READ-ONLY COPY).

The authoritative reference and input builder live on the scoring server;
editing this copy changes nothing except your own understanding.
"""

import jax, jax.numpy as jnp
import numpy as np

LUT_SIZE = 1000
NUM_INPUTS = 100
NUM_OUTPUTS = 128
BATCH = 4096
INPUT_OFFSET = LUT_SIZE / 2.0  # default input_offset = lut_size / 2


def setup_inputs(seed: int = 0) -> dict:
    key = jax.random.key(seed)
    k1, k2 = jax.random.split(key)
    inputs = jax.random.normal(k1, (BATCH, NUM_INPUTS), dtype=jnp.float32)
    # learned parameter: luts_float [num_inputs, lut_size, num_outputs]
    luts_float = jax.random.normal(k2, (NUM_INPUTS, LUT_SIZE, NUM_OUTPUTS), dtype=jnp.float32) * 0.05
    return {"inputs": inputs, "luts_float": luts_float}


def reference(inputs, luts_float):
    # last_input_is_bias=False, write_lut_hist=False path
    x = inputs + INPUT_OFFSET
    x = jnp.clip(x, 0.0, LUT_SIZE - 1.0001)
    x = jnp.transpose(x)  # [num_inputs, batch]
    x0 = x.astype(jnp.int32)
    x1 = x0 + 1
    # per-input-feature LUT gather (tf.gather with batch_dims=1)
    gather = jax.vmap(lambda lut, idx: jnp.take(lut, idx, axis=0))
    lutVals0 = gather(luts_float, x0)  # [num_inputs, batch, num_outputs]
    lutVals1 = gather(luts_float, x1)  # [num_inputs, batch, num_outputs]
    frac = (x - x0.astype(jnp.float32))[..., None]
    interValues = (lutVals1 - lutVals0) * frac + lutVals0
    lutSum = jnp.sum(interValues, axis=0)  # [batch, num_outputs]
    return lutSum

if __name__ == "__main__":
    import jax
    _d = setup_inputs()
    print(jax.jit(kernel)(*tuple(_d.values())))

</pallas_src>

<mosaic_0001>
#map = affine_map<(d0, d1) -> (0, 0)>
module attributes {stable_mosaic.version = 14 : i64} {
  func.func @lut_kernel(%arg0: i32, %arg1: i32, %arg2: memref<4096x112xf32, #tpu.memory_space<hbm>>, %arg3: memref<100000x128xf32, #tpu.memory_space<hbm>>, %arg4: memref<4096x128xf32, #tpu.memory_space<hbm>>, %arg5: memref<128x112xi32, #tpu.memory_space<vmem>>, %arg6: memref<128x112xi32, #tpu.memory_space<vmem>>, %arg7: memref<128x112xf32, #tpu.memory_space<vmem>>, %arg8: memref<104x128xf32, #tpu.memory_space<vmem>>, %arg9: memref<104x128xf32, #tpu.memory_space<vmem>>, %arg10: memref<104x128xf32, #tpu.memory_space<vmem>>, %arg11: memref<104x128xf32, #tpu.memory_space<vmem>>, %arg12: memref<128x128xf32, #tpu.memory_space<vmem>>, %arg13: memref<!tpu.dma_semaphore, #tpu.memory_space<semaphore_mem>>, %arg14: memref<!tpu.dma_semaphore, #tpu.memory_space<semaphore_mem>>, %arg15: memref<!tpu.dma_semaphore, #tpu.memory_space<semaphore_mem>>, %arg16: memref<!tpu.dma_semaphore, #tpu.memory_space<semaphore_mem>>) attributes {dimension_semantics = [#tpu.dimension_semantics<core_parallel>, #tpu.dimension_semantics<subcore_parallel>], iteration_bounds = array<i64: 2, 16>, scalar_prefetch = 0 : i64, scratch_operands = 12 : i64, tpu.core_type = #tpu.core_type<sc_vector_subcore>, window_params = [{transform_indices = #map}, {transform_indices = #map}, {transform_indices = #map}]} {
    %mul3A = arith.constant 2 : i32
    %mul3A_0 = arith.muli %arg1, %mul3A : i32
    %add3A = arith.addi %mul3A_0, %arg0 : i32
    %mul3A_1 = arith.constant 128 : i32
    %mul3A_2 = arith.muli %add3A, %mul3A_1 : i32
    "tpu.region"() ({
      %run_scoped3A = tpu.sem_alloc : memref<!tpu.dma_semaphore, #tpu.memory_space<semaphore_mem>>
      %dma_start3A_27 = arith.constant 0 : i32
      %dma_start3A_28 = tpu.memref_slice %arg2[%mul3A_2, %dma_start3A_27] : memref<4096x112xf32, #tpu.memory_space<hbm>> -> memref<128x112xf32, #tpu.memory_space<hbm>>
      %dma_start3A_29 = arith.constant 0 : i32
      %dma_start3A_30 = tpu.memref_slice %arg2[%mul3A_2, %dma_start3A_29] : memref<4096x112xf32, #tpu.memory_space<hbm>> -> memref<128x112xf32, #tpu.memory_space<hbm>>
      tpu.enqueue_dma source(%dma_start3A_30 : memref<128x112xf32, #tpu.memory_space<hbm>>) target(%arg7 : memref<128x112xf32, #tpu.memory_space<vmem>>) target_semaphore(%run_scoped3A : memref<!tpu.dma_semaphore, #tpu.memory_space<semaphore_mem>>)
      %dma_wait3A = arith.constant 0 : i32
      %dma_wait3A_31 = tpu.memref_slice %arg2[%mul3A_2, %dma_wait3A] : memref<4096x112xf32, #tpu.memory_space<hbm>> -> memref<128x112xf32, #tpu.memory_space<hbm>>
      %dma_wait3A_32 = arith.constant 0 : i32
      %dma_wait3A_33 = tpu.memref_slice %arg2[%mul3A_2, %dma_wait3A_32] : memref<4096x112xf32, #tpu.memory_space<hbm>> -> memref<128x112xf32, #tpu.memory_space<hbm>>
      tpu.wait_dma2 semaphore(%run_scoped3A : memref<!tpu.dma_semaphore, #tpu.memory_space<semaphore_mem>>) src(%dma_wait3A_33 : memref<128x112xf32, #tpu.memory_space<hbm>>) dst(%arg7 : memref<128x112xf32, #tpu.memory_space<vmem>>)
      tpu.yield
    }) : () -> ()
    %scan3A = arith.constant 0 : i32
    %scan3A_3 = arith.constant 0 : i32
    %scan3A_4 = arith.constant 128 : i32
    %scan3A_5 = arith.addi %scan3A_3, %scan3A_4 : i32
    %scan3A_6 = arith.constant 1 : i32
    scf.for %scan3A_27 = %scan3A_3 to %scan3A_5 step %scan3A_6  : i32 {
      %get3A = arith.index_cast %scan3A_27 : i32 to index
      %get3A_28 = arith.constant 0 : index
      %get3A_29 = tpu.vector_load %arg7[%get3A, %get3A_28] {strides = array<i32>} : memref<128x112xf32, #tpu.memory_space<vmem>>, vector<1x16xf32>,
      %get3A_30 = vector.shape_cast %get3A_29 : vector<1x16xf32> to vector<16xf32>
      %add3A_31 = arith.constant 5.000000e+02 : f32
      %add3A_32 = vector.broadcast %add3A_31 : f32 to vector<16xf32>
      %add3A_33 = arith.addf %get3A_30, %add3A_32 : vector<16xf32>
      %max3A = arith.constant 0.000000e+00 : f32
      %max3A_34 = vector.broadcast %max3A : f32 to vector<16xf32>
      %max3A_35 = arith.maximumf %add3A_33, %max3A_34 : vector<16xf32>
      %min3A = arith.constant 998.999877 : f32
      %min3A_36 = vector.broadcast %min3A : f32 to vector<16xf32>
      %min3A_37 = arith.minimumf %max3A_35, %min3A_36 : vector<16xf32>
      %convert_element_type3A = arith.fptosi %min3A_37 : vector<16xf32> to vector<16xi32>
      %convert_element_type3A_38 = arith.sitofp %convert_element_type3A : vector<16xi32> to vector<16xf32>
      %sub3A = arith.subf %min3A_37, %convert_element_type3A_38 : vector<16xf32>
      %iota3A = tpu.iota {dimensions = array<i32: 0>} : vector<16xi32>
      %add3A_39 = arith.constant 0 : i32
      %add3A_40 = vector.broadcast %add3A_39 : i32 to vector<16xi32>
      %add3A_41 = arith.addi %iota3A, %add3A_40 : vector<16xi32>
      %mul3A_42 = arith.constant 1000 : i32
      %mul3A_43 = vector.broadcast %mul3A_42 : i32 to vector<16xi32>
      %mul3A_44 = arith.muli %add3A_41, %mul3A_43 : vector<16xi32>
      %add3A_45 = arith.addi %convert_element_type3A, %mul3A_44 : vector<16xi32>
      %swap3A = arith.index_cast %scan3A_27 : i32 to index
      %swap3A_46 = arith.constant 0 : index
      %swap3A_47 = tpu.vector_load %arg5[%swap3A, %swap3A_46] {strides = array<i32>} : memref<128x112xi32, #tpu.memory_space<vmem>>, vector<1x16xi32>,
      %swap3A_48 = vector.shape_cast %swap3A_47 : vector<1x16xi32> to vector<16xi32>
      %swap3A_49 = vector.shape_cast %add3A_45 : vector<16xi32> to vector<1x16xi32>
      tpu.vector_store %arg5[%swap3A, %swap3A_46], %swap3A_49 {strides = array<i32>} : memref<128x112xi32, #tpu.memory_space<vmem>>, vector<1x16xi32>,
      %add3A_50 = arith.constant 1 : i32
      %add3A_51 = vector.broadcast %add3A_50 : i32 to vector<16xi32>
      %add3A_52 = arith.addi %add3A_45, %add3A_51 : vector<16xi32>
      %swap3A_53 = arith.index_cast %scan3A_27 : i32 to index
      %swap3A_54 = arith.constant 0 : index
      %swap3A_55 = tpu.vector_load %arg6[%swap3A_53, %swap3A_54] {strides = array<i32>} : memref<128x112xi32, #tpu.memory_space<vmem>>, vector<1x16xi32>,
      %swap3A_56 = vector.shape_cast %swap3A_55 : vector<1x16xi32> to vector<16xi32>
      %swap3A_57 = vector.shape_cast %add3A_52 : vector<16xi32> to vector<1x16xi32>
      tpu.vector_store %arg6[%swap3A_53, %swap3A_54], %swap3A_57 {strides = array<i32>} : memref<128x112xi32, #tpu.memory_space<vmem>>, vector<1x16xi32>,
      %swap3A_58 = arith.index_cast %scan3A_27 : i32 to index
      %swap3A_59 = arith.constant 0 : index
      %swap3A_60 = tpu.vector_load %arg7[%swap3A_58, %swap3A_59] {strides = array<i32>} : memref<128x112xf32, #tpu.memory_space<vmem>>, vector<1x16xf32>,
      %swap3A_61 = vector.shape_cast %swap3A_60 : vector<1x16xf32> to vector<16xf32>
      %swap3A_62 = vector.shape_cast %sub3A : vector<16xf32> to vector<1x16xf32>
      tpu.vector_store %arg7[%swap3A_58, %swap3A_59], %swap3A_62 {strides = array<i32>} : memref<128x112xf32, #tpu.memory_space<vmem>>, vector<1x16xf32>,
      %get3A_63 = arith.index_cast %scan3A_27 : i32 to index
      %get3A_64 = arith.constant 16 : index
      %get3A_65 = tpu.vector_load %arg7[%get3A_63, %get3A_64] {strides = array<i32>} : memref<128x112xf32, #tpu.memory_space<vmem>>, vector<1x16xf32>,
      %get3A_66 = vector.shape_cast %get3A_65 : vector<1x16xf32> to vector<16xf32>
      %add3A_67 = arith.constant 5.000000e+02 : f32
      %add3A_68 = vector.broadcast %add3A_67 : f32 to vector<16xf32>
      %add3A_69 = arith.addf %get3A_66, %add3A_68 : vector<16xf32>
      %max3A_70 = arith.constant 0.000000e+00 : f32
      %max3A_71 = vector.broadcast %max3A_70 : f32 to vector<16xf32>
      %max3A_72 = arith.maximumf %add3A_69, %max3A_71 : vector<16xf32>
      %min3A_73 = arith.constant 998.999877 : f32
      %min3A_74 = vector.broadcast %min3A_73 : f32 to vector<16xf32>
      %min3A_75 = arith.minimumf %max3A_72, %min3A_74 : vector<16xf32>
      %convert_element_type3A_76 = arith.fptosi %min3A_75 : vector<16xf32> to vector<16xi32>
      %convert_element_type3A_77 = arith.sitofp %convert_element_type3A_76 : vector<16xi32> to vector<16xf32>
      %sub3A_78 = arith.subf %min3A_75, %convert_element_type3A_77 : vector<16xf32>
      %iota3A_79 = tpu.iota {dimensions = array<i32: 0>} : vector<16xi32>
      %add3A_80 = arith.constant 16 : i32
      %add3A_81 = vector.broadcast %add3A_80 : i32 to vector<16xi32>
      %add3A_82 = arith.addi %iota3A_79, %add3A_81 : vector<16xi32>
      %mul3A_83 = arith.constant 1000 : i32
      %mul3A_84 = vector.broadcast %mul3A_83 : i32 to vector<16xi32>
      %mul3A_85 = arith.muli %add3A_82, %mul3A_84 : vector<16xi32>
      %add3A_86 = arith.addi %convert_element_type3A_76, %mul3A_85 : vector<16xi32>
      %swap3A_87 = arith.index_cast %scan3A_27 : i32 to index
      %swap3A_88 = arith.constant 16 : index
      %swap3A_89 = tpu.vector_load %arg5[%swap3A_87, %swap3A_88] {strides = array<i32>} : memref<128x112xi32, #tpu.memory_space<vmem>>, vector<1x16xi32>,
      %swap3A_90 = vector.shape_cast %swap3A_89 : vector<1x16xi32> to vector<16xi32>
      %swap3A_91 = vector.shape_cast %add3A_86 : vector<16xi32> to vector<1x16xi32>
      tpu.vector_store %arg5[%swap3A_87, %swap3A_88], %swap3A_91 {strides = array<i32>} : memref<128x112xi32, #tpu.memory_space<vmem>>, vector<1x16xi32>,
      %add3A_92 = arith.constant 1 : i32
      %add3A_93 = vector.broadcast %add3A_92 : i32 to vector<16xi32>
      %add3A_94 = arith.addi %add3A_86, %add3A_93 : vector<16xi32>
      %swap3A_95 = arith.index_cast %scan3A_27 : i32 to index
      %swap3A_96 = arith.constant 16 : index
      %swap3A_97 = tpu.vector_load %arg6[%swap3A_95, %swap3A_96] {strides = array<i32>} : memref<128x112xi32, #tpu.memory_space<vmem>>, vector<1x16xi32>,
      %swap3A_98 = vector.shape_cast %swap3A_97 : vector<1x16xi32> to vector<16xi32>
      %swap3A_99 = vector.shape_cast %add3A_94 : vector<16xi32> to vector<1x16xi32>
      tpu.vector_store %arg6[%swap3A_95, %swap3A_96], %swap3A_99 {strides = array<i32>} : memref<128x112xi32, #tpu.memory_space<vmem>>, vector<1x16xi32>,
      %swap3A_100 = arith.index_cast %scan3A_27 : i32 to index
      %swap3A_101 = arith.constant 16 : index
      %swap3A_102 = tpu.vector_load %arg7[%swap3A_100, %swap3A_101] {strides = array<i32>} : memref<128x112xf32, #tpu.memory_space<vmem>>, vector<1x16xf32>,
      %swap3A_103 = vector.shape_cast %swap3A_102 : vector<1x16xf32> to vector<16xf32>
      %swap3A_104 = vector.shape_cast %sub3A_78 : vector<16xf32> to vector<1x16xf32>
      tpu.vector_store %arg7[%swap3A_100, %swap3A_101], %swap3A_104 {strides = array<i32>} : memref<128x112xf32, #tpu.memory_space<vmem>>, vector<1x16xf32>,
      %get3A_105 = arith.index_cast %scan3A_27 : i32 to index
      %get3A_106 = arith.constant 32 : index
      %get3A_107 = tpu.vector_load %arg7[%get3A_105, %get3A_106] {strides = array<i32>} : memref<128x112xf32, #tpu.memory_space<vmem>>, vector<1x16xf32>,
      %get3A_108 = vector.shape_cast %get3A_107 : vector<1x16xf32> to vector<16xf32>
      %add3A_109 = arith.constant 5.000000e+02 : f32
      %add3A_110 = vector.broadcast %add3A_109 : f32 to vector<16xf32>
      %add3A_111 = arith.addf %get3A_108, %add3A_110 : vector<16xf32>
      %max3A_112 = arith.constant 0.000000e+00 : f32
      %max3A_113 = vector.broadcast %max3A_112 : f32 to vector<16xf32>
      %max3A_114 = arith.maximumf %add3A_111, %max3A_113 : vector<16xf32>
      %min3A_115 = arith.constant 998.999877 : f32
      %min3A_116 = vector.broadcast %min3A_115 : f32 to vector<16xf32>
      %min3A_117 = arith.minimumf %max3A_114, %min3A_116 : vector<16xf32>
      %convert_element_type3A_118 = arith.fptosi %min3A_117 : vector<16xf32> to vector<16xi32>
      %convert_element_type3A_119 = arith.sitofp %convert_element_type3A_118 : vector<16xi32> to vector<16xf32>
      %sub3A_120 = arith.subf %min3A_117, %convert_element_type3A_119 : vector<16xf32>
      %iota3A_121 = tpu.iota {dimensions = array<i32: 0>} : vector<16xi32>
      %add3A_122 = arith.constant 32 : i32
      %add3A_123 = vector.broadcast %add3A_122 : i32 to vector<16xi32>
      %add3A_124 = arith.addi %iota3A_121, %add3A_123 : vector<16xi32>
      %mul3A_125 = arith.constant 1000 : i32
      %mul3A_126 = vector.broadcast %mul3A_125 : i32 to vector<16xi32>
      %mul3A_127 = arith.muli %add3A_124, %mul3A_126 : vector<16xi32>
      %add3A_128 = arith.addi %convert_element_type3A_118, %mul3A_127 : vector<16xi32>
      %swap3A_129 = arith.index_cast %scan3A_27 : i32 to index
      %swap3A_130 = arith.constant 32 : index
      %swap3A_131 = tpu.vector_load %arg5[%swap3A_129, %swap3A_130] {strides = array<i32>} : memref<128x112xi32, #tpu.memory_space<vmem>>, vector<1x16xi32>,
      %swap3A_132 = vector.shape_cast %swap3A_131 : vector<1x16xi32> to vector<16xi32>
      %swap3A_133 = vector.shape_cast %add3A_128 : vector<16xi32> to vector<1x16xi32>
      tpu.vector_store %arg5[%swap3A_129, %swap3A_130], %swap3A_133 {strides = array<i32>} : memref<128x112xi32, #tpu.memory_space<vmem>>, vector<1x16xi32>,
      %add3A_134 = arith.constant 1 : i32
      %add3A_135 = vector.broadcast %add3A_134 : i32 to vector<16xi32>
      %add3A_136 = arith.addi %add3A_128, %add3A_135 : vector<16xi32>
      %swap3A_137 = arith.index_cast %scan3A_27 : i32 to index
      %swap3A_138 = arith.constant 32 : index
      %swap3A_139 = tpu.vector_load %arg6[%swap3A_137, %swap3A_138] {strides = array<i32>} : memref<128x112xi32, #tpu.memory_space<vmem>>, vector<1x16xi32>,
      %swap3A_140 = vector.shape_cast %swap3A_139 : vector<1x16xi32> to vector<16xi32>
      %swap3A_141 = vector.shape_cast %add3A_136 : vector<16xi32> to vector<1x16xi32>
      tpu.vector_store %arg6[%swap3A_137, %swap3A_138], %swap3A_141 {strides = array<i32>} : memref<128x112xi32, #tpu.memory_space<vmem>>, vector<1x16xi32>,
      %swap3A_142 = arith.index_cast %scan3A_27 : i32 to index
      %swap3A_143 = arith.constant 32 : index
      %swap3A_144 = tpu.vector_load %arg7[%swap3A_142, %swap3A_143] {strides = array<i32>} : memref<128x112xf32, #tpu.memory_space<vmem>>, vector<1x16xf32>,
      %swap3A_145 = vector.shape_cast %swap3A_144 : vector<1x16xf32> to vector<16xf32>
      %swap3A_146 = vector.shape_cast %sub3A_120 : vector<16xf32> to vector<1x16xf32>
      tpu.vector_store %arg7[%swap3A_142, %swap3A_143], %swap3A_146 {strides = array<i32>} : memref<128x112xf32, #tpu.memory_space<vmem>>, vector<1x16xf32>,
      %get3A_147 = arith.index_cast %scan3A_27 : i32 to index
      %get3A_148 = arith.constant 48 : index
      %get3A_149 = tpu.vector_load %arg7[%get3A_147, %get3A_148] {strides = array<i32>} : memref<128x112xf32, #tpu.memory_space<vmem>>, vector<1x16xf32>,
      %get3A_150 = vector.shape_cast %get3A_149 : vector<1x16xf32> to vector<16xf32>
      %add3A_151 = arith.constant 5.000000e+02 : f32
      %add3A_152 = vector.broadcast %add3A_151 : f32 to vector<16xf32>
      %add3A_153 = arith.addf %get3A_150, %add3A_152 : vector<16xf32>
      %max3A_154 = arith.constant 0.000000e+00 : f32
      %max3A_155 = vector.broadcast %max3A_154 : f32 to vector<16xf32>
      %max3A_156 = arith.maximumf %add3A_153, %max3A_155 : vector<16xf32>
      %min3A_157 = arith.constant 998.999877 : f32
      %min3A_158 = vector.broadcast %min3A_157 : f32 to vector<16xf32>
      %min3A_159 = arith.minimumf %max3A_156, %min3A_158 : vector<16xf32>
      %convert_element_type3A_160 = arith.fptosi %min3A_159 : vector<16xf32> to vector<16xi32>
      %convert_element_type3A_161 = arith.sitofp %convert_element_type3A_160 : vector<16xi32> to vector<16xf32>
      %sub3A_162 = arith.subf %min3A_159, %convert_element_type3A_161 : vector<16xf32>
      %iota3A_163 = tpu.iota {dimensions = array<i32: 0>} : vector<16xi32>
      %add3A_164 = arith.constant 48 : i32
      %add3A_165 = vector.broadcast %add3A_164 : i32 to vector<16xi32>
      %add3A_166 = arith.addi %iota3A_163, %add3A_165 : vector<16xi32>
      %mul3A_167 = arith.constant 1000 : i32
      %mul3A_168 = vector.broadcast %mul3A_167 : i32 to vector<16xi32>
      %mul3A_169 = arith.muli %add3A_166, %mul3A_168 : vector<16xi32>
      %add3A_170 = arith.addi %convert_element_type3A_160, %mul3A_169 : vector<16xi32>
      %swap3A_171 = arith.index_cast %scan3A_27 : i32 to index
      %swap3A_172 = arith.constant 48 : index
      %swap3A_173 = tpu.vector_load %arg5[%swap3A_171, %swap3A_172] {strides = array<i32>} : memref<128x112xi32, #tpu.memory_space<vmem>>, vector<1x16xi32>,
      %swap3A_174 = vector.shape_cast %swap3A_173 : vector<1x16xi32> to vector<16xi32>
      %swap3A_175 = vector.shape_cast %add3A_170 : vector<16xi32> to vector<1x16xi32>
      tpu.vector_store %arg5[%swap3A_171, %swap3A_172], %swap3A_175 {strides = array<i32>} : memref<128x112xi32, #tpu.memory_space<vmem>>, vector<1x16xi32>,
      %add3A_176 = arith.constant 1 : i32
      %add3A_177 = vector.broadcast %add3A_176 : i32 to vector<16xi32>
      %add3A_178 = arith.addi %add3A_170, %add3A_177 : vector<16xi32>
      %swap3A_179 = arith.index_cast %scan3A_27 : i32 to index
      %swap3A_180 = arith.constant 48 : index
      %swap3A_181 = tpu.vector_load %arg6[%swap3A_179, %swap3A_180] {strides = array<i32>} : memref<128x112xi32, #tpu.memory_space<vmem>>, vector<1x16xi32>,
      %swap3A_182 = vector.shape_cast %swap3A_181 : vector<1x16xi32> to vector<16xi32>
      %swap3A_183 = vector.shape_cast %add3A_178 : vector<16xi32> to vector<1x16xi32>
      tpu.vector_store %arg6[%swap3A_179, %swap3A_180], %swap3A_183 {strides = array<i32>} : memref<128x112xi32, #tpu.memory_space<vmem>>, vector<1x16xi32>,
      %swap3A_184 = arith.index_cast %scan3A_27 : i32 to index
      %swap3A_185 = arith.constant 48 : index
      %swap3A_186 = tpu.vector_load %arg7[%swap3A_184, %swap3A_185] {strides = array<i32>} : memref<128x112xf32, #tpu.memory_space<vmem>>, vector<1x16xf32>,
      %swap3A_187 = vector.shape_cast %swap3A_186 : vector<1x16xf32> to vector<16xf32>
      %swap3A_188 = vector.shape_cast %sub3A_162 : vector<16xf32> to vector<1x16xf32>
      tpu.vector_store %arg7[%swap3A_184, %swap3A_185], %swap3A_188 {strides = array<i32>} : memref<128x112xf32, #tpu.memory_space<vmem>>, vector<1x16xf32>,
      %get3A_189 = arith.index_cast %scan3A_27 : i32 to index
      %get3A_190 = arith.constant 64 : index
      %get3A_191 = tpu.vector_load %arg7[%get3A_189, %get3A_190] {strides = array<i32>} : memref<128x112xf32, #tpu.memory_space<vmem>>, vector<1x16xf32>,
      %get3A_192 = vector.shape_cast %get3A_191 : vector<1x16xf32> to vector<16xf32>
      %add3A_193 = arith.constant 5.000000e+02 : f32
      %add3A_194 = vector.broadcast %add3A_193 : f32 to vector<16xf32>
      %add3A_195 = arith.addf %get3A_192, %add3A_194 : vector<16xf32>
      %max3A_196 = arith.constant 0.000000e+00 : f32
      %max3A_197 = vector.broadcast %max3A_196 : f32 to vector<16xf32>
      %max3A_198 = arith.maximumf %add3A_195, %max3A_197 : vector<16xf32>
      %min3A_199 = arith.constant 998.999877 : f32
      %min3A_200 = vector.broadcast %min3A_199 : f32 to vector<16xf32>
      %min3A_201 = arith.minimumf %max3A_198, %min3A_200 : vector<16xf32>
      %convert_element_type3A_202 = arith.fptosi %min3A_201 : vector<16xf32> to vector<16xi32>
      %convert_element_type3A_203 = arith.sitofp %convert_element_type3A_202 : vector<16xi32> to vector<16xf32>
      %sub3A_204 = arith.subf %min3A_201, %convert_element_type3A_203 : vector<16xf32>
      %iota3A_205 = tpu.iota {dimensions = array<i32: 0>} : vector<16xi32>
      %add3A_206 = arith.constant 64 : i32
      %add3A_207 = vector.broadcast %add3A_206 : i32 to vector<16xi32>
      %add3A_208 = arith.addi %iota3A_205, %add3A_207 : vector<16xi32>
      %mul3A_209 = arith.constant 1000 : i32
      %mul3A_210 = vector.broadcast %mul3A_209 : i32 to vector<16xi32>
      %mul3A_211 = arith.muli %add3A_208, %mul3A_210 : vector<16xi32>
      %add3A_212 = arith.addi %convert_element_type3A_202, %mul3A_211 : vector<16xi32>
      %swap3A_213 = arith.index_cast %scan3A_27 : i32 to index
      %swap3A_214 = arith.constant 64 : index
      %swap3A_215 = tpu.vector_load %arg5[%swap3A_213, %swap3A_214] {strides = array<i32>} : memref<128x112xi32, #tpu.memory_space<vmem>>, vector<1x16xi32>,
      %swap3A_216 = vector.shape_cast %swap3A_215 : vector<1x16xi32> to vector<16xi32>
      %swap3A_217 = vector.shape_cast %add3A_212 : vector<16xi32> to vector<1x16xi32>
      tpu.vector_store %arg5[%swap3A_213, %swap3A_214], %swap3A_217 {strides = array<i32>} : memref<128x112xi32, #tpu.memory_space<vmem>>, vector<1x16xi32>,
      %add3A_218 = arith.constant 1 : i32
      %add3A_219 = vector.broadcast %add3A_218 : i32 to vector<16xi32>
      %add3A_220 = arith.addi %add3A_212, %add3A_219 : vector<16xi32>
      %swap3A_221 = arith.index_cast %scan3A_27 : i32 to index
      %swap3A_222 = arith.constant 64 : index
      %swap3A_223 = tpu.vector_load %arg6[%swap3A_221, %swap3A_222] {strides = array<i32>} : memref<128x112xi32, #tpu.memory_space<vmem>>, vector<1x16xi32>,
      %swap3A_224 = vector.shape_cast %swap3A_223 : vector<1x16xi32> to vector<16xi32>
      %swap3A_225 = vector.shape_cast %add3A_220 : vector<16xi32> to vector<1x16xi32>
      tpu.vector_store %arg6[%swap3A_221, %swap3A_222], %swap3A_225 {strides = array<i32>} : memref<128x112xi32, #tpu.memory_space<vmem>>, vector<1x16xi32>,
      %swap3A_226 = arith.index_cast %scan3A_27 : i32 to index
      %swap3A_227 = arith.constant 64 : index
      %swap3A_228 = tpu.vector_load %arg7[%swap3A_226, %swap3A_227] {strides = array<i32>} : memref<128x112xf32, #tpu.memory_space<vmem>>, vector<1x16xf32>,
      %swap3A_229 = vector.shape_cast %swap3A_228 : vector<1x16xf32> to vector<16xf32>
      %swap3A_230 = vector.shape_cast %sub3A_204 : vector<16xf32> to vector<1x16xf32>
      tpu.vector_store %arg7[%swap3A_226, %swap3A_227], %swap3A_230 {strides = array<i32>} : memref<128x112xf32, #tpu.memory_space<vmem>>, vector<1x16xf32>,
      %get3A_231 = arith.index_cast %scan3A_27 : i32 to index
      %get3A_232 = arith.constant 80 : index
      %get3A_233 = tpu.vector_load %arg7[%get3A_231, %get3A_232] {strides = array<i32>} : memref<128x112xf32, #tpu.memory_space<vmem>>, vector<1x16xf32>,
      %get3A_234 = vector.shape_cast %get3A_233 : vector<1x16xf32> to vector<16xf32>
      %add3A_235 = arith.constant 5.000000e+02 : f32
      %add3A_236 = vector.broadcast %add3A_235 : f32 to vector<16xf32>
      %add3A_237 = arith.addf %get3A_234, %add3A_236 : vector<16xf32>
      %max3A_238 = arith.constant 0.000000e+00 : f32
      %max3A_239 = vector.broadcast %max3A_238 : f32 to vector<16xf32>
      %max3A_240 = arith.maximumf %add3A_237, %max3A_239 : vector<16xf32>
      %min3A_241 = arith.constant 998.999877 : f32
      %min3A_242 = vector.broadcast %min3A_241 : f32 to vector<16xf32>
      %min3A_243 = arith.minimumf %max3A_240, %min3A_242 : vector<16xf32>
      %convert_element_type3A_244 = arith.fptosi %min3A_243 : vector<16xf32> to vector<16xi32>
      %convert_element_type3A_245 = arith.sitofp %convert_element_type3A_244 : vector<16xi32> to vector<16xf32>
      %sub3A_246 = arith.subf %min3A_243, %convert_element_type3A_245 : vector<16xf32>
      %iota3A_247 = tpu.iota {dimensions = array<i32: 0>} : vector<16xi32>
      %add3A_248 = arith.constant 80 : i32
      %add3A_249 = vector.broadcast %add3A_248 : i32 to vector<16xi32>
      %add3A_250 = arith.addi %iota3A_247, %add3A_249 : vector<16xi32>
      %mul3A_251 = arith.constant 1000 : i32
      %mul3A_252 = vector.broadcast %mul3A_251 : i32 to vector<16xi32>
      %mul3A_253 = arith.muli %add3A_250, %mul3A_252 : vector<16xi32>
      %add3A_254 = arith.addi %convert_element_type3A_244, %mul3A_253 : vector<16xi32>
      %swap3A_255 = arith.index_cast %scan3A_27 : i32 to index
      %swap3A_256 = arith.constant 80 : index
      %swap3A_257 = tpu.vector_load %arg5[%swap3A_255, %swap3A_256] {strides = array<i32>} : memref<128x112xi32, #tpu.memory_space<vmem>>, vector<1x16xi32>,
      %swap3A_258 = vector.shape_cast %swap3A_257 : vector<1x16xi32> to vector<16xi32>
      %swap3A_259 = vector.shape_cast %add3A_254 : vector<16xi32> to vector<1x16xi32>
      tpu.vector_store %arg5[%swap3A_255, %swap3A_256], %swap3A_259 {strides = array<i32>} : memref<128x112xi32, #tpu.memory_space<vmem>>, vector<1x16xi32>,
      %add3A_260 = arith.constant 1 : i32
      %add3A_261 = vector.broadcast %add3A_260 : i32 to vector<16xi32>
      %add3A_262 = arith.addi %add3A_254, %add3A_261 : vector<16xi32>
      %swap3A_263 = arith.index_cast %scan3A_27 : i32 to index
      %swap3A_264 = arith.constant 80 : index
      %swap3A_265 = tpu.vector_load %arg6[%swap3A_263, %swap3A_264] {strides = array<i32>} : memref<128x112xi32, #tpu.memory_space<vmem>>, vector<1x16xi32>,
      %swap3A_266 = vector.shape_cast %swap3A_265 : vector<1x16xi32> to vector<16xi32>
      %swap3A_267 = vector.shape_cast %add3A_262 : vector<16xi32> to vector<1x16xi32>
      tpu.vector_store %arg6[%swap3A_263, %swap3A_264], %swap3A_267 {strides = array<i32>} : memref<128x112xi32, #tpu.memory_space<vmem>>, vector<1x16xi32>,
      %swap3A_268 = arith.index_cast %scan3A_27 : i32 to index
      %swap3A_269 = arith.constant 80 : index
      %swap3A_270 = tpu.vector_load %arg7[%swap3A_268, %swap3A_269] {strides = array<i32>} : memref<128x112xf32, #tpu.memory_space<vmem>>, vector<1x16xf32>,
      %swap3A_271 = vector.shape_cast %swap3A_270 : vector<1x16xf32> to vector<16xf32>
      %swap3A_272 = vector.shape_cast %sub3A_246 : vector<16xf32> to vector<1x16xf32>
      tpu.vector_store %arg7[%swap3A_268, %swap3A_269], %swap3A_272 {strides = array<i32>} : memref<128x112xf32, #tpu.memory_space<vmem>>, vector<1x16xf32>,
      %get3A_273 = arith.index_cast %scan3A_27 : i32 to index
      %get3A_274 = arith.constant 96 : index
      %get3A_275 = tpu.vector_load %arg7[%get3A_273, %get3A_274] {strides = array<i32>} : memref<128x112xf32, #tpu.memory_space<vmem>>, vector<1x16xf32>,
      %get3A_276 = vector.shape_cast %get3A_275 : vector<1x16xf32> to vector<16xf32>
      %add3A_277 = arith.constant 5.000000e+02 : f32
      %add3A_278 = vector.broadcast %add3A_277 : f32 to vector<16xf32>
      %add3A_279 = arith.addf %get3A_276, %add3A_278 : vector<16xf32>
      %max3A_280 = arith.constant 0.000000e+00 : f32
      %max3A_281 = vector.broadcast %max3A_280 : f32 to vector<16xf32>
      %max3A_282 = arith.maximumf %add3A_279, %max3A_281 : vector<16xf32>
      %min3A_283 = arith.constant 998.999877 : f32
      %min3A_284 = vector.broadcast %min3A_283 : f32 to vector<16xf32>
      %min3A_285 = arith.minimumf %max3A_282, %min3A_284 : vector<16xf32>
      %convert_element_type3A_286 = arith.fptosi %min3A_285 : vector<16xf32> to vector<16xi32>
      %convert_element_type3A_287 = arith.sitofp %convert_element_type3A_286 : vector<16xi32> to vector<16xf32>
      %sub3A_288 = arith.subf %min3A_285, %convert_element_type3A_287 : vector<16xf32>
      %iota3A_289 = tpu.iota {dimensions = array<i32: 0>} : vector<16xi32>
      %add3A_290 = arith.constant 96 : i32
      %add3A_291 = vector.broadcast %add3A_290 : i32 to vector<16xi32>
      %add3A_292 = arith.addi %iota3A_289, %add3A_291 : vector<16xi32>
      %mul3A_293 = arith.constant 1000 : i32
      %mul3A_294 = vector.broadcast %mul3A_293 : i32 to vector<16xi32>
      %mul3A_295 = arith.muli %add3A_292, %mul3A_294 : vector<16xi32>
      %add3A_296 = arith.addi %convert_element_type3A_286, %mul3A_295 : vector<16xi32>
      %iota3A_297 = tpu.iota {dimensions = array<i32: 0>} : vector<16xi32>
      %add3A_298 = arith.constant 96 : i32
      %add3A_299 = vector.broadcast %add3A_298 : i32 to vector<16xi32>
      %add3A_300 = arith.addi %iota3A_297, %add3A_299 : vector<16xi32>
      %lt3A = arith.constant 100 : i32
      %lt3A_301 = vector.broadcast %lt3A : i32 to vector<16xi32>
      %lt3A_302 = arith.cmpi slt, %add3A_300, %lt3A_301 : vector<16xi32>
      %jit3A = arith.constant 0 : i32
      %broadcast_in_dim3A = vector.broadcast %jit3A : i32 to vector<16xi32>
      %select_n3A = arith.select %lt3A_302, %add3A_296, %broadcast_in_dim3A : vector<16xi1>, vector<16xi32>
      %swap3A_303 = arith.index_cast %scan3A_27 : i32 to index
      %swap3A_304 = arith.constant 96 : index
      %swap3A_305 = tpu.vector_load %arg5[%swap3A_303, %swap3A_304] {strides = array<i32>} : memref<128x112xi32, #tpu.memory_space<vmem>>, vector<1x16xi32>,
      %swap3A_306 = vector.shape_cast %swap3A_305 : vector<1x16xi32> to vector<16xi32>
      %swap3A_307 = vector.shape_cast %select_n3A : vector<16xi32> to vector<1x16xi32>
      tpu.vector_store %arg5[%swap3A_303, %swap3A_304], %swap3A_307 {strides = array<i32>} : memref<128x112xi32, #tpu.memory_space<vmem>>, vector<1x16xi32>,
      %add3A_308 = arith.constant 1 : i32
      %add3A_309 = vector.broadcast %add3A_308 : i32 to vector<16xi32>
      %add3A_310 = arith.addi %select_n3A, %add3A_309 : vector<16xi32>
      %swap3A_311 = arith.index_cast %scan3A_27 : i32 to index
      %swap3A_312 = arith.constant 96 : index
      %swap3A_313 = tpu.vector_load %arg6[%swap3A_311, %swap3A_312] {strides = array<i32>} : memref<128x112xi32, #tpu.memory_space<vmem>>, vector<1x16xi32>,
      %swap3A_314 = vector.shape_cast %swap3A_313 : vector<1x16xi32> to vector<16xi32>
      %swap3A_315 = vector.shape_cast %add3A_310 : vector<16xi32> to vector<1x16xi32>
      tpu.vector_store %arg6[%swap3A_311, %swap3A_312], %swap3A_315 {strides = array<i32>} : memref<128x112xi32, #tpu.memory_space<vmem>>, vector<1x16xi32>,
      %swap3A_316 = arith.index_cast %scan3A_27 : i32 to index
      %swap3A_317 = arith.constant 96 : index
      %swap3A_318 = tpu.vector_load %arg7[%swap3A_316, %swap3A_317] {strides = array<i32>} : memref<128x112xf32, #tpu.memory_space<vmem>>, vector<1x16xf32>,
      %swap3A_319 = vector.shape_cast %swap3A_318 : vector<1x16xf32> to vector<16xf32>
      %swap3A_320 = vector.shape_cast %sub3A_288 : vector<16xf32> to vector<1x16xf32>
      tpu.vector_store %arg7[%swap3A_316, %swap3A_317], %swap3A_320 {strides = array<i32>} : memref<128x112xf32, #tpu.memory_space<vmem>>, vector<1x16xf32>,
    }
    %scan3A_7 = arith.constant 128 : i32
    %dma_start3A = arith.constant 0 : i32
    %dma_start3A_8 = arith.constant 0 : i32
    %dma_start3A_9 = tpu.memref_slice %arg5[%dma_start3A, %dma_start3A_8] : memref<128x112xi32, #tpu.memory_space<vmem>> -> memref<1x104xi32, #tpu.memory_space<vmem>>
    %dma_start3A_10 = tpu.memref_squeeze %dma_start3A_9 : memref<1x104xi32, #tpu.memory_space<vmem>> -> memref<104xi32, #tpu.memory_space<vmem>>
    %dma_start3A_11 = arith.constant 0 : i32
    %dma_start3A_12 = arith.constant 0 : i32
    %dma_start3A_13 = tpu.memref_slice %arg3[%dma_start3A_11, %dma_start3A_12] : memref<100000x128xf32, #tpu.memory_space<hbm>> -> memref<100000x128xf32, #tpu.memory_space<hbm>>
    tpu.enqueue_indirect_dma source(%dma_start3A_13 : memref<100000x128xf32, #tpu.memory_space<hbm>>) target(%arg8 : memref<104x128xf32, #tpu.memory_space<vmem>>) offsets(%dma_start3A_10 : memref<104xi32, #tpu.memory_space<vmem>>) semaphore(%arg13 : memref<!tpu.dma_semaphore, #tpu.memory_space<semaphore_mem>>)
    %dma_start3A_14 = arith.constant 0 : i32
    %dma_start3A_15 = arith.constant 0 : i32
    %dma_start3A_16 = tpu.memref_slice %arg6[%dma_start3A_14, %dma_start3A_15] : memref<128x112xi32, #tpu.memory_space<vmem>> -> memref<1x104xi32, #tpu.memory_space<vmem>>
    %dma_start3A_17 = tpu.memref_squeeze %dma_start3A_16 : memref<1x104xi32, #tpu.memory_space<vmem>> -> memref<104xi32, #tpu.memory_space<vmem>>
    %dma_start3A_18 = arith.constant 0 : i32
    %dma_start3A_19 = arith.constant 0 : i32
    %dma_start3A_20 = tpu.memref_slice %arg3[%dma_start3A_18, %dma_start3A_19] : memref<100000x128xf32, #tpu.memory_space<hbm>> -> memref<100000x128xf32, #tpu.memory_space<hbm>>
    tpu.enqueue_indirect_dma source(%dma_start3A_20 : memref<100000x128xf32, #tpu.memory_space<hbm>>) target(%arg9 : memref<104x128xf32, #tpu.memory_space<vmem>>) offsets(%dma_start3A_17 : memref<104xi32, #tpu.memory_space<vmem>>) semaphore(%arg14 : memref<!tpu.dma_semaphore, #tpu.memory_space<semaphore_mem>>)
    %scan3A_21 = arith.constant 0 : i32
    %scan3A_22 = arith.constant 0 : i32
    %scan3A_23 = arith.constant 64 : i32
    %scan3A_24 = arith.addi %scan3A_22, %scan3A_23 : i32
    %scan3A_25 = arith.constant 1 : i32
    scf.for %scan3A_27 = %scan3A_22 to %scan3A_24 step %scan3A_25  : i32 {
      %mul3A_28 = arith.constant 2 : i32
      %mul3A_29 = arith.muli %mul3A_28, %scan3A_27 : i32
      %add3A_30 = arith.constant 1 : i32
      %add3A_31 = arith.addi %mul3A_29, %add3A_30 : i32
      %dma_start3A_32 = arith.constant 0 : i32
      %dma_start3A_33 = tpu.memref_slice %arg5[%add3A_31, %dma_start3A_32] : memref<128x112xi32, #tpu.memory_space<vmem>> -> memref<1x104xi32, #tpu.memory_space<vmem>>
      %dma_start3A_34 = tpu.memref_squeeze %dma_start3A_33 : memref<1x104xi32, #tpu.memory_space<vmem>> -> memref<104xi32, #tpu.memory_space<vmem>>
      %dma_start3A_35 = arith.constant 0 : i32
      %dma_start3A_36 = arith.constant 0 : i32
      %dma_start3A_37 = tpu.memref_slice %arg3[%dma_start3A_35, %dma_start3A_36] : memref<100000x128xf32, #tpu.memory_space<hbm>> -> memref<100000x128xf32, #tpu.memory_space<hbm>>
      tpu.enqueue_indirect_dma source(%dma_start3A_37 : memref<100000x128xf32, #tpu.memory_space<hbm>>) target(%arg10 : memref<104x128xf32, #tpu.memory_space<vmem>>) offsets(%dma_start3A_34 : memref<104xi32, #tpu.memory_space<vmem>>) semaphore(%arg15 : memref<!tpu.dma_semaphore, #tpu.memory_space<semaphore_mem>>)
      %dma_start3A_38 = arith.constant 0 : i32
      %dma_start3A_39 = tpu.memref_slice %arg6[%add3A_31, %dma_start3A_38] : memref<128x112xi32, #tpu.memory_space<vmem>> -> memref<1x104xi32, #tpu.memory_space<vmem>>
      %dma_start3A_40 = tpu.memref_squeeze %dma_start3A_39 : memref<1x104xi32, #tpu.memory_space<vmem>> -> memref<104xi32, #tpu.memory_space<vmem>>
      %dma_start3A_41 = arith.constant 0 : i32
      %dma_start3A_42 = arith.constant 0 : i32
      %dma_start3A_43 = tpu.memref_slice %arg3[%dma_start3A_41, %dma_start3A_42] : memref<100000x128xf32, #tpu.memory_space<hbm>> -> memref<100000x128xf32, #tpu.memory_space<hbm>>
      tpu.enqueue_indirect_dma source(%dma_start3A_43 : memref<100000x128xf32, #tpu.memory_space<hbm>>) target(%arg11 : memref<104x128xf32, #tpu.memory_space<vmem>>) offsets(%dma_start3A_40 : memref<104xi32, #tpu.memory_space<vmem>>) semaphore(%arg16 : memref<!tpu.dma_semaphore, #tpu.memory_space<semaphore_mem>>)
      %dma_wait3A = arith.constant 0 : i32
      %dma_wait3A_44 = arith.constant 0 : i32
      %dma_wait3A_45 = tpu.memref_slice %arg3[%dma_wait3A, %dma_wait3A_44] : memref<100000x128xf32, #tpu.memory_space<hbm>> -> memref<104x128xf32, #tpu.memory_space<hbm>>
      %dma_wait3A_46 = arith.constant 0 : i32
      %dma_wait3A_47 = arith.constant 0 : i32
      %dma_wait3A_48 = tpu.memref_slice %arg3[%dma_wait3A_46, %dma_wait3A_47] : memref<100000x128xf32, #tpu.memory_space<hbm>> -> memref<104x128xf32, #tpu.memory_space<hbm>>
      tpu.wait_dma2 semaphore(%arg13 : memref<!tpu.dma_semaphore, #tpu.memory_space<semaphore_mem>>) src(%dma_wait3A_48 : memref<104x128xf32, #tpu.memory_space<hbm>>) dst(%arg8 : memref<104x128xf32, #tpu.memory_space<vmem>>)
      %dma_wait3A_49 = arith.constant 0 : i32
      %dma_wait3A_50 = arith.constant 0 : i32
      %dma_wait3A_51 = tpu.memref_slice %arg3[%dma_wait3A_49, %dma_wait3A_50] : memref<100000x128xf32, #tpu.memory_space<hbm>> -> memref<104x128xf32, #tpu.memory_space<hbm>>
      %dma_wait3A_52 = arith.constant 0 : i32
      %dma_wait3A_53 = arith.constant 0 : i32
      %dma_wait3A_54 = tpu.memref_slice %arg3[%dma_wait3A_52, %dma_wait3A_53] : memref<100000x128xf32, #tpu.memory_space<hbm>> -> memref<104x128xf32, #tpu.memory_space<hbm>>
      tpu.wait_dma2 semaphore(%arg14 : memref<!tpu.dma_semaphore, #tpu.memory_space<semaphore_mem>>) src(%dma_wait3A_54 : memref<104x128xf32, #tpu.memory_space<hbm>>) dst(%arg9 : memref<104x128xf32, #tpu.memory_space<vmem>>)
      %broadcast_in_dim3A = arith.constant 0.000000e+00 : f32
      %broadcast_in_dim3A_55 = vector.broadcast %broadcast_in_dim3A : f32 to vector<16xf32>
      %broadcast_in_dim3A_56 = arith.constant 0.000000e+00 : f32
      %broadcast_in_dim3A_57 = vector.broadcast %broadcast_in_dim3A_56 : f32 to vector<16xf32>
      %broadcast_in_dim3A_58 = arith.constant 0.000000e+00 : f32
      %broadcast_in_dim3A_59 = vector.broadcast %broadcast_in_dim3A_58 : f32 to vector<16xf32>
      %broadcast_in_dim3A_60 = arith.constant 0.000000e+00 : f32
      %broadcast_in_dim3A_61 = vector.broadcast %broadcast_in_dim3A_60 : f32 to vector<16xf32>
      %broadcast_in_dim3A_62 = arith.constant 0.000000e+00 : f32
      %broadcast_in_dim3A_63 = vector.broadcast %broadcast_in_dim3A_62 : f32 to vector<16xf32>
      %broadcast_in_dim3A_64 = arith.constant 0.000000e+00 : f32
      %broadcast_in_dim3A_65 = vector.broadcast %broadcast_in_dim3A_64 : f32 to vector<16xf32>
      %broadcast_in_dim3A_66 = arith.constant 0.000000e+00 : f32
      %broadcast_in_dim3A_67 = vector.broadcast %broadcast_in_dim3A_66 : f32 to vector<16xf32>
      %broadcast_in_dim3A_68 = arith.constant 0.000000e+00 : f32
      %broadcast_in_dim3A_69 = vector.broadcast %broadcast_in_dim3A_68 : f32 to vector<16xf32>
      %scan3A_70 = arith.constant 0 : i32
      %scan3A_71 = arith.constant 6 : i32
      %scan3A_72 = arith.addi %scan3A_70, %scan3A_71 : i32
      %scan3A_73 = arith.constant 1 : i32
      %scan3A_74:8 = scf.for %scan3A_1119 = %scan3A_70 to %scan3A_72 step %scan3A_73 iter_args(%scan3A_1120 = %broadcast_in_dim3A_55, %scan3A_1121 = %broadcast_in_dim3A_57, %scan3A_1122 = %broadcast_in_dim3A_59, %scan3A_1123 = %broadcast_in_dim3A_61, %scan3A_1124 = %broadcast_in_dim3A_63, %scan3A_1125 = %broadcast_in_dim3A_65, %scan3A_1126 = %broadcast_in_dim3A_67, %scan3A_1127 = %broadcast_in_dim3A_69) -> (vector<16xf32>, vector<16xf32>, vector<16xf32>, vector<16xf32>, vector<16xf32>, vector<16xf32>, vector<16xf32>, vector<16xf32>)  : i32 {
        %mul3A_1128 = arith.constant 16 : i32
        %mul3A_1129 = arith.muli %scan3A_1119, %mul3A_1128 : i32
        %get3A_1130 = arith.index_cast %mul3A_29 : i32 to index
        %get3A_1131 = arith.index_cast %mul3A_1129 : i32 to index
        %get3A_1132 = tpu.vector_load %arg7[%get3A_1130, %get3A_1131] {strides = array<i32>} : memref<128x112xf32, #tpu.memory_space<vmem>>, vector<1x16xf32>,
        %get3A_1133 = vector.shape_cast %get3A_1132 : vector<1x16xf32> to vector<16xf32>
        %mul3A_1134 = arith.constant 16 : i32
        %mul3A_1135 = arith.muli %scan3A_1119, %mul3A_1134 : i32
        %add3A_1136 = arith.constant 0 : i32
        %add3A_1137 = arith.addi %mul3A_1135, %add3A_1136 : i32
        %slice3A_1138 = vector.extract_strided_slice %get3A_1133 {offsets = [0], sizes = [1], strides = [1]} : vector<16xf32> to vector<1xf32>
        %squeeze3A_1139 = vector.extract %slice3A_1138[0] : f32 from vector<1xf32>
        %broadcast_in_dim3A_1140 = vector.broadcast %squeeze3A_1139 : f32 to vector<16xf32>
        %get3A_1141 = arith.index_cast %add3A_1137 : i32 to index
        %get3A_1142 = arith.constant 0 : index
        %get3A_1143 = tpu.vector_load %arg8[%get3A_1141, %get3A_1142] {strides = array<i32>} : memref<104x128xf32, #tpu.memory_space<vmem>>, vector<1x16xf32>,
        %get3A_1144 = vector.shape_cast %get3A_1143 : vector<1x16xf32> to vector<16xf32>
        %get3A_1145 = arith.index_cast %add3A_1137 : i32 to index
        %get3A_1146 = arith.constant 0 : index
        %get3A_1147 = tpu.vector_load %arg9[%get3A_1145, %get3A_1146] {strides = array<i32>} : memref<104x128xf32, #tpu.memory_space<vmem>>, vector<1x16xf32>,
        %get3A_1148 = vector.shape_cast %get3A_1147 : vector<1x16xf32> to vector<16xf32>
        %sub3A_1149 = arith.subf %get3A_1148, %get3A_1144 : vector<16xf32>
        %mul3A_1150 = arith.mulf %broadcast_in_dim3A_1140, %sub3A_1149 : vector<16xf32>
        %add3A_1151 = arith.addf %get3A_1144, %mul3A_1150 : vector<16xf32>
        %add3A_1152 = arith.addf %scan3A_1120, %add3A_1151 : vector<16xf32>
        %get3A_1153 = arith.index_cast %add3A_1137 : i32 to index
        %get3A_1154 = arith.constant 16 : index
        %get3A_1155 = tpu.vector_load %arg8[%get3A_1153, %get3A_1154] {strides = array<i32>} : memref<104x128xf32, #tpu.memory_space<vmem>>, vector<1x16xf32>,
        %get3A_1156 = vector.shape_cast %get3A_1155 : vector<1x16xf32> to vector<16xf32>
        %get3A_1157 = arith.index_cast %add3A_1137 : i32 to index
        %get3A_1158 = arith.constant 16 : index
        %get3A_1159 = tpu.vector_load %arg9[%get3A_1157, %get3A_1158] {strides = array<i32>} : memref<104x128xf32, #tpu.memory_space<vmem>>, vector<1x16xf32>,
        %get3A_1160 = vector.shape_cast %get3A_1159 : vector<1x16xf32> to vector<16xf32>
        %sub3A_1161 = arith.subf %get3A_1160, %get3A_1156 : vector<16xf32>
        %mul3A_1162 = arith.mulf %broadcast_in_dim3A_1140, %sub3A_1161 : vector<16xf32>
        %add3A_1163 = arith.addf %get3A_1156, %mul3A_1162 : vector<16xf32>
        %add3A_1164 = arith.addf %scan3A_1121, %add3A_1163 : vector<16xf32>
        %get3A_1165 = arith.index_cast %add3A_1137 : i32 to index
        %get3A_1166 = arith.constant 32 : index
        %get3A_1167 = tpu.vector_load %arg8[%get3A_1165, %get3A_1166] {strides = array<i32>} : memref<104x128xf32, #tpu.memory_space<vmem>>, vector<1x16xf32>,
        %get3A_1168 = vector.shape_cast %get3A_1167 : vector<1x16xf32> to vector<16xf32>
        %get3A_1169 = arith.index_cast %add3A_1137 : i32 to index
        %get3A_1170 = arith.constant 32 : index
        %get3A_1171 = tpu.vector_load %arg9[%get3A_1169, %get3A_1170] {strides = array<i32>} : memref<104x128xf32, #tpu.memory_space<vmem>>, vector<1x16xf32>,
        %get3A_1172 = vector.shape_cast %get3A_1171 : vector<1x16xf32> to vector<16xf32>
        %sub3A_1173 = arith.subf %get3A_1172, %get3A_1168 : vector<16xf32>
        %mul3A_1174 = arith.mulf %broadcast_in_dim3A_1140, %sub3A_1173 : vector<16xf32>
        %add3A_1175 = arith.addf %get3A_1168, %mul3A_1174 : vector<16xf32>
        %add3A_1176 = arith.addf %scan3A_1122, %add3A_1175 : vector<16xf32>
        %get3A_1177 = arith.index_cast %add3A_1137 : i32 to index
        %get3A_1178 = arith.constant 48 : index
        %get3A_1179 = tpu.vector_load %arg8[%get3A_1177, %get3A_1178] {strides = array<i32>} : memref<104x128xf32, #tpu.memory_space<vmem>>, vector<1x16xf32>,
        %get3A_1180 = vector.shape_cast %get3A_1179 : vector<1x16xf32> to vector<16xf32>
        %get3A_1181 = arith.index_cast %add3A_1137 : i32 to index
        %get3A_1182 = arith.constant 48 : index
        %get3A_1183 = tpu.vector_load %arg9[%get3A_1181, %get3A_1182] {strides = array<i32>} : memref<104x128xf32, #tpu.memory_space<vmem>>, vector<1x16xf32>,
        %get3A_1184 = vector.shape_cast %get3A_1183 : vector<1x16xf32> to vector<16xf32>
        %sub3A_1185 = arith.subf %get3A_1184, %get3A_1180 : vector<16xf32>
        %mul3A_1186 = arith.mulf %broadcast_in_dim3A_1140, %sub3A_1185 : vector<16xf32>
        %add3A_1187 = arith.addf %get3A_1180, %mul3A_1186 : vector<16xf32>
        %add3A_1188 = arith.addf %scan3A_1123, %add3A_1187 : vector<16xf32>
        %get3A_1189 = arith.index_cast %add3A_1137 : i32 to index
        %get3A_1190 = arith.constant 64 : index
        %get3A_1191 = tpu.vector_load %arg8[%get3A_1189, %get3A_1190] {strides = array<i32>} : memref<104x128xf32, #tpu.memory_space<vmem>>, vector<1x16xf32>,
        %get3A_1192 = vector.shape_cast %get3A_1191 : vector<1x16xf32> to vector<16xf32>
        %get3A_1193 = arith.index_cast %add3A_1137 : i32 to index
        %get3A_1194 = arith.constant 64 : index
        %get3A_1195 = tpu.vector_load %arg9[%get3A_1193, %get3A_1194] {strides = array<i32>} : memref<104x128xf32, #tpu.memory_space<vmem>>, vector<1x16xf32>,
        %get3A_1196 = vector.shape_cast %get3A_1195 : vector<1x16xf32> to vector<16xf32>
        %sub3A_1197 = arith.subf %get3A_1196, %get3A_1192 : vector<16xf32>
        %mul3A_1198 = arith.mulf %broadcast_in_dim3A_1140, %sub3A_1197 : vector<16xf32>
        %add3A_1199 = arith.addf %get3A_1192, %mul3A_1198 : vector<16xf32>
        %add3A_1200 = arith.addf %scan3A_1124, %add3A_1199 : vector<16xf32>
        %get3A_1201 = arith.index_cast %add3A_1137 : i32 to index
        %get3A_1202 = arith.constant 80 : index
        %get3A_1203 = tpu.vector_load %arg8[%get3A_1201, %get3A_1202] {strides = array<i32>} : memref<104x128xf32, #tpu.memory_space<vmem>>, vector<1x16xf32>,
        %get3A_1204 = vector.shape_cast %get3A_1203 : vector<1x16xf32> to vector<16xf32>
        %get3A_1205 = arith.index_cast %add3A_1137 : i32 to index
        %get3A_1206 = arith.constant 80 : index
        %get3A_1207 = tpu.vector_load %arg9[%get3A_1205, %get3A_1206] {strides = array<i32>} : memref<104x128xf32, #tpu.memory_space<vmem>>, vector<1x16xf32>,
        %get3A_1208 = vector.shape_cast %get3A_1207 : vector<1x16xf32> to vector<16xf32>
        %sub3A_1209 = arith.subf %get3A_1208, %get3A_1204 : vector<16xf32>
        %mul3A_1210 = arith.mulf %broadcast_in_dim3A_1140, %sub3A_1209 : vector<16xf32>
        %add3A_1211 = arith.addf %get3A_1204, %mul3A_1210 : vector<16xf32>
        %add3A_1212 = arith.addf %scan3A_1125, %add3A_1211 : vector<16xf32>
        %get3A_1213 = arith.index_cast %add3A_1137 : i32 to index
        %get3A_1214 = arith.constant 96 : index
        %get3A_1215 = tpu.vector_load %arg8[%get3A_1213, %get3A_1214] {strides = array<i32>} : memref<104x128xf32, #tpu.memory_space<vmem>>, vector<1x16xf32>,
        %get3A_1216 = vector.shape_cast %get3A_1215 : vector<1x16xf32> to vector<16xf32>
        %get3A_1217 = arith.index_cast %add3A_1137 : i32 to index
        %get3A_1218 = arith.constant 96 : index
        %get3A_1219 = tpu.vector_load %arg9[%get3A_1217, %get3A_1218] {strides = array<i32>} : memref<104x128xf32, #tpu.memory_space<vmem>>, vector<1x16xf32>,
        %get3A_1220 = vector.shape_cast %get3A_1219 : vector<1x16xf32> to vector<16xf32>
        %sub3A_1221 = arith.subf %get3A_1220, %get3A_1216 : vector<16xf32>
        %mul3A_1222 = arith.mulf %broadcast_in_dim3A_1140, %sub3A_1221 : vector<16xf32>
        %add3A_1223 = arith.addf %get3A_1216, %mul3A_1222 : vector<16xf32>
        %add3A_1224 = arith.addf %scan3A_1126, %add3A_1223 : vector<16xf32>
        %get3A_1225 = arith.index_cast %add3A_1137 : i32 to index
        %get3A_1226 = arith.constant 112 : index
        %get3A_1227 = tpu.vector_load %arg8[%get3A_1225, %get3A_1226] {strides = array<i32>} : memref<104x128xf32, #tpu.memory_space<vmem>>, vector<1x16xf32>,
        %get3A_1228 = vector.shape_cast %get3A_1227 : vector<1x16xf32> to vector<16xf32>
        %get3A_1229 = arith.index_cast %add3A_1137 : i32 to index
        %get3A_1230 = arith.constant 112 : index
        %get3A_1231 = tpu.vector_load %arg9[%get3A_1229, %get3A_1230] {strides = array<i32>} : memref<104x128xf32, #tpu.memory_space<vmem>>, vector<1x16xf32>,
        %get3A_1232 = vector.shape_cast %get3A_1231 : vector<1x16xf32> to vector<16xf32>
        %sub3A_1233 = arith.subf %get3A_1232, %get3A_1228 : vector<16xf32>
        %mul3A_1234 = arith.mulf %broadcast_in_dim3A_1140, %sub3A_1233 : vector<16xf32>
        %add3A_1235 = arith.addf %get3A_1228, %mul3A_1234 : vector<16xf32>
        %add3A_1236 = arith.addf %scan3A_1127, %add3A_1235 : vector<16xf32>
        %mul3A_1237 = arith.constant 16 : i32
        %mul3A_1238 = arith.muli %scan3A_1119, %mul3A_1237 : i32
        %add3A_1239 = arith.constant 1 : i32
        %add3A_1240 = arith.addi %mul3A_1238, %add3A_1239 : i32
        %slice3A_1241 = vector.extract_strided_slice %get3A_1133 {offsets = [1], sizes = [1], strides = [1]} : vector<16xf32> to vector<1xf32>
        %squeeze3A_1242 = vector.extract %slice3A_1241[0] : f32 from vector<1xf32>
        %broadcast_in_dim3A_1243 = vector.broadcast %squeeze3A_1242 : f32 to vector<16xf32>
        %get3A_1244 = arith.index_cast %add3A_1240 : i32 to index
        %get3A_1245 = arith.constant 0 : index
        %get3A_1246 = tpu.vector_load %arg8[%get3A_1244, %get3A_1245] {strides = array<i32>} : memref<104x128xf32, #tpu.memory_space<vmem>>, vector<1x16xf32>,
        %get3A_1247 = vector.shape_cast %get3A_1246 : vector<1x16xf32> to vector<16xf32>
        %get3A_1248 = arith.index_cast %add3A_1240 : i32 to index
        %get3A_1249 = arith.constant 0 : index
        %get3A_1250 = tpu.vector_load %arg9[%get3A_1248, %get3A_1249] {strides = array<i32>} : memref<104x128xf32, #tpu.memory_space<vmem>>, vector<1x16xf32>,
        %get3A_1251 = vector.shape_cast %get3A_1250 : vector<1x16xf32> to vector<16xf32>
        %sub3A_1252 = arith.subf %get3A_1251, %get3A_1247 : vector<16xf32>
        %mul3A_1253 = arith.mulf %broadcast_in_dim3A_1243, %sub3A_1252 : vector<16xf32>
        %add3A_1254 = arith.addf %get3A_1247, %mul3A_1253 : vector<16xf32>
        %add3A_1255 = arith.addf %add3A_1152, %add3A_1254 : vector<16xf32>
        %get3A_1256 = arith.index_cast %add3A_1240 : i32 to index
        %get3A_1257 = arith.constant 16 : index
        %get3A_1258 = tpu.vector_load %arg8[%get3A_1256, %get3A_1257] {strides = array<i32>} : memref<104x128xf32, #tpu.memory_space<vmem>>, vector<1x16xf32>,
        %get3A_1259 = vector.shape_cast %get3A_1258 : vector<1x16xf32> to vector<16xf32>
        %get3A_1260 = arith.index_cast %add3A_1240 : i32 to index
        %get3A_1261 = arith.constant 16 : index
        %get3A_1262 = tpu.vector_load %arg9[%get3A_1260, %get3A_1261] {strides = array<i32>} : memref<104x128xf32, #tpu.memory_space<vmem>>, vector<1x16xf32>,
        %get3A_1263 = vector.shape_cast %get3A_1262 : vector<1x16xf32> to vector<16xf32>
        %sub3A_1264 = arith.subf %get3A_1263, %get3A_1259 : vector<16xf32>
        %mul3A_1265 = arith.mulf %broadcast_in_dim3A_1243, %sub3A_1264 : vector<16xf32>
        %add3A_1266 = arith.addf %get3A_1259, %mul3A_1265 : vector<16xf32>
        %add3A_1267 = arith.addf %add3A_1164, %add3A_1266 : vector<16xf32>
        %get3A_1268 = arith.index_cast %add3A_1240 : i32 to index
        %get3A_1269 = arith.constant 32 : index
        %get3A_1270 = tpu.vector_load %arg8[%get3A_1268, %get3A_1269] {strides = array<i32>} : memref<104x128xf32, #tpu.memory_space<vmem>>, vector<1x16xf32>,
        %get3A_1271 = vector.shape_cast %get3A_1270 : vector<1x16xf32> to vector<16xf32>
        %get3A_1272 = arith.index_cast %add3A_1240 : i32 to index
        %get3A_1273 = arith.constant 32 : index
        %get3A_1274 = tpu.vector_load %arg9[%get3A_1272, %get3A_1273] {strides = array<i32>} : memref<104x128xf32, #tpu.memory_space<vmem>>, vector<1x16xf32>,
        %get3A_1275 = vector.shape_cast %get3A_1274 : vector<1x16xf32> to vector<16xf32>
        %sub3A_1276 = arith.subf %get3A_1275, %get3A_1271 : vector<16xf32>
        %mul3A_1277 = arith.mulf %broadcast_in_dim3A_1243, %sub3A_1276 : vector<16xf32>
        %add3A_1278 = arith.addf %get3A_1271, %mul3A_1277 : vector<16xf32>
        %add3A_1279 = arith.addf %add3A_1176, %add3A_1278 : vector<16xf32>
        %get3A_1280 = arith.index_cast %add3A_1240 : i32 to index
        %get3A_1281 = arith.constant 48 : index
        %get3A_1282 = tpu.vector_load %arg8[%get3A_1280, %get3A_1281] {strides = array<i32>} : memref<104x128xf32, #tpu.memory_space<vmem>>, vector<1x16xf32>,
        %get3A_1283 = vector.shape_cast %get3A_1282 : vector<1x16xf32> to vector<16xf32>
        %get3A_1284 = arith.index_cast %add3A_1240 : i32 to index
        %get3A_1285 = arith.constant 48 : index
        %get3A_1286 = tpu.vector_load %arg9[%get3A_1284, %get3A_1285] {strides = array<i32>} : memref<104x128xf32, #tpu.memory_space<vmem>>, vector<1x16xf32>,
        %get3A_1287 = vector.shape_cast %get3A_1286 : vector<1x16xf32> to vector<16xf32>
        %sub3A_1288 = arith.subf %get3A_1287, %get3A_1283 : vector<16xf32>
        %mul3A_1289 = arith.mulf %broadcast_in_dim3A_1243, %sub3A_1288 : vector<16xf32>
        %add3A_1290 = arith.addf %get3A_1283, %mul3A_1289 : vector<16xf32>
        %add3A_1291 = arith.addf %add3A_1188, %add3A_1290 : vector<16xf32>
        %get3A_1292 = arith.index_cast %add3A_1240 : i32 to index
        %get3A_1293 = arith.constant 64 : index
        %get3A_1294 = tpu.vector_load %arg8[%get3A_1292, %get3A_1293] {strides = array<i32>} : memref<104x128xf32, #tpu.memory_space<vmem>>, vector<1x16xf32>,
        %get3A_1295 = vector.shape_cast %get3A_1294 : vector<1x16xf32> to vector<16xf32>
        %get3A_1296 = arith.index_cast %add3A_1240 : i32 to index
        %get3A_1297 = arith.constant 64 : index
        %get3A_1298 = tpu.vector_load %arg9[%get3A_1296, %get3A_1297] {strides = array<i32>} : memref<104x128xf32, #tpu.memory_space<vmem>>, vector<1x16xf32>,
        %get3A_1299 = vector.shape_cast %get3A_1298 : vector<1x16xf32> to vector<16xf32>
        %sub3A_1300 = arith.subf %get3A_1299, %get3A_1295 : vector<16xf32>
        %mul3A_1301 = arith.mulf %broadcast_in_dim3A_1243, %sub3A_1300 : vector<16xf32>
        %add3A_1302 = arith.addf %get3A_1295, %mul3A_1301 : vector<16xf32>
        %add3A_1303 = arith.addf %add3A_1200, %add3A_1302 : vector<16xf32>
        %get3A_1304 = arith.index_cast %add3A_1240 : i32 to index
        %get3A_1305 = arith.constant 80 : index
        %get3A_1306 = tpu.vector_load %arg8[%get3A_1304, %get3A_1305] {strides = array<i32>} : memref<104x128xf32, #tpu.memory_space<vmem>>, vector<1x16xf32>,
        %get3A_1307 = vector.shape_cast %get3A_1306 : vector<1x16xf32> to vector<16xf32>
        %get3A_1308 = arith.index_cast %add3A_1240 : i32 to index
        %get3A_1309 = arith.constant 80 : index
        %get3A_1310 = tpu.vector_load %arg9[%get3A_1308, %get3A_1309] {strides = array<i32>} : memref<104x128xf32, #tpu.memory_space<vmem>>, vector<1x16xf32>,
        %get3A_1311 = vector.shape_cast %get3A_1310 : vector<1x16xf32> to vector<16xf32>
        %sub3A_1312 = arith.subf %get3A_1311, %get3A_1307 : vector<16xf32>
        %mul3A_1313 = arith.mulf %broadcast_in_dim3A_1243, %sub3A_1312 : vector<16xf32>
        %add3A_1314 = arith.addf %get3A_1307, %mul3A_1313 : vector<16xf32>
        %add3A_1315 = arith.addf %add3A_1212, %add3A_1314 : vector<16xf32>
        %get3A_1316 = arith.index_cast %add3A_1240 : i32 to index
        %get3A_1317 = arith.constant 96 : index
        %get3A_1318 = tpu.vector_load %arg8[%get3A_1316, %get3A_1317] {strides = array<i32>} : memref<104x128xf32, #tpu.memory_space<vmem>>, vector<1x16xf32>,
        %get3A_1319 = vector.shape_cast %get3A_1318 : vector<1x16xf32> to vector<16xf32>
        %get3A_1320 = arith.index_cast %add3A_1240 : i32 to index
        %get3A_1321 = arith.constant 96 : index
        %get3A_1322 = tpu.vector_load %arg9[%get3A_1320, %get3A_1321] {strides = array<i32>} : memref<104x128xf32, #tpu.memory_space<vmem>>, vector<1x16xf32>,
        %get3A_1323 = vector.shape_cast %get3A_1322 : vector<1x16xf32> to vector<16xf32>
        %sub3A_1324 = arith.subf %get3A_1323, %get3A_1319 : vector<16xf32>
        %mul3A_1325 = arith.mulf %broadcast_in_dim3A_1243, %sub3A_1324 : vector<16xf32>
        %add3A_1326 = arith.addf %get3A_1319, %mul3A_1325 : vector<16xf32>
        %add3A_1327 = arith.addf %add3A_1224, %add3A_1326 : vector<16xf32>
        %get3A_1328 = arith.index_cast %add3A_1240 : i32 to index
        %get3A_1329 = arith.constant 112 : index
        %get3A_1330 = tpu.vector_load %arg8[%get3A_1328, %get3A_1329] {strides = array<i32>} : memref<104x128xf32, #tpu.memory_space<vmem>>, vector<1x16xf32>,
        %get3A_1331 = vector.shape_cast %get3A_1330 : vector<1x16xf32> to vector<16xf32>
        %get3A_1332 = arith.index_cast %add3A_1240 : i32 to index
        %get3A_1333 = arith.constant 112 : index
        %get3A_1334 = tpu.vector_load %arg9[%get3A_1332, %get3A_1333] {strides = array<i32>} : memref<104x128xf32, #tpu.memory_space<vmem>>, vector<1x16xf32>,
        %get3A_1335 = vector.shape_cast %get3A_1334 : vector<1x16xf32> to vector<16xf32>
        %sub3A_1336 = arith.subf %get3A_1335, %get3A_1331 : vector<16xf32>
        %mul3A_1337 = arith.mulf %broadcast_in_dim3A_1243, %sub3A_1336 : vector<16xf32>
        %add3A_1338 = arith.addf %get3A_1331, %mul3A_1337 : vector<16xf32>
        %add3A_1339 = arith.addf %add3A_1236, %add3A_1338 : vector<16xf32>
        %mul3A_1340 = arith.constant 16 : i32
        %mul3A_1341 = arith.muli %scan3A_1119, %mul3A_1340 : i32
        %add3A_1342 = arith.constant 2 : i32
        %add3A_1343 = arith.addi %mul3A_1341, %add3A_1342 : i32
        %slice3A_1344 = vector.extract_strided_slice %get3A_1133 {offsets = [2], sizes = [1], strides = [1]} : vector<16xf32> to vector<1xf32>
        %squeeze3A_1345 = vector.extract %slice3A_1344[0] : f32 from vector<1xf32>
        %broadcast_in_dim3A_1346 = vector.broadcast %squeeze3A_1345 : f32 to vector<16xf32>
        %get3A_1347 = arith.index_cast %add3A_1343 : i32 to index
        %get3A_1348 = arith.constant 0 : index
        %get3A_1349 = tpu.vector_load %arg8[%get3A_1347, %get3A_1348] {strides = array<i32>} : memref<104x128xf32, #tpu.memory_space<vmem>>, vector<1x16xf32>,
        %get3A_1350 = vector.shape_cast %get3A_1349 : vector<1x16xf32> to vector<16xf32>
        %get3A_1351 = arith.index_cast %add3A_1343 : i32 to index
        %get3A_1352 = arith.constant 0 : index
        %get3A_1353 = tpu.vector_load %arg9[%get3A_1351, %get3A_1352] {strides = array<i32>} : memref<104x128xf32, #tpu.memory_space<vmem>>, vector<1x16xf32>,
        %get3A_1354 = vector.shape_cast %get3A_1353 : vector<1x16xf32> to vector<16xf32>
        %sub3A_1355 = arith.subf %get3A_1354, %get3A_1350 : vector<16xf32>
        %mul3A_1356 = arith.mulf %broadcast_in_dim3A_1346, %sub3A_1355 : vector<16xf32>
        %add3A_1357 = arith.addf %get3A_1350, %mul3A_1356 : vector<16xf32>
        %add3A_1358 = arith.addf %add3A_1255, %add3A_1357 : vector<16xf32>
        %get3A_1359 = arith.index_cast %add3A_1343 : i32 to index
        %get3A_1360 = arith.constant 16 : index
        %get3A_1361 = tpu.vector_load %arg8[%get3A_1359, %get3A_1360] {strides = array<i32>} : memref<104x128xf32, #tpu.memory_space<vmem>>, vector<1x16xf32>,
        %get3A_1362 = vector.shape_cast %get3A_1361 : vector<1x16xf32> to vector<16xf32>
        %get3A_1363 = arith.index_cast %add3A_1343 : i32 to index
        %get3A_1364 = arith.constant 16 : index
        %get3A_1365 = tpu.vector_load %arg9[%get3A_1363, %get3A_1364] {strides = array<i32>} : memref<104x128xf32, #tpu.memory_space<vmem>>, vector<1x16xf32>,
        %get3A_1366 = vector.shape_cast %get3A_1365 : vector<1x16xf32> to vector<16xf32>
        %sub3A_1367 = arith.subf %get3A_1366, %get3A_1362 : vector<16xf32>
        %mul3A_1368 = arith.mulf %broadcast_in_dim3A_1346, %sub3A_1367 : vector<16xf32>
        %add3A_1369 = arith.addf %get3A_1362, %mul3A_1368 : vector<16xf32>
        %add3A_1370 = arith.addf %add3A_1267, %add3A_1369 : vector<16xf32>
        %get3A_1371 = arith.index_cast %add3A_1343 : i32 to index
        %get3A_1372 = arith.constant 32 : index
        %get3A_1373 = tpu.vector_load %arg8[%get3A_1371, %get3A_1372] {strides = array<i32>} : memref<104x128xf32, #tpu.memory_space<vmem>>, vector<1x16xf32>,
        %get3A_1374 = vector.shape_cast %get3A_1373 : vector<1x16xf32> to vector<16xf32>
        %get3A_1375 = arith.index_cast %add3A_1343 : i32 to index
        %get3A_1376 = arith.constant 32 : index
        %get3A_1377 = tpu.vector_load %arg9[%get3A_1375, %get3A_1376] {strides = array<i32>} : memref<104x128xf32, #tpu.memory_space<vmem>>, vector<1x16xf32>,
        %get3A_1378 = vector.shape_cast %get3A_1377 : vector<1x16xf32> to vector<16xf32>
        %sub3A_1379 = arith.subf %get3A_1378, %get3A_1374 : vector<16xf32>
        %mul3A_1380 = arith.mulf %broadcast_in_dim3A_1346, %sub3A_1379 : vector<16xf32>
        %add3A_1381 = arith.addf %get3A_1374, %mul3A_1380 : vector<16xf32>
        %add3A_1382 = arith.addf %add3A_1279, %add3A_1381 : vector<16xf32>
        %get3A_1383 = arith.index_cast %add3A_1343 : i32 to index
        %get3A_1384 = arith.constant 48 : index
        %get3A_1385 = tpu.vector_load %arg8[%get3A_1383, %get3A_1384] {strides = array<i32>} : memref<104x128xf32, #tpu.memory_space<vmem>>, vector<1x16xf32>,
        %get3A_1386 = vector.shape_cast %get3A_1385 : vector<1x16xf32> to vector<16xf32>
        %get3A_1387 = arith.index_cast %add3A_1343 : i32 to index
        %get3A_1388 = arith.constant 48 : index
        %get3A_1389 = tpu.vector_load %arg9[%get3A_1387, %get3A_1388] {strides = array<i32>} : memref<104x128xf32, #tpu.memory_space<vmem>>, vector<1x16xf32>,
        %get3A_1390 = vector.shape_cast %get3A_1389 : vector<1x16xf32> to vector<16xf32>
        %sub3A_1391 = arith.subf %get3A_1390, %get3A_1386 : vector<16xf32>
        %mul3A_1392 = arith.mulf %broadcast_in_dim3A_1346, %sub3A_1391 : vector<16xf32>
        %add3A_1393 = arith.addf %get3A_1386, %mul3A_1392 : vector<16xf32>
        %add3A_1394 = arith.addf %add3A_1291, %add3A_1393 : vector<16xf32>
        %get3A_1395 = arith.index_cast %add3A_1343 : i32 to index
        %get3A_1396 = arith.constant 64 : index
        %get3A_1397 = tpu.vector_load %arg8[%get3A_1395, %get3A_1396] {strides = array<i32>} : memref<104x128xf32, #tpu.memory_space<vmem>>, vector<1x16xf32>,
        %get3A_1398 = vector.shape_cast %get3A_1397 : vector<1x16xf32> to vector<16xf32>
        %get3A_1399 = arith.index_cast %add3A_1343 : i32 to index
        %get3A_1400 = arith.constant 64 : index
        %get3A_1401 = tpu.vector_load %arg9[%get3A_1399, %get3A_1400] {strides = array<i32>} : memref<104x128xf32, #tpu.memory_space<vmem>>, vector<1x16xf32>,
        %get3A_1402 = vector.shape_cast %get3A_1401 : vector<1x16xf32> to vector<16xf32>
        %sub3A_1403 = arith.subf %get3A_1402, %get3A_1398 : vector<16xf32>
        %mul3A_1404 = arith.mulf %broadcast_in_dim3A_1346, %sub3A_1403 : vector<16xf32>
        %add3A_1405 = arith.addf %get3A_1398, %mul3A_1404 : vector<16xf32>
        %add3A_1406 = arith.addf %add3A_1303, %add3A_1405 : vector<16xf32>
        %get3A_1407 = arith.index_cast %add3A_1343 : i32 to index
        %get3A_1408 = arith.constant 80 : index
        %get3A_1409 = tpu.vector_load %arg8[%get3A_1407, %get3A_1408] {strides = array<i32>} : memref<104x128xf32, #tpu.memory_space<vmem>>, vector<1x16xf32>,
        %get3A_1410 = vector.shape_cast %get3A_1409 : vector<1x16xf32> to vector<16xf32>
        %get3A_1411 = arith.index_cast %add3A_1343 : i32 to index
        %get3A_1412 = arith.constant 80 : index
        %get3A_1413 = tpu.vector_load %arg9[%get3A_1411, %get3A_1412] {strides = array<i32>} : memref<104x128xf32, #tpu.memory_space<vmem>>, vector<1x16xf32>,
        %get3A_1414 = vector.shape_cast %get3A_1413 : vector<1x16xf32> to vector<16xf32>
        %sub3A_1415 = arith.subf %get3A_1414, %get3A_1410 : vector<16xf32>
        %mul3A_1416 = arith.mulf %broadcast_in_dim3A_1346, %sub3A_1415 : vector<16xf32>
        %add3A_1417 = arith.addf %get3A_1410, %mul3A_1416 : vector<16xf32>
        %add3A_1418 = arith.addf %add3A_1315, %add3A_1417 : vector<16xf32>
        %get3A_1419 = arith.index_cast %add3A_1343 : i32 to index
        %get3A_1420 = arith.constant 96 : index
        %get3A_1421 = tpu.vector_load %arg8[%get3A_1419, %get3A_1420] {strides = array<i32>} : memref<104x128xf32, #tpu.memory_space<vmem>>, vector<1x16xf32>,
        %get3A_1422 = vector.shape_cast %get3A_1421 : vector<1x16xf32> to vector<16xf32>
        %get3A_1423 = arith.index_cast %add3A_1343 : i32 to index
        %get3A_1424 = arith.constant 96 : index
        %get3A_1425 = tpu.vector_load %arg9[%get3A_1423, %get3A_1424] {strides = array<i32>} : memref<104x128xf32, #tpu.memory_space<vmem>>, vector<1x16xf32>,
        %get3A_1426 = vector.shape_cast %get3A_1425 : vector<1x16xf32> to vector<16xf32>
        %sub3A_1427 = arith.subf %get3A_1426, %get3A_1422 : vector<16xf32>
        %mul3A_1428 = arith.mulf %broadcast_in_dim3A_1346, %sub3A_1427 : vector<16xf32>
        %add3A_1429 = arith.addf %get3A_1422, %mul3A_1428 : vector<16xf32>
        %add3A_1430 = arith.addf %add3A_1327, %add3A_1429 : vector<16xf32>
        %get3A_1431 = arith.index_cast %add3A_1343 : i32 to index
        %get3A_1432 = arith.constant 112 : index
        %get3A_1433 = tpu.vector_load %arg8[%get3A_1431, %get3A_1432] {strides = array<i32>} : memref<104x128xf32, #tpu.memory_space<vmem>>, vector<1x16xf32>,
        %get3A_1434 = vector.shape_cast %get3A_1433 : vector<1x16xf32> to vector<16xf32>
        %get3A_1435 = arith.index_cast %add3A_1343 : i32 to index
        %get3A_1436 = arith.constant 112 : index
        %get3A_1437 = tpu.vector_load %arg9[%get3A_1435, %get3A_1436] {strides = array<i32>} : memref<104x128xf32, #tpu.memory_space<vmem>>, vector<1x16xf32>,
        %get3A_1438 = vector.shape_cast %get3A_1437 : vector<1x16xf32> to vector<16xf32>
        %sub3A_1439 = arith.subf %get3A_1438, %get3A_1434 : vector<16xf32>
        %mul3A_1440 = arith.mulf %broadcast_in_dim3A_1346, %sub3A_1439 : vector<16xf32>
        %add3A_1441 = arith.addf %get3A_1434, %mul3A_1440 : vector<16xf32>
        %add3A_1442 = arith.addf %add3A_1339, %add3A_1441 : vector<16xf32>
        %mul3A_1443 = arith.constant 16 : i32
        %mul3A_1444 = arith.muli %scan3A_1119, %mul3A_1443 : i32
        %add3A_1445 = arith.constant 3 : i32
        %add3A_1446 = arith.addi %mul3A_1444, %add3A_1445 : i32
        %slice3A_1447 = vector.extract_strided_slice %get3A_1133 {offsets = [3], sizes = [1], strides = [1]} : vector<16xf32> to vector<1xf32>
        %squeeze3A_1448 = vector.extract %slice3A_1447[0] : f32 from vector<1xf32>
        %broadcast_in_dim3A_1449 = vector.broadcast %squeeze3A_1448 : f32 to vector<16xf32>
        %get3A_1450 = arith.index_cast %add3A_1446 : i32 to index
        %get3A_1451 = arith.constant 0 : index
        %get3A_1452 = tpu.vector_load %arg8[%get3A_1450, %get3A_1451] {strides = array<i32>} : memref<104x128xf32, #tpu.memory_space<vmem>>, vector<1x16xf32>,
        %get3A_1453 = vector.shape_cast %get3A_1452 : vector<1x16xf32> to vector<16xf32>
        %get3A_1454 = arith.index_cast %add3A_1446 : i32 to index
        %get3A_1455 = arith.constant 0 : index
        %get3A_1456 = tpu.vector_load %arg9[%get3A_1454, %get3A_1455] {strides = array<i32>} : memref<104x128xf32, #tpu.memory_space<vmem>>, vector<1x16xf32>,
        %get3A_1457 = vector.shape_cast %get3A_1456 : vector<1x16xf32> to vector<16xf32>
        %sub3A_1458 = arith.subf %get3A_1457, %get3A_1453 : vector<16xf32>
        %mul3A_1459 = arith.mulf %broadcast_in_dim3A_1449, %sub3A_1458 : vector<16xf32>
        %add3A_1460 = arith.addf %get3A_1453, %mul3A_1459 : vector<16xf32>
        %add3A_1461 = arith.addf %add3A_1358, %add3A_1460 : vector<16xf32>
        %get3A_1462 = arith.index_cast %add3A_1446 : i32 to index
        %get3A_1463 = arith.constant 16 : index
        %get3A_1464 = tpu.vector_load %arg8[%get3A_1462, %get3A_1463] {strides = array<i32>} : memref<104x128xf32, #tpu.memory_space<vmem>>, vector<1x16xf32>,
        %get3A_1465 = vector.shape_cast %get3A_1464 : vector<1x16xf32> to vector<16xf32>
        %get3A_1466 = arith.index_cast %add3A_1446 : i32 to index
        %get3A_1467 = arith.constant 16 : index
        %get3A_1468 = tpu.vector_load %arg9[%get3A_1466, %get3A_1467] {strides = array<i32>} : memref<104x128xf32, #tpu.memory_space<vmem>>, vector<1x16xf32>,
        %get3A_1469 = vector.shape_cast %get3A_1468 : vector<1x16xf32> to vector<16xf32>
        %sub3A_1470 = arith.subf %get3A_1469, %get3A_1465 : vector<16xf32>
        %mul3A_1471 = arith.mulf %broadcast_in_dim3A_1449, %sub3A_1470 : vector<16xf32>
        %add3A_1472 = arith.addf %get3A_1465, %mul3A_1471 : vector<16xf32>
        %add3A_1473 = arith.addf %add3A_1370, %add3A_1472 : vector<16xf32>
        %get3A_1474 = arith.index_cast %add3A_1446 : i32 to index
        %get3A_1475 = arith.constant 32 : index
        %get3A_1476 = tpu.vector_load %arg8[%get3A_1474, %get3A_1475] {strides = array<i32>} : memref<104x128xf32, #tpu.memory_space<vmem>>, vector<1x16xf32>,
        %get3A_1477 = vector.shape_cast %get3A_1476 : vector<1x16xf32> to vector<16xf32>
        %get3A_1478 = arith.index_cast %add3A_1446 : i32 to index
        %get3A_1479 = arith.constant 32 : index
        %get3A_1480 = tpu.vector_load %arg9[%get3A_1478, %get3A_1479] {strides = array<i32>} : memref<104x128xf32, #tpu.memory_space<vmem>>, vector<1x16xf32>,
        %get3A_1481 = vector.shape_cast %get3A_1480 : vector<1x16xf32> to vector<16xf32>
        %sub3A_1482 = arith.subf %get3A_1481, %get3A_1477 : vector<16xf32>
        %mul3A_1483 = arith.mulf %broadcast_in_dim3A_1449, %sub3A_1482 : vector<16xf32>
        %add3A_1484 = arith.addf %get3A_1477, %mul3A_1483 : vector<16xf32>
        %add3A_1485 = arith.addf %add3A_1382, %add3A_1484 : vector<16xf32>
        %get3A_1486 = arith.index_cast %add3A_1446 : i32 to index
        %get3A_1487 = arith.constant 48 : index
        %get3A_1488 = tpu.vector_load %arg8[%get3A_1486, %get3A_1487] {strides = array<i32>} : memref<104x128xf32, #tpu.memory_space<vmem>>, vector<1x16xf32>,
        %get3A_1489 = vector.shape_cast %get3A_1488 : vector<1x16xf32> to vector<16xf32>
        %get3A_1490 = arith.index_cast %add3A_1446 : i32 to index
        %get3A_1491 = arith.constant 48 : index
        %get3A_1492 = tpu.vector_load %arg9[%get3A_1490, %get3A_1491] {strides = array<i32>} : memref<104x128xf32, #tpu.memory_space<vmem>>, vector<1x16xf32>,
        %get3A_1493 = vector.shape_cast %get3A_1492 : vector<1x16xf32> to vector<16xf32>
        %sub3A_1494 = arith.subf %get3A_1493, %get3A_1489 : vector<16xf32>
        %mul3A_1495 = arith.mulf %broadcast_in_dim3A_1449, %sub3A_1494 : vector<16xf32>
        %add3A_1496 = arith.addf %get3A_1489, %mul3A_1495 : vector<16xf32>
        %add3A_1497 = arith.addf %add3A_1394, %add3A_1496 : vector<16xf32>
        %get3A_1498 = arith.index_cast %add3A_1446 : i32 to index
        %get3A_1499 = arith.constant 64 : index
        %get3A_1500 = tpu.vector_load %arg8[%get3A_1498, %get3A_1499] {strides = array<i32>} : memref<104x128xf32, #tpu.memory_space<vmem>>, vector<1x16xf32>,
        %get3A_1501 = vector.shape_cast %get3A_1500 : vector<1x16xf32> to vector<16xf32>
        %get3A_1502 = arith.index_cast %add3A_1446 : i32 to index
        %get3A_1503 = arith.constant 64 : index
        %get3A_1504 = tpu.vector_load %arg9[%get3A_1502, %get3A_1503] {strides = array<i32>} : memref<104x128xf32, #tpu.memory_space<vmem>>, vector<1x16xf32>,
        %get3A_1505 = vector.shape_cast %get3A_1504 : vector<1x16xf32> to vector<16xf32>
        %sub3A_1506 = arith.subf %get3A_1505, %get3A_1501 : vector<16xf32>
        %mul3A_1507 = arith.mulf %broadcast_in_dim3A_1449, %sub3A_1506 : vector<16xf32>
        %add3A_1508 = arith.addf %get3A_1501, %mul3A_1507 : vector<16xf32>
        %add3A_1509 = arith.addf %add3A_1406, %add3A_1508 : vector<16xf32>
        %get3A_1510 = arith.index_cast %add3A_1446 : i32 to index
        %get3A_1511 = arith.constant 80 : index
        %get3A_1512 = tpu.vector_load %arg8[%get3A_1510, %get3A_1511] {strides = array<i32>} : memref<104x128xf32, #tpu.memory_space<vmem>>, vector<1x16xf32>,
        %get3A_1513 = vector.shape_cast %get3A_1512 : vector<1x16xf32> to vector<16xf32>
        %get3A_1514 = arith.index_cast %add3A_1446 : i32 to index
        %get3A_1515 = arith.constant 80 : index
        %get3A_1516 = tpu.vector_load %arg9[%get3A_1514, %get3A_1515] {strides = array<i32>} : memref<104x128xf32, #tpu.memory_space<vmem>>, vector<1x16xf32>,
        %get3A_1517 = vector.shape_cast %get3A_1516 : vector<1x16xf32> to vector<16xf32>
        %sub3A_1518 = arith.subf %get3A_1517, %get3A_1513 : vector<16xf32>
        %mul3A_1519 = arith.mulf %broadcast_in_dim3A_1449, %sub3A_1518 : vector<16xf32>
        %add3A_1520 = arith.addf %get3A_1513, %mul3A_1519 : vector<16xf32>
        %add3A_1521 = arith.addf %add3A_1418, %add3A_1520 : vector<16xf32>
        %get3A_1522 = arith.index_cast %add3A_1446 : i32 to index
        %get3A_1523 = arith.constant 96 : index
        %get3A_1524 = tpu.vector_load %arg8[%get3A_1522, %get3A_1523] {strides = array<i32>} : memref<104x128xf32, #tpu.memory_space<vmem>>, vector<1x16xf32>,
        %get3A_1525 = vector.shape_cast %get3A_1524 : vector<1x16xf32> to vector<16xf32>
        %get3A_1526 = arith.index_cast %add3A_1446 : i32 to index
        %get3A_1527 = arith.constant 96 : index
        %get3A_1528 = tpu.vector_load %arg9[%get3A_1526, %get3A_1527] {strides = array<i32>} : memref<104x128xf32, #tpu.memory_space<vmem>>, vector<1x16xf32>,
        %get3A_1529 = vector.shape_cast %get3A_1528 : vector<1x16xf32> to vector<16xf32>
        %sub3A_1530 = arith.subf %get3A_1529, %get3A_1525 : vector<16xf32>
        %mul3A_1531 = arith.mulf %broadcast_in_dim3A_1449, %sub3A_1530 : vector<16xf32>
        %add3A_1532 = arith.addf %get3A_1525, %mul3A_1531 : vector<16xf32>
        %add3A_1533 = arith.addf %add3A_1430, %add3A_1532 : vector<16xf32>
        %get3A_1534 = arith.index_cast %add3A_1446 : i32 to index
        %get3A_1535 = arith.constant 112 : index
        %get3A_1536 = tpu.vector_load %arg8[%get3A_1534, %get3A_1535] {strides = array<i32>} : memref<104x128xf32, #tpu.memory_space<vmem>>, vector<1x16xf32>,
        %get3A_1537 = vector.shape_cast %get3A_1536 : vector<1x16xf32> to vector<16xf32>
        %get3A_1538 = arith.index_cast %add3A_1446 : i32 to index
        %get3A_1539 = arith.constant 112 : index
        %get3A_1540 = tpu.vector_load %arg9[%get3A_1538, %get3A_1539] {strides = array<i32>} : memref<104x128xf32, #tpu.memory_space<vmem>>, vector<1x16xf32>,
        %get3A_1541 = vector.shape_cast %get3A_1540 : vector<1x16xf32> to vector<16xf32>
        %sub3A_1542 = arith.subf %get3A_1541, %get3A_1537 : vector<16xf32>
        %mul3A_1543 = arith.mulf %broadcast_in_dim3A_1449, %sub3A_1542 : vector<16xf32>
        %add3A_1544 = arith.addf %get3A_1537, %mul3A_1543 : vector<16xf32>
        %add3A_1545 = arith.addf %add3A_1442, %add3A_1544 : vector<16xf32>
        %mul3A_1546 = arith.constant 16 : i32
        %mul3A_1547 = arith.muli %scan3A_1119, %mul3A_1546 : i32
        %add3A_1548 = arith.constant 4 : i32
        %add3A_1549 = arith.addi %mul3A_1547, %add3A_1548 : i32
        %slice3A_1550 = vector.extract_strided_slice %get3A_1133 {offsets = [4], sizes = [1], strides = [1]} : vector<16xf32> to vector<1xf32>
        %squeeze3A_1551 = vector.extract %slice3A_1550[0] : f32 from vector<1xf32>
        %broadcast_in_dim3A_1552 = vector.broadcast %squeeze3A_1551 : f32 to vector<16xf32>
        %get3A_1553 = arith.index_cast %add3A_1549 : i32 to index
        %get3A_1554 = arith.constant 0 : index
        %get3A_1555 = tpu.vector_load %arg8[%get3A_1553, %get3A_1554] {strides = array<i32>} : memref<104x128xf32, #tpu.memory_space<vmem>>, vector<1x16xf32>,
        %get3A_1556 = vector.shape_cast %get3A_1555 : vector<1x16xf32> to vector<16xf32>
        %get3A_1557 = arith.index_cast %add3A_1549 : i32 to index
        %get3A_1558 = arith.constant 0 : index
        %get3A_1559 = tpu.vector_load %arg9[%get3A_1557, %get3A_1558] {strides = array<i32>} : memref<104x128xf32, #tpu.memory_space<vmem>>, vector<1x16xf32>,
        %get3A_1560 = vector.shape_cast %get3A_1559 : vector<1x16xf32> to vector<16xf32>
        %sub3A_1561 = arith.subf %get3A_1560, %get3A_1556 : vector<16xf32>
        %mul3A_1562 = arith.mulf %broadcast_in_dim3A_1552, %sub3A_1561 : vector<16xf32>
        %add3A_1563 = arith.addf %get3A_1556, %mul3A_1562 : vector<16xf32>
        %add3A_1564 = arith.addf %add3A_1461, %add3A_1563 : vector<16xf32>
        %get3A_1565 = arith.index_cast %add3A_1549 : i32 to index
        %get3A_1566 = arith.constant 16 : index
        %get3A_1567 = tpu.vector_load %arg8[%get3A_1565, %get3A_1566] {strides = array<i32>} : memref<104x128xf32, #tpu.memory_space<vmem>>, vector<1x16xf32>,
        %get3A_1568 = vector.shape_cast %get3A_1567 : vector<1x16xf32> to vector<16xf32>
        %get3A_1569 = arith.index_cast %add3A_1549 : i32 to index
        %get3A_1570 = arith.constant 16 : index
        %get3A_1571 = tpu.vector_load %arg9[%get3A_1569, %get3A_1570] {strides = array<i32>} : memref<104x128xf32, #tpu.memory_space<vmem>>, vector<1x16xf32>,
        %get3A_1572 = vector.shape_cast %get3A_1571 : vector<1x16xf32> to vector<16xf32>
        %sub3A_1573 = arith.subf %get3A_1572, %get3A_1568 : vector<16xf32>
        %mul3A_1574 = arith.mulf %broadcast_in_dim3A_1552, %sub3A_1573 : vector<16xf32>
        %add3A_1575 = arith.addf %get3A_1568, %mul3A_1574 : vector<16xf32>
        %add3A_1576 = arith.addf %add3A_1473, %add3A_1575 : vector<16xf32>
        %get3A_1577 = arith.index_cast %add3A_1549 : i32 to index
        %get3A_1578 = arith.constant 32 : index
        %get3A_1579 = tpu.vector_load %arg8[%get3A_1577, %get3A_1578] {strides = array<i32>} : memref<104x128xf32, #tpu.memory_space<vmem>>, vector<1x16xf32>,
        %get3A_1580 = vector.shape_cast %get3A_1579 : vector<1x16xf32> to vector<16xf32>
        %get3A_1581 = arith.index_cast %add3A_1549 : i32 to index
        %get3A_1582 = arith.constant 32 : index
        %get3A_1583 = tpu.vector_load %arg9[%get3A_1581, %get3A_1582] {strides = array<i32>} : memref<104x128xf32, #tpu.memory_space<vmem>>, vector<1x16xf32>,
        %get3A_1584 = vector.shape_cast %get3A_1583 : vector<1x16xf32> to vector<16xf32>
        %sub3A_1585 = arith.subf %get3A_1584, %get3A_1580 : vector<16xf32>
        %mul3A_1586 = arith.mulf %broadcast_in_dim3A_1552, %sub3A_1585 : vector<16xf32>
        %add3A_1587 = arith.addf %get3A_1580, %mul3A_1586 : vector<16xf32>
        %add3A_1588 = arith.addf %add3A_1485, %add3A_1587 : vector<16xf32>
        %get3A_1589 = arith.index_cast %add3A_1549 : i32 to index
        %get3A_1590 = arith.constant 48 : index
        %get3A_1591 = tpu.vector_load %arg8[%get3A_1589, %get3A_1590] {strides = array<i32>} : memref<104x128xf32, #tpu.memory_space<vmem>>, vector<1x16xf32>,
        %get3A_1592 = vector.shape_cast %get3A_1591 : vector<1x16xf32> to vector<16xf32>
        %get3A_1593 = arith.index_cast %add3A_1549 : i32 to index
        %get3A_1594 = arith.constant 48 : index
        %get3A_1595 = tpu.vector_load %arg9[%get3A_1593, %get3A_1594] {strides = array<i32>} : memref<104x128xf32, #tpu.memory_space<vmem>>, vector<1x16xf32>,
        %get3A_1596 = vector.shape_cast %get3A_1595 : vector<1x16xf32> to vector<16xf32>
        %sub3A_1597 = arith.subf %get3A_1596, %get3A_1592 : vector<16xf32>
        %mul3A_1598 = arith.mulf %broadcast_in_dim3A_1552, %sub3A_1597 : vector<16xf32>
        %add3A_1599 = arith.addf %get3A_1592, %mul3A_1598 : vector<16xf32>
        %add3A_1600 = arith.addf %add3A_1497, %add3A_1599 : vector<16xf32>
        %get3A_1601 = arith.index_cast %add3A_1549 : i32 to index
        %get3A_1602 = arith.constant 64 : index
        %get3A_1603 = tpu.vector_load %arg8[%get3A_1601, %get3A_1602] {strides = array<i32>} : memref<104x128xf32, #tpu.memory_space<vmem>>, vector<1x16xf32>,
        %get3A_1604 = vector.shape_cast %get3A_1603 : vector<1x16xf32> to vector<16xf32>
        %get3A_1605 = arith.index_cast %add3A_1549 : i32 to index
        %get3A_1606 = arith.constant 64 : index
        %get3A_1607 = tpu.vector_load %arg9[%get3A_1605, %get3A_1606] {strides = array<i32>} : memref<104x128xf32, #tpu.memory_space<vmem>>, vector<1x16xf32>,
        %get3A_1608 = vector.shape_cast %get3A_1607 : vector<1x16xf32> to vector<16xf32>
        %sub3A_1609 = arith.subf %get3A_1608, %get3A_1604 : vector<16xf32>
        %mul3A_1610 = arith.mulf %broadcast_in_dim3A_1552, %sub3A_1609 : vector<16xf32>
        %add3A_1611 = arith.addf %get3A_1604, %mul3A_1610 : vector<16xf32>
        %add3A_1612 = arith.addf %add3A_1509, %add3A_1611 : vector<16xf32>
        %get3A_1613 = arith.index_cast %add3A_1549 : i32 to index
        %get3A_1614 = arith.constant 80 : index
        %get3A_1615 = tpu.vector_load %arg8[%get3A_1613, %get3A_1614] {strides = array<i32>} : memref<104x128xf32, #tpu.memory_space<vmem>>, vector<1x16xf32>,
        %get3A_1616 = vector.shape_cast %get3A_1615 : vector<1x16xf32> to vector<16xf32>
        %get3A_1617 = arith.index_cast %add3A_1549 : i32 to index
        %get3A_1618 = arith.constant 80 : index
        %get3A_1619 = tpu.vector_load %arg9[%get3A_1617, %get3A_1618] {strides = array<i32>} : memref<104x128xf32, #tpu.memory_space<vmem>>, vector<1x16xf32>,
        %get3A_1620 = vector.shape_cast %get3A_1619 : vector<1x16xf32> to vector<16xf32>
        %sub3A_1621 = arith.subf %get3A_1620, %get3A_1616 : vector<16xf32>
        %mul3A_1622 = arith.mulf %broadcast_in_dim3A_1552, %sub3A_1621 : vector<16xf32>
        %add3A_1623 = arith.addf %get3A_1616, %mul3A_1622 : vector<16xf32>
        %add3A_1624 = arith.addf %add3A_1521, %add3A_1623 : vector<16xf32>
        %get3A_1625 = arith.index_cast %add3A_1549 : i32 to index
        %get3A_1626 = arith.constant 96 : index
        %get3A_1627 = tpu.vector_load %arg8[%get3A_1625, %get3A_1626] {strides = array<i32>} : memref<104x128xf32, #tpu.memory_space<vmem>>, vector<1x16xf32>,
        %get3A_1628 = vector.shape_cast %get3A_1627 : vector<1x16xf32> to vector<16xf32>
        %get3A_1629 = arith.index_cast %add3A_1549 : i32 to index
        %get3A_1630 = arith.constant 96 : index
        %get3A_1631 = tpu.vector_load %arg9[%get3A_1629, %get3A_1630] {strides = array<i32>} : memref<104x128xf32, #tpu.memory_space<vmem>>, vector<1x16xf32>,
        %get3A_1632 = vector.shape_cast %get3A_1631 : vector<1x16xf32> to vector<16xf32>
        %sub3A_1633 = arith.subf %get3A_1632, %get3A_1628 : vector<16xf32>
        %mul3A_1634 = arith.mulf %broadcast_in_dim3A_1552, %sub3A_1633 : vector<16xf32>
        %add3A_1635 = arith.addf %get3A_1628, %mul3A_1634 : vector<16xf32>
        %add3A_1636 = arith.addf %add3A_1533, %add3A_1635 : vector<16xf32>
        %get3A_1637 = arith.index_cast %add3A_1549 : i32 to index
        %get3A_1638 = arith.constant 112 : index
        %get3A_1639 = tpu.vector_load %arg8[%get3A_1637, %get3A_1638] {strides = array<i32>} : memref<104x128xf32, #tpu.memory_space<vmem>>, vector<1x16xf32>,
        %get3A_1640 = vector.shape_cast %get3A_1639 : vector<1x16xf32> to vector<16xf32>
        %get3A_1641 = arith.index_cast %add3A_1549 : i32 to index
        %get3A_1642 = arith.constant 112 : index
        %get3A_1643 = tpu.vector_load %arg9[%get3A_1641, %get3A_1642] {strides = array<i32>} : memref<104x128xf32, #tpu.memory_space<vmem>>, vector<1x16xf32>,
        %get3A_1644 = vector.shape_cast %get3A_1643 : vector<1x16xf32> to vector<16xf32>
        %sub3A_1645 = arith.subf %get3A_1644, %get3A_1640 : vector<16xf32>
        %mul3A_1646 = arith.mulf %broadcast_in_dim3A_1552, %sub3A_1645 : vector<16xf32>
        %add3A_1647 = arith.addf %get3A_1640, %mul3A_1646 : vector<16xf32>
        %add3A_1648 = arith.addf %add3A_1545, %add3A_1647 : vector<16xf32>
        %mul3A_1649 = arith.constant 16 : i32
        %mul3A_1650 = arith.muli %scan3A_1119, %mul3A_1649 : i32
        %add3A_1651 = arith.constant 5 : i32
        %add3A_1652 = arith.addi %mul3A_1650, %add3A_1651 : i32
        %slice3A_1653 = vector.extract_strided_slice %get3A_1133 {offsets = [5], sizes = [1], strides = [1]} : vector<16xf32> to vector<1xf32>
        %squeeze3A_1654 = vector.extract %slice3A_1653[0] : f32 from vector<1xf32>
        %broadcast_in_dim3A_1655 = vector.broadcast %squeeze3A_1654 : f32 to vector<16xf32>
        %get3A_1656 = arith.index_cast %add3A_1652 : i32 to index
        %get3A_1657 = arith.constant 0 : index
        %get3A_1658 = tpu.vector_load %arg8[%get3A_1656, %get3A_1657] {strides = array<i32>} : memref<104x128xf32, #tpu.memory_space<vmem>>, vector<1x16xf32>,
        %get3A_1659 = vector.shape_cast %get3A_1658 : vector<1x16xf32> to vector<16xf32>
        %get3A_1660 = arith.index_cast %add3A_1652 : i32 to index
        %get3A_1661 = arith.constant 0 : index
        %get3A_1662 = tpu.vector_load %arg9[%get3A_1660, %get3A_1661] {strides = array<i32>} : memref<104x128xf32, #tpu.memory_space<vmem>>, vector<1x16xf32>,
        %get3A_1663 = vector.shape_cast %get3A_1662 : vector<1x16xf32> to vector<16xf32>
        %sub3A_1664 = arith.subf %get3A_1663, %get3A_1659 : vector<16xf32>
        %mul3A_1665 = arith.mulf %broadcast_in_dim3A_1655, %sub3A_1664 : vector<16xf32>
        %add3A_1666 = arith.addf %get3A_1659, %mul3A_1665 : vector<16xf32>
        %add3A_1667 = arith.addf %add3A_1564, %add3A_1666 : vector<16xf32>
        %get3A_1668 = arith.index_cast %add3A_1652 : i32 to index
        %get3A_1669 = arith.constant 16 : index
        %get3A_1670 = tpu.vector_load %arg8[%get3A_1668, %get3A_1669] {strides = array<i32>} : memref<104x128xf32, #tpu.memory_space<vmem>>, vector<1x16xf32>,
        %get3A_1671 = vector.shape_cast %get3A_1670 : vector<1x16xf32> to vector<16xf32>
        %get3A_1672 = arith.index_cast %add3A_1652 : i32 to index
        %get3A_1673 = arith.constant 16 : index
        %get3A_1674 = tpu.vector_load %arg9[%get3A_1672, %get3A_1673] {strides = array<i32>} : memref<104x128xf32, #tpu.memory_space<vmem>>, vector<1x16xf32>,
        %get3A_1675 = vector.shape_cast %get3A_1674 : vector<1x16xf32> to vector<16xf32>
        %sub3A_1676 = arith.subf %get3A_1675, %get3A_1671 : vector<16xf32>
        %mul3A_1677 = arith.mulf %broadcast_in_dim3A_1655, %sub3A_1676 : vector<16xf32>
        %add3A_1678 = arith.addf %get3A_1671, %mul3A_1677 : vector<16xf32>
        %add3A_1679 = arith.addf %add3A_1576, %add3A_1678 : vector<16xf32>
        %get3A_1680 = arith.index_cast %add3A_1652 : i32 to index
        %get3A_1681 = arith.constant 32 : index
        %get3A_1682 = tpu.vector_load %arg8[%get3A_1680, %get3A_1681] {strides = array<i32>} : memref<104x128xf32, #tpu.memory_space<vmem>>, vector<1x16xf32>,
        %get3A_1683 = vector.shape_cast %get3A_1682 : vector<1x16xf32> to vector<16xf32>
        %get3A_1684 = arith.index_cast %add3A_1652 : i32 to index
        %get3A_1685 = arith.constant 32 : index
        %get3A_1686 = tpu.vector_load %arg9[%get3A_1684, %get3A_1685] {strides = array<i32>} : memref<104x128xf32, #tpu.memory_space<vmem>>, vector<1x16xf32>,
        %get3A_1687 = vector.shape_cast %get3A_1686 : vector<1x16xf32> to vector<16xf32>
        %sub3A_1688 = arith.subf %get3A_1687, %get3A_1683 : vector<16xf32>
        %mul3A_1689 = arith.mulf %broadcast_in_dim3A_1655, %sub3A_1688 : vector<16xf32>
        %add3A_1690 = arith.addf %get3A_1683, %mul3A_1689 : vector<16xf32>
        %add3A_1691 = arith.addf %add3A_1588, %add3A_1690 : vector<16xf32>
        %get3A_1692 = arith.index_cast %add3A_1652 : i32 to index
        %get3A_1693 = arith.constant 48 : index
        %get3A_1694 = tpu.vector_load %arg8[%get3A_1692, %get3A_1693] {strides = array<i32>} : memref<104x128xf32, #tpu.memory_space<vmem>>, vector<1x16xf32>,
        %get3A_1695 = vector.shape_cast %get3A_1694 : vector<1x16xf32> to vector<16xf32>
        %get3A_1696 = arith.index_cast %add3A_1652 : i32 to index
        %get3A_1697 = arith.constant 48 : index
        %get3A_1698 = tpu.vector_load %arg9[%get3A_1696, %get3A_1697] {strides = array<i32>} : memref<104x128xf32, #tpu.memory_space<vmem>>, vector<1x16xf32>,
        %get3A_1699 = vector.shape_cast %get3A_1698 : vector<1x16xf32> to vector<16xf32>
        %sub3A_1700 = arith.subf %get3A_1699, %get3A_1695 : vector<16xf32>
        %mul3A_1701 = arith.mulf %broadcast_in_dim3A_1655, %sub3A_1700 : vector<16xf32>
        %add3A_1702 = arith.addf %get3A_1695, %mul3A_1701 : vector<16xf32>
        %add3A_1703 = arith.addf %add3A_1600, %add3A_1702 : vector<16xf32>
        %get3A_1704 = arith.index_cast %add3A_1652 : i32 to index
        %get3A_1705 = arith.constant 64 : index
        %get3A_1706 = tpu.vector_load %arg8[%get3A_1704, %get3A_1705] {strides = array<i32>} : memref<104x128xf32, #tpu.memory_space<vmem>>, vector<1x16xf32>,
        %get3A_1707 = vector.shape_cast %get3A_1706 : vector<1x16xf32> to vector<16xf32>
        %get3A_1708 = arith.index_cast %add3A_1652 : i32 to index
        %get3A_1709 = arith.constant 64 : index
        %get3A_1710 = tpu.vector_load %arg9[%get3A_1708, %get3A_1709] {strides = array<i32>} : memref<104x128xf32, #tpu.memory_space<vmem>>, vector<1x16xf32>,
        %get3A_1711 = vector.shape_cast %get3A_1710 : vector<1x16xf32> to vector<16xf32>
        %sub3A_1712 = arith.subf %get3A_1711, %get3A_1707 : vector<16xf32>
        %mul3A_1713 = arith.mulf %broadcast_in_dim3A_1655, %sub3A_1712 : vector<16xf32>
        %add3A_1714 = arith.addf %get3A_1707, %mul3A_1713 : vector<16xf32>
        %add3A_1715 = arith.addf %add3A_1612, %add3A_1714 : vector<16xf32>
        %get3A_1716 = arith.index_cast %add3A_1652 : i32 to index
        %get3A_1717 = arith.constant 80 : index
        %get3A_1718 = tpu.vector_load %arg8[%get3A_1716, %get3A_1717] {strides = array<i32>} : memref<104x128xf32, #tpu.memory_space<vmem>>, vector<1x16xf32>,
        %get3A_1719 = vector.shape_cast %get3A_1718 : vector<1x16xf32> to vector<16xf32>
        %get3A_1720 = arith.index_cast %add3A_1652 : i32 to index
        %get3A_1721 = arith.constant 80 : index
        %get3A_1722 = tpu.vector_load %arg9[%get3A_1720, %get3A_1721] {strides = array<i32>} : memref<104x128xf32, #tpu.memory_space<vmem>>, vector<1x16xf32>,
        %get3A_1723 = vector.shape_cast %get3A_1722 : vector<1x16xf32> to vector<16xf32>
        %sub3A_1724 = arith.subf %get3A_1723, %get3A_1719 : vector<16xf32>
        %mul3A_1725 = arith.mulf %broadcast_in_dim3A_1655, %sub3A_1724 : vector<16xf32>
        %add3A_1726 = arith.addf %get3A_1719, %mul3A_1725 : vector<16xf32>
        %add3A_1727 = arith.addf %add3A_1624, %add3A_1726 : vector<16xf32>
        %get3A_1728 = arith.index_cast %add3A_1652 : i32 to index
        %get3A_1729 = arith.constant 96 : index
        %get3A_1730 = tpu.vector_load %arg8[%get3A_1728, %get3A_1729] {strides = array<i32>} : memref<104x128xf32, #tpu.memory_space<vmem>>, vector<1x16xf32>,
        %get3A_1731 = vector.shape_cast %get3A_1730 : vector<1x16xf32> to vector<16xf32>
        %get3A_1732 = arith.index_cast %add3A_1652 : i32 to index
        %get3A_1733 = arith.constant 96 : index
        %get3A_1734 = tpu.vector_load %arg9[%get3A_1732, %get3A_1733] {strides = array<i32>} : memref<104x128xf32, #tpu.memory_space<vmem>>, vector<1x16xf32>,
        %get3A_1735 = vector.shape_cast %get3A_1734 : vector<1x16xf32> to vector<16xf32>
        %sub3A_1736 = arith.subf %get3A_1735, %get3A_1731 : vector<16xf32>
        %mul3A_1737 = arith.mulf %broadcast_in_dim3A_1655, %sub3A_1736 : vector<16xf32>
        %add3A_1738 = arith.addf %get3A_1731, %mul3A_1737 : vector<16xf32>
        %add3A_1739 = arith.addf %add3A_1636, %add3A_1738 : vector<16xf32>
        %get3A_1740 = arith.index_cast %add3A_1652 : i32 to index
        %get3A_1741 = arith.constant 112 : index
        %get3A_1742 = tpu.vector_load %arg8[%get3A_1740, %get3A_1741] {strides = array<i32>} : memref<104x128xf32, #tpu.memory_space<vmem>>, vector<1x16xf32>,
        %get3A_1743 = vector.shape_cast %get3A_1742 : vector<1x16xf32> to vector<16xf32>
        %get3A_1744 = arith.index_cast %add3A_1652 : i32 to index
        %get3A_1745 = arith.constant 112 : index
        %get3A_1746 = tpu.vector_load %arg9[%get3A_1744, %get3A_1745] {strides = array<i32>} : memref<104x128xf32, #tpu.memory_space<vmem>>, vector<1x16xf32>,
        %get3A_1747 = vector.shape_cast %get3A_1746 : vector<1x16xf32> to vector<16xf32>
        %sub3A_1748 = arith.subf %get3A_1747, %get3A_1743 : vector<16xf32>
        %mul3A_1749 = arith.mulf %broadcast_in_dim3A_1655, %sub3A_1748 : vector<16xf32>
        %add3A_1750 = arith.addf %get3A_1743, %mul3A_1749 : vector<16xf32>
        %add3A_1751 = arith.addf %add3A_1648, %add3A_1750 : vector<16xf32>
        %mul3A_1752 = arith.constant 16 : i32
        %mul3A_1753 = arith.muli %scan3A_1119, %mul3A_1752 : i32
        %add3A_1754 = arith.constant 6 : i32
        %add3A_1755 = arith.addi %mul3A_1753, %add3A_1754 : i32
        %slice3A_1756 = vector.extract_strided_slice %get3A_1133 {offsets = [6], sizes = [1], strides = [1]} : vector<16xf32> to vector<1xf32>
        %squeeze3A_1757 = vector.extract %slice3A_1756[0] : f32 from vector<1xf32>
        %broadcast_in_dim3A_1758 = vector.broadcast %squeeze3A_1757 : f32 to vector<16xf32>
        %get3A_1759 = arith.index_cast %add3A_1755 : i32 to index
        %get3A_1760 = arith.constant 0 : index
        %get3A_1761 = tpu.vector_load %arg8[%get3A_1759, %get3A_1760] {strides = array<i32>} : memref<104x128xf32, #tpu.memory_space<vmem>>, vector<1x16xf32>,
        %get3A_1762 = vector.shape_cast %get3A_1761 : vector<1x16xf32> to vector<16xf32>
        %get3A_1763 = arith.index_cast %add3A_1755 : i32 to index
        %get3A_1764 = arith.constant 0 : index
        %get3A_1765 = tpu.vector_load %arg9[%get3A_1763, %get3A_1764] {strides = array<i32>} : memref<104x128xf32, #tpu.memory_space<vmem>>, vector<1x16xf32>,
        %get3A_1766 = vector.shape_cast %get3A_1765 : vector<1x16xf32> to vector<16xf32>
        %sub3A_1767 = arith.subf %get3A_1766, %get3A_1762 : vector<16xf32>
        %mul3A_1768 = arith.mulf %broadcast_in_dim3A_1758, %sub3A_1767 : vector<16xf32>
        %add3A_1769 = arith.addf %get3A_1762, %mul3A_1768 : vector<16xf32>
        %add3A_1770 = arith.addf %add3A_1667, %add3A_1769 : vector<16xf32>
        %get3A_1771 = arith.index_cast %add3A_1755 : i32 to index
        %get3A_1772 = arith.constant 16 : index
        %get3A_1773 = tpu.vector_load %arg8[%get3A_1771, %get3A_1772] {strides = array<i32>} : memref<104x128xf32, #tpu.memory_space<vmem>>, vector<1x16xf32>,
        %get3A_1774 = vector.shape_cast %get3A_1773 : vector<1x16xf32> to vector<16xf32>
        %get3A_1775 = arith.index_cast %add3A_1755 : i32 to index
        %get3A_1776 = arith.constant 16 : index
        %get3A_1777 = tpu.vector_load %arg9[%get3A_1775, %get3A_1776] {strides = array<i32>} : memref<104x128xf32, #tpu.memory_space<vmem>>, vector<1x16xf32>,
        %get3A_1778 = vector.shape_cast %get3A_1777 : vector<1x16xf32> to vector<16xf32>
        %sub3A_1779 = arith.subf %get3A_1778, %get3A_1774 : vector<16xf32>
        %mul3A_1780 = arith.mulf %broadcast_in_dim3A_1758, %sub3A_1779 : vector<16xf32>
        %add3A_1781 = arith.addf %get3A_1774, %mul3A_1780 : vector<16xf32>
        %add3A_1782 = arith.addf %add3A_1679, %add3A_1781 : vector<16xf32>
        %get3A_1783 = arith.index_cast %add3A_1755 : i32 to index
        %get3A_1784 = arith.constant 32 : index
        %get3A_1785 = tpu.vector_load %arg8[%get3A_1783, %get3A_1784] {strides = array<i32>} : memref<104x128xf32, #tpu.memory_space<vmem>>, vector<1x16xf32>,
        %get3A_1786 = vector.shape_cast %get3A_1785 : vector<1x16xf32> to vector<16xf32>
        %get3A_1787 = arith.index_cast %add3A_1755 : i32 to index
        %get3A_1788 = arith.constant 32 : index
        %get3A_1789 = tpu.vector_load %arg9[%get3A_1787, %get3A_1788] {strides = array<i32>} : memref<104x128xf32, #tpu.memory_space<vmem>>, vector<1x16xf32>,
        %get3A_1790 = vector.shape_cast %get3A_1789 : vector<1x16xf32> to vector<16xf32>
        %sub3A_1791 = arith.subf %get3A_1790, %get3A_1786 : vector<16xf32>
        %mul3A_1792 = arith.mulf %broadcast_in_dim3A_1758, %sub3A_1791 : vector<16xf32>
        %add3A_1793 = arith.addf %get3A_1786, %mul3A_1792 : vector<16xf32>
        %add3A_1794 = arith.addf %add3A_1691, %add3A_1793 : vector<16xf32>
        %get3A_1795 = arith.index_cast %add3A_1755 : i32 to index
        %get3A_1796 = arith.constant 48 : index
        %get3A_1797 = tpu.vector_load %arg8[%get3A_1795, %get3A_1796] {strides = array<i32>} : memref<104x128xf32, #tpu.memory_space<vmem>>, vector<1x16xf32>,
        %get3A_1798 = vector.shape_cast %get3A_1797 : vector<1x16xf32> to vector<16xf32>
        %get3A_1799 = arith.index_cast %add3A_1755 : i32 to index
        %get3A_1800 = arith.constant 48 : index
        %get3A_1801 = tpu.vector_load %arg9[%get3A_1799, %get3A_1800] {strides = array<i32>} : memref<104x128xf32, #tpu.memory_space<vmem>>, vector<1x16xf32>,
        %get3A_1802 = vector.shape_cast %get3A_1801 : vector<1x16xf32> to vector<16xf32>
        %sub3A_1803 = arith.subf %get3A_1802, %get3A_1798 : vector<16xf32>
        %mul3A_1804 = arith.mulf %broadcast_in_dim3A_1758, %sub3A_1803 : vector<16xf32>
        %add3A_1805 = arith.addf %get3A_1798, %mul3A_1804 : vector<16xf32>
        %add3A_1806 = arith.addf %add3A_1703, %add3A_1805 : vector<16xf32>
        %get3A_1807 = arith.index_cast %add3A_1755 : i32 to index
        %get3A_1808 = arith.constant 64 : index
        %get3A_1809 = tpu.vector_load %arg8[%get3A_1807, %get3A_1808] {strides = array<i32>} : memref<104x128xf32, #tpu.memory_space<vmem>>, vector<1x16xf32>,
        %get3A_1810 = vector.shape_cast %get3A_1809 : vector<1x16xf32> to vector<16xf32>
        %get3A_1811 = arith.index_cast %add3A_1755 : i32 to index
        %get3A_1812 = arith.constant 64 : index
        %get3A_1813 = tpu.vector_load %arg9[%get3A_1811, %get3A_1812] {strides = array<i32>} : memref<104x128xf32, #tpu.memory_space<vmem>>, vector<1x16xf32>,
        %get3A_1814 = vector.shape_cast %get3A_1813 : vector<1x16xf32> to vector<16xf32>
        %sub3A_1815 = arith.subf %get3A_1814, %get3A_1810 : vector<16xf32>
        %mul3A_1816 = arith.mulf %broadcast_in_dim3A_1758, %sub3A_1815 : vector<16xf32>
        %add3A_1817 = arith.addf %get3A_1810, %mul3A_1816 : vector<16xf32>
        %add3A_1818 = arith.addf %add3A_1715, %add3A_1817 : vector<16xf32>
        %get3A_1819 = arith.index_cast %add3A_1755 : i32 to index
        %get3A_1820 = arith.constant 80 : index
        %get3A_1821 = tpu.vector_load %arg8[%get3A_1819, %get3A_1820] {strides = array<i32>} : memref<104x128xf32, #tpu.memory_space<vmem>>, vector<1x16xf32>,
        %get3A_1822 = vector.shape_cast %get3A_1821 : vector<1x16xf32> to vector<16xf32>
        %get3A_1823 = arith.index_cast %add3A_1755 : i32 to index
        %get3A_1824 = arith.constant 80 : index
        %get3A_1825 = tpu.vector_load %arg9[%get3A_1823, %get3A_1824] {strides = array<i32>} : memref<104x128xf32, #tpu.memory_space<vmem>>, vector<1x16xf32>,
        %get3A_1826 = vector.shape_cast %get3A_1825 : vector<1x16xf32> to vector<16xf32>
        %sub3A_1827 = arith.subf %get3A_1826, %get3A_1822 : vector<16xf32>
        %mul3A_1828 = arith.mulf %broadcast_in_dim3A_1758, %sub3A_1827 : vector<16xf32>
        %add3A_1829 = arith.addf %get3A_1822, %mul3A_1828 : vector<16xf32>
        %add3A_1830 = arith.addf %add3A_1727, %add3A_1829 : vector<16xf32>
        %get3A_1831 = arith.index_cast %add3A_1755 : i32 to index
        %get3A_1832 = arith.constant 96 : index
        %get3A_1833 = tpu.vector_load %arg8[%get3A_1831, %get3A_1832] {strides = array<i32>} : memref<104x128xf32, #tpu.memory_space<vmem>>, vector<1x16xf32>,
        %get3A_1834 = vector.shape_cast %get3A_1833 : vector<1x16xf32> to vector<16xf32>
        %get3A_1835 = arith.index_cast %add3A_1755 : i32 to index
        %get3A_1836 = arith.constant 96 : index
        %get3A_1837 = tpu.vector_load %arg9[%get3A_1835, %get3A_1836] {strides = array<i32>} : memref<104x128xf32, #tpu.memory_space<vmem>>, vector<1x16xf32>,
        %get3A_1838 = vector.shape_cast %get3A_1837 : vector<1x16xf32> to vector<16xf32>
        %sub3A_1839 = arith.subf %get3A_1838, %get3A_1834 : vector<16xf32>
        %mul3A_1840 = arith.mulf %broadcast_in_dim3A_1758, %sub3A_1839 : vector<16xf32>
        %add3A_1841 = arith.addf %get3A_1834, %mul3A_1840 : vector<16xf32>
        %add3A_1842 = arith.addf %add3A_1739, %add3A_1841 : vector<16xf32>
        %get3A_1843 = arith.index_cast %add3A_1755 : i32 to index
        %get3A_1844 = arith.constant 112 : index
        %get3A_1845 = tpu.vector_load %arg8[%get3A_1843, %get3A_1844] {strides = array<i32>} : memref<104x128xf32, #tpu.memory_space<vmem>>, vector<1x16xf32>,
        %get3A_1846 = vector.shape_cast %get3A_1845 : vector<1x16xf32> to vector<16xf32>
        %get3A_1847 = arith.index_cast %add3A_1755 : i32 to index
        %get3A_1848 = arith.constant 112 : index
        %get3A_1849 = tpu.vector_load %arg9[%get3A_1847, %get3A_1848] {strides = array<i32>} : memref<104x128xf32, #tpu.memory_space<vmem>>, vector<1x16xf32>,
        %get3A_1850 = vector.shape_cast %get3A_1849 : vector<1x16xf32> to vector<16xf32>
        %sub3A_1851 = arith.subf %get3A_1850, %get3A_1846 : vector<16xf32>
        %mul3A_1852 = arith.mulf %broadcast_in_dim3A_1758, %sub3A_1851 : vector<16xf32>
        %add3A_1853 = arith.addf %get3A_1846, %mul3A_1852 : vector<16xf32>
        %add3A_1854 = arith.addf %add3A_1751, %add3A_1853 : vector<16xf32>
        %mul3A_1855 = arith.constant 16 : i32
        %mul3A_1856 = arith.muli %scan3A_1119, %mul3A_1855 : i32
        %add3A_1857 = arith.constant 7 : i32
        %add3A_1858 = arith.addi %mul3A_1856, %add3A_1857 : i32
        %slice3A_1859 = vector.extract_strided_slice %get3A_1133 {offsets = [7], sizes = [1], strides = [1]} : vector<16xf32> to vector<1xf32>
        %squeeze3A_1860 = vector.extract %slice3A_1859[0] : f32 from vector<1xf32>
        %broadcast_in_dim3A_1861 = vector.broadcast %squeeze3A_1860 : f32 to vector<16xf32>
        %get3A_1862 = arith.index_cast %add3A_1858 : i32 to index
        %get3A_1863 = arith.constant 0 : index
        %get3A_1864 = tpu.vector_load %arg8[%get3A_1862, %get3A_1863] {strides = array<i32>} : memref<104x128xf32, #tpu.memory_space<vmem>>, vector<1x16xf32>,
        %get3A_1865 = vector.shape_cast %get3A_1864 : vector<1x16xf32> to vector<16xf32>
        %get3A_1866 = arith.index_cast %add3A_1858 : i32 to index
        %get3A_1867 = arith.constant 0 : index
        %get3A_1868 = tpu.vector_load %arg9[%get3A_1866, %get3A_1867] {strides = array<i32>} : memref<104x128xf32, #tpu.memory_space<vmem>>, vector<1x16xf32>,
        %get3A_1869 = vector.shape_cast %get3A_1868 : vector<1x16xf32> to vector<16xf32>
        %sub3A_1870 = arith.subf %get3A_1869, %get3A_1865 : vector<16xf32>
        %mul3A_1871 = arith.mulf %broadcast_in_dim3A_1861, %sub3A_1870 : vector<16xf32>
        %add3A_1872 = arith.addf %get3A_1865, %mul3A_1871 : vector<16xf32>
        %add3A_1873 = arith.addf %add3A_1770, %add3A_1872 : vector<16xf32>
        %get3A_1874 = arith.index_cast %add3A_1858 : i32 to index
        %get3A_1875 = arith.constant 16 : index
        %get3A_1876 = tpu.vector_load %arg8[%get3A_1874, %get3A_1875] {strides = array<i32>} : memref<104x128xf32, #tpu.memory_space<vmem>>, vector<1x16xf32>,
        %get3A_1877 = vector.shape_cast %get3A_1876 : vector<1x16xf32> to vector<16xf32>
        %get3A_1878 = arith.index_cast %add3A_1858 : i32 to index
        %get3A_1879 = arith.constant 16 : index
        %get3A_1880 = tpu.vector_load %arg9[%get3A_1878, %get3A_1879] {strides = array<i32>} : memref<104x128xf32, #tpu.memory_space<vmem>>, vector<1x16xf32>,
        %get3A_1881 = vector.shape_cast %get3A_1880 : vector<1x16xf32> to vector<16xf32>
        %sub3A_1882 = arith.subf %get3A_1881, %get3A_1877 : vector<16xf32>
        %mul3A_1883 = arith.mulf %broadcast_in_dim3A_1861, %sub3A_1882 : vector<16xf32>
        %add3A_1884 = arith.addf %get3A_1877, %mul3A_1883 : vector<16xf32>
        %add3A_1885 = arith.addf %add3A_1782, %add3A_1884 : vector<16xf32>
        %get3A_1886 = arith.index_cast %add3A_1858 : i32 to index
        %get3A_1887 = arith.constant 32 : index
        %get3A_1888 = tpu.vector_load %arg8[%get3A_1886, %get3A_1887] {strides = array<i32>} : memref<104x128xf32, #tpu.memory_space<vmem>>, vector<1x16xf32>,
        %get3A_1889 = vector.shape_cast %get3A_1888 : vector<1x16xf32> to vector<16xf32>
        %get3A_1890 = arith.index_cast %add3A_1858 : i32 to index
        %get3A_1891 = arith.constant 32 : index
        %get3A_1892 = tpu.vector_load %arg9[%get3A_1890, %get3A_1891] {strides = array<i32>} : memref<104x128xf32, #tpu.memory_space<vmem>>, vector<1x16xf32>,
        %get3A_1893 = vector.shape_cast %get3A_1892 : vector<1x16xf32> to vector<16xf32>
        %sub3A_1894 = arith.subf %get3A_1893, %get3A_1889 : vector<16xf32>
        %mul3A_1895 = arith.mulf %broadcast_in_dim3A_1861, %sub3A_1894 : vector<16xf32>
        %add3A_1896 = arith.addf %get3A_1889, %mul3A_1895 : vector<16xf32>
        %add3A_1897 = arith.addf %add3A_1794, %add3A_1896 : vector<16xf32>
        %get3A_1898 = arith.index_cast %add3A_1858 : i32 to index
        %get3A_1899 = arith.constant 48 : index
        %get3A_1900 = tpu.vector_load %arg8[%get3A_1898, %get3A_1899] {strides = array<i32>} : memref<104x128xf32, #tpu.memory_space<vmem>>, vector<1x16xf32>,
        %get3A_1901 = vector.shape_cast %get3A_1900 : vector<1x16xf32> to vector<16xf32>
        %get3A_1902 = arith.index_cast %add3A_1858 : i32 to index
        %get3A_1903 = arith.constant 48 : index
        %get3A_1904 = tpu.vector_load %arg9[%get3A_1902, %get3A_1903] {strides = array<i32>} : memref<104x128xf32, #tpu.memory_space<vmem>>, vector<1x16xf32>,
        %get3A_1905 = vector.shape_cast %get3A_1904 : vector<1x16xf32> to vector<16xf32>
        %sub3A_1906 = arith.subf %get3A_1905, %get3A_1901 : vector<16xf32>
        %mul3A_1907 = arith.mulf %broadcast_in_dim3A_1861, %sub3A_1906 : vector<16xf32>
        %add3A_1908 = arith.addf %get3A_1901, %mul3A_1907 : vector<16xf32>
        %add3A_1909 = arith.addf %add3A_1806, %add3A_1908 : vector<16xf32>
        %get3A_1910 = arith.index_cast %add3A_1858 : i32 to index
        %get3A_1911 = arith.constant 64 : index
        %get3A_1912 = tpu.vector_load %arg8[%get3A_1910, %get3A_1911] {strides = array<i32>} : memref<104x128xf32, #tpu.memory_space<vmem>>, vector<1x16xf32>,
        %get3A_1913 = vector.shape_cast %get3A_1912 : vector<1x16xf32> to vector<16xf32>
        %get3A_1914 = arith.index_cast %add3A_1858 : i32 to index
        %get3A_1915 = arith.constant 64 : index
        %get3A_1916 = tpu.vector_load %arg9[%get3A_1914, %get3A_1915] {strides = array<i32>} : memref<104x128xf32, #tpu.memory_space<vmem>>, vector<1x16xf32>,
        %get3A_1917 = vector.shape_cast %get3A_1916 : vector<1x16xf32> to vector<16xf32>
        %sub3A_1918 = arith.subf %get3A_1917, %get3A_1913 : vector<16xf32>
        %mul3A_1919 = arith.mulf %broadcast_in_dim3A_1861, %sub3A_1918 : vector<16xf32>
        %add3A_1920 = arith.addf %get3A_1913, %mul3A_1919 : vector<16xf32>
        %add3A_1921 = arith.addf %add3A_1818, %add3A_1920 : vector<16xf32>
        %get3A_1922 = arith.index_cast %add3A_1858 : i32 to index
        %get3A_1923 = arith.constant 80 : index
        %get3A_1924 = tpu.vector_load %arg8[%get3A_1922, %get3A_1923] {strides = array<i32>} : memref<104x128xf32, #tpu.memory_space<vmem>>, vector<1x16xf32>,
        %get3A_1925 = vector.shape_cast %get3A_1924 : vector<1x16xf32> to vector<16xf32>
        %get3A_1926 = arith.index_cast %add3A_1858 : i32 to index
        %get3A_1927 = arith.constant 80 : index
        %get3A_1928 = tpu.vector_load %arg9[%get3A_1926, %get3A_1927] {strides = array<i32>} : memref<104x128xf32, #tpu.memory_space<vmem>>, vector<1x16xf32>,
        %get3A_1929 = vector.shape_cast %get3A_1928 : vector<1x16xf32> to vector<16xf32>
        %sub3A_1930 = arith.subf %get3A_1929, %get3A_1925 : vector<16xf32>
        %mul3A_1931 = arith.mulf %broadcast_in_dim3A_1861, %sub3A_1930 : vector<16xf32>
        %add3A_1932 = arith.addf %get3A_1925, %mul3A_1931 : vector<16xf32>
        %add3A_1933 = arith.addf %add3A_1830, %add3A_1932 : vector<16xf32>
        %get3A_1934 = arith.index_cast %add3A_1858 : i32 to index
        %get3A_1935 = arith.constant 96 : index
        %get3A_1936 = tpu.vector_load %arg8[%get3A_1934, %get3A_1935] {strides = array<i32>} : memref<104x128xf32, #tpu.memory_space<vmem>>, vector<1x16xf32>,
        %get3A_1937 = vector.shape_cast %get3A_1936 : vector<1x16xf32> to vector<16xf32>
        %get3A_1938 = arith.index_cast %add3A_1858 : i32 to index
        %get3A_1939 = arith.constant 96 : index
        %get3A_1940 = tpu.vector_load %arg9[%get3A_1938, %get3A_1939] {strides = array<i32>} : memref<104x128xf32, #tpu.memory_space<vmem>>, vector<1x16xf32>,
        %get3A_1941 = vector.shape_cast %get3A_1940 : vector<1x16xf32> to vector<16xf32>
        %sub3A_1942 = arith.subf %get3A_1941, %get3A_1937 : vector<16xf32>
        %mul3A_1943 = arith.mulf %broadcast_in_dim3A_1861, %sub3A_1942 : vector<16xf32>
        %add3A_1944 = arith.addf %get3A_1937, %mul3A_1943 : vector<16xf32>
        %add3A_1945 = arith.addf %add3A_1842, %add3A_1944 : vector<16xf32>
        %get3A_1946 = arith.index_cast %add3A_1858 : i32 to index
        %get3A_1947 = arith.constant 112 : index
        %get3A_1948 = tpu.vector_load %arg8[%get3A_1946, %get3A_1947] {strides = array<i32>} : memref<104x128xf32, #tpu.memory_space<vmem>>, vector<1x16xf32>,
        %get3A_1949 = vector.shape_cast %get3A_1948 : vector<1x16xf32> to vector<16xf32>
        %get3A_1950 = arith.index_cast %add3A_1858 : i32 to index
        %get3A_1951 = arith.constant 112 : index
        %get3A_1952 = tpu.vector_load %arg9[%get3A_1950, %get3A_1951] {strides = array<i32>} : memref<104x128xf32, #tpu.memory_space<vmem>>, vector<1x16xf32>,
        %get3A_1953 = vector.shape_cast %get3A_1952 : vector<1x16xf32> to vector<16xf32>
        %sub3A_1954 = arith.subf %get3A_1953, %get3A_1949 : vector<16xf32>
        %mul3A_1955 = arith.mulf %broadcast_in_dim3A_1861, %sub3A_1954 : vector<16xf32>
        %add3A_1956 = arith.addf %get3A_1949, %mul3A_1955 : vector<16xf32>
        %add3A_1957 = arith.addf %add3A_1854, %add3A_1956 : vector<16xf32>
        %mul3A_1958 = arith.constant 16 : i32
        %mul3A_1959 = arith.muli %scan3A_1119, %mul3A_1958 : i32
        %add3A_1960 = arith.constant 8 : i32
        %add3A_1961 = arith.addi %mul3A_1959, %add3A_1960 : i32
        %slice3A_1962 = vector.extract_strided_slice %get3A_1133 {offsets = [8], sizes = [1], strides = [1]} : vector<16xf32> to vector<1xf32>
        %squeeze3A_1963 = vector.extract %slice3A_1962[0] : f32 from vector<1xf32>
        %broadcast_in_dim3A_1964 = vector.broadcast %squeeze3A_1963 : f32 to vector<16xf32>
        %get3A_1965 = arith.index_cast %add3A_1961 : i32 to index
        %get3A_1966 = arith.constant 0 : index
        %get3A_1967 = tpu.vector_load %arg8[%get3A_1965, %get3A_1966] {strides = array<i32>} : memref<104x128xf32, #tpu.memory_space<vmem>>, vector<1x16xf32>,
        %get3A_1968 = vector.shape_cast %get3A_1967 : vector<1x16xf32> to vector<16xf32>
        %get3A_1969 = arith.index_cast %add3A_1961 : i32 to index
        %get3A_1970 = arith.constant 0 : index
        %get3A_1971 = tpu.vector_load %arg9[%get3A_1969, %get3A_1970] {strides = array<i32>} : memref<104x128xf32, #tpu.memory_space<vmem>>, vector<1x16xf32>,
        %get3A_1972 = vector.shape_cast %get3A_1971 : vector<1x16xf32> to vector<16xf32>
        %sub3A_1973 = arith.subf %get3A_1972, %get3A_1968 : vector<16xf32>
        %mul3A_1974 = arith.mulf %broadcast_in_dim3A_1964, %sub3A_1973 : vector<16xf32>
        %add3A_1975 = arith.addf %get3A_1968, %mul3A_1974 : vector<16xf32>
        %add3A_1976 = arith.addf %add3A_1873, %add3A_1975 : vector<16xf32>
        %get3A_1977 = arith.index_cast %add3A_1961 : i32 to index
        %get3A_1978 = arith.constant 16 : index
        %get3A_1979 = tpu.vector_load %arg8[%get3A_1977, %get3A_1978] {strides = array<i32>} : memref<104x128xf32, #tpu.memory_space<vmem>>, vector<1x16xf32>,
        %get3A_1980 = vector.shape_cast %get3A_1979 : vector<1x16xf32> to vector<16xf32>
        %get3A_1981 = arith.index_cast %add3A_1961 : i32 to index
        %get3A_1982 = arith.constant 16 : index
        %get3A_1983 = tpu.vector_load %arg9[%get3A_1981, %get3A_1982] {strides = array<i32>} : memref<104x128xf32, #tpu.memory_space<vmem>>, vector<1x16xf32>,
        %get3A_1984 = vector.shape_cast %get3A_1983 : vector<1x16xf32> to vector<16xf32>
        %sub3A_1985 = arith.subf %get3A_1984, %get3A_1980 : vector<16xf32>
        %mul3A_1986 = arith.mulf %broadcast_in_dim3A_1964, %sub3A_1985 : vector<16xf32>
        %add3A_1987 = arith.addf %get3A_1980, %mul3A_1986 : vector<16xf32>
        %add3A_1988 = arith.addf %add3A_1885, %add3A_1987 : vector<16xf32>
        %get3A_1989 = arith.index_cast %add3A_1961 : i32 to index
        %get3A_1990 = arith.constant 32 : index
        %get3A_1991 = tpu.vector_load %arg8[%get3A_1989, %get3A_1990] {strides = array<i32>} : memref<104x128xf32, #tpu.memory_space<vmem>>, vector<1x16xf32>,
        %get3A_1992 = vector.shape_cast %get3A_1991 : vector<1x16xf32> to vector<16xf32>
        %get3A_1993 = arith.index_cast %add3A_1961 : i32 to index
        %get3A_1994 = arith.constant 32 : index
        %get3A_1995 = tpu.vector_load %arg9[%get3A_1993, %get3A_1994] {strides = array<i32>} : memref<104x128xf32, #tpu.memory_space<vmem>>, vector<1x16xf32>,
        %get3A_1996 = vector.shape_cast %get3A_1995 : vector<1x16xf32> to vector<16xf32>
        %sub3A_1997 = arith.subf %get3A_1996, %get3A_1992 : vector<16xf32>
        %mul3A_1998 = arith.mulf %broadcast_in_dim3A_1964, %sub3A_1997 : vector<16xf32>
        %add3A_1999 = arith.addf %get3A_1992, %mul3A_1998 : vector<16xf32>
        %add3A_2000 = arith.addf %add3A_1897, %add3A_1999 : vector<16xf32>
        %get3A_2001 = arith.index_cast %add3A_1961 : i32 to index
        %get3A_2002 = arith.constant 48 : index
        %get3A_2003 = tpu.vector_load %arg8[%get3A_2001, %get3A_2002] {strides = array<i32>} : memref<104x128xf32, #tpu.memory_space<vmem>>, vector<1x16xf32>,
        %get3A_2004 = vector.shape_cast %get3A_2003 : vector<1x16xf32> to vector<16xf32>
        %get3A_2005 = arith.index_cast %add3A_1961 : i32 to index
        %get3A_2006 = arith.constant 48 : index
        %get3A_2007 = tpu.vector_load %arg9[%get3A_2005, %get3A_2006] {strides = array<i32>} : memref<104x128xf32, #tpu.memory_space<vmem>>, vector<1x16xf32>,
        %get3A_2008 = vector.shape_cast %get3A_2007 : vector<1x16xf32> to vector<16xf32>
        %sub3A_2009 = arith.subf %get3A_2008, %get3A_2004 : vector<16xf32>
        %mul3A_2010 = arith.mulf %broadcast_in_dim3A_1964, %sub3A_2009 : vector<16xf32>
        %add3A_2011 = arith.addf %get3A_2004, %mul3A_2010 : vector<16xf32>
        %add3A_2012 = arith.addf %add3A_1909, %add3A_2011 : vector<16xf32>
        %get3A_2013 = arith.index_cast %add3A_1961 : i32 to index
        %get3A_2014 = arith.constant 64 : index
        %get3A_2015 = tpu.vector_load %arg8[%get3A_2013, %get3A_2014] {strides = array<i32>} : memref<104x128xf32, #tpu.memory_space<vmem>>, vector<1x16xf32>,
        %get3A_2016 = vector.shape_cast %get3A_2015 : vector<1x16xf32> to vector<16xf32>
        %get3A_2017 = arith.index_cast %add3A_1961 : i32 to index
        %get3A_2018 = arith.constant 64 : index
        %get3A_2019 = tpu.vector_load %arg9[%get3A_2017, %get3A_2018] {strides = array<i32>} : memref<104x128xf32, #tpu.memory_space<vmem>>, vector<1x16xf32>,
        %get3A_2020 = vector.shape_cast %get3A_2019 : vector<1x16xf32> to vector<16xf32>
        %sub3A_2021 = arith.subf %get3A_2020, %get3A_2016 : vector<16xf32>
        %mul3A_2022 = arith.mulf %broadcast_in_dim3A_1964, %sub3A_2021 : vector<16xf32>
        %add3A_2023 = arith.addf %get3A_2016, %mul3A_2022 : vector<16xf32>
        %add3A_2024 = arith.addf %add3A_1921, %add3A_2023 : vector<16xf32>
        %get3A_2025 = arith.index_cast %add3A_1961 : i32 to index
        %get3A_2026 = arith.constant 80 : index
        %get3A_2027 = tpu.vector_load %arg8[%get3A_2025, %get3A_2026] {strides = array<i32>} : memref<104x128xf32, #tpu.memory_space<vmem>>, vector<1x16xf32>,
        %get3A_2028 = vector.shape_cast %get3A_2027 : vector<1x16xf32> to vector<16xf32>
        %get3A_2029 = arith.index_cast %add3A_1961 : i32 to index
        %get3A_2030 = arith.constant 80 : index
        %get3A_2031 = tpu.vector_load %arg9[%get3A_2029, %get3A_2030] {strides = array<i32>} : memref<104x128xf32, #tpu.memory_space<vmem>>, vector<1x16xf32>,
        %get3A_2032 = vector.shape_cast %get3A_2031 : vector<1x16xf32> to vector<16xf32>
        %sub3A_2033 = arith.subf %get3A_2032, %get3A_2028 : vector<16xf32>
        %mul3A_2034 = arith.mulf %broadcast_in_dim3A_1964, %sub3A_2033 : vector<16xf32>
        %add3A_2035 = arith.addf %get3A_2028, %mul3A_2034 : vector<16xf32>
        %add3A_2036 = arith.addf %add3A_1933, %add3A_2035 : vector<16xf32>
        %get3A_2037 = arith.index_cast %add3A_1961 : i32 to index
        %get3A_2038 = arith.constant 96 : index
        %get3A_2039 = tpu.vector_load %arg8[%get3A_2037, %get3A_2038] {strides = array<i32>} : memref<104x128xf32, #tpu.memory_space<vmem>>, vector<1x16xf32>,
        %get3A_2040 = vector.shape_cast %get3A_2039 : vector<1x16xf32> to vector<16xf32>
        %get3A_2041 = arith.index_cast %add3A_1961 : i32 to index
        %get3A_2042 = arith.constant 96 : index
        %get3A_2043 = tpu.vector_load %arg9[%get3A_2041, %get3A_2042] {strides = array<i32>} : memref<104x128xf32, #tpu.memory_space<vmem>>, vector<1x16xf32>,
        %get3A_2044 = vector.shape_cast %get3A_2043 : vector<1x16xf32> to vector<16xf32>
        %sub3A_2045 = arith.subf %get3A_2044, %get3A_2040 : vector<16xf32>
        %mul3A_2046 = arith.mulf %broadcast_in_dim3A_1964, %sub3A_2045 : vector<16xf32>
        %add3A_2047 = arith.addf %get3A_2040, %mul3A_2046 : vector<16xf32>
        %add3A_2048 = arith.addf %add3A_1945, %add3A_2047 : vector<16xf32>
        %get3A_2049 = arith.index_cast %add3A_1961 : i32 to index
        %get3A_2050 = arith.constant 112 : index
        %get3A_2051 = tpu.vector_load %arg8[%get3A_2049, %get3A_2050] {strides = array<i32>} : memref<104x128xf32, #tpu.memory_space<vmem>>, vector<1x16xf32>,
        %get3A_2052 = vector.shape_cast %get3A_2051 : vector<1x16xf32> to vector<16xf32>
        %get3A_2053 = arith.index_cast %add3A_1961 : i32 to index
        %get3A_2054 = arith.constant 112 : index
        %get3A_2055 = tpu.vector_load %arg9[%get3A_2053, %get3A_2054] {strides = array<i32>} : memref<104x128xf32, #tpu.memory_space<vmem>>, vector<1x16xf32>,
        %get3A_2056 = vector.shape_cast %get3A_2055 : vector<1x16xf32> to vector<16xf32>
        %sub3A_2057 = arith.subf %get3A_2056, %get3A_2052 : vector<16xf32>
        %mul3A_2058 = arith.mulf %broadcast_in_dim3A_1964, %sub3A_2057 : vector<16xf32>
        %add3A_2059 = arith.addf %get3A_2052, %mul3A_2058 : vector<16xf32>
        %add3A_2060 = arith.addf %add3A_1957, %add3A_2059 : vector<16xf32>
        %mul3A_2061 = arith.constant 16 : i32
        %mul3A_2062 = arith.muli %scan3A_1119, %mul3A_2061 : i32
        %add3A_2063 = arith.constant 9 : i32
        %add3A_2064 = arith.addi %mul3A_2062, %add3A_2063 : i32
        %slice3A_2065 = vector.extract_strided_slice %get3A_1133 {offsets = [9], sizes = [1], strides = [1]} : vector<16xf32> to vector<1xf32>
        %squeeze3A_2066 = vector.extract %slice3A_2065[0] : f32 from vector<1xf32>
        %broadcast_in_dim3A_2067 = vector.broadcast %squeeze3A_2066 : f32 to vector<16xf32>
        %get3A_2068 = arith.index_cast %add3A_2064 : i32 to index
        %get3A_2069 = arith.constant 0 : index
        %get3A_2070 = tpu.vector_load %arg8[%get3A_2068, %get3A_2069] {strides = array<i32>} : memref<104x128xf32, #tpu.memory_space<vmem>>, vector<1x16xf32>,
        %get3A_2071 = vector.shape_cast %get3A_2070 : vector<1x16xf32> to vector<16xf32>
        %get3A_2072 = arith.index_cast %add3A_2064 : i32 to index
        %get3A_2073 = arith.constant 0 : index
        %get3A_2074 = tpu.vector_load %arg9[%get3A_2072, %get3A_2073] {strides = array<i32>} : memref<104x128xf32, #tpu.memory_space<vmem>>, vector<1x16xf32>,
        %get3A_2075 = vector.shape_cast %get3A_2074 : vector<1x16xf32> to vector<16xf32>
        %sub3A_2076 = arith.subf %get3A_2075, %get3A_2071 : vector<16xf32>
        %mul3A_2077 = arith.mulf %broadcast_in_dim3A_2067, %sub3A_2076 : vector<16xf32>
        %add3A_2078 = arith.addf %get3A_2071, %mul3A_2077 : vector<16xf32>
        %add3A_2079 = arith.addf %add3A_1976, %add3A_2078 : vector<16xf32>
        %get3A_2080 = arith.index_cast %add3A_2064 : i32 to index
        %get3A_2081 = arith.constant 16 : index
        %get3A_2082 = tpu.vector_load %arg8[%get3A_2080, %get3A_2081] {strides = array<i32>} : memref<104x128xf32, #tpu.memory_space<vmem>>, vector<1x16xf32>,
        %get3A_2083 = vector.shape_cast %get3A_2082 : vector<1x16xf32> to vector<16xf32>
        %get3A_2084 = arith.index_cast %add3A_2064 : i32 to index
        %get3A_2085 = arith.constant 16 : index
        %get3A_2086 = tpu.vector_load %arg9[%get3A_2084, %get3A_2085] {strides = array<i32>} : memref<104x128xf32, #tpu.memory_space<vmem>>, vector<1x16xf32>,
        %get3A_2087 = vector.shape_cast %get3A_2086 : vector<1x16xf32> to vector<16xf32>
        %sub3A_2088 = arith.subf %get3A_2087, %get3A_2083 : vector<16xf32>
        %mul3A_2089 = arith.mulf %broadcast_in_dim3A_2067, %sub3A_2088 : vector<16xf32>
        %add3A_2090 = arith.addf %get3A_2083, %mul3A_2089 : vector<16xf32>
        %add3A_2091 = arith.addf %add3A_1988, %add3A_2090 : vector<16xf32>
        %get3A_2092 = arith.index_cast %add3A_2064 : i32 to index
        %get3A_2093 = arith.constant 32 : index
        %get3A_2094 = tpu.vector_load %arg8[%get3A_2092, %get3A_2093] {strides = array<i32>} : memref<104x128xf32, #tpu.memory_space<vmem>>, vector<1x16xf32>,
        %get3A_2095 = vector.shape_cast %get3A_2094 : vector<1x16xf32> to vector<16xf32>
        %get3A_2096 = arith.index_cast %add3A_2064 : i32 to index
        %get3A_2097 = arith.constant 32 : index
        %get3A_2098 = tpu.vector_load %arg9[%get3A_2096, %get3A_2097] {strides = array<i32>} : memref<104x128xf32, #tpu.memory_space<vmem>>, vector<1x16xf32>,
        %get3A_2099 = vector.shape_cast %get3A_2098 : vector<1x16xf32> to vector<16xf32>
        %sub3A_2100 = arith.subf %get3A_2099, %get3A_2095 : vector<16xf32>
        %mul3A_2101 = arith.mulf %broadcast_in_dim3A_2067, %sub3A_2100 : vector<16xf32>
        %add3A_2102 = arith.addf %get3A_2095, %mul3A_2101 : vector<16xf32>
        %add3A_2103 = arith.addf %add3A_2000, %add3A_2102 : vector<16xf32>
        %get3A_2104 = arith.index_cast %add3A_2064 : i32 to index
        %get3A_2105 = arith.constant 48 : index
        %get3A_2106 = tpu.vector_load %arg8[%get3A_2104, %get3A_2105] {strides = array<i32>} : memref<104x128xf32, #tpu.memory_space<vmem>>, vector<1x16xf32>,
        %get3A_2107 = vector.shape_cast %get3A_2106 : vector<1x16xf32> to vector<16xf32>
        %get3A_2108 = arith.index_cast %add3A_2064 : i32 to index
        %get3A_2109 = arith.constant 48 : index
        %get3A_2110 = tpu.vector_load %arg9[%get3A_2108, %get3A_2109] {strides = array<i32>} : memref<104x128xf32, #tpu.memory_space<vmem>>, vector<1x16xf32>,
        %get3A_2111 = vector.shape_cast %get3A_2110 : vector<1x16xf32> to vector<16xf32>
        %sub3A_2112 = arith.subf %get3A_2111, %get3A_2107 : vector<16xf32>
        %mul3A_2113 = arith.mulf %broadcast_in_dim3A_2067, %sub3A_2112 : vector<16xf32>
        %add3A_2114 = arith.addf %get3A_2107, %mul3A_2113 : vector<16xf32>
        %add3A_2115 = arith.addf %add3A_2012, %add3A_2114 : vector<16xf32>
        %get3A_2116 = arith.index_cast %add3A_2064 : i32 to index
        %get3A_2117 = arith.constant 64 : index
        %get3A_2118 = tpu.vector_load %arg8[%get3A_2116, %get3A_2117] {strides = array<i32>} : memref<104x128xf32, #tpu.memory_space<vmem>>, vector<1x16xf32>,
        %get3A_2119 = vector.shape_cast %get3A_2118 : vector<1x16xf32> to vector<16xf32>
        %get3A_2120 = arith.index_cast %add3A_2064 : i32 to index
        %get3A_2121 = arith.constant 64 : index
        %get3A_2122 = tpu.vector_load %arg9[%get3A_2120, %get3A_2121] {strides = array<i32>} : memref<104x128xf32, #tpu.memory_space<vmem>>, vector<1x16xf32>,
        %get3A_2123 = vector.shape_cast %get3A_2122 : vector<1x16xf32> to vector<16xf32>
        %sub3A_2124 = arith.subf %get3A_2123, %get3A_2119 : vector<16xf32>
        %mul3A_2125 = arith.mulf %broadcast_in_dim3A_2067, %sub3A_2124 : vector<16xf32>
        %add3A_2126 = arith.addf %get3A_2119, %mul3A_2125 : vector<16xf32>
        %add3A_2127 = arith.addf %add3A_2024, %add3A_2126 : vector<16xf32>
        %get3A_2128 = arith.index_cast %add3A_2064 : i32 to index
        %get3A_2129 = arith.constant 80 : index
        %get3A_2130 = tpu.vector_load %arg8[%get3A_2128, %get3A_2129] {strides = array<i32>} : memref<104x128xf32, #tpu.memory_space<vmem>>, vector<1x16xf32>,
        %get3A_2131 = vector.shape_cast %get3A_2130 : vector<1x16xf32> to vector<16xf32>
        %get3A_2132 = arith.index_cast %add3A_2064 : i32 to index
        %get3A_2133 = arith.constant 80 : index
        %get3A_2134 = tpu.vector_load %arg9[%get3A_2132, %get3A_2133] {strides = array<i32>} : memref<104x128xf32, #tpu.memory_space<vmem>>, vector<1x16xf32>,
        %get3A_2135 = vector.shape_cast %get3A_2134 : vector<1x16xf32> to vector<16xf32>
        %sub3A_2136 = arith.subf %get3A_2135, %get3A_2131 : vector<16xf32>
        %mul3A_2137 = arith.mulf %broadcast_in_dim3A_2067, %sub3A_2136 : vector<16xf32>
        %add3A_2138 = arith.addf %get3A_2131, %mul3A_2137 : vector<16xf32>
        %add3A_2139 = arith.addf %add3A_2036, %add3A_2138 : vector<16xf32>
        %get3A_2140 = arith.index_cast %add3A_2064 : i32 to index
        %get3A_2141 = arith.constant 96 : index
        %get3A_2142 = tpu.vector_load %arg8[%get3A_2140, %get3A_2141] {strides = array<i32>} : memref<104x128xf32, #tpu.memory_space<vmem>>, vector<1x16xf32>,
        %get3A_2143 = vector.shape_cast %get3A_2142 : vector<1x16xf32> to vector<16xf32>
        %get3A_2144 = arith.index_cast %add3A_2064 : i32 to index
        %get3A_2145 = arith.constant 96 : index
        %get3A_2146 = tpu.vector_load %arg9[%get3A_2144, %get3A_2145] {strides = array<i32>} : memref<104x128xf32, #tpu.memory_space<vmem>>, vector<1x16xf32>,
        %get3A_2147 = vector.shape_cast %get3A_2146 : vector<1x16xf32> to vector<16xf32>
        %sub3A_2148 = arith.subf %get3A_2147, %get3A_2143 : vector<16xf32>
        %mul3A_2149 = arith.mulf %broadcast_in_dim3A_2067, %sub3A_2148 : vector<16xf32>
        %add3A_2150 = arith.addf %get3A_2143, %mul3A_2149 : vector<16xf32>
        %add3A_2151 = arith.addf %add3A_2048, %add3A_2150 : vector<16xf32>
        %get3A_2152 = arith.index_cast %add3A_2064 : i32 to index
        %get3A_2153 = arith.constant 112 : index
        %get3A_2154 = tpu.vector_load %arg8[%get3A_2152, %get3A_2153] {strides = array<i32>} : memref<104x128xf32, #tpu.memory_space<vmem>>, vector<1x16xf32>,
        %get3A_2155 = vector.shape_cast %get3A_2154 : vector<1x16xf32> to vector<16xf32>
        %get3A_2156 = arith.index_cast %add3A_2064 : i32 to index
        %get3A_2157 = arith.constant 112 : index
        %get3A_2158 = tpu.vector_load %arg9[%get3A_2156, %get3A_2157] {strides = array<i32>} : memref<104x128xf32, #tpu.memory_space<vmem>>, vector<1x16xf32>,
        %get3A_2159 = vector.shape_cast %get3A_2158 : vector<1x16xf32> to vector<16xf32>
        %sub3A_2160 = arith.subf %get3A_2159, %get3A_2155 : vector<16xf32>
        %mul3A_2161 = arith.mulf %broadcast_in_dim3A_2067, %sub3A_2160 : vector<16xf32>
        %add3A_2162 = arith.addf %get3A_2155, %mul3A_2161 : vector<16xf32>
        %add3A_2163 = arith.addf %add3A_2060, %add3A_2162 : vector<16xf32>
        %mul3A_2164 = arith.constant 16 : i32
        %mul3A_2165 = arith.muli %scan3A_1119, %mul3A_2164 : i32
        %add3A_2166 = arith.constant 10 : i32
        %add3A_2167 = arith.addi %mul3A_2165, %add3A_2166 : i32
        %slice3A_2168 = vector.extract_strided_slice %get3A_1133 {offsets = [10], sizes = [1], strides = [1]} : vector<16xf32> to vector<1xf32>
        %squeeze3A_2169 = vector.extract %slice3A_2168[0] : f32 from vector<1xf32>
        %broadcast_in_dim3A_2170 = vector.broadcast %squeeze3A_2169 : f32 to vector<16xf32>
        %get3A_2171 = arith.index_cast %add3A_2167 : i32 to index
        %get3A_2172 = arith.constant 0 : index
        %get3A_2173 = tpu.vector_load %arg8[%get3A_2171, %get3A_2172] {strides = array<i32>} : memref<104x128xf32, #tpu.memory_space<vmem>>, vector<1x16xf32>,
        %get3A_2174 = vector.shape_cast %get3A_2173 : vector<1x16xf32> to vector<16xf32>
        %get3A_2175 = arith.index_cast %add3A_2167 : i32 to index
        %get3A_2176 = arith.constant 0 : index
        %get3A_2177 = tpu.vector_load %arg9[%get3A_2175, %get3A_2176] {strides = array<i32>} : memref<104x128xf32, #tpu.memory_space<vmem>>, vector<1x16xf32>,
        %get3A_2178 = vector.shape_cast %get3A_2177 : vector<1x16xf32> to vector<16xf32>
        %sub3A_2179 = arith.subf %get3A_2178, %get3A_2174 : vector<16xf32>
        %mul3A_2180 = arith.mulf %broadcast_in_dim3A_2170, %sub3A_2179 : vector<16xf32>
        %add3A_2181 = arith.addf %get3A_2174, %mul3A_2180 : vector<16xf32>
        %add3A_2182 = arith.addf %add3A_2079, %add3A_2181 : vector<16xf32>
        %get3A_2183 = arith.index_cast %add3A_2167 : i32 to index
        %get3A_2184 = arith.constant 16 : index
        %get3A_2185 = tpu.vector_load %arg8[%get3A_2183, %get3A_2184] {strides = array<i32>} : memref<104x128xf32, #tpu.memory_space<vmem>>, vector<1x16xf32>,
        %get3A_2186 = vector.shape_cast %get3A_2185 : vector<1x16xf32> to vector<16xf32>
        %get3A_2187 = arith.index_cast %add3A_2167 : i32 to index
        %get3A_2188 = arith.constant 16 : index
        %get3A_2189 = tpu.vector_load %arg9[%get3A_2187, %get3A_2188] {strides = array<i32>} : memref<104x128xf32, #tpu.memory_space<vmem>>, vector<1x16xf32>,
        %get3A_2190 = vector.shape_cast %get3A_2189 : vector<1x16xf32> to vector<16xf32>
        %sub3A_2191 = arith.subf %get3A_2190, %get3A_2186 : vector<16xf32>
        %mul3A_2192 = arith.mulf %broadcast_in_dim3A_2170, %sub3A_2191 : vector<16xf32>
        %add3A_2193 = arith.addf %get3A_2186, %mul3A_2192 : vector<16xf32>
        %add3A_2194 = arith.addf %add3A_2091, %add3A_2193 : vector<16xf32>
        %get3A_2195 = arith.index_cast %add3A_2167 : i32 to index
        %get3A_2196 = arith.constant 32 : index
        %get3A_2197 = tpu.vector_load %arg8[%get3A_2195, %get3A_2196] {strides = array<i32>} : memref<104x128xf32, #tpu.memory_space<vmem>>, vector<1x16xf32>,
        %get3A_2198 = vector.shape_cast %get3A_2197 : vector<1x16xf32> to vector<16xf32>
        %get3A_2199 = arith.index_cast %add3A_2167 : i32 to index
        %get3A_2200 = arith.constant 32 : index
        %get3A_2201 = tpu.vector_load %arg9[%get3A_2199, %get3A_2200] {strides = array<i32>} : memref<104x128xf32, #tpu.memory_space<vmem>>, vector<1x16xf32>,
        %get3A_2202 = vector.shape_cast %get3A_2201 : vector<1x16xf32> to vector<16xf32>
        %sub3A_2203 = arith.subf %get3A_2202, %get3A_2198 : vector<16xf32>
        %mul3A_2204 = arith.mulf %broadcast_in_dim3A_2170, %sub3A_2203 : vector<16xf32>
        %add3A_2205 = arith.addf %get3A_2198, %mul3A_2204 : vector<16xf32>
        %add3A_2206 = arith.addf %add3A_2103, %add3A_2205 : vector<16xf32>
        %get3A_2207 = arith.index_cast %add3A_2167 : i32 to index
        %get3A_2208 = arith.constant 48 : index
        %get3A_2209 = tpu.vector_load %arg8[%get3A_2207, %get3A_2208] {strides = array<i32>} : memref<104x128xf32, #tpu.memory_space<vmem>>, vector<1x16xf32>,
        %get3A_2210 = vector.shape_cast %get3A_2209 : vector<1x16xf32> to vector<16xf32>
        %get3A_2211 = arith.index_cast %add3A_2167 : i32 to index
        %get3A_2212 = arith.constant 48 : index
        %get3A_2213 = tpu.vector_load %arg9[%get3A_2211, %get3A_2212] {strides = array<i32>} : memref<104x128xf32, #tpu.memory_space<vmem>>, vector<1x16xf32>,
        %get3A_2214 = vector.shape_cast %get3A_2213 : vector<1x16xf32> to vector<16xf32>
        %sub3A_2215 = arith.subf %get3A_2214, %get3A_2210 : vector<16xf32>
        %mul3A_2216 = arith.mulf %broadcast_in_dim3A_2170, %sub3A_2215 : vector<16xf32>
        %add3A_2217 = arith.addf %get3A_2210, %mul3A_2216 : vector<16xf32>
        %add3A_2218 = arith.addf %add3A_2115, %add3A_2217 : vector<16xf32>
        %get3A_2219 = arith.index_cast %add3A_2167 : i32 to index
        %get3A_2220 = arith.constant 64 : index
        %get3A_2221 = tpu.vector_load %arg8[%get3A_2219, %get3A_2220] {strides = array<i32>} : memref<104x128xf32, #tpu.memory_space<vmem>>, vector<1x16xf32>,
        %get3A_2222 = vector.shape_cast %get3A_2221 : vector<1x16xf32> to vector<16xf32>
        %get3A_2223 = arith.index_cast %add3A_2167 : i32 to index
        %get3A_2224 = arith.constant 64 : index
        %get3A_2225 = tpu.vector_load %arg9[%get3A_2223, %get3A_2224] {strides = array<i32>} : memref<104x128xf32, #tpu.memory_space<vmem>>, vector<1x16xf32>,
        %get3A_2226 = vector.shape_cast %get3A_2225 : vector<1x16xf32> to vector<16xf32>
        %sub3A_2227 = arith.subf %get3A_2226, %get3A_2222 : vector<16xf32>
        %mul3A_2228 = arith.mulf %broadcast_in_dim3A_2170, %sub3A_2227 : vector<16xf32>
        %add3A_2229 = arith.addf %get3A_2222, %mul3A_2228 : vector<16xf32>
        %add3A_2230 = arith.addf %add3A_2127, %add3A_2229 : vector<16xf32>
        %get3A_2231 = arith.index_cast %add3A_2167 : i32 to index
        %get3A_2232 = arith.constant 80 : index
        %get3A_2233 = tpu.vector_load %arg8[%get3A_2231, %get3A_2232] {strides = array<i32>} : memref<104x128xf32, #tpu.memory_space<vmem>>, vector<1x16xf32>,
        %get3A_2234 = vector.shape_cast %get3A_2233 : vector<1x16xf32> to vector<16xf32>
        %get3A_2235 = arith.index_cast %add3A_2167 : i32 to index
        %get3A_2236 = arith.constant 80 : index
        %get3A_2237 = tpu.vector_load %arg9[%get3A_2235, %get3A_2236] {strides = array<i32>} : memref<104x128xf32, #tpu.memory_space<vmem>>, vector<1x16xf32>,
        %get3A_2238 = vector.shape_cast %get3A_2237 : vector<1x16xf32> to vector<16xf32>
        %sub3A_2239 = arith.subf %get3A_2238, %get3A_2234 : vector<16xf32>
        %mul3A_2240 = arith.mulf %broadcast_in_dim3A_2170, %sub3A_2239 : vector<16xf32>
        %add3A_2241 = arith.addf %get3A_2234, %mul3A_2240 : vector<16xf32>
        %add3A_2242 = arith.addf %add3A_2139, %add3A_2241 : vector<16xf32>
        %get3A_2243 = arith.index_cast %add3A_2167 : i32 to index
        %get3A_2244 = arith.constant 96 : index
        %get3A_2245 = tpu.vector_load %arg8[%get3A_2243, %get3A_2244] {strides = array<i32>} : memref<104x128xf32, #tpu.memory_space<vmem>>, vector<1x16xf32>,
        %get3A_2246 = vector.shape_cast %get3A_2245 : vector<1x16xf32> to vector<16xf32>
        %get3A_2247 = arith.index_cast %add3A_2167 : i32 to index
        %get3A_2248 = arith.constant 96 : index
        %get3A_2249 = tpu.vector_load %arg9[%get3A_2247, %get3A_2248] {strides = array<i32>} : memref<104x128xf32, #tpu.memory_space<vmem>>, vector<1x16xf32>,
        %get3A_2250 = vector.shape_cast %get3A_2249 : vector<1x16xf32> to vector<16xf32>
        %sub3A_2251 = arith.subf %get3A_2250, %get3A_2246 : vector<16xf32>
        %mul3A_2252 = arith.mulf %broadcast_in_dim3A_2170, %sub3A_2251 : vector<16xf32>
        %add3A_2253 = arith.addf %get3A_2246, %mul3A_2252 : vector<16xf32>
        %add3A_2254 = arith.addf %add3A_2151, %add3A_2253 : vector<16xf32>
        %get3A_2255 = arith.index_cast %add3A_2167 : i32 to index
        %get3A_2256 = arith.constant 112 : index
        %get3A_2257 = tpu.vector_load %arg8[%get3A_2255, %get3A_2256] {strides = array<i32>} : memref<104x128xf32, #tpu.memory_space<vmem>>, vector<1x16xf32>,
        %get3A_2258 = vector.shape_cast %get3A_2257 : vector<1x16xf32> to vector<16xf32>
        %get3A_2259 = arith.index_cast %add3A_2167 : i32 to index
        %get3A_2260 = arith.constant 112 : index
        %get3A_2261 = tpu.vector_load %arg9[%get3A_2259, %get3A_2260] {strides = array<i32>} : memref<104x128xf32, #tpu.memory_space<vmem>>, vector<1x16xf32>,
        %get3A_2262 = vector.shape_cast %get3A_2261 : vector<1x16xf32> to vector<16xf32>
        %sub3A_2263 = arith.subf %get3A_2262, %get3A_2258 : vector<16xf32>
        %mul3A_2264 = arith.mulf %broadcast_in_dim3A_2170, %sub3A_2263 : vector<16xf32>
        %add3A_2265 = arith.addf %get3A_2258, %mul3A_2264 : vector<16xf32>
        %add3A_2266 = arith.addf %add3A_2163, %add3A_2265 : vector<16xf32>
        %mul3A_2267 = arith.constant 16 : i32
        %mul3A_2268 = arith.muli %scan3A_1119, %mul3A_2267 : i32
        %add3A_2269 = arith.constant 11 : i32
        %add3A_2270 = arith.addi %mul3A_2268, %add3A_2269 : i32
        %slice3A_2271 = vector.extract_strided_slice %get3A_1133 {offsets = [11], sizes = [1], strides = [1]} : vector<16xf32> to vector<1xf32>
        %squeeze3A_2272 = vector.extract %slice3A_2271[0] : f32 from vector<1xf32>
        %broadcast_in_dim3A_2273 = vector.broadcast %squeeze3A_2272 : f32 to vector<16xf32>
        %get3A_2274 = arith.index_cast %add3A_2270 : i32 to index
        %get3A_2275 = arith.constant 0 : index
        %get3A_2276 = tpu.vector_load %arg8[%get3A_2274, %get3A_2275] {strides = array<i32>} : memref<104x128xf32, #tpu.memory_space<vmem>>, vector<1x16xf32>,
        %get3A_2277 = vector.shape_cast %get3A_2276 : vector<1x16xf32> to vector<16xf32>
        %get3A_2278 = arith.index_cast %add3A_2270 : i32 to index
        %get3A_2279 = arith.constant 0 : index
        %get3A_2280 = tpu.vector_load %arg9[%get3A_2278, %get3A_2279] {strides = array<i32>} : memref<104x128xf32, #tpu.memory_space<vmem>>, vector<1x16xf32>,
        %get3A_2281 = vector.shape_cast %get3A_2280 : vector<1x16xf32> to vector<16xf32>
        %sub3A_2282 = arith.subf %get3A_2281, %get3A_2277 : vector<16xf32>
        %mul3A_2283 = arith.mulf %broadcast_in_dim3A_2273, %sub3A_2282 : vector<16xf32>
        %add3A_2284 = arith.addf %get3A_2277, %mul3A_2283 : vector<16xf32>
        %add3A_2285 = arith.addf %add3A_2182, %add3A_2284 : vector<16xf32>
        %get3A_2286 = arith.index_cast %add3A_2270 : i32 to index
        %get3A_2287 = arith.constant 16 : index
        %get3A_2288 = tpu.vector_load %arg8[%get3A_2286, %get3A_2287] {strides = array<i32>} : memref<104x128xf32, #tpu.memory_space<vmem>>, vector<1x16xf32>,
        %get3A_2289 = vector.shape_cast %get3A_2288 : vector<1x16xf32> to vector<16xf32>
        %get3A_2290 = arith.index_cast %add3A_2270 : i32 to index
        %get3A_2291 = arith.constant 16 : index
        %get3A_2292 = tpu.vector_load %arg9[%get3A_2290, %get3A_2291] {strides = array<i32>} : memref<104x128xf32, #tpu.memory_space<vmem>>, vector<1x16xf32>,
        %get3A_2293 = vector.shape_cast %get3A_2292 : vector<1x16xf32> to vector<16xf32>
        %sub3A_2294 = arith.subf %get3A_2293, %get3A_2289 : vector<16xf32>
        %mul3A_2295 = arith.mulf %broadcast_in_dim3A_2273, %sub3A_2294 : vector<16xf32>
        %add3A_2296 = arith.addf %get3A_2289, %mul3A_2295 : vector<16xf32>
        %add3A_2297 = arith.addf %add3A_2194, %add3A_2296 : vector<16xf32>
        %get3A_2298 = arith.index_cast %add3A_2270 : i32 to index
        %get3A_2299 = arith.constant 32 : index
        %get3A_2300 = tpu.vector_load %arg8[%get3A_2298, %get3A_2299] {strides = array<i32>} : memref<104x128xf32, #tpu.memory_space<vmem>>, vector<1x16xf32>,
        %get3A_2301 = vector.shape_cast %get3A_2300 : vector<1x16xf32> to vector<16xf32>
        %get3A_2302 = arith.index_cast %add3A_2270 : i32 to index
        %get3A_2303 = arith.constant 32 : index
        %get3A_2304 = tpu.vector_load %arg9[%get3A_2302, %get3A_2303] {strides = array<i32>} : memref<104x128xf32, #tpu.memory_space<vmem>>, vector<1x16xf32>,
        %get3A_2305 = vector.shape_cast %get3A_2304 : vector<1x16xf32> to vector<16xf32>
        %sub3A_2306 = arith.subf %get3A_2305, %get3A_2301 : vector<16xf32>
        %mul3A_2307 = arith.mulf %broadcast_in_dim3A_2273, %sub3A_2306 : vector<16xf32>
        %add3A_2308 = arith.addf %get3A_2301, %mul3A_2307 : vector<16xf32>
        %add3A_2309 = arith.addf %add3A_2206, %add3A_2308 : vector<16xf32>
        %get3A_2310 = arith.index_cast %add3A_2270 : i32 to index
        %get3A_2311 = arith.constant 48 : index
        %get3A_2312 = tpu.vector_load %arg8[%get3A_2310, %get3A_2311] {strides = array<i32>} : memref<104x128xf32, #tpu.memory_space<vmem>>, vector<1x16xf32>,
        %get3A_2313 = vector.shape_cast %get3A_2312 : vector<1x16xf32> to vector<16xf32>
        %get3A_2314 = arith.index_cast %add3A_2270 : i32 to index
        %get3A_2315 = arith.constant 48 : index
        %get3A_2316 = tpu.vector_load %arg9[%get3A_2314, %get3A_2315] {strides = array<i32>} : memref<104x128xf32, #tpu.memory_space<vmem>>, vector<1x16xf32>,
        %get3A_2317 = vector.shape_cast %get3A_2316 : vector<1x16xf32> to vector<16xf32>
        %sub3A_2318 = arith.subf %get3A_2317, %get3A_2313 : vector<16xf32>
        %mul3A_2319 = arith.mulf %broadcast_in_dim3A_2273, %sub3A_2318 : vector<16xf32>
        %add3A_2320 = arith.addf %get3A_2313, %mul3A_2319 : vector<16xf32>
        %add3A_2321 = arith.addf %add3A_2218, %add3A_2320 : vector<16xf32>
        %get3A_2322 = arith.index_cast %add3A_2270 : i32 to index
        %get3A_2323 = arith.constant 64 : index
        %get3A_2324 = tpu.vector_load %arg8[%get3A_2322, %get3A_2323] {strides = array<i32>} : memref<104x128xf32, #tpu.memory_space<vmem>>, vector<1x16xf32>,
        %get3A_2325 = vector.shape_cast %get3A_2324 : vector<1x16xf32> to vector<16xf32>
        %get3A_2326 = arith.index_cast %add3A_2270 : i32 to index
        %get3A_2327 = arith.constant 64 : index
        %get3A_2328 = tpu.vector_load %arg9[%get3A_2326, %get3A_2327] {strides = array<i32>} : memref<104x128xf32, #tpu.memory_space<vmem>>, vector<1x16xf32>,
        %get3A_2329 = vector.shape_cast %get3A_2328 : vector<1x16xf32> to vector<16xf32>
        %sub3A_2330 = arith.subf %get3A_2329, %get3A_2325 : vector<16xf32>
        %mul3A_2331 = arith.mulf %broadcast_in_dim3A_2273, %sub3A_2330 : vector<16xf32>
        %add3A_2332 = arith.addf %get3A_2325, %mul3A_2331 : vector<16xf32>
        %add3A_2333 = arith.addf %add3A_2230, %add3A_2332 : vector<16xf32>
        %get3A_2334 = arith.index_cast %add3A_2270 : i32 to index
        %get3A_2335 = arith.constant 80 : index
        %get3A_2336 = tpu.vector_load %arg8[%get3A_2334, %get3A_2335] {strides = array<i32>} : memref<104x128xf32, #tpu.memory_space<vmem>>, vector<1x16xf32>,
        %get3A_2337 = vector.shape_cast %get3A_2336 : vector<1x16xf32> to vector<16xf32>
        %get3A_2338 = arith.index_cast %add3A_2270 : i32 to index
        %get3A_2339 = arith.constant 80 : index
        %get3A_2340 = tpu.vector_load %arg9[%get3A_2338, %get3A_2339] {strides = array<i32>} : memref<104x128xf32, #tpu.memory_space<vmem>>, vector<1x16xf32>,
        %get3A_2341 = vector.shape_cast %get3A_2340 : vector<1x16xf32> to vector<16xf32>
        %sub3A_2342 = arith.subf %get3A_2341, %get3A_2337 : vector<16xf32>
        %mul3A_2343 = arith.mulf %broadcast_in_dim3A_2273, %sub3A_2342 : vector<16xf32>
        %add3A_2344 = arith.addf %get3A_2337, %mul3A_2343 : vector<16xf32>
        %add3A_2345 = arith.addf %add3A_2242, %add3A_2344 : vector<16xf32>
        %get3A_2346 = arith.index_cast %add3A_2270 : i32 to index
        %get3A_2347 = arith.constant 96 : index
        %get3A_2348 = tpu.vector_load %arg8[%get3A_2346, %get3A_2347] {strides = array<i32>} : memref<104x128xf32, #tpu.memory_space<vmem>>, vector<1x16xf32>,
        %get3A_2349 = vector.shape_cast %get3A_2348 : vector<1x16xf32> to vector<16xf32>
        %get3A_2350 = arith.index_cast %add3A_2270 : i32 to index
        %get3A_2351 = arith.constant 96 : index
        %get3A_2352 = tpu.vector_load %arg9[%get3A_2350, %get3A_2351] {strides = array<i32>} : memref<104x128xf32, #tpu.memory_space<vmem>>, vector<1x16xf32>,
        %get3A_2353 = vector.shape_cast %get3A_2352 : vector<1x16xf32> to vector<16xf32>
        %sub3A_2354 = arith.subf %get3A_2353, %get3A_2349 : vector<16xf32>
        %mul3A_2355 = arith.mulf %broadcast_in_dim3A_2273, %sub3A_2354 : vector<16xf32>
        %add3A_2356 = arith.addf %get3A_2349, %mul3A_2355 : vector<16xf32>
        %add3A_2357 = arith.addf %add3A_2254, %add3A_2356 : vector<16xf32>
        %get3A_2358 = arith.index_cast %add3A_2270 : i32 to index
        %get3A_2359 = arith.constant 112 : index
        %get3A_2360 = tpu.vector_load %arg8[%get3A_2358, %get3A_2359] {strides = array<i32>} : memref<104x128xf32, #tpu.memory_space<vmem>>, vector<1x16xf32>,
        %get3A_2361 = vector.shape_cast %get3A_2360 : vector<1x16xf32> to vector<16xf32>
        %get3A_2362 = arith.index_cast %add3A_2270 : i32 to index
        %get3A_2363 = arith.constant 112 : index
        %get3A_2364 = tpu.vector_load %arg9[%get3A_2362, %get3A_2363] {strides = array<i32>} : memref<104x128xf32, #tpu.memory_space<vmem>>, vector<1x16xf32>,
        %get3A_2365 = vector.shape_cast %get3A_2364 : vector<1x16xf32> to vector<16xf32>
        %sub3A_2366 = arith.subf %get3A_2365, %get3A_2361 : vector<16xf32>
        %mul3A_2367 = arith.mulf %broadcast_in_dim3A_2273, %sub3A_2366 : vector<16xf32>
        %add3A_2368 = arith.addf %get3A_2361, %mul3A_2367 : vector<16xf32>
        %add3A_2369 = arith.addf %add3A_2266, %add3A_2368 : vector<16xf32>
        %mul3A_2370 = arith.constant 16 : i32
        %mul3A_2371 = arith.muli %scan3A_1119, %mul3A_2370 : i32
        %add3A_2372 = arith.constant 12 : i32
        %add3A_2373 = arith.addi %mul3A_2371, %add3A_2372 : i32
        %slice3A_2374 = vector.extract_strided_slice %get3A_1133 {offsets = [12], sizes = [1], strides = [1]} : vector<16xf32> to vector<1xf32>
        %squeeze3A_2375 = vector.extract %slice3A_2374[0] : f32 from vector<1xf32>
        %broadcast_in_dim3A_2376 = vector.broadcast %squeeze3A_2375 : f32 to vector<16xf32>
        %get3A_2377 = arith.index_cast %add3A_2373 : i32 to index
        %get3A_2378 = arith.constant 0 : index
        %get3A_2379 = tpu.vector_load %arg8[%get3A_2377, %get3A_2378] {strides = array<i32>} : memref<104x128xf32, #tpu.memory_space<vmem>>, vector<1x16xf32>,
        %get3A_2380 = vector.shape_cast %get3A_2379 : vector<1x16xf32> to vector<16xf32>
        %get3A_2381 = arith.index_cast %add3A_2373 : i32 to index
        %get3A_2382 = arith.constant 0 : index
        %get3A_2383 = tpu.vector_load %arg9[%get3A_2381, %get3A_2382] {strides = array<i32>} : memref<104x128xf32, #tpu.memory_space<vmem>>, vector<1x16xf32>,
        %get3A_2384 = vector.shape_cast %get3A_2383 : vector<1x16xf32> to vector<16xf32>
        %sub3A_2385 = arith.subf %get3A_2384, %get3A_2380 : vector<16xf32>
        %mul3A_2386 = arith.mulf %broadcast_in_dim3A_2376, %sub3A_2385 : vector<16xf32>
        %add3A_2387 = arith.addf %get3A_2380, %mul3A_2386 : vector<16xf32>
        %add3A_2388 = arith.addf %add3A_2285, %add3A_2387 : vector<16xf32>
        %get3A_2389 = arith.index_cast %add3A_2373 : i32 to index
        %get3A_2390 = arith.constant 16 : index
        %get3A_2391 = tpu.vector_load %arg8[%get3A_2389, %get3A_2390] {strides = array<i32>} : memref<104x128xf32, #tpu.memory_space<vmem>>, vector<1x16xf32>,
        %get3A_2392 = vector.shape_cast %get3A_2391 : vector<1x16xf32> to vector<16xf32>
        %get3A_2393 = arith.index_cast %add3A_2373 : i32 to index
        %get3A_2394 = arith.constant 16 : index
        %get3A_2395 = tpu.vector_load %arg9[%get3A_2393, %get3A_2394] {strides = array<i32>} : memref<104x128xf32, #tpu.memory_space<vmem>>, vector<1x16xf32>,
        %get3A_2396 = vector.shape_cast %get3A_2395 : vector<1x16xf32> to vector<16xf32>
        %sub3A_2397 = arith.subf %get3A_2396, %get3A_2392 : vector<16xf32>
        %mul3A_2398 = arith.mulf %broadcast_in_dim3A_2376, %sub3A_2397 : vector<16xf32>
        %add3A_2399 = arith.addf %get3A_2392, %mul3A_2398 : vector<16xf32>
        %add3A_2400 = arith.addf %add3A_2297, %add3A_2399 : vector<16xf32>
        %get3A_2401 = arith.index_cast %add3A_2373 : i32 to index
        %get3A_2402 = arith.constant 32 : index
        %get3A_2403 = tpu.vector_load %arg8[%get3A_2401, %get3A_2402] {strides = array<i32>} : memref<104x128xf32, #tpu.memory_space<vmem>>, vector<1x16xf32>,
        %get3A_2404 = vector.shape_cast %get3A_2403 : vector<1x16xf32> to vector<16xf32>
        %get3A_2405 = arith.index_cast %add3A_2373 : i32 to index
        %get3A_2406 = arith.constant 32 : index
        %get3A_2407 = tpu.vector_load %arg9[%get3A_2405, %get3A_2406] {strides = array<i32>} : memref<104x128xf32, #tpu.memory_space<vmem>>, vector<1x16xf32>,
        %get3A_2408 = vector.shape_cast %get3A_2407 : vector<1x16xf32> to vector<16xf32>
        %sub3A_2409 = arith.subf %get3A_2408, %get3A_2404 : vector<16xf32>
        %mul3A_2410 = arith.mulf %broadcast_in_dim3A_2376, %sub3A_2409 : vector<16xf32>
        %add3A_2411 = arith.addf %get3A_2404, %mul3A_2410 : vector<16xf32>
        %add3A_2412 = arith.addf %add3A_2309, %add3A_2411 : vector<16xf32>
        %get3A_2413 = arith.index_cast %add3A_2373 : i32 to index
        %get3A_2414 = arith.constant 48 : index
        %get3A_2415 = tpu.vector_load %arg8[%get3A_2413, %get3A_2414] {strides = array<i32>} : memref<104x128xf32, #tpu.memory_space<vmem>>, vector<1x16xf32>,
        %get3A_2416 = vector.shape_cast %get3A_2415 : vector<1x16xf32> to vector<16xf32>
        %get3A_2417 = arith.index_cast %add3A_2373 : i32 to index
        %get3A_2418 = arith.constant 48 : index
        %get3A_2419 = tpu.vector_load %arg9[%get3A_2417, %get3A_2418] {strides = array<i32>} : memref<104x128xf32, #tpu.memory_space<vmem>>, vector<1x16xf32>,
        %get3A_2420 = vector.shape_cast %get3A_2419 : vector<1x16xf32> to vector<16xf32>
        %sub3A_2421 = arith.subf %get3A_2420, %get3A_2416 : vector<16xf32>
        %mul3A_2422 = arith.mulf %broadcast_in_dim3A_2376, %sub3A_2421 : vector<16xf32>
        %add3A_2423 = arith.addf %get3A_2416, %mul3A_2422 : vector<16xf32>
        %add3A_2424 = arith.addf %add3A_2321, %add3A_2423 : vector<16xf32>
        %get3A_2425 = arith.index_cast %add3A_2373 : i32 to index
        %get3A_2426 = arith.constant 64 : index
        %get3A_2427 = tpu.vector_load %arg8[%get3A_2425, %get3A_2426] {strides = array<i32>} : memref<104x128xf32, #tpu.memory_space<vmem>>, vector<1x16xf32>,
        %get3A_2428 = vector.shape_cast %get3A_2427 : vector<1x16xf32> to vector<16xf32>
        %get3A_2429 = arith.index_cast %add3A_2373 : i32 to index
        %get3A_2430 = arith.constant 64 : index
        %get3A_2431 = tpu.vector_load %arg9[%get3A_2429, %get3A_2430] {strides = array<i32>} : memref<104x128xf32, #tpu.memory_space<vmem>>, vector<1x16xf32>,
        %get3A_2432 = vector.shape_cast %get3A_2431 : vector<1x16xf32> to vector<16xf32>
        %sub3A_2433 = arith.subf %get3A_2432, %get3A_2428 : vector<16xf32>
        %mul3A_2434 = arith.mulf %broadcast_in_dim3A_2376, %sub3A_2433 : vector<16xf32>
        %add3A_2435 = arith.addf %get3A_2428, %mul3A_2434 : vector<16xf32>
        %add3A_2436 = arith.addf %add3A_2333, %add3A_2435 : vector<16xf32>
        %get3A_2437 = arith.index_cast %add3A_2373 : i32 to index
        %get3A_2438 = arith.constant 80 : index
        %get3A_2439 = tpu.vector_load %arg8[%get3A_2437, %get3A_2438] {strides = array<i32>} : memref<104x128xf32, #tpu.memory_space<vmem>>, vector<1x16xf32>,
        %get3A_2440 = vector.shape_cast %get3A_2439 : vector<1x16xf32> to vector<16xf32>
        %get3A_2441 = arith.index_cast %add3A_2373 : i32 to index
        %get3A_2442 = arith.constant 80 : index
        %get3A_2443 = tpu.vector_load %arg9[%get3A_2441, %get3A_2442] {strides = array<i32>} : memref<104x128xf32, #tpu.memory_space<vmem>>, vector<1x16xf32>,
        %get3A_2444 = vector.shape_cast %get3A_2443 : vector<1x16xf32> to vector<16xf32>
        %sub3A_2445 = arith.subf %get3A_2444, %get3A_2440 : vector<16xf32>
        %mul3A_2446 = arith.mulf %broadcast_in_dim3A_2376, %sub3A_2445 : vector<16xf32>
        %add3A_2447 = arith.addf %get3A_2440, %mul3A_2446 : vector<16xf32>
        %add3A_2448 = arith.addf %add3A_2345, %add3A_2447 : vector<16xf32>
        %get3A_2449 = arith.index_cast %add3A_2373 : i32 to index
        %get3A_2450 = arith.constant 96 : index
        %get3A_2451 = tpu.vector_load %arg8[%get3A_2449, %get3A_2450] {strides = array<i32>} : memref<104x128xf32, #tpu.memory_space<vmem>>, vector<1x16xf32>,
        %get3A_2452 = vector.shape_cast %get3A_2451 : vector<1x16xf32> to vector<16xf32>
        %get3A_2453 = arith.index_cast %add3A_2373 : i32 to index
        %get3A_2454 = arith.constant 96 : index
        %get3A_2455 = tpu.vector_load %arg9[%get3A_2453, %get3A_2454] {strides = array<i32>} : memref<104x128xf32, #tpu.memory_space<vmem>>, vector<1x16xf32>,
        %get3A_2456 = vector.shape_cast %get3A_2455 : vector<1x16xf32> to vector<16xf32>
        %sub3A_2457 = arith.subf %get3A_2456, %get3A_2452 : vector<16xf32>
        %mul3A_2458 = arith.mulf %broadcast_in_dim3A_2376, %sub3A_2457 : vector<16xf32>
        %add3A_2459 = arith.addf %get3A_2452, %mul3A_2458 : vector<16xf32>
        %add3A_2460 = arith.addf %add3A_2357, %add3A_2459 : vector<16xf32>
        %get3A_2461 = arith.index_cast %add3A_2373 : i32 to index
        %get3A_2462 = arith.constant 112 : index
        %get3A_2463 = tpu.vector_load %arg8[%get3A_2461, %get3A_2462] {strides = array<i32>} : memref<104x128xf32, #tpu.memory_space<vmem>>, vector<1x16xf32>,
        %get3A_2464 = vector.shape_cast %get3A_2463 : vector<1x16xf32> to vector<16xf32>
        %get3A_2465 = arith.index_cast %add3A_2373 : i32 to index
        %get3A_2466 = arith.constant 112 : index
        %get3A_2467 = tpu.vector_load %arg9[%get3A_2465, %get3A_2466] {strides = array<i32>} : memref<104x128xf32, #tpu.memory_space<vmem>>, vector<1x16xf32>,
        %get3A_2468 = vector.shape_cast %get3A_2467 : vector<1x16xf32> to vector<16xf32>
        %sub3A_2469 = arith.subf %get3A_2468, %get3A_2464 : vector<16xf32>
        %mul3A_2470 = arith.mulf %broadcast_in_dim3A_2376, %sub3A_2469 : vector<16xf32>
        %add3A_2471 = arith.addf %get3A_2464, %mul3A_2470 : vector<16xf32>
        %add3A_2472 = arith.addf %add3A_2369, %add3A_2471 : vector<16xf32>
        %mul3A_2473 = arith.constant 16 : i32
        %mul3A_2474 = arith.muli %scan3A_1119, %mul3A_2473 : i32
        %add3A_2475 = arith.constant 13 : i32
        %add3A_2476 = arith.addi %mul3A_2474, %add3A_2475 : i32
        %slice3A_2477 = vector.extract_strided_slice %get3A_1133 {offsets = [13], sizes = [1], strides = [1]} : vector<16xf32> to vector<1xf32>
        %squeeze3A_2478 = vector.extract %slice3A_2477[0] : f32 from vector<1xf32>
        %broadcast_in_dim3A_2479 = vector.broadcast %squeeze3A_2478 : f32 to vector<16xf32>
        %get3A_2480 = arith.index_cast %add3A_2476 : i32 to index
        %get3A_2481 = arith.constant 0 : index
        %get3A_2482 = tpu.vector_load %arg8[%get3A_2480, %get3A_2481] {strides = array<i32>} : memref<104x128xf32, #tpu.memory_space<vmem>>, vector<1x16xf32>,
        %get3A_2483 = vector.shape_cast %get3A_2482 : vector<1x16xf32> to vector<16xf32>
        %get3A_2484 = arith.index_cast %add3A_2476 : i32 to index
        %get3A_2485 = arith.constant 0 : index
        %get3A_2486 = tpu.vector_load %arg9[%get3A_2484, %get3A_2485] {strides = array<i32>} : memref<104x128xf32, #tpu.memory_space<vmem>>, vector<1x16xf32>,
        %get3A_2487 = vector.shape_cast %get3A_2486 : vector<1x16xf32> to vector<16xf32>
        %sub3A_2488 = arith.subf %get3A_2487, %get3A_2483 : vector<16xf32>
        %mul3A_2489 = arith.mulf %broadcast_in_dim3A_2479, %sub3A_2488 : vector<16xf32>
        %add3A_2490 = arith.addf %get3A_2483, %mul3A_2489 : vector<16xf32>
        %add3A_2491 = arith.addf %add3A_2388, %add3A_2490 : vector<16xf32>
        %get3A_2492 = arith.index_cast %add3A_2476 : i32 to index
        %get3A_2493 = arith.constant 16 : index
        %get3A_2494 = tpu.vector_load %arg8[%get3A_2492, %get3A_2493] {strides = array<i32>} : memref<104x128xf32, #tpu.memory_space<vmem>>, vector<1x16xf32>,
        %get3A_2495 = vector.shape_cast %get3A_2494 : vector<1x16xf32> to vector<16xf32>
        %get3A_2496 = arith.index_cast %add3A_2476 : i32 to index
        %get3A_2497 = arith.constant 16 : index
        %get3A_2498 = tpu.vector_load %arg9[%get3A_2496, %get3A_2497] {strides = array<i32>} : memref<104x128xf32, #tpu.memory_space<vmem>>, vector<1x16xf32>,
        %get3A_2499 = vector.shape_cast %get3A_2498 : vector<1x16xf32> to vector<16xf32>
        %sub3A_2500 = arith.subf %get3A_2499, %get3A_2495 : vector<16xf32>
        %mul3A_2501 = arith.mulf %broadcast_in_dim3A_2479, %sub3A_2500 : vector<16xf32>
        %add3A_2502 = arith.addf %get3A_2495, %mul3A_2501 : vector<16xf32>
        %add3A_2503 = arith.addf %add3A_2400, %add3A_2502 : vector<16xf32>
        %get3A_2504 = arith.index_cast %add3A_2476 : i32 to index
        %get3A_2505 = arith.constant 32 : index
        %get3A_2506 = tpu.vector_load %arg8[%get3A_2504, %get3A_2505] {strides = array<i32>} : memref<104x128xf32, #tpu.memory_space<vmem>>, vector<1x16xf32>,
        %get3A_2507 = vector.shape_cast %get3A_2506 : vector<1x16xf32> to vector<16xf32>
        %get3A_2508 = arith.index_cast %add3A_2476 : i32 to index
        %get3A_2509 = arith.constant 32 : index
        %get3A_2510 = tpu.vector_load %arg9[%get3A_2508, %get3A_2509] {strides = array<i32>} : memref<104x128xf32, #tpu.memory_space<vmem>>, vector<1x16xf32>,
        %get3A_2511 = vector.shape_cast %get3A_2510 : vector<1x16xf32> to vector<16xf32>
        %sub3A_2512 = arith.subf %get3A_2511, %get3A_2507 : vector<16xf32>
        %mul3A_2513 = arith.mulf %broadcast_in_dim3A_2479, %sub3A_2512 : vector<16xf32>
        %add3A_2514 = arith.addf %get3A_2507, %mul3A_2513 : vector<16xf32>
        %add3A_2515 = arith.addf %add3A_2412, %add3A_2514 : vector<16xf32>
        %get3A_2516 = arith.index_cast %add3A_2476 : i32 to index
        %get3A_2517 = arith.constant 48 : index
        %get3A_2518 = tpu.vector_load %arg8[%get3A_2516, %get3A_2517] {strides = array<i32>} : memref<104x128xf32, #tpu.memory_space<vmem>>, vector<1x16xf32>,
        %get3A_2519 = vector.shape_cast %get3A_2518 : vector<1x16xf32> to vector<16xf32>
        %get3A_2520 = arith.index_cast %add3A_2476 : i32 to index
        %get3A_2521 = arith.constant 48 : index
        %get3A_2522 = tpu.vector_load %arg9[%get3A_2520, %get3A_2521] {strides = array<i32>} : memref<104x128xf32, #tpu.memory_space<vmem>>, vector<1x16xf32>,
        %get3A_2523 = vector.shape_cast %get3A_2522 : vector<1x16xf32> to vector<16xf32>
        %sub3A_2524 = arith.subf %get3A_2523, %get3A_2519 : vector<16xf32>
        %mul3A_2525 = arith.mulf %broadcast_in_dim3A_2479, %sub3A_2524 : vector<16xf32>
        %add3A_2526 = arith.addf %get3A_2519, %mul3A_2525 : vector<16xf32>
        %add3A_2527 = arith.addf %add3A_2424, %add3A_2526 : vector<16xf32>
        %get3A_2528 = arith.index_cast %add3A_2476 : i32 to index
        %get3A_2529 = arith.constant 64 : index
        %get3A_2530 = tpu.vector_load %arg8[%get3A_2528, %get3A_2529] {strides = array<i32>} : memref<104x128xf32, #tpu.memory_space<vmem>>, vector<1x16xf32>,
        %get3A_2531 = vector.shape_cast %get3A_2530 : vector<1x16xf32> to vector<16xf32>
        %get3A_2532 = arith.index_cast %add3A_2476 : i32 to index
        %get3A_2533 = arith.constant 64 : index
        %get3A_2534 = tpu.vector_load %arg9[%get3A_2532, %get3A_2533] {strides = array<i32>} : memref<104x128xf32, #tpu.memory_space<vmem>>, vector<1x16xf32>,
        %get3A_2535 = vector.shape_cast %get3A_2534 : vector<1x16xf32> to vector<16xf32>
        %sub3A_2536 = arith.subf %get3A_2535, %get3A_2531 : vector<16xf32>
        %mul3A_2537 = arith.mulf %broadcast_in_dim3A_2479, %sub3A_2536 : vector<16xf32>
        %add3A_2538 = arith.addf %get3A_2531, %mul3A_2537 : vector<16xf32>
        %add3A_2539 = arith.addf %add3A_2436, %add3A_2538 : vector<16xf32>
        %get3A_2540 = arith.index_cast %add3A_2476 : i32 to index
        %get3A_2541 = arith.constant 80 : index
        %get3A_2542 = tpu.vector_load %arg8[%get3A_2540, %get3A_2541] {strides = array<i32>} : memref<104x128xf32, #tpu.memory_space<vmem>>, vector<1x16xf32>,
        %get3A_2543 = vector.shape_cast %get3A_2542 : vector<1x16xf32> to vector<16xf32>
        %get3A_2544 = arith.index_cast %add3A_2476 : i32 to index
        %get3A_2545 = arith.constant 80 : index
        %get3A_2546 = tpu.vector_load %arg9[%get3A_2544, %get3A_2545] {strides = array<i32>} : memref<104x128xf32, #tpu.memory_space<vmem>>, vector<1x16xf32>,
        %get3A_2547 = vector.shape_cast %get3A_2546 : vector<1x16xf32> to vector<16xf32>
        %sub3A_2548 = arith.subf %get3A_2547, %get3A_2543 : vector<16xf32>
        %mul3A_2549 = arith.mulf %broadcast_in_dim3A_2479, %sub3A_2548 : vector<16xf32>
        %add3A_2550 = arith.addf %get3A_2543, %mul3A_2549 : vector<16xf32>
        %add3A_2551 = arith.addf %add3A_2448, %add3A_2550 : vector<16xf32>
        %get3A_2552 = arith.index_cast %add3A_2476 : i32 to index
        %get3A_2553 = arith.constant 96 : index
        %get3A_2554 = tpu.vector_load %arg8[%get3A_2552, %get3A_2553] {strides = array<i32>} : memref<104x128xf32, #tpu.memory_space<vmem>>, vector<1x16xf32>,
        %get3A_2555 = vector.shape_cast %get3A_2554 : vector<1x16xf32> to vector<16xf32>
        %get3A_2556 = arith.index_cast %add3A_2476 : i32 to index
        %get3A_2557 = arith.constant 96 : index
        %get3A_2558 = tpu.vector_load %arg9[%get3A_2556, %get3A_2557] {strides = array<i32>} : memref<104x128xf32, #tpu.memory_space<vmem>>, vector<1x16xf32>,
        %get3A_2559 = vector.shape_cast %get3A_2558 : vector<1x16xf32> to vector<16xf32>
        %sub3A_2560 = arith.subf %get3A_2559, %get3A_2555 : vector<16xf32>
        %mul3A_2561 = arith.mulf %broadcast_in_dim3A_2479, %sub3A_2560 : vector<16xf32>
        %add3A_2562 = arith.addf %get3A_2555, %mul3A_2561 : vector<16xf32>
        %add3A_2563 = arith.addf %add3A_2460, %add3A_2562 : vector<16xf32>
        %get3A_2564 = arith.index_cast %add3A_2476 : i32 to index
        %get3A_2565 = arith.constant 112 : index
        %get3A_2566 = tpu.vector_load %arg8[%get3A_2564, %get3A_2565] {strides = array<i32>} : memref<104x128xf32, #tpu.memory_space<vmem>>, vector<1x16xf32>,
        %get3A_2567 = vector.shape_cast %get3A_2566 : vector<1x16xf32> to vector<16xf32>
        %get3A_2568 = arith.index_cast %add3A_2476 : i32 to index
        %get3A_2569 = arith.constant 112 : index
        %get3A_2570 = tpu.vector_load %arg9[%get3A_2568, %get3A_2569] {strides = array<i32>} : memref<104x128xf32, #tpu.memory_space<vmem>>, vector<1x16xf32>,
        %get3A_2571 = vector.shape_cast %get3A_2570 : vector<1x16xf32> to vector<16xf32>
        %sub3A_2572 = arith.subf %get3A_2571, %get3A_2567 : vector<16xf32>
        %mul3A_2573 = arith.mulf %broadcast_in_dim3A_2479, %sub3A_2572 : vector<16xf32>
        %add3A_2574 = arith.addf %get3A_2567, %mul3A_2573 : vector<16xf32>
        %add3A_2575 = arith.addf %add3A_2472, %add3A_2574 : vector<16xf32>
        %mul3A_2576 = arith.constant 16 : i32
        %mul3A_2577 = arith.muli %scan3A_1119, %mul3A_2576 : i32
        %add3A_2578 = arith.constant 14 : i32
        %add3A_2579 = arith.addi %mul3A_2577, %add3A_2578 : i32
        %slice3A_2580 = vector.extract_strided_slice %get3A_1133 {offsets = [14], sizes = [1], strides = [1]} : vector<16xf32> to vector<1xf32>
        %squeeze3A_2581 = vector.extract %slice3A_2580[0] : f32 from vector<1xf32>
        %broadcast_in_dim3A_2582 = vector.broadcast %squeeze3A_2581 : f32 to vector<16xf32>
        %get3A_2583 = arith.index_cast %add3A_2579 : i32 to index
        %get3A_2584 = arith.constant 0 : index
        %get3A_2585 = tpu.vector_load %arg8[%get3A_2583, %get3A_2584] {strides = array<i32>} : memref<104x128xf32, #tpu.memory_space<vmem>>, vector<1x16xf32>,
        %get3A_2586 = vector.shape_cast %get3A_2585 : vector<1x16xf32> to vector<16xf32>
        %get3A_2587 = arith.index_cast %add3A_2579 : i32 to index
        %get3A_2588 = arith.constant 0 : index
        %get3A_2589 = tpu.vector_load %arg9[%get3A_2587, %get3A_2588] {strides = array<i32>} : memref<104x128xf32, #tpu.memory_space<vmem>>, vector<1x16xf32>,
        %get3A_2590 = vector.shape_cast %get3A_2589 : vector<1x16xf32> to vector<16xf32>
        %sub3A_2591 = arith.subf %get3A_2590, %get3A_2586 : vector<16xf32>
        %mul3A_2592 = arith.mulf %broadcast_in_dim3A_2582, %sub3A_2591 : vector<16xf32>
        %add3A_2593 = arith.addf %get3A_2586, %mul3A_2592 : vector<16xf32>
        %add3A_2594 = arith.addf %add3A_2491, %add3A_2593 : vector<16xf32>
        %get3A_2595 = arith.index_cast %add3A_2579 : i32 to index
        %get3A_2596 = arith.constant 16 : index
        %get3A_2597 = tpu.vector_load %arg8[%get3A_2595, %get3A_2596] {strides = array<i32>} : memref<104x128xf32, #tpu.memory_space<vmem>>, vector<1x16xf32>,
        %get3A_2598 = vector.shape_cast %get3A_2597 : vector<1x16xf32> to vector<16xf32>
        %get3A_2599 = arith.index_cast %add3A_2579 : i32 to index
        %get3A_2600 = arith.constant 16 : index
        %get3A_2601 = tpu.vector_load %arg9[%get3A_2599, %get3A_2600] {strides = array<i32>} : memref<104x128xf32, #tpu.memory_space<vmem>>, vector<1x16xf32>,
        %get3A_2602 = vector.shape_cast %get3A_2601 : vector<1x16xf32> to vector<16xf32>
        %sub3A_2603 = arith.subf %get3A_2602, %get3A_2598 : vector<16xf32>
        %mul3A_2604 = arith.mulf %broadcast_in_dim3A_2582, %sub3A_2603 : vector<16xf32>
        %add3A_2605 = arith.addf %get3A_2598, %mul3A_2604 : vector<16xf32>
        %add3A_2606 = arith.addf %add3A_2503, %add3A_2605 : vector<16xf32>
        %get3A_2607 = arith.index_cast %add3A_2579 : i32 to index
        %get3A_2608 = arith.constant 32 : index
        %get3A_2609 = tpu.vector_load %arg8[%get3A_2607, %get3A_2608] {strides = array<i32>} : memref<104x128xf32, #tpu.memory_space<vmem>>, vector<1x16xf32>,
        %get3A_2610 = vector.shape_cast %get3A_2609 : vector<1x16xf32> to vector<16xf32>
        %get3A_2611 = arith.index_cast %add3A_2579 : i32 to index
        %get3A_2612 = arith.constant 32 : index
        %get3A_2613 = tpu.vector_load %arg9[%get3A_2611, %get3A_2612] {strides = array<i32>} : memref<104x128xf32, #tpu.memory_space<vmem>>, vector<1x16xf32>,
        %get3A_2614 = vector.shape_cast %get3A_2613 : vector<1x16xf32> to vector<16xf32>
        %sub3A_2615 = arith.subf %get3A_2614, %get3A_2610 : vector<16xf32>
        %mul3A_2616 = arith.mulf %broadcast_in_dim3A_2582, %sub3A_2615 : vector<16xf32>
        %add3A_2617 = arith.addf %get3A_2610, %mul3A_2616 : vector<16xf32>
        %add3A_2618 = arith.addf %add3A_2515, %add3A_2617 : vector<16xf32>
        %get3A_2619 = arith.index_cast %add3A_2579 : i32 to index
        %get3A_2620 = arith.constant 48 : index
        %get3A_2621 = tpu.vector_load %arg8[%get3A_2619, %get3A_2620] {strides = array<i32>} : memref<104x128xf32, #tpu.memory_space<vmem>>, vector<1x16xf32>,
        %get3A_2622 = vector.shape_cast %get3A_2621 : vector<1x16xf32> to vector<16xf32>
        %get3A_2623 = arith.index_cast %add3A_2579 : i32 to index
        %get3A_2624 = arith.constant 48 : index
        %get3A_2625 = tpu.vector_load %arg9[%get3A_2623, %get3A_2624] {strides = array<i32>} : memref<104x128xf32, #tpu.memory_space<vmem>>, vector<1x16xf32>,
        %get3A_2626 = vector.shape_cast %get3A_2625 : vector<1x16xf32> to vector<16xf32>
        %sub3A_2627 = arith.subf %get3A_2626, %get3A_2622 : vector<16xf32>
        %mul3A_2628 = arith.mulf %broadcast_in_dim3A_2582, %sub3A_2627 : vector<16xf32>
        %add3A_2629 = arith.addf %get3A_2622, %mul3A_2628 : vector<16xf32>
        %add3A_2630 = arith.addf %add3A_2527, %add3A_2629 : vector<16xf32>
        %get3A_2631 = arith.index_cast %add3A_2579 : i32 to index
        %get3A_2632 = arith.constant 64 : index
        %get3A_2633 = tpu.vector_load %arg8[%get3A_2631, %get3A_2632] {strides = array<i32>} : memref<104x128xf32, #tpu.memory_space<vmem>>, vector<1x16xf32>,
        %get3A_2634 = vector.shape_cast %get3A_2633 : vector<1x16xf32> to vector<16xf32>
        %get3A_2635 = arith.index_cast %add3A_2579 : i32 to index
        %get3A_2636 = arith.constant 64 : index
        %get3A_2637 = tpu.vector_load %arg9[%get3A_2635, %get3A_2636] {strides = array<i32>} : memref<104x128xf32, #tpu.memory_space<vmem>>, vector<1x16xf32>,
        %get3A_2638 = vector.shape_cast %get3A_2637 : vector<1x16xf32> to vector<16xf32>
        %sub3A_2639 = arith.subf %get3A_2638, %get3A_2634 : vector<16xf32>
        %mul3A_2640 = arith.mulf %broadcast_in_dim3A_2582, %sub3A_2639 : vector<16xf32>
        %add3A_2641 = arith.addf %get3A_2634, %mul3A_2640 : vector<16xf32>
        %add3A_2642 = arith.addf %add3A_2539, %add3A_2641 : vector<16xf32>
        %get3A_2643 = arith.index_cast %add3A_2579 : i32 to index
        %get3A_2644 = arith.constant 80 : index
        %get3A_2645 = tpu.vector_load %arg8[%get3A_2643, %get3A_2644] {strides = array<i32>} : memref<104x128xf32, #tpu.memory_space<vmem>>, vector<1x16xf32>,
        %get3A_2646 = vector.shape_cast %get3A_2645 : vector<1x16xf32> to vector<16xf32>
        %get3A_2647 = arith.index_cast %add3A_2579 : i32 to index
        %get3A_2648 = arith.constant 80 : index
        %get3A_2649 = tpu.vector_load %arg9[%get3A_2647, %get3A_2648] {strides = array<i32>} : memref<104x128xf32, #tpu.memory_space<vmem>>, vector<1x16xf32>,
        %get3A_2650 = vector.shape_cast %get3A_2649 : vector<1x16xf32> to vector<16xf32>
        %sub3A_2651 = arith.subf %get3A_2650, %get3A_2646 : vector<16xf32>
        %mul3A_2652 = arith.mulf %broadcast_in_dim3A_2582, %sub3A_2651 : vector<16xf32>
        %add3A_2653 = arith.addf %get3A_2646, %mul3A_2652 : vector<16xf32>
        %add3A_2654 = arith.addf %add3A_2551, %add3A_2653 : vector<16xf32>
        %get3A_2655 = arith.index_cast %add3A_2579 : i32 to index
        %get3A_2656 = arith.constant 96 : index
        %get3A_2657 = tpu.vector_load %arg8[%get3A_2655, %get3A_2656] {strides = array<i32>} : memref<104x128xf32, #tpu.memory_space<vmem>>, vector<1x16xf32>,
        %get3A_2658 = vector.shape_cast %get3A_2657 : vector<1x16xf32> to vector<16xf32>
        %get3A_2659 = arith.index_cast %add3A_2579 : i32 to index
        %get3A_2660 = arith.constant 96 : index
        %get3A_2661 = tpu.vector_load %arg9[%get3A_2659, %get3A_2660] {strides = array<i32>} : memref<104x128xf32, #tpu.memory_space<vmem>>, vector<1x16xf32>,
        %get3A_2662 = vector.shape_cast %get3A_2661 : vector<1x16xf32> to vector<16xf32>
        %sub3A_2663 = arith.subf %get3A_2662, %get3A_2658 : vector<16xf32>
        %mul3A_2664 = arith.mulf %broadcast_in_dim3A_2582, %sub3A_2663 : vector<16xf32>
        %add3A_2665 = arith.addf %get3A_2658, %mul3A_2664 : vector<16xf32>
        %add3A_2666 = arith.addf %add3A_2563, %add3A_2665 : vector<16xf32>
        %get3A_2667 = arith.index_cast %add3A_2579 : i32 to index
        %get3A_2668 = arith.constant 112 : index
        %get3A_2669 = tpu.vector_load %arg8[%get3A_2667, %get3A_2668] {strides = array<i32>} : memref<104x128xf32, #tpu.memory_space<vmem>>, vector<1x16xf32>,
        %get3A_2670 = vector.shape_cast %get3A_2669 : vector<1x16xf32> to vector<16xf32>
        %get3A_2671 = arith.index_cast %add3A_2579 : i32 to index
        %get3A_2672 = arith.constant 112 : index
        %get3A_2673 = tpu.vector_load %arg9[%get3A_2671, %get3A_2672] {strides = array<i32>} : memref<104x128xf32, #tpu.memory_space<vmem>>, vector<1x16xf32>,
        %get3A_2674 = vector.shape_cast %get3A_2673 : vector<1x16xf32> to vector<16xf32>
        %sub3A_2675 = arith.subf %get3A_2674, %get3A_2670 : vector<16xf32>
        %mul3A_2676 = arith.mulf %broadcast_in_dim3A_2582, %sub3A_2675 : vector<16xf32>
        %add3A_2677 = arith.addf %get3A_2670, %mul3A_2676 : vector<16xf32>
        %add3A_2678 = arith.addf %add3A_2575, %add3A_2677 : vector<16xf32>
        %mul3A_2679 = arith.constant 16 : i32
        %mul3A_2680 = arith.muli %scan3A_1119, %mul3A_2679 : i32
        %add3A_2681 = arith.constant 15 : i32
        %add3A_2682 = arith.addi %mul3A_2680, %add3A_2681 : i32
        %slice3A_2683 = vector.extract_strided_slice %get3A_1133 {offsets = [15], sizes = [1], strides = [1]} : vector<16xf32> to vector<1xf32>
        %squeeze3A_2684 = vector.extract %slice3A_2683[0] : f32 from vector<1xf32>
        %broadcast_in_dim3A_2685 = vector.broadcast %squeeze3A_2684 : f32 to vector<16xf32>
        %get3A_2686 = arith.index_cast %add3A_2682 : i32 to index
        %get3A_2687 = arith.constant 0 : index
        %get3A_2688 = tpu.vector_load %arg8[%get3A_2686, %get3A_2687] {strides = array<i32>} : memref<104x128xf32, #tpu.memory_space<vmem>>, vector<1x16xf32>,
        %get3A_2689 = vector.shape_cast %get3A_2688 : vector<1x16xf32> to vector<16xf32>
        %get3A_2690 = arith.index_cast %add3A_2682 : i32 to index
        %get3A_2691 = arith.constant 0 : index
        %get3A_2692 = tpu.vector_load %arg9[%get3A_2690, %get3A_2691] {strides = array<i32>} : memref<104x128xf32, #tpu.memory_space<vmem>>, vector<1x16xf32>,
        %get3A_2693 = vector.shape_cast %get3A_2692 : vector<1x16xf32> to vector<16xf32>
        %sub3A_2694 = arith.subf %get3A_2693, %get3A_2689 : vector<16xf32>
        %mul3A_2695 = arith.mulf %broadcast_in_dim3A_2685, %sub3A_2694 : vector<16xf32>
        %add3A_2696 = arith.addf %get3A_2689, %mul3A_2695 : vector<16xf32>
        %add3A_2697 = arith.addf %add3A_2594, %add3A_2696 : vector<16xf32>
        %get3A_2698 = arith.index_cast %add3A_2682 : i32 to index
        %get3A_2699 = arith.constant 16 : index
        %get3A_2700 = tpu.vector_load %arg8[%get3A_2698, %get3A_2699] {strides = array<i32>} : memref<104x128xf32, #tpu.memory_space<vmem>>, vector<1x16xf32>,
        %get3A_2701 = vector.shape_cast %get3A_2700 : vector<1x16xf32> to vector<16xf32>
        %get3A_2702 = arith.index_cast %add3A_2682 : i32 to index
        %get3A_2703 = arith.constant 16 : index
        %get3A_2704 = tpu.vector_load %arg9[%get3A_2702, %get3A_2703] {strides = array<i32>} : memref<104x128xf32, #tpu.memory_space<vmem>>, vector<1x16xf32>,
        %get3A_2705 = vector.shape_cast %get3A_2704 : vector<1x16xf32> to vector<16xf32>
        %sub3A_2706 = arith.subf %get3A_2705, %get3A_2701 : vector<16xf32>
        %mul3A_2707 = arith.mulf %broadcast_in_dim3A_2685, %sub3A_2706 : vector<16xf32>
        %add3A_2708 = arith.addf %get3A_2701, %mul3A_2707 : vector<16xf32>
        %add3A_2709 = arith.addf %add3A_2606, %add3A_2708 : vector<16xf32>
        %get3A_2710 = arith.index_cast %add3A_2682 : i32 to index
        %get3A_2711 = arith.constant 32 : index
        %get3A_2712 = tpu.vector_load %arg8[%get3A_2710, %get3A_2711] {strides = array<i32>} : memref<104x128xf32, #tpu.memory_space<vmem>>, vector<1x16xf32>,
        %get3A_2713 = vector.shape_cast %get3A_2712 : vector<1x16xf32> to vector<16xf32>
        %get3A_2714 = arith.index_cast %add3A_2682 : i32 to index
        %get3A_2715 = arith.constant 32 : index
        %get3A_2716 = tpu.vector_load %arg9[%get3A_2714, %get3A_2715] {strides = array<i32>} : memref<104x128xf32, #tpu.memory_space<vmem>>, vector<1x16xf32>,
        %get3A_2717 = vector.shape_cast %get3A_2716 : vector<1x16xf32> to vector<16xf32>
        %sub3A_2718 = arith.subf %get3A_2717, %get3A_2713 : vector<16xf32>
        %mul3A_2719 = arith.mulf %broadcast_in_dim3A_2685, %sub3A_2718 : vector<16xf32>
        %add3A_2720 = arith.addf %get3A_2713, %mul3A_2719 : vector<16xf32>
        %add3A_2721 = arith.addf %add3A_2618, %add3A_2720 : vector<16xf32>
        %get3A_2722 = arith.index_cast %add3A_2682 : i32 to index
        %get3A_2723 = arith.constant 48 : index
        %get3A_2724 = tpu.vector_load %arg8[%get3A_2722, %get3A_2723] {strides = array<i32>} : memref<104x128xf32, #tpu.memory_space<vmem>>, vector<1x16xf32>,
        %get3A_2725 = vector.shape_cast %get3A_2724 : vector<1x16xf32> to vector<16xf32>
        %get3A_2726 = arith.index_cast %add3A_2682 : i32 to index
        %get3A_2727 = arith.constant 48 : index
        %get3A_2728 = tpu.vector_load %arg9[%get3A_2726, %get3A_2727] {strides = array<i32>} : memref<104x128xf32, #tpu.memory_space<vmem>>, vector<1x16xf32>,
        %get3A_2729 = vector.shape_cast %get3A_2728 : vector<1x16xf32> to vector<16xf32>
        %sub3A_2730 = arith.subf %get3A_2729, %get3A_2725 : vector<16xf32>
        %mul3A_2731 = arith.mulf %broadcast_in_dim3A_2685, %sub3A_2730 : vector<16xf32>
        %add3A_2732 = arith.addf %get3A_2725, %mul3A_2731 : vector<16xf32>
        %add3A_2733 = arith.addf %add3A_2630, %add3A_2732 : vector<16xf32>
        %get3A_2734 = arith.index_cast %add3A_2682 : i32 to index
        %get3A_2735 = arith.constant 64 : index
        %get3A_2736 = tpu.vector_load %arg8[%get3A_2734, %get3A_2735] {strides = array<i32>} : memref<104x128xf32, #tpu.memory_space<vmem>>, vector<1x16xf32>,
        %get3A_2737 = vector.shape_cast %get3A_2736 : vector<1x16xf32> to vector<16xf32>
        %get3A_2738 = arith.index_cast %add3A_2682 : i32 to index
        %get3A_2739 = arith.constant 64 : index
        %get3A_2740 = tpu.vector_load %arg9[%get3A_2738, %get3A_2739] {strides = array<i32>} : memref<104x128xf32, #tpu.memory_space<vmem>>, vector<1x16xf32>,
        %get3A_2741 = vector.shape_cast %get3A_2740 : vector<1x16xf32> to vector<16xf32>
        %sub3A_2742 = arith.subf %get3A_2741, %get3A_2737 : vector<16xf32>
        %mul3A_2743 = arith.mulf %broadcast_in_dim3A_2685, %sub3A_2742 : vector<16xf32>
        %add3A_2744 = arith.addf %get3A_2737, %mul3A_2743 : vector<16xf32>
        %add3A_2745 = arith.addf %add3A_2642, %add3A_2744 : vector<16xf32>
        %get3A_2746 = arith.index_cast %add3A_2682 : i32 to index
        %get3A_2747 = arith.constant 80 : index
        %get3A_2748 = tpu.vector_load %arg8[%get3A_2746, %get3A_2747] {strides = array<i32>} : memref<104x128xf32, #tpu.memory_space<vmem>>, vector<1x16xf32>,
        %get3A_2749 = vector.shape_cast %get3A_2748 : vector<1x16xf32> to vector<16xf32>
        %get3A_2750 = arith.index_cast %add3A_2682 : i32 to index
        %get3A_2751 = arith.constant 80 : index
        %get3A_2752 = tpu.vector_load %arg9[%get3A_2750, %get3A_2751] {strides = array<i32>} : memref<104x128xf32, #tpu.memory_space<vmem>>, vector<1x16xf32>,
        %get3A_2753 = vector.shape_cast %get3A_2752 : vector<1x16xf32> to vector<16xf32>
        %sub3A_2754 = arith.subf %get3A_2753, %get3A_2749 : vector<16xf32>
        %mul3A_2755 = arith.mulf %broadcast_in_dim3A_2685, %sub3A_2754 : vector<16xf32>
        %add3A_2756 = arith.addf %get3A_2749, %mul3A_2755 : vector<16xf32>
        %add3A_2757 = arith.addf %add3A_2654, %add3A_2756 : vector<16xf32>
        %get3A_2758 = arith.index_cast %add3A_2682 : i32 to index
        %get3A_2759 = arith.constant 96 : index
        %get3A_2760 = tpu.vector_load %arg8[%get3A_2758, %get3A_2759] {strides = array<i32>} : memref<104x128xf32, #tpu.memory_space<vmem>>, vector<1x16xf32>,
        %get3A_2761 = vector.shape_cast %get3A_2760 : vector<1x16xf32> to vector<16xf32>
        %get3A_2762 = arith.index_cast %add3A_2682 : i32 to index
        %get3A_2763 = arith.constant 96 : index
        %get3A_2764 = tpu.vector_load %arg9[%get3A_2762, %get3A_2763] {strides = array<i32>} : memref<104x128xf32, #tpu.memory_space<vmem>>, vector<1x16xf32>,
        %get3A_2765 = vector.shape_cast %get3A_2764 : vector<1x16xf32> to vector<16xf32>
        %sub3A_2766 = arith.subf %get3A_2765, %get3A_2761 : vector<16xf32>
        %mul3A_2767 = arith.mulf %broadcast_in_dim3A_2685, %sub3A_2766 : vector<16xf32>
        %add3A_2768 = arith.addf %get3A_2761, %mul3A_2767 : vector<16xf32>
        %add3A_2769 = arith.addf %add3A_2666, %add3A_2768 : vector<16xf32>
        %get3A_2770 = arith.index_cast %add3A_2682 : i32 to index
        %get3A_2771 = arith.constant 112 : index
        %get3A_2772 = tpu.vector_load %arg8[%get3A_2770, %get3A_2771] {strides = array<i32>} : memref<104x128xf32, #tpu.memory_space<vmem>>, vector<1x16xf32>,
        %get3A_2773 = vector.shape_cast %get3A_2772 : vector<1x16xf32> to vector<16xf32>
        %get3A_2774 = arith.index_cast %add3A_2682 : i32 to index
        %get3A_2775 = arith.constant 112 : index
        %get3A_2776 = tpu.vector_load %arg9[%get3A_2774, %get3A_2775] {strides = array<i32>} : memref<104x128xf32, #tpu.memory_space<vmem>>, vector<1x16xf32>,
        %get3A_2777 = vector.shape_cast %get3A_2776 : vector<1x16xf32> to vector<16xf32>
        %sub3A_2778 = arith.subf %get3A_2777, %get3A_2773 : vector<16xf32>
        %mul3A_2779 = arith.mulf %broadcast_in_dim3A_2685, %sub3A_2778 : vector<16xf32>
        %add3A_2780 = arith.addf %get3A_2773, %mul3A_2779 : vector<16xf32>
        %add3A_2781 = arith.addf %add3A_2678, %add3A_2780 : vector<16xf32>
        scf.yield %add3A_2697, %add3A_2709, %add3A_2721, %add3A_2733, %add3A_2745, %add3A_2757, %add3A_2769, %add3A_2781 : vector<16xf32>, vector<16xf32>, vector<16xf32>, vector<16xf32>, vector<16xf32>, vector<16xf32>, vector<16xf32>, vector<16xf32>
      }
      %scan3A_75 = arith.constant 6 : i32
      %get3A = arith.index_cast %mul3A_29 : i32 to index
      %get3A_76 = arith.constant 96 : index
      %get3A_77 = tpu.vector_load %arg7[%get3A, %get3A_76] {strides = array<i32>} : memref<128x112xf32, #tpu.memory_space<vmem>>, vector<1x16xf32>,
      %get3A_78 = vector.shape_cast %get3A_77 : vector<1x16xf32> to vector<16xf32>
      %slice3A = vector.extract_strided_slice %get3A_78 {offsets = [0], sizes = [1], strides = [1]} : vector<16xf32> to vector<1xf32>
      %squeeze3A = vector.extract %slice3A[0] : f32 from vector<1xf32>
      %broadcast_in_dim3A_79 = vector.broadcast %squeeze3A : f32 to vector<16xf32>
      %get3A_80 = arith.constant 96 : i32
      %get3A_81 = arith.index_cast %get3A_80 : i32 to index
      %get3A_82 = arith.constant 0 : index
      %get3A_83 = tpu.vector_load %arg8[%get3A_81, %get3A_82] {strides = array<i32>} : memref<104x128xf32, #tpu.memory_space<vmem>>, vector<1x16xf32>,
      %get3A_84 = vector.shape_cast %get3A_83 : vector<1x16xf32> to vector<16xf32>
      %get3A_85 = arith.constant 96 : i32
      %get3A_86 = arith.index_cast %get3A_85 : i32 to index
      %get3A_87 = arith.constant 0 : index
      %get3A_88 = tpu.vector_load %arg9[%get3A_86, %get3A_87] {strides = array<i32>} : memref<104x128xf32, #tpu.memory_space<vmem>>, vector<1x16xf32>,
      %get3A_89 = vector.shape_cast %get3A_88 : vector<1x16xf32> to vector<16xf32>
      %sub3A = arith.subf %get3A_89, %get3A_84 : vector<16xf32>
      %mul3A_90 = arith.mulf %broadcast_in_dim3A_79, %sub3A : vector<16xf32>
      %add3A_91 = arith.addf %get3A_84, %mul3A_90 : vector<16xf32>
      %add3A_92 = arith.addf %scan3A_74#0, %add3A_91 : vector<16xf32>
      %get3A_93 = arith.constant 96 : i32
      %get3A_94 = arith.index_cast %get3A_93 : i32 to index
      %get3A_95 = arith.constant 16 : index
      %get3A_96 = tpu.vector_load %arg8[%get3A_94, %get3A_95] {strides = array<i32>} : memref<104x128xf32, #tpu.memory_space<vmem>>, vector<1x16xf32>,
      %get3A_97 = vector.shape_cast %get3A_96 : vector<1x16xf32> to vector<16xf32>
      %get3A_98 = arith.constant 96 : i32
      %get3A_99 = arith.index_cast %get3A_98 : i32 to index
      %get3A_100 = arith.constant 16 : index
      %get3A_101 = tpu.vector_load %arg9[%get3A_99, %get3A_100] {strides = array<i32>} : memref<104x128xf32, #tpu.memory_space<vmem>>, vector<1x16xf32>,
      %get3A_102 = vector.shape_cast %get3A_101 : vector<1x16xf32> to vector<16xf32>
      %sub3A_103 = arith.subf %get3A_102, %get3A_97 : vector<16xf32>
      %mul3A_104 = arith.mulf %broadcast_in_dim3A_79, %sub3A_103 : vector<16xf32>
      %add3A_105 = arith.addf %get3A_97, %mul3A_104 : vector<16xf32>
      %add3A_106 = arith.addf %scan3A_74#1, %add3A_105 : vector<16xf32>
      %get3A_107 = arith.constant 96 : i32
      %get3A_108 = arith.index_cast %get3A_107 : i32 to index
      %get3A_109 = arith.constant 32 : index
      %get3A_110 = tpu.vector_load %arg8[%get3A_108, %get3A_109] {strides = array<i32>} : memref<104x128xf32, #tpu.memory_space<vmem>>, vector<1x16xf32>,
      %get3A_111 = vector.shape_cast %get3A_110 : vector<1x16xf32> to vector<16xf32>
      %get3A_112 = arith.constant 96 : i32
      %get3A_113 = arith.index_cast %get3A_112 : i32 to index
      %get3A_114 = arith.constant 32 : index
      %get3A_115 = tpu.vector_load %arg9[%get3A_113, %get3A_114] {strides = array<i32>} : memref<104x128xf32, #tpu.memory_space<vmem>>, vector<1x16xf32>,
      %get3A_116 = vector.shape_cast %get3A_115 : vector<1x16xf32> to vector<16xf32>
      %sub3A_117 = arith.subf %get3A_116, %get3A_111 : vector<16xf32>
      %mul3A_118 = arith.mulf %broadcast_in_dim3A_79, %sub3A_117 : vector<16xf32>
      %add3A_119 = arith.addf %get3A_111, %mul3A_118 : vector<16xf32>
      %add3A_120 = arith.addf %scan3A_74#2, %add3A_119 : vector<16xf32>
      %get3A_121 = arith.constant 96 : i32
      %get3A_122 = arith.index_cast %get3A_121 : i32 to index
      %get3A_123 = arith.constant 48 : index
      %get3A_124 = tpu.vector_load %arg8[%get3A_122, %get3A_123] {strides = array<i32>} : memref<104x128xf32, #tpu.memory_space<vmem>>, vector<1x16xf32>,
      %get3A_125 = vector.shape_cast %get3A_124 : vector<1x16xf32> to vector<16xf32>
      %get3A_126 = arith.constant 96 : i32
      %get3A_127 = arith.index_cast %get3A_126 : i32 to index
      %get3A_128 = arith.constant 48 : index
      %get3A_129 = tpu.vector_load %arg9[%get3A_127, %get3A_128] {strides = array<i32>} : memref<104x128xf32, #tpu.memory_space<vmem>>, vector<1x16xf32>,
      %get3A_130 = vector.shape_cast %get3A_129 : vector<1x16xf32> to vector<16xf32>
      %sub3A_131 = arith.subf %get3A_130, %get3A_125 : vector<16xf32>
      %mul3A_132 = arith.mulf %broadcast_in_dim3A_79, %sub3A_131 : vector<16xf32>
      %add3A_133 = arith.addf %get3A_125, %mul3A_132 : vector<16xf32>
      %add3A_134 = arith.addf %scan3A_74#3, %add3A_133 : vector<16xf32>
      %get3A_135 = arith.constant 96 : i32
      %get3A_136 = arith.index_cast %get3A_135 : i32 to index
      %get3A_137 = arith.constant 64 : index
      %get3A_138 = tpu.vector_load %arg8[%get3A_136, %get3A_137] {strides = array<i32>} : memref<104x128xf32, #tpu.memory_space<vmem>>, vector<1x16xf32>,
      %get3A_139 = vector.shape_cast %get3A_138 : vector<1x16xf32> to vector<16xf32>
      %get3A_140 = arith.constant 96 : i32
      %get3A_141 = arith.index_cast %get3A_140 : i32 to index
      %get3A_142 = arith.constant 64 : index
      %get3A_143 = tpu.vector_load %arg9[%get3A_141, %get3A_142] {strides = array<i32>} : memref<104x128xf32, #tpu.memory_space<vmem>>, vector<1x16xf32>,
      %get3A_144 = vector.shape_cast %get3A_143 : vector<1x16xf32> to vector<16xf32>
      %sub3A_145 = arith.subf %get3A_144, %get3A_139 : vector<16xf32>
      %mul3A_146 = arith.mulf %broadcast_in_dim3A_79, %sub3A_145 : vector<16xf32>
      %add3A_147 = arith.addf %get3A_139, %mul3A_146 : vector<16xf32>
      %add3A_148 = arith.addf %scan3A_74#4, %add3A_147 : vector<16xf32>
      %get3A_149 = arith.constant 96 : i32
      %get3A_150 = arith.index_cast %get3A_149 : i32 to index
      %get3A_151 = arith.constant 80 : index
      %get3A_152 = tpu.vector_load %arg8[%get3A_150, %get3A_151] {strides = array<i32>} : memref<104x128xf32, #tpu.memory_space<vmem>>, vector<1x16xf32>,
      %get3A_153 = vector.shape_cast %get3A_152 : vector<1x16xf32> to vector<16xf32>
      %get3A_154 = arith.constant 96 : i32
      %get3A_155 = arith.index_cast %get3A_154 : i32 to index
      %get3A_156 = arith.constant 80 : index
      %get3A_157 = tpu.vector_load %arg9[%get3A_155, %get3A_156] {strides = array<i32>} : memref<104x128xf32, #tpu.memory_space<vmem>>, vector<1x16xf32>,
      %get3A_158 = vector.shape_cast %get3A_157 : vector<1x16xf32> to vector<16xf32>
      %sub3A_159 = arith.subf %get3A_158, %get3A_153 : vector<16xf32>
      %mul3A_160 = arith.mulf %broadcast_in_dim3A_79, %sub3A_159 : vector<16xf32>
      %add3A_161 = arith.addf %get3A_153, %mul3A_160 : vector<16xf32>
      %add3A_162 = arith.addf %scan3A_74#5, %add3A_161 : vector<16xf32>
      %get3A_163 = arith.constant 96 : i32
      %get3A_164 = arith.index_cast %get3A_163 : i32 to index
      %get3A_165 = arith.constant 96 : index
      %get3A_166 = tpu.vector_load %arg8[%get3A_164, %get3A_165] {strides = array<i32>} : memref<104x128xf32, #tpu.memory_space<vmem>>, vector<1x16xf32>,
      %get3A_167 = vector.shape_cast %get3A_166 : vector<1x16xf32> to vector<16xf32>
      %get3A_168 = arith.constant 96 : i32
      %get3A_169 = arith.index_cast %get3A_168 : i32 to index
      %get3A_170 = arith.constant 96 : index
      %get3A_171 = tpu.vector_load %arg9[%get3A_169, %get3A_170] {strides = array<i32>} : memref<104x128xf32, #tpu.memory_space<vmem>>, vector<1x16xf32>,
      %get3A_172 = vector.shape_cast %get3A_171 : vector<1x16xf32> to vector<16xf32>
      %sub3A_173 = arith.subf %get3A_172, %get3A_167 : vector<16xf32>
      %mul3A_174 = arith.mulf %broadcast_in_dim3A_79, %sub3A_173 : vector<16xf32>
      %add3A_175 = arith.addf %get3A_167, %mul3A_174 : vector<16xf32>
      %add3A_176 = arith.addf %scan3A_74#6, %add3A_175 : vector<16xf32>
      %get3A_177 = arith.constant 96 : i32
      %get3A_178 = arith.index_cast %get3A_177 : i32 to index
      %get3A_179 = arith.constant 112 : index
      %get3A_180 = tpu.vector_load %arg8[%get3A_178, %get3A_179] {strides = array<i32>} : memref<104x128xf32, #tpu.memory_space<vmem>>, vector<1x16xf32>,
      %get3A_181 = vector.shape_cast %get3A_180 : vector<1x16xf32> to vector<16xf32>
      %get3A_182 = arith.constant 96 : i32
      %get3A_183 = arith.index_cast %get3A_182 : i32 to index
      %get3A_184 = arith.constant 112 : index
      %get3A_185 = tpu.vector_load %arg9[%get3A_183, %get3A_184] {strides = array<i32>} : memref<104x128xf32, #tpu.memory_space<vmem>>, vector<1x16xf32>,
      %get3A_186 = vector.shape_cast %get3A_185 : vector<1x16xf32> to vector<16xf32>
      %sub3A_187 = arith.subf %get3A_186, %get3A_181 : vector<16xf32>
      %mul3A_188 = arith.mulf %broadcast_in_dim3A_79, %sub3A_187 : vector<16xf32>
      %add3A_189 = arith.addf %get3A_181, %mul3A_188 : vector<16xf32>
      %add3A_190 = arith.addf %scan3A_74#7, %add3A_189 : vector<16xf32>
      %slice3A_191 = vector.extract_strided_slice %get3A_78 {offsets = [1], sizes = [1], strides = [1]} : vector<16xf32> to vector<1xf32>
      %squeeze3A_192 = vector.extract %slice3A_191[0] : f32 from vector<1xf32>
      %broadcast_in_dim3A_193 = vector.broadcast %squeeze3A_192 : f32 to vector<16xf32>
      %get3A_194 = arith.constant 97 : i32
      %get3A_195 = arith.index_cast %get3A_194 : i32 to index
      %get3A_196 = arith.constant 0 : index
      %get3A_197 = tpu.vector_load %arg8[%get3A_195, %get3A_196] {strides = array<i32>} : memref<104x128xf32, #tpu.memory_space<vmem>>, vector<1x16xf32>,
      %get3A_198 = vector.shape_cast %get3A_197 : vector<1x16xf32> to vector<16xf32>
      %get3A_199 = arith.constant 97 : i32
      %get3A_200 = arith.index_cast %get3A_199 : i32 to index
      %get3A_201 = arith.constant 0 : index
      %get3A_202 = tpu.vector_load %arg9[%get3A_200, %get3A_201] {strides = array<i32>} : memref<104x128xf32, #tpu.memory_space<vmem>>, vector<1x16xf32>,
      %get3A_203 = vector.shape_cast %get3A_202 : vector<1x16xf32> to vector<16xf32>
      %sub3A_204 = arith.subf %get3A_203, %get3A_198 : vector<16xf32>
      %mul3A_205 = arith.mulf %broadcast_in_dim3A_193, %sub3A_204 : vector<16xf32>
      %add3A_206 = arith.addf %get3A_198, %mul3A_205 : vector<16xf32>
      %add3A_207 = arith.addf %add3A_92, %add3A_206 : vector<16xf32>
      %get3A_208 = arith.constant 97 : i32
      %get3A_209 = arith.index_cast %get3A_208 : i32 to index
      %get3A_210 = arith.constant 16 : index
      %get3A_211 = tpu.vector_load %arg8[%get3A_209, %get3A_210] {strides = array<i32>} : memref<104x128xf32, #tpu.memory_space<vmem>>, vector<1x16xf32>,
      %get3A_212 = vector.shape_cast %get3A_211 : vector<1x16xf32> to vector<16xf32>
      %get3A_213 = arith.constant 97 : i32
      %get3A_214 = arith.index_cast %get3A_213 : i32 to index
      %get3A_215 = arith.constant 16 : index
      %get3A_216 = tpu.vector_load %arg9[%get3A_214, %get3A_215] {strides = array<i32>} : memref<104x128xf32, #tpu.memory_space<vmem>>, vector<1x16xf32>,
      %get3A_217 = vector.shape_cast %get3A_216 : vector<1x16xf32> to vector<16xf32>
      %sub3A_218 = arith.subf %get3A_217, %get3A_212 : vector<16xf32>
      %mul3A_219 = arith.mulf %broadcast_in_dim3A_193, %sub3A_218 : vector<16xf32>
      %add3A_220 = arith.addf %get3A_212, %mul3A_219 : vector<16xf32>
      %add3A_221 = arith.addf %add3A_106, %add3A_220 : vector<16xf32>
      %get3A_222 = arith.constant 97 : i32
      %get3A_223 = arith.index_cast %get3A_222 : i32 to index
      %get3A_224 = arith.constant 32 : index
      %get3A_225 = tpu.vector_load %arg8[%get3A_223, %get3A_224] {strides = array<i32>} : memref<104x128xf32, #tpu.memory_space<vmem>>, vector<1x16xf32>,
      %get3A_226 = vector.shape_cast %get3A_225 : vector<1x16xf32> to vector<16xf32>
      %get3A_227 = arith.constant 97 : i32
      %get3A_228 = arith.index_cast %get3A_227 : i32 to index
      %get3A_229 = arith.constant 32 : index
      %get3A_230 = tpu.vector_load %arg9[%get3A_228, %get3A_229] {strides = array<i32>} : memref<104x128xf32, #tpu.memory_space<vmem>>, vector<1x16xf32>,
      %get3A_231 = vector.shape_cast %get3A_230 : vector<1x16xf32> to vector<16xf32>
      %sub3A_232 = arith.subf %get3A_231, %get3A_226 : vector<16xf32>
      %mul3A_233 = arith.mulf %broadcast_in_dim3A_193, %sub3A_232 : vector<16xf32>
      %add3A_234 = arith.addf %get3A_226, %mul3A_233 : vector<16xf32>
      %add3A_235 = arith.addf %add3A_120, %add3A_234 : vector<16xf32>
      %get3A_236 = arith.constant 97 : i32
      %get3A_237 = arith.index_cast %get3A_236 : i32 to index
      %get3A_238 = arith.constant 48 : index
      %get3A_239 = tpu.vector_load %arg8[%get3A_237, %get3A_238] {strides = array<i32>} : memref<104x128xf32, #tpu.memory_space<vmem>>, vector<1x16xf32>,
      %get3A_240 = vector.shape_cast %get3A_239 : vector<1x16xf32> to vector<16xf32>
      %get3A_241 = arith.constant 97 : i32
      %get3A_242 = arith.index_cast %get3A_241 : i32 to index
      %get3A_243 = arith.constant 48 : index
      %get3A_244 = tpu.vector_load %arg9[%get3A_242, %get3A_243] {strides = array<i32>} : memref<104x128xf32, #tpu.memory_space<vmem>>, vector<1x16xf32>,
      %get3A_245 = vector.shape_cast %get3A_244 : vector<1x16xf32> to vector<16xf32>
      %sub3A_246 = arith.subf %get3A_245, %get3A_240 : vector<16xf32>
      %mul3A_247 = arith.mulf %broadcast_in_dim3A_193, %sub3A_246 : vector<16xf32>
      %add3A_248 = arith.addf %get3A_240, %mul3A_247 : vector<16xf32>
      %add3A_249 = arith.addf %add3A_134, %add3A_248 : vector<16xf32>
      %get3A_250 = arith.constant 97 : i32
      %get3A_251 = arith.index_cast %get3A_250 : i32 to index
      %get3A_252 = arith.constant 64 : index
      %get3A_253 = tpu.vector_load %arg8[%get3A_251, %get3A_252] {strides = array<i32>} : memref<104x128xf32, #tpu.memory_space<vmem>>, vector<1x16xf32>,
      %get3A_254 = vector.shape_cast %get3A_253 : vector<1x16xf32> to vector<16xf32>
      %get3A_255 = arith.constant 97 : i32
      %get3A_256 = arith.index_cast %get3A_255 : i32 to index
      %get3A_257 = arith.constant 64 : index
      %get3A_258 = tpu.vector_load %arg9[%get3A_256, %get3A_257] {strides = array<i32>} : memref<104x128xf32, #tpu.memory_space<vmem>>, vector<1x16xf32>,
      %get3A_259 = vector.shape_cast %get3A_258 : vector<1x16xf32> to vector<16xf32>
      %sub3A_260 = arith.subf %get3A_259, %get3A_254 : vector<16xf32>
      %mul3A_261 = arith.mulf %broadcast_in_dim3A_193, %sub3A_260 : vector<16xf32>
      %add3A_262 = arith.addf %get3A_254, %mul3A_261 : vector<16xf32>
      %add3A_263 = arith.addf %add3A_148, %add3A_262 : vector<16xf32>
      %get3A_264 = arith.constant 97 : i32
      %get3A_265 = arith.index_cast %get3A_264 : i32 to index
      %get3A_266 = arith.constant 80 : index
      %get3A_267 = tpu.vector_load %arg8[%get3A_265, %get3A_266] {strides = array<i32>} : memref<104x128xf32, #tpu.memory_space<vmem>>, vector<1x16xf32>,
      %get3A_268 = vector.shape_cast %get3A_267 : vector<1x16xf32> to vector<16xf32>
      %get3A_269 = arith.constant 97 : i32
      %get3A_270 = arith.index_cast %get3A_269 : i32 to index
      %get3A_271 = arith.constant 80 : index
      %get3A_272 = tpu.vector_load %arg9[%get3A_270, %get3A_271] {strides = array<i32>} : memref<104x128xf32, #tpu.memory_space<vmem>>, vector<1x16xf32>,
      %get3A_273 = vector.shape_cast %get3A_272 : vector<1x16xf32> to vector<16xf32>
      %sub3A_274 = arith.subf %get3A_273, %get3A_268 : vector<16xf32>
      %mul3A_275 = arith.mulf %broadcast_in_dim3A_193, %sub3A_274 : vector<16xf32>
      %add3A_276 = arith.addf %get3A_268, %mul3A_275 : vector<16xf32>
      %add3A_277 = arith.addf %add3A_162, %add3A_276 : vector<16xf32>
      %get3A_278 = arith.constant 97 : i32
      %get3A_279 = arith.index_cast %get3A_278 : i32 to index
      %get3A_280 = arith.constant 96 : index
      %get3A_281 = tpu.vector_load %arg8[%get3A_279, %get3A_280] {strides = array<i32>} : memref<104x128xf32, #tpu.memory_space<vmem>>, vector<1x16xf32>,
      %get3A_282 = vector.shape_cast %get3A_281 : vector<1x16xf32> to vector<16xf32>
      %get3A_283 = arith.constant 97 : i32
      %get3A_284 = arith.index_cast %get3A_283 : i32 to index
      %get3A_285 = arith.constant 96 : index
      %get3A_286 = tpu.vector_load %arg9[%get3A_284, %get3A_285] {strides = array<i32>} : memref<104x128xf32, #tpu.memory_space<vmem>>, vector<1x16xf32>,
      %get3A_287 = vector.shape_cast %get3A_286 : vector<1x16xf32> to vector<16xf32>
      %sub3A_288 = arith.subf %get3A_287, %get3A_282 : vector<16xf32>
      %mul3A_289 = arith.mulf %broadcast_in_dim3A_193, %sub3A_288 : vector<16xf32>
      %add3A_290 = arith.addf %get3A_282, %mul3A_289 : vector<16xf32>
      %add3A_291 = arith.addf %add3A_176, %add3A_290 : vector<16xf32>
      %get3A_292 = arith.constant 97 : i32
      %get3A_293 = arith.index_cast %get3A_292 : i32 to index
      %get3A_294 = arith.constant 112 : index
      %get3A_295 = tpu.vector_load %arg8[%get3A_293, %get3A_294] {strides = array<i32>} : memref<104x128xf32, #tpu.memory_space<vmem>>, vector<1x16xf32>,
      %get3A_296 = vector.shape_cast %get3A_295 : vector<1x16xf32> to vector<16xf32>
      %get3A_297 = arith.constant 97 : i32
      %get3A_298 = arith.index_cast %get3A_297 : i32 to index
      %get3A_299 = arith.constant 112 : index
      %get3A_300 = tpu.vector_load %arg9[%get3A_298, %get3A_299] {strides = array<i32>} : memref<104x128xf32, #tpu.memory_space<vmem>>, vector<1x16xf32>,
      %get3A_301 = vector.shape_cast %get3A_300 : vector<1x16xf32> to vector<16xf32>
      %sub3A_302 = arith.subf %get3A_301, %get3A_296 : vector<16xf32>
      %mul3A_303 = arith.mulf %broadcast_in_dim3A_193, %sub3A_302 : vector<16xf32>
      %add3A_304 = arith.addf %get3A_296, %mul3A_303 : vector<16xf32>
      %add3A_305 = arith.addf %add3A_190, %add3A_304 : vector<16xf32>
      %slice3A_306 = vector.extract_strided_slice %get3A_78 {offsets = [2], sizes = [1], strides = [1]} : vector<16xf32> to vector<1xf32>
      %squeeze3A_307 = vector.extract %slice3A_306[0] : f32 from vector<1xf32>
      %broadcast_in_dim3A_308 = vector.broadcast %squeeze3A_307 : f32 to vector<16xf32>
      %get3A_309 = arith.constant 98 : i32
      %get3A_310 = arith.index_cast %get3A_309 : i32 to index
      %get3A_311 = arith.constant 0 : index
      %get3A_312 = tpu.vector_load %arg8[%get3A_310, %get3A_311] {strides = array<i32>} : memref<104x128xf32, #tpu.memory_space<vmem>>, vector<1x16xf32>,
      %get3A_313 = vector.shape_cast %get3A_312 : vector<1x16xf32> to vector<16xf32>
      %get3A_314 = arith.constant 98 : i32
      %get3A_315 = arith.index_cast %get3A_314 : i32 to index
      %get3A_316 = arith.constant 0 : index
      %get3A_317 = tpu.vector_load %arg9[%get3A_315, %get3A_316] {strides = array<i32>} : memref<104x128xf32, #tpu.memory_space<vmem>>, vector<1x16xf32>,
      %get3A_318 = vector.shape_cast %get3A_317 : vector<1x16xf32> to vector<16xf32>
      %sub3A_319 = arith.subf %get3A_318, %get3A_313 : vector<16xf32>
      %mul3A_320 = arith.mulf %broadcast_in_dim3A_308, %sub3A_319 : vector<16xf32>
      %add3A_321 = arith.addf %get3A_313, %mul3A_320 : vector<16xf32>
      %add3A_322 = arith.addf %add3A_207, %add3A_321 : vector<16xf32>
      %get3A_323 = arith.constant 98 : i32
      %get3A_324 = arith.index_cast %get3A_323 : i32 to index
      %get3A_325 = arith.constant 16 : index
      %get3A_326 = tpu.vector_load %arg8[%get3A_324, %get3A_325] {strides = array<i32>} : memref<104x128xf32, #tpu.memory_space<vmem>>, vector<1x16xf32>,
      %get3A_327 = vector.shape_cast %get3A_326 : vector<1x16xf32> to vector<16xf32>
      %get3A_328 = arith.constant 98 : i32
      %get3A_329 = arith.index_cast %get3A_328 : i32 to index
      %get3A_330 = arith.constant 16 : index
      %get3A_331 = tpu.vector_load %arg9[%get3A_329, %get3A_330] {strides = array<i32>} : memref<104x128xf32, #tpu.memory_space<vmem>>, vector<1x16xf32>,
      %get3A_332 = vector.shape_cast %get3A_331 : vector<1x16xf32> to vector<16xf32>
      %sub3A_333 = arith.subf %get3A_332, %get3A_327 : vector<16xf32>
      %mul3A_334 = arith.mulf %broadcast_in_dim3A_308, %sub3A_333 : vector<16xf32>
      %add3A_335 = arith.addf %get3A_327, %mul3A_334 : vector<16xf32>
      %add3A_336 = arith.addf %add3A_221, %add3A_335 : vector<16xf32>
      %get3A_337 = arith.constant 98 : i32
      %get3A_338 = arith.index_cast %get3A_337 : i32 to index
      %get3A_339 = arith.constant 32 : index
      %get3A_340 = tpu.vector_load %arg8[%get3A_338, %get3A_339] {strides = array<i32>} : memref<104x128xf32, #tpu.memory_space<vmem>>, vector<1x16xf32>,
      %get3A_341 = vector.shape_cast %get3A_340 : vector<1x16xf32> to vector<16xf32>
      %get3A_342 = arith.constant 98 : i32
      %get3A_343 = arith.index_cast %get3A_342 : i32 to index
      %get3A_344 = arith.constant 32 : index
      %get3A_345 = tpu.vector_load %arg9[%get3A_343, %get3A_344] {strides = array<i32>} : memref<104x128xf32, #tpu.memory_space<vmem>>, vector<1x16xf32>,
      %get3A_346 = vector.shape_cast %get3A_345 : vector<1x16xf32> to vector<16xf32>
      %sub3A_347 = arith.subf %get3A_346, %get3A_341 : vector<16xf32>
      %mul3A_348 = arith.mulf %broadcast_in_dim3A_308, %sub3A_347 : vector<16xf32>
      %add3A_349 = arith.addf %get3A_341, %mul3A_348 : vector<16xf32>
      %add3A_350 = arith.addf %add3A_235, %add3A_349 : vector<16xf32>
      %get3A_351 = arith.constant 98 : i32
      %get3A_352 = arith.index_cast %get3A_351 : i32 to index
      %get3A_353 = arith.constant 48 : index
      %get3A_354 = tpu.vector_load %arg8[%get3A_352, %get3A_353] {strides = array<i32>} : memref<104x128xf32, #tpu.memory_space<vmem>>, vector<1x16xf32>,
      %get3A_355 = vector.shape_cast %get3A_354 : vector<1x16xf32> to vector<16xf32>
      %get3A_356 = arith.constant 98 : i32
      %get3A_357 = arith.index_cast %get3A_356 : i32 to index
      %get3A_358 = arith.constant 48 : index
      %get3A_359 = tpu.vector_load %arg9[%get3A_357, %get3A_358] {strides = array<i32>} : memref<104x128xf32, #tpu.memory_space<vmem>>, vector<1x16xf32>,
      %get3A_360 = vector.shape_cast %get3A_359 : vector<1x16xf32> to vector<16xf32>
      %sub3A_361 = arith.subf %get3A_360, %get3A_355 : vector<16xf32>
      %mul3A_362 = arith.mulf %broadcast_in_dim3A_308, %sub3A_361 : vector<16xf32>
      %add3A_363 = arith.addf %get3A_355, %mul3A_362 : vector<16xf32>
      %add3A_364 = arith.addf %add3A_249, %add3A_363 : vector<16xf32>
      %get3A_365 = arith.constant 98 : i32
      %get3A_366 = arith.index_cast %get3A_365 : i32 to index
      %get3A_367 = arith.constant 64 : index
      %get3A_368 = tpu.vector_load %arg8[%get3A_366, %get3A_367] {strides = array<i32>} : memref<104x128xf32, #tpu.memory_space<vmem>>, vector<1x16xf32>,
      %get3A_369 = vector.shape_cast %get3A_368 : vector<1x16xf32> to vector<16xf32>
      %get3A_370 = arith.constant 98 : i32
      %get3A_371 = arith.index_cast %get3A_370 : i32 to index
      %get3A_372 = arith.constant 64 : index
      %get3A_373 = tpu.vector_load %arg9[%get3A_371, %get3A_372] {strides = array<i32>} : memref<104x128xf32, #tpu.memory_space<vmem>>, vector<1x16xf32>,
      %get3A_374 = vector.shape_cast %get3A_373 : vector<1x16xf32> to vector<16xf32>
      %sub3A_375 = arith.subf %get3A_374, %get3A_369 : vector<16xf32>
      %mul3A_376 = arith.mulf %broadcast_in_dim3A_308, %sub3A_375 : vector<16xf32>
      %add3A_377 = arith.addf %get3A_369, %mul3A_376 : vector<16xf32>
      %add3A_378 = arith.addf %add3A_263, %add3A_377 : vector<16xf32>
      %get3A_379 = arith.constant 98 : i32
      %get3A_380 = arith.index_cast %get3A_379 : i32 to index
      %get3A_381 = arith.constant 80 : index
      %get3A_382 = tpu.vector_load %arg8[%get3A_380, %get3A_381] {strides = array<i32>} : memref<104x128xf32, #tpu.memory_space<vmem>>, vector<1x16xf32>,
      %get3A_383 = vector.shape_cast %get3A_382 : vector<1x16xf32> to vector<16xf32>
      %get3A_384 = arith.constant 98 : i32
      %get3A_385 = arith.index_cast %get3A_384 : i32 to index
      %get3A_386 = arith.constant 80 : index
      %get3A_387 = tpu.vector_load %arg9[%get3A_385, %get3A_386] {strides = array<i32>} : memref<104x128xf32, #tpu.memory_space<vmem>>, vector<1x16xf32>,
      %get3A_388 = vector.shape_cast %get3A_387 : vector<1x16xf32> to vector<16xf32>
      %sub3A_389 = arith.subf %get3A_388, %get3A_383 : vector<16xf32>
      %mul3A_390 = arith.mulf %broadcast_in_dim3A_308, %sub3A_389 : vector<16xf32>
      %add3A_391 = arith.addf %get3A_383, %mul3A_390 : vector<16xf32>
      %add3A_392 = arith.addf %add3A_277, %add3A_391 : vector<16xf32>
      %get3A_393 = arith.constant 98 : i32
      %get3A_394 = arith.index_cast %get3A_393 : i32 to index
      %get3A_395 = arith.constant 96 : index
      %get3A_396 = tpu.vector_load %arg8[%get3A_394, %get3A_395] {strides = array<i32>} : memref<104x128xf32, #tpu.memory_space<vmem>>, vector<1x16xf32>,
      %get3A_397 = vector.shape_cast %get3A_396 : vector<1x16xf32> to vector<16xf32>
      %get3A_398 = arith.constant 98 : i32
      %get3A_399 = arith.index_cast %get3A_398 : i32 to index
      %get3A_400 = arith.constant 96 : index
      %get3A_401 = tpu.vector_load %arg9[%get3A_399, %get3A_400] {strides = array<i32>} : memref<104x128xf32, #tpu.memory_space<vmem>>, vector<1x16xf32>,
      %get3A_402 = vector.shape_cast %get3A_401 : vector<1x16xf32> to vector<16xf32>
      %sub3A_403 = arith.subf %get3A_402, %get3A_397 : vector<16xf32>
      %mul3A_404 = arith.mulf %broadcast_in_dim3A_308, %sub3A_403 : vector<16xf32>
      %add3A_405 = arith.addf %get3A_397, %mul3A_404 : vector<16xf32>
      %add3A_406 = arith.addf %add3A_291, %add3A_405 : vector<16xf32>
      %get3A_407 = arith.constant 98 : i32
      %get3A_408 = arith.index_cast %get3A_407 : i32 to index
      %get3A_409 = arith.constant 112 : index
      %get3A_410 = tpu.vector_load %arg8[%get3A_408, %get3A_409] {strides = array<i32>} : memref<104x128xf32, #tpu.memory_space<vmem>>, vector<1x16xf32>,
      %get3A_411 = vector.shape_cast %get3A_410 : vector<1x16xf32> to vector<16xf32>
      %get3A_412 = arith.constant 98 : i32
      %get3A_413 = arith.index_cast %get3A_412 : i32 to index
      %get3A_414 = arith.constant 112 : index
      %get3A_415 = tpu.vector_load %arg9[%get3A_413, %get3A_414] {strides = array<i32>} : memref<104x128xf32, #tpu.memory_space<vmem>>, vector<1x16xf32>,
      %get3A_416 = vector.shape_cast %get3A_415 : vector<1x16xf32> to vector<16xf32>
      %sub3A_417 = arith.subf %get3A_416, %get3A_411 : vector<16xf32>
      %mul3A_418 = arith.mulf %broadcast_in_dim3A_308, %sub3A_417 : vector<16xf32>
      %add3A_419 = arith.addf %get3A_411, %mul3A_418 : vector<16xf32>
      %add3A_420 = arith.addf %add3A_305, %add3A_419 : vector<16xf32>
      %slice3A_421 = vector.extract_strided_slice %get3A_78 {offsets = [3], sizes = [1], strides = [1]} : vector<16xf32> to vector<1xf32>
      %squeeze3A_422 = vector.extract %slice3A_421[0] : f32 from vector<1xf32>
      %broadcast_in_dim3A_423 = vector.broadcast %squeeze3A_422 : f32 to vector<16xf32>
      %get3A_424 = arith.constant 99 : i32
      %get3A_425 = arith.index_cast %get3A_424 : i32 to index
      %get3A_426 = arith.constant 0 : index
      %get3A_427 = tpu.vector_load %arg8[%get3A_425, %get3A_426] {strides = array<i32>} : memref<104x128xf32, #tpu.memory_space<vmem>>, vector<1x16xf32>,
      %get3A_428 = vector.shape_cast %get3A_427 : vector<1x16xf32> to vector<16xf32>
      %get3A_429 = arith.constant 99 : i32
      %get3A_430 = arith.index_cast %get3A_429 : i32 to index
      %get3A_431 = arith.constant 0 : index
      %get3A_432 = tpu.vector_load %arg9[%get3A_430, %get3A_431] {strides = array<i32>} : memref<104x128xf32, #tpu.memory_space<vmem>>, vector<1x16xf32>,
      %get3A_433 = vector.shape_cast %get3A_432 : vector<1x16xf32> to vector<16xf32>
      %sub3A_434 = arith.subf %get3A_433, %get3A_428 : vector<16xf32>
      %mul3A_435 = arith.mulf %broadcast_in_dim3A_423, %sub3A_434 : vector<16xf32>
      %add3A_436 = arith.addf %get3A_428, %mul3A_435 : vector<16xf32>
      %add3A_437 = arith.addf %add3A_322, %add3A_436 : vector<16xf32>
      %get3A_438 = arith.constant 99 : i32
      %get3A_439 = arith.index_cast %get3A_438 : i32 to index
      %get3A_440 = arith.constant 16 : index
      %get3A_441 = tpu.vector_load %arg8[%get3A_439, %get3A_440] {strides = array<i32>} : memref<104x128xf32, #tpu.memory_space<vmem>>, vector<1x16xf32>,
      %get3A_442 = vector.shape_cast %get3A_441 : vector<1x16xf32> to vector<16xf32>
      %get3A_443 = arith.constant 99 : i32
      %get3A_444 = arith.index_cast %get3A_443 : i32 to index
      %get3A_445 = arith.constant 16 : index
      %get3A_446 = tpu.vector_load %arg9[%get3A_444, %get3A_445] {strides = array<i32>} : memref<104x128xf32, #tpu.memory_space<vmem>>, vector<1x16xf32>,
      %get3A_447 = vector.shape_cast %get3A_446 : vector<1x16xf32> to vector<16xf32>
      %sub3A_448 = arith.subf %get3A_447, %get3A_442 : vector<16xf32>
      %mul3A_449 = arith.mulf %broadcast_in_dim3A_423, %sub3A_448 : vector<16xf32>
      %add3A_450 = arith.addf %get3A_442, %mul3A_449 : vector<16xf32>
      %add3A_451 = arith.addf %add3A_336, %add3A_450 : vector<16xf32>
      %get3A_452 = arith.constant 99 : i32
      %get3A_453 = arith.index_cast %get3A_452 : i32 to index
      %get3A_454 = arith.constant 32 : index
      %get3A_455 = tpu.vector_load %arg8[%get3A_453, %get3A_454] {strides = array<i32>} : memref<104x128xf32, #tpu.memory_space<vmem>>, vector<1x16xf32>,
      %get3A_456 = vector.shape_cast %get3A_455 : vector<1x16xf32> to vector<16xf32>
      %get3A_457 = arith.constant 99 : i32
      %get3A_458 = arith.index_cast %get3A_457 : i32 to index
      %get3A_459 = arith.constant 32 : index
      %get3A_460 = tpu.vector_load %arg9[%get3A_458, %get3A_459] {strides = array<i32>} : memref<104x128xf32, #tpu.memory_space<vmem>>, vector<1x16xf32>,
      %get3A_461 = vector.shape_cast %get3A_460 : vector<1x16xf32> to vector<16xf32>
      %sub3A_462 = arith.subf %get3A_461, %get3A_456 : vector<16xf32>
      %mul3A_463 = arith.mulf %broadcast_in_dim3A_423, %sub3A_462 : vector<16xf32>
      %add3A_464 = arith.addf %get3A_456, %mul3A_463 : vector<16xf32>
      %add3A_465 = arith.addf %add3A_350, %add3A_464 : vector<16xf32>
      %get3A_466 = arith.constant 99 : i32
      %get3A_467 = arith.index_cast %get3A_466 : i32 to index
      %get3A_468 = arith.constant 48 : index
      %get3A_469 = tpu.vector_load %arg8[%get3A_467, %get3A_468] {strides = array<i32>} : memref<104x128xf32, #tpu.memory_space<vmem>>, vector<1x16xf32>,
      %get3A_470 = vector.shape_cast %get3A_469 : vector<1x16xf32> to vector<16xf32>
      %get3A_471 = arith.constant 99 : i32
      %get3A_472 = arith.index_cast %get3A_471 : i32 to index
      %get3A_473 = arith.constant 48 : index
      %get3A_474 = tpu.vector_load %arg9[%get3A_472, %get3A_473] {strides = array<i32>} : memref<104x128xf32, #tpu.memory_space<vmem>>, vector<1x16xf32>,
      %get3A_475 = vector.shape_cast %get3A_474 : vector<1x16xf32> to vector<16xf32>
      %sub3A_476 = arith.subf %get3A_475, %get3A_470 : vector<16xf32>
      %mul3A_477 = arith.mulf %broadcast_in_dim3A_423, %sub3A_476 : vector<16xf32>
      %add3A_478 = arith.addf %get3A_470, %mul3A_477 : vector<16xf32>
      %add3A_479 = arith.addf %add3A_364, %add3A_478 : vector<16xf32>
      %get3A_480 = arith.constant 99 : i32
      %get3A_481 = arith.index_cast %get3A_480 : i32 to index
      %get3A_482 = arith.constant 64 : index
      %get3A_483 = tpu.vector_load %arg8[%get3A_481, %get3A_482] {strides = array<i32>} : memref<104x128xf32, #tpu.memory_space<vmem>>, vector<1x16xf32>,
      %get3A_484 = vector.shape_cast %get3A_483 : vector<1x16xf32> to vector<16xf32>
      %get3A_485 = arith.constant 99 : i32
      %get3A_486 = arith.index_cast %get3A_485 : i32 to index
      %get3A_487 = arith.constant 64 : index
      %get3A_488 = tpu.vector_load %arg9[%get3A_486, %get3A_487] {strides = array<i32>} : memref<104x128xf32, #tpu.memory_space<vmem>>, vector<1x16xf32>,
      %get3A_489 = vector.shape_cast %get3A_488 : vector<1x16xf32> to vector<16xf32>
      %sub3A_490 = arith.subf %get3A_489, %get3A_484 : vector<16xf32>
      %mul3A_491 = arith.mulf %broadcast_in_dim3A_423, %sub3A_490 : vector<16xf32>
      %add3A_492 = arith.addf %get3A_484, %mul3A_491 : vector<16xf32>
      %add3A_493 = arith.addf %add3A_378, %add3A_492 : vector<16xf32>
      %get3A_494 = arith.constant 99 : i32
      %get3A_495 = arith.index_cast %get3A_494 : i32 to index
      %get3A_496 = arith.constant 80 : index
      %get3A_497 = tpu.vector_load %arg8[%get3A_495, %get3A_496] {strides = array<i32>} : memref<104x128xf32, #tpu.memory_space<vmem>>, vector<1x16xf32>,
      %get3A_498 = vector.shape_cast %get3A_497 : vector<1x16xf32> to vector<16xf32>
      %get3A_499 = arith.constant 99 : i32
      %get3A_500 = arith.index_cast %get3A_499 : i32 to index
      %get3A_501 = arith.constant 80 : index
      %get3A_502 = tpu.vector_load %arg9[%get3A_500, %get3A_501] {strides = array<i32>} : memref<104x128xf32, #tpu.memory_space<vmem>>, vector<1x16xf32>,
      %get3A_503 = vector.shape_cast %get3A_502 : vector<1x16xf32> to vector<16xf32>
      %sub3A_504 = arith.subf %get3A_503, %get3A_498 : vector<16xf32>
      %mul3A_505 = arith.mulf %broadcast_in_dim3A_423, %sub3A_504 : vector<16xf32>
      %add3A_506 = arith.addf %get3A_498, %mul3A_505 : vector<16xf32>
      %add3A_507 = arith.addf %add3A_392, %add3A_506 : vector<16xf32>
      %get3A_508 = arith.constant 99 : i32
      %get3A_509 = arith.index_cast %get3A_508 : i32 to index
      %get3A_510 = arith.constant 96 : index
      %get3A_511 = tpu.vector_load %arg8[%get3A_509, %get3A_510] {strides = array<i32>} : memref<104x128xf32, #tpu.memory_space<vmem>>, vector<1x16xf32>,
      %get3A_512 = vector.shape_cast %get3A_511 : vector<1x16xf32> to vector<16xf32>
      %get3A_513 = arith.constant 99 : i32
      %get3A_514 = arith.index_cast %get3A_513 : i32 to index
      %get3A_515 = arith.constant 96 : index
      %get3A_516 = tpu.vector_load %arg9[%get3A_514, %get3A_515] {strides = array<i32>} : memref<104x128xf32, #tpu.memory_space<vmem>>, vector<1x16xf32>,
      %get3A_517 = vector.shape_cast %get3A_516 : vector<1x16xf32> to vector<16xf32>
      %sub3A_518 = arith.subf %get3A_517, %get3A_512 : vector<16xf32>
      %mul3A_519 = arith.mulf %broadcast_in_dim3A_423, %sub3A_518 : vector<16xf32>
      %add3A_520 = arith.addf %get3A_512, %mul3A_519 : vector<16xf32>
      %add3A_521 = arith.addf %add3A_406, %add3A_520 : vector<16xf32>
      %get3A_522 = arith.constant 99 : i32
      %get3A_523 = arith.index_cast %get3A_522 : i32 to index
      %get3A_524 = arith.constant 112 : index
      %get3A_525 = tpu.vector_load %arg8[%get3A_523, %get3A_524] {strides = array<i32>} : memref<104x128xf32, #tpu.memory_space<vmem>>, vector<1x16xf32>,
      %get3A_526 = vector.shape_cast %get3A_525 : vector<1x16xf32> to vector<16xf32>
      %get3A_527 = arith.constant 99 : i32
      %get3A_528 = arith.index_cast %get3A_527 : i32 to index
      %get3A_529 = arith.constant 112 : index
      %get3A_530 = tpu.vector_load %arg9[%get3A_528, %get3A_529] {strides = array<i32>} : memref<104x128xf32, #tpu.memory_space<vmem>>, vector<1x16xf32>,
      %get3A_531 = vector.shape_cast %get3A_530 : vector<1x16xf32> to vector<16xf32>
      %sub3A_532 = arith.subf %get3A_531, %get3A_526 : vector<16xf32>
      %mul3A_533 = arith.mulf %broadcast_in_dim3A_423, %sub3A_532 : vector<16xf32>
      %add3A_534 = arith.addf %get3A_526, %mul3A_533 : vector<16xf32>
      %add3A_535 = arith.addf %add3A_420, %add3A_534 : vector<16xf32>
      %swap3A = arith.index_cast %mul3A_29 : i32 to index
      %swap3A_536 = arith.constant 0 : index
      %swap3A_537 = tpu.vector_load %arg12[%swap3A, %swap3A_536] {strides = array<i32>} : memref<128x128xf32, #tpu.memory_space<vmem>>, vector<1x16xf32>,
      %swap3A_538 = vector.shape_cast %swap3A_537 : vector<1x16xf32> to vector<16xf32>
      %swap3A_539 = vector.shape_cast %add3A_437 : vector<16xf32> to vector<1x16xf32>
      tpu.vector_store %arg12[%swap3A, %swap3A_536], %swap3A_539 {strides = array<i32>} : memref<128x128xf32, #tpu.memory_space<vmem>>, vector<1x16xf32>,
      %swap3A_540 = arith.index_cast %mul3A_29 : i32 to index
      %swap3A_541 = arith.constant 16 : index
      %swap3A_542 = tpu.vector_load %arg12[%swap3A_540, %swap3A_541] {strides = array<i32>} : memref<128x128xf32, #tpu.memory_space<vmem>>, vector<1x16xf32>,
      %swap3A_543 = vector.shape_cast %swap3A_542 : vector<1x16xf32> to vector<16xf32>
      %swap3A_544 = vector.shape_cast %add3A_451 : vector<16xf32> to vector<1x16xf32>
      tpu.vector_store %arg12[%swap3A_540, %swap3A_541], %swap3A_544 {strides = array<i32>} : memref<128x128xf32, #tpu.memory_space<vmem>>, vector<1x16xf32>,
      %swap3A_545 = arith.index_cast %mul3A_29 : i32 to index
      %swap3A_546 = arith.constant 32 : index
      %swap3A_547 = tpu.vector_load %arg12[%swap3A_545, %swap3A_546] {strides = array<i32>} : memref<128x128xf32, #tpu.memory_space<vmem>>, vector<1x16xf32>,
      %swap3A_548 = vector.shape_cast %swap3A_547 : vector<1x16xf32> to vector<16xf32>
      %swap3A_549 = vector.shape_cast %add3A_465 : vector<16xf32> to vector<1x16xf32>
      tpu.vector_store %arg12[%swap3A_545, %swap3A_546], %swap3A_549 {strides = array<i32>} : memref<128x128xf32, #tpu.memory_space<vmem>>, vector<1x16xf32>,
      %swap3A_550 = arith.index_cast %mul3A_29 : i32 to index
      %swap3A_551 = arith.constant 48 : index
      %swap3A_552 = tpu.vector_load %arg12[%swap3A_550, %swap3A_551] {strides = array<i32>} : memref<128x128xf32, #tpu.memory_space<vmem>>, vector<1x16xf32>,
      %swap3A_553 = vector.shape_cast %swap3A_552 : vector<1x16xf32> to vector<16xf32>
      %swap3A_554 = vector.shape_cast %add3A_479 : vector<16xf32> to vector<1x16xf32>
      tpu.vector_store %arg12[%swap3A_550, %swap3A_551], %swap3A_554 {strides = array<i32>} : memref<128x128xf32, #tpu.memory_space<vmem>>, vector<1x16xf32>,
      %swap3A_555 = arith.index_cast %mul3A_29 : i32 to index
      %swap3A_556 = arith.constant 64 : index
      %swap3A_557 = tpu.vector_load %arg12[%swap3A_555, %swap3A_556] {strides = array<i32>} : memref<128x128xf32, #tpu.memory_space<vmem>>, vector<1x16xf32>,
      %swap3A_558 = vector.shape_cast %swap3A_557 : vector<1x16xf32> to vector<16xf32>
      %swap3A_559 = vector.shape_cast %add3A_493 : vector<16xf32> to vector<1x16xf32>
      tpu.vector_store %arg12[%swap3A_555, %swap3A_556], %swap3A_559 {strides = array<i32>} : memref<128x128xf32, #tpu.memory_space<vmem>>, vector<1x16xf32>,
      %swap3A_560 = arith.index_cast %mul3A_29 : i32 to index
      %swap3A_561 = arith.constant 80 : index
      %swap3A_562 = tpu.vector_load %arg12[%swap3A_560, %swap3A_561] {strides = array<i32>} : memref<128x128xf32, #tpu.memory_space<vmem>>, vector<1x16xf32>,
      %swap3A_563 = vector.shape_cast %swap3A_562 : vector<1x16xf32> to vector<16xf32>
      %swap3A_564 = vector.shape_cast %add3A_507 : vector<16xf32> to vector<1x16xf32>
      tpu.vector_store %arg12[%swap3A_560, %swap3A_561], %swap3A_564 {strides = array<i32>} : memref<128x128xf32, #tpu.memory_space<vmem>>, vector<1x16xf32>,
      %swap3A_565 = arith.index_cast %mul3A_29 : i32 to index
      %swap3A_566 = arith.constant 96 : index
      %swap3A_567 = tpu.vector_load %arg12[%swap3A_565, %swap3A_566] {strides = array<i32>} : memref<128x128xf32, #tpu.memory_space<vmem>>, vector<1x16xf32>,
      %swap3A_568 = vector.shape_cast %swap3A_567 : vector<1x16xf32> to vector<16xf32>
      %swap3A_569 = vector.shape_cast %add3A_521 : vector<16xf32> to vector<1x16xf32>
      tpu.vector_store %arg12[%swap3A_565, %swap3A_566], %swap3A_569 {strides = array<i32>} : memref<128x128xf32, #tpu.memory_space<vmem>>, vector<1x16xf32>,
      %swap3A_570 = arith.index_cast %mul3A_29 : i32 to index
      %swap3A_571 = arith.constant 112 : index
      %swap3A_572 = tpu.vector_load %arg12[%swap3A_570, %swap3A_571] {strides = array<i32>} : memref<128x128xf32, #tpu.memory_space<vmem>>, vector<1x16xf32>,
      %swap3A_573 = vector.shape_cast %swap3A_572 : vector<1x16xf32> to vector<16xf32>
      %swap3A_574 = vector.shape_cast %add3A_535 : vector<16xf32> to vector<1x16xf32>
      tpu.vector_store %arg12[%swap3A_570, %swap3A_571], %swap3A_574 {strides = array<i32>} : memref<128x128xf32, #tpu.memory_space<vmem>>, vector<1x16xf32>,
      %add3A_575 = arith.constant 2 : i32
      %add3A_576 = arith.addi %mul3A_29, %add3A_575 : i32
      %lt3A = arith.constant 128 : i32
      %lt3A_577 = arith.cmpi slt, %add3A_576, %lt3A : i32
      %convert_element_type3A = arith.extui %lt3A_577 : i1 to i32
      %cond3A = arith.constant 0 : i32
      %cond3A_578 = arith.cmpi ne, %convert_element_type3A, %cond3A : i32
      scf.if %cond3A_578 {
        %add3A_1119 = arith.constant 2 : i32
        %add3A_1120 = arith.addi %mul3A_29, %add3A_1119 : i32
        %dma_start3A_1121 = arith.constant 0 : i32
        %dma_start3A_1122 = tpu.memref_slice %arg5[%add3A_1120, %dma_start3A_1121] : memref<128x112xi32, #tpu.memory_space<vmem>> -> memref<1x104xi32, #tpu.memory_space<vmem>>
        %dma_start3A_1123 = tpu.memref_squeeze %dma_start3A_1122 : memref<1x104xi32, #tpu.memory_space<vmem>> -> memref<104xi32, #tpu.memory_space<vmem>>
        %dma_start3A_1124 = arith.constant 0 : i32
        %dma_start3A_1125 = arith.constant 0 : i32
        %dma_start3A_1126 = tpu.memref_slice %arg3[%dma_start3A_1124, %dma_start3A_1125] : memref<100000x128xf32, #tpu.memory_space<hbm>> -> memref<100000x128xf32, #tpu.memory_space<hbm>>
        tpu.enqueue_indirect_dma source(%dma_start3A_1126 : memref<100000x128xf32, #tpu.memory_space<hbm>>) target(%arg8 : memref<104x128xf32, #tpu.memory_space<vmem>>) offsets(%dma_start3A_1123 : memref<104xi32, #tpu.memory_space<vmem>>) semaphore(%arg13 : memref<!tpu.dma_semaphore, #tpu.memory_space<semaphore_mem>>)
        %dma_start3A_1127 = arith.constant 0 : i32
        %dma_start3A_1128 = tpu.memref_slice %arg6[%add3A_1120, %dma_start3A_1127] : memref<128x112xi32, #tpu.memory_space<vmem>> -> memref<1x104xi32, #tpu.memory_space<vmem>>
        %dma_start3A_1129 = tpu.memref_squeeze %dma_start3A_1128 : memref<1x104xi32, #tpu.memory_space<vmem>> -> memref<104xi32, #tpu.memory_space<vmem>>
        %dma_start3A_1130 = arith.constant 0 : i32
        %dma_start3A_1131 = arith.constant 0 : i32
        %dma_start3A_1132 = tpu.memref_slice %arg3[%dma_start3A_1130, %dma_start3A_1131] : memref<100000x128xf32, #tpu.memory_space<hbm>> -> memref<100000x128xf32, #tpu.memory_space<hbm>>
        tpu.enqueue_indirect_dma source(%dma_start3A_1132 : memref<100000x128xf32, #tpu.memory_space<hbm>>) target(%arg9 : memref<104x128xf32, #tpu.memory_space<vmem>>) offsets(%dma_start3A_1129 : memref<104xi32, #tpu.memory_space<vmem>>) semaphore(%arg14 : memref<!tpu.dma_semaphore, #tpu.memory_space<semaphore_mem>>)
      } else {
      }
      %dma_wait3A_579 = arith.constant 0 : i32
      %dma_wait3A_580 = arith.constant 0 : i32
      %dma_wait3A_581 = tpu.memref_slice %arg3[%dma_wait3A_579, %dma_wait3A_580] : memref<100000x128xf32, #tpu.memory_space<hbm>> -> memref<104x128xf32, #tpu.memory_space<hbm>>
      %dma_wait3A_582 = arith.constant 0 : i32
      %dma_wait3A_583 = arith.constant 0 : i32
      %dma_wait3A_584 = tpu.memref_slice %arg3[%dma_wait3A_582, %dma_wait3A_583] : memref<100000x128xf32, #tpu.memory_space<hbm>> -> memref<104x128xf32, #tpu.memory_space<hbm>>
      tpu.wait_dma2 semaphore(%arg15 : memref<!tpu.dma_semaphore, #tpu.memory_space<semaphore_mem>>) src(%dma_wait3A_584 : memref<104x128xf32, #tpu.memory_space<hbm>>) dst(%arg10 : memref<104x128xf32, #tpu.memory_space<vmem>>)
      %dma_wait3A_585 = arith.constant 0 : i32
      %dma_wait3A_586 = arith.constant 0 : i32
      %dma_wait3A_587 = tpu.memref_slice %arg3[%dma_wait3A_585, %dma_wait3A_586] : memref<100000x128xf32, #tpu.memory_space<hbm>> -> memref<104x128xf32, #tpu.memory_space<hbm>>
      %dma_wait3A_588 = arith.constant 0 : i32
      %dma_wait3A_589 = arith.constant 0 : i32
      %dma_wait3A_590 = tpu.memref_slice %arg3[%dma_wait3A_588, %dma_wait3A_589] : memref<100000x128xf32, #tpu.memory_space<hbm>> -> memref<104x128xf32, #tpu.memory_space<hbm>>
      tpu.wait_dma2 semaphore(%arg16 : memref<!tpu.dma_semaphore, #tpu.memory_space<semaphore_mem>>) src(%dma_wait3A_590 : memref<104x128xf32, #tpu.memory_space<hbm>>) dst(%arg11 : memref<104x128xf32, #tpu.memory_space<vmem>>)
      %add3A_591 = arith.constant 1 : i32
      %add3A_592 = arith.addi %mul3A_29, %add3A_591 : i32
      %broadcast_in_dim3A_593 = arith.constant 0.000000e+00 : f32
      %broadcast_in_dim3A_594 = vector.broadcast %broadcast_in_dim3A_593 : f32 to vector<16xf32>
      %broadcast_in_dim3A_595 = arith.constant 0.000000e+00 : f32
      %broadcast_in_dim3A_596 = vector.broadcast %broadcast_in_dim3A_595 : f32 to vector<16xf32>
      %broadcast_in_dim3A_597 = arith.constant 0.000000e+00 : f32
      %broadcast_in_dim3A_598 = vector.broadcast %broadcast_in_dim3A_597 : f32 to vector<16xf32>
      %broadcast_in_dim3A_599 = arith.constant 0.000000e+00 : f32
      %broadcast_in_dim3A_600 = vector.broadcast %broadcast_in_dim3A_599 : f32 to vector<16xf32>
      %broadcast_in_dim3A_601 = arith.constant 0.000000e+00 : f32
      %broadcast_in_dim3A_602 = vector.broadcast %broadcast_in_dim3A_601 : f32 to vector<16xf32>
      %broadcast_in_dim3A_603 = arith.constant 0.000000e+00 : f32
      %broadcast_in_dim3A_604 = vector.broadcast %broadcast_in_dim3A_603 : f32 to vector<16xf32>
      %broadcast_in_dim3A_605 = arith.constant 0.000000e+00 : f32
      %broadcast_in_dim3A_606 = vector.broadcast %broadcast_in_dim3A_605 : f32 to vector<16xf32>
      %broadcast_in_dim3A_607 = arith.constant 0.000000e+00 : f32
      %broadcast_in_dim3A_608 = vector.broadcast %broadcast_in_dim3A_607 : f32 to vector<16xf32>
      %scan3A_609 = arith.constant 0 : i32
      %scan3A_610 = arith.constant 6 : i32
      %scan3A_611 = arith.addi %scan3A_609, %scan3A_610 : i32
      %scan3A_612 = arith.constant 1 : i32
      %scan3A_613:8 = scf.for %scan3A_1119 = %scan3A_609 to %scan3A_611 step %scan3A_612 iter_args(%scan3A_1120 = %broadcast_in_dim3A_594, %scan3A_1121 = %broadcast_in_dim3A_596, %scan3A_1122 = %broadcast_in_dim3A_598, %scan3A_1123 = %broadcast_in_dim3A_600, %scan3A_1124 = %broadcast_in_dim3A_602, %scan3A_1125 = %broadcast_in_dim3A_604, %scan3A_1126 = %broadcast_in_dim3A_606, %scan3A_1127 = %broadcast_in_dim3A_608) -> (vector<16xf32>, vector<16xf32>, vector<16xf32>, vector<16xf32>, vector<16xf32>, vector<16xf32>, vector<16xf32>, vector<16xf32>)  : i32 {
        %mul3A_1128 = arith.constant 16 : i32
        %mul3A_1129 = arith.muli %scan3A_1119, %mul3A_1128 : i32
        %get3A_1130 = arith.index_cast %add3A_592 : i32 to index
        %get3A_1131 = arith.index_cast %mul3A_1129 : i32 to index
        %get3A_1132 = tpu.vector_load %arg7[%get3A_1130, %get3A_1131] {strides = array<i32>} : memref<128x112xf32, #tpu.memory_space<vmem>>, vector<1x16xf32>,
        %get3A_1133 = vector.shape_cast %get3A_1132 : vector<1x16xf32> to vector<16xf32>
        %mul3A_1134 = arith.constant 16 : i32
        %mul3A_1135 = arith.muli %scan3A_1119, %mul3A_1134 : i32
        %add3A_1136 = arith.constant 0 : i32
        %add3A_1137 = arith.addi %mul3A_1135, %add3A_1136 : i32
        %slice3A_1138 = vector.extract_strided_slice %get3A_1133 {offsets = [0], sizes = [1], strides = [1]} : vector<16xf32> to vector<1xf32>
        %squeeze3A_1139 = vector.extract %slice3A_1138[0] : f32 from vector<1xf32>
        %broadcast_in_dim3A_1140 = vector.broadcast %squeeze3A_1139 : f32 to vector<16xf32>
        %get3A_1141 = arith.index_cast %add3A_1137 : i32 to index
        %get3A_1142 = arith.constant 0 : index
        %get3A_1143 = tpu.vector_load %arg10[%get3A_1141, %get3A_1142] {strides = array<i32>} : memref<104x128xf32, #tpu.memory_space<vmem>>, vector<1x16xf32>,
        %get3A_1144 = vector.shape_cast %get3A_1143 : vector<1x16xf32> to vector<16xf32>
        %get3A_1145 = arith.index_cast %add3A_1137 : i32 to index
        %get3A_1146 = arith.constant 0 : index
        %get3A_1147 = tpu.vector_load %arg11[%get3A_1145, %get3A_1146] {strides = array<i32>} : memref<104x128xf32, #tpu.memory_space<vmem>>, vector<1x16xf32>,
        %get3A_1148 = vector.shape_cast %get3A_1147 : vector<1x16xf32> to vector<16xf32>
        %sub3A_1149 = arith.subf %get3A_1148, %get3A_1144 : vector<16xf32>
        %mul3A_1150 = arith.mulf %broadcast_in_dim3A_1140, %sub3A_1149 : vector<16xf32>
        %add3A_1151 = arith.addf %get3A_1144, %mul3A_1150 : vector<16xf32>
        %add3A_1152 = arith.addf %scan3A_1120, %add3A_1151 : vector<16xf32>
        %get3A_1153 = arith.index_cast %add3A_1137 : i32 to index
        %get3A_1154 = arith.constant 16 : index
        %get3A_1155 = tpu.vector_load %arg10[%get3A_1153, %get3A_1154] {strides = array<i32>} : memref<104x128xf32, #tpu.memory_space<vmem>>, vector<1x16xf32>,
        %get3A_1156 = vector.shape_cast %get3A_1155 : vector<1x16xf32> to vector<16xf32>
        %get3A_1157 = arith.index_cast %add3A_1137 : i32 to index
        %get3A_1158 = arith.constant 16 : index
        %get3A_1159 = tpu.vector_load %arg11[%get3A_1157, %get3A_1158] {strides = array<i32>} : memref<104x128xf32, #tpu.memory_space<vmem>>, vector<1x16xf32>,
        %get3A_1160 = vector.shape_cast %get3A_1159 : vector<1x16xf32> to vector<16xf32>
        %sub3A_1161 = arith.subf %get3A_1160, %get3A_1156 : vector<16xf32>
        %mul3A_1162 = arith.mulf %broadcast_in_dim3A_1140, %sub3A_1161 : vector<16xf32>
        %add3A_1163 = arith.addf %get3A_1156, %mul3A_1162 : vector<16xf32>
        %add3A_1164 = arith.addf %scan3A_1121, %add3A_1163 : vector<16xf32>
        %get3A_1165 = arith.index_cast %add3A_1137 : i32 to index
        %get3A_1166 = arith.constant 32 : index
        %get3A_1167 = tpu.vector_load %arg10[%get3A_1165, %get3A_1166] {strides = array<i32>} : memref<104x128xf32, #tpu.memory_space<vmem>>, vector<1x16xf32>,
        %get3A_1168 = vector.shape_cast %get3A_1167 : vector<1x16xf32> to vector<16xf32>
        %get3A_1169 = arith.index_cast %add3A_1137 : i32 to index
        %get3A_1170 = arith.constant 32 : index
        %get3A_1171 = tpu.vector_load %arg11[%get3A_1169, %get3A_1170] {strides = array<i32>} : memref<104x128xf32, #tpu.memory_space<vmem>>, vector<1x16xf32>,
        %get3A_1172 = vector.shape_cast %get3A_1171 : vector<1x16xf32> to vector<16xf32>
        %sub3A_1173 = arith.subf %get3A_1172, %get3A_1168 : vector<16xf32>
        %mul3A_1174 = arith.mulf %broadcast_in_dim3A_1140, %sub3A_1173 : vector<16xf32>
        %add3A_1175 = arith.addf %get3A_1168, %mul3A_1174 : vector<16xf32>
        %add3A_1176 = arith.addf %scan3A_1122, %add3A_1175 : vector<16xf32>
        %get3A_1177 = arith.index_cast %add3A_1137 : i32 to index
        %get3A_1178 = arith.constant 48 : index
        %get3A_1179 = tpu.vector_load %arg10[%get3A_1177, %get3A_1178] {strides = array<i32>} : memref<104x128xf32, #tpu.memory_space<vmem>>, vector<1x16xf32>,
        %get3A_1180 = vector.shape_cast %get3A_1179 : vector<1x16xf32> to vector<16xf32>
        %get3A_1181 = arith.index_cast %add3A_1137 : i32 to index
        %get3A_1182 = arith.constant 48 : index
        %get3A_1183 = tpu.vector_load %arg11[%get3A_1181, %get3A_1182] {strides = array<i32>} : memref<104x128xf32, #tpu.memory_space<vmem>>, vector<1x16xf32>,
        %get3A_1184 = vector.shape_cast %get3A_1183 : vector<1x16xf32> to vector<16xf32>
        %sub3A_1185 = arith.subf %get3A_1184, %get3A_1180 : vector<16xf32>
        %mul3A_1186 = arith.mulf %broadcast_in_dim3A_1140, %sub3A_1185 : vector<16xf32>
        %add3A_1187 = arith.addf %get3A_1180, %mul3A_1186 : vector<16xf32>
        %add3A_1188 = arith.addf %scan3A_1123, %add3A_1187 : vector<16xf32>
        %get3A_1189 = arith.index_cast %add3A_1137 : i32 to index
        %get3A_1190 = arith.constant 64 : index
        %get3A_1191 = tpu.vector_load %arg10[%get3A_1189, %get3A_1190] {strides = array<i32>} : memref<104x128xf32, #tpu.memory_space<vmem>>, vector<1x16xf32>,
        %get3A_1192 = vector.shape_cast %get3A_1191 : vector<1x16xf32> to vector<16xf32>
        %get3A_1193 = arith.index_cast %add3A_1137 : i32 to index
        %get3A_1194 = arith.constant 64 : index
        %get3A_1195 = tpu.vector_load %arg11[%get3A_1193, %get3A_1194] {strides = array<i32>} : memref<104x128xf32, #tpu.memory_space<vmem>>, vector<1x16xf32>,
        %get3A_1196 = vector.shape_cast %get3A_1195 : vector<1x16xf32> to vector<16xf32>
        %sub3A_1197 = arith.subf %get3A_1196, %get3A_1192 : vector<16xf32>
        %mul3A_1198 = arith.mulf %broadcast_in_dim3A_1140, %sub3A_1197 : vector<16xf32>
        %add3A_1199 = arith.addf %get3A_1192, %mul3A_1198 : vector<16xf32>
        %add3A_1200 = arith.addf %scan3A_1124, %add3A_1199 : vector<16xf32>
        %get3A_1201 = arith.index_cast %add3A_1137 : i32 to index
        %get3A_1202 = arith.constant 80 : index
        %get3A_1203 = tpu.vector_load %arg10[%get3A_1201, %get3A_1202] {strides = array<i32>} : memref<104x128xf32, #tpu.memory_space<vmem>>, vector<1x16xf32>,
        %get3A_1204 = vector.shape_cast %get3A_1203 : vector<1x16xf32> to vector<16xf32>
        %get3A_1205 = arith.index_cast %add3A_1137 : i32 to index
        %get3A_1206 = arith.constant 80 : index
        %get3A_1207 = tpu.vector_load %arg11[%get3A_1205, %get3A_1206] {strides = array<i32>} : memref<104x128xf32, #tpu.memory_space<vmem>>, vector<1x16xf32>,
        %get3A_1208 = vector.shape_cast %get3A_1207 : vector<1x16xf32> to vector<16xf32>
        %sub3A_1209 = arith.subf %get3A_1208, %get3A_1204 : vector<16xf32>
        %mul3A_1210 = arith.mulf %broadcast_in_dim3A_1140, %sub3A_1209 : vector<16xf32>
        %add3A_1211 = arith.addf %get3A_1204, %mul3A_1210 : vector<16xf32>
        %add3A_1212 = arith.addf %scan3A_1125, %add3A_1211 : vector<16xf32>
        %get3A_1213 = arith.index_cast %add3A_1137 : i32 to index
        %get3A_1214 = arith.constant 96 : index
        %get3A_1215 = tpu.vector_load %arg10[%get3A_1213, %get3A_1214] {strides = array<i32>} : memref<104x128xf32, #tpu.memory_space<vmem>>, vector<1x16xf32>,
        %get3A_1216 = vector.shape_cast %get3A_1215 : vector<1x16xf32> to vector<16xf32>
        %get3A_1217 = arith.index_cast %add3A_1137 : i32 to index
        %get3A_1218 = arith.constant 96 : index
        %get3A_1219 = tpu.vector_load %arg11[%get3A_1217, %get3A_1218] {strides = array<i32>} : memref<104x128xf32, #tpu.memory_space<vmem>>, vector<1x16xf32>,
        %get3A_1220 = vector.shape_cast %get3A_1219 : vector<1x16xf32> to vector<16xf32>
        %sub3A_1221 = arith.subf %get3A_1220, %get3A_1216 : vector<16xf32>
        %mul3A_1222 = arith.mulf %broadcast_in_dim3A_1140, %sub3A_1221 : vector<16xf32>
        %add3A_1223 = arith.addf %get3A_1216, %mul3A_1222 : vector<16xf32>
        %add3A_1224 = arith.addf %scan3A_1126, %add3A_1223 : vector<16xf32>
        %get3A_1225 = arith.index_cast %add3A_1137 : i32 to index
        %get3A_1226 = arith.constant 112 : index
        %get3A_1227 = tpu.vector_load %arg10[%get3A_1225, %get3A_1226] {strides = array<i32>} : memref<104x128xf32, #tpu.memory_space<vmem>>, vector<1x16xf32>,
        %get3A_1228 = vector.shape_cast %get3A_1227 : vector<1x16xf32> to vector<16xf32>
        %get3A_1229 = arith.index_cast %add3A_1137 : i32 to index
        %get3A_1230 = arith.constant 112 : index
        %get3A_1231 = tpu.vector_load %arg11[%get3A_1229, %get3A_1230] {strides = array<i32>} : memref<104x128xf32, #tpu.memory_space<vmem>>, vector<1x16xf32>,
        %get3A_1232 = vector.shape_cast %get3A_1231 : vector<1x16xf32> to vector<16xf32>
        %sub3A_1233 = arith.subf %get3A_1232, %get3A_1228 : vector<16xf32>
        %mul3A_1234 = arith.mulf %broadcast_in_dim3A_1140, %sub3A_1233 : vector<16xf32>
        %add3A_1235 = arith.addf %get3A_1228, %mul3A_1234 : vector<16xf32>
        %add3A_1236 = arith.addf %scan3A_1127, %add3A_1235 : vector<16xf32>
        %mul3A_1237 = arith.constant 16 : i32
        %mul3A_1238 = arith.muli %scan3A_1119, %mul3A_1237 : i32
        %add3A_1239 = arith.constant 1 : i32
        %add3A_1240 = arith.addi %mul3A_1238, %add3A_1239 : i32
        %slice3A_1241 = vector.extract_strided_slice %get3A_1133 {offsets = [1], sizes = [1], strides = [1]} : vector<16xf32> to vector<1xf32>
        %squeeze3A_1242 = vector.extract %slice3A_1241[0] : f32 from vector<1xf32>
        %broadcast_in_dim3A_1243 = vector.broadcast %squeeze3A_1242 : f32 to vector<16xf32>
        %get3A_1244 = arith.index_cast %add3A_1240 : i32 to index
        %get3A_1245 = arith.constant 0 : index
        %get3A_1246 = tpu.vector_load %arg10[%get3A_1244, %get3A_1245] {strides = array<i32>} : memref<104x128xf32, #tpu.memory_space<vmem>>, vector<1x16xf32>,
        %get3A_1247 = vector.shape_cast %get3A_1246 : vector<1x16xf32> to vector<16xf32>
        %get3A_1248 = arith.index_cast %add3A_1240 : i32 to index
        %get3A_1249 = arith.constant 0 : index
        %get3A_1250 = tpu.vector_load %arg11[%get3A_1248, %get3A_1249] {strides = array<i32>} : memref<104x128xf32, #tpu.memory_space<vmem>>, vector<1x16xf32>,
        %get3A_1251 = vector.shape_cast %get3A_1250 : vector<1x16xf32> to vector<16xf32>
        %sub3A_1252 = arith.subf %get3A_1251, %get3A_1247 : vector<16xf32>
        %mul3A_1253 = arith.mulf %broadcast_in_dim3A_1243, %sub3A_1252 : vector<16xf32>
        %add3A_1254 = arith.addf %get3A_1247, %mul3A_1253 : vector<16xf32>
        %add3A_1255 = arith.addf %add3A_1152, %add3A_1254 : vector<16xf32>
        %get3A_1256 = arith.index_cast %add3A_1240 : i32 to index
        %get3A_1257 = arith.constant 16 : index
        %get3A_1258 = tpu.vector_load %arg10[%get3A_1256, %get3A_1257] {strides = array<i32>} : memref<104x128xf32, #tpu.memory_space<vmem>>, vector<1x16xf32>,
        %get3A_1259 = vector.shape_cast %get3A_1258 : vector<1x16xf32> to vector<16xf32>
        %get3A_1260 = arith.index_cast %add3A_1240 : i32 to index
        %get3A_1261 = arith.constant 16 : index
        %get3A_1262 = tpu.vector_load %arg11[%get3A_1260, %get3A_1261] {strides = array<i32>} : memref<104x128xf32, #tpu.memory_space<vmem>>, vector<1x16xf32>,
        %get3A_1263 = vector.shape_cast %get3A_1262 : vector<1x16xf32> to vector<16xf32>
        %sub3A_1264 = arith.subf %get3A_1263, %get3A_1259 : vector<16xf32>
        %mul3A_1265 = arith.mulf %broadcast_in_dim3A_1243, %sub3A_1264 : vector<16xf32>
        %add3A_1266 = arith.addf %get3A_1259, %mul3A_1265 : vector<16xf32>
        %add3A_1267 = arith.addf %add3A_1164, %add3A_1266 : vector<16xf32>
        %get3A_1268 = arith.index_cast %add3A_1240 : i32 to index
        %get3A_1269 = arith.constant 32 : index
        %get3A_1270 = tpu.vector_load %arg10[%get3A_1268, %get3A_1269] {strides = array<i32>} : memref<104x128xf32, #tpu.memory_space<vmem>>, vector<1x16xf32>,
        %get3A_1271 = vector.shape_cast %get3A_1270 : vector<1x16xf32> to vector<16xf32>
        %get3A_1272 = arith.index_cast %add3A_1240 : i32 to index
        %get3A_1273 = arith.constant 32 : index
        %get3A_1274 = tpu.vector_load %arg11[%get3A_1272, %get3A_1273] {strides = array<i32>} : memref<104x128xf32, #tpu.memory_space<vmem>>, vector<1x16xf32>,
        %get3A_1275 = vector.shape_cast %get3A_1274 : vector<1x16xf32> to vector<16xf32>
        %sub3A_1276 = arith.subf %get3A_1275, %get3A_1271 : vector<16xf32>
        %mul3A_1277 = arith.mulf %broadcast_in_dim3A_1243, %sub3A_1276 : vector<16xf32>
        %add3A_1278 = arith.addf %get3A_1271, %mul3A_1277 : vector<16xf32>
        %add3A_1279 = arith.addf %add3A_1176, %add3A_1278 : vector<16xf32>
        %get3A_1280 = arith.index_cast %add3A_1240 : i32 to index
        %get3A_1281 = arith.constant 48 : index
        %get3A_1282 = tpu.vector_load %arg10[%get3A_1280, %get3A_1281] {strides = array<i32>} : memref<104x128xf32, #tpu.memory_space<vmem>>, vector<1x16xf32>,
        %get3A_1283 = vector.shape_cast %get3A_1282 : vector<1x16xf32> to vector<16xf32>
        %get3A_1284 = arith.index_cast %add3A_1240 : i32 to index
        %get3A_1285 = arith.constant 48 : index
        %get3A_1286 = tpu.vector_load %arg11[%get3A_1284, %get3A_1285] {strides = array<i32>} : memref<104x128xf32, #tpu.memory_space<vmem>>, vector<1x16xf32>,
        %get3A_1287 = vector.shape_cast %get3A_1286 : vector<1x16xf32> to vector<16xf32>
        %sub3A_1288 = arith.subf %get3A_1287, %get3A_1283 : vector<16xf32>
        %mul3A_1289 = arith.mulf %broadcast_in_dim3A_1243, %sub3A_1288 : vector<16xf32>
        %add3A_1290 = arith.addf %get3A_1283, %mul3A_1289 : vector<16xf32>
        %add3A_1291 = arith.addf %add3A_1188, %add3A_1290 : vector<16xf32>
        %get3A_1292 = arith.index_cast %add3A_1240 : i32 to index
        %get3A_1293 = arith.constant 64 : index
        %get3A_1294 = tpu.vector_load %arg10[%get3A_1292, %get3A_1293] {strides = array<i32>} : memref<104x128xf32, #tpu.memory_space<vmem>>, vector<1x16xf32>,
        %get3A_1295 = vector.shape_cast %get3A_1294 : vector<1x16xf32> to vector<16xf32>
        %get3A_1296 = arith.index_cast %add3A_1240 : i32 to index
        %get3A_1297 = arith.constant 64 : index
        %get3A_1298 = tpu.vector_load %arg11[%get3A_1296, %get3A_1297] {strides = array<i32>} : memref<104x128xf32, #tpu.memory_space<vmem>>, vector<1x16xf32>,
        %get3A_1299 = vector.shape_cast %get3A_1298 : vector<1x16xf32> to vector<16xf32>
        %sub3A_1300 = arith.subf %get3A_1299, %get3A_1295 : vector<16xf32>
        %mul3A_1301 = arith.mulf %broadcast_in_dim3A_1243, %sub3A_1300 : vector<16xf32>
        %add3A_1302 = arith.addf %get3A_1295, %mul3A_1301 : vector<16xf32>
        %add3A_1303 = arith.addf %add3A_1200, %add3A_1302 : vector<16xf32>
        %get3A_1304 = arith.index_cast %add3A_1240 : i32 to index
        %get3A_1305 = arith.constant 80 : index
        %get3A_1306 = tpu.vector_load %arg10[%get3A_1304, %get3A_1305] {strides = array<i32>} : memref<104x128xf32, #tpu.memory_space<vmem>>, vector<1x16xf32>,
        %get3A_1307 = vector.shape_cast %get3A_1306 : vector<1x16xf32> to vector<16xf32>
        %get3A_1308 = arith.index_cast %add3A_1240 : i32 to index
        %get3A_1309 = arith.constant 80 : index
        %get3A_1310 = tpu.vector_load %arg11[%get3A_1308, %get3A_1309] {strides = array<i32>} : memref<104x128xf32, #tpu.memory_space<vmem>>, vector<1x16xf32>,
        %get3A_1311 = vector.shape_cast %get3A_1310 : vector<1x16xf32> to vector<16xf32>
        %sub3A_1312 = arith.subf %get3A_1311, %get3A_1307 : vector<16xf32>
        %mul3A_1313 = arith.mulf %broadcast_in_dim3A_1243, %sub3A_1312 : vector<16xf32>
        %add3A_1314 = arith.addf %get3A_1307, %mul3A_1313 : vector<16xf32>
        %add3A_1315 = arith.addf %add3A_1212, %add3A_1314 : vector<16xf32>
        %get3A_1316 = arith.index_cast %add3A_1240 : i32 to index
        %get3A_1317 = arith.constant 96 : index
        %get3A_1318 = tpu.vector_load %arg10[%get3A_1316, %get3A_1317] {strides = array<i32>} : memref<104x128xf32, #tpu.memory_space<vmem>>, vector<1x16xf32>,
        %get3A_1319 = vector.shape_cast %get3A_1318 : vector<1x16xf32> to vector<16xf32>
        %get3A_1320 = arith.index_cast %add3A_1240 : i32 to index
        %get3A_1321 = arith.constant 96 : index
        %get3A_1322 = tpu.vector_load %arg11[%get3A_1320, %get3A_1321] {strides = array<i32>} : memref<104x128xf32, #tpu.memory_space<vmem>>, vector<1x16xf32>,
        %get3A_1323 = vector.shape_cast %get3A_1322 : vector<1x16xf32> to vector<16xf32>
        %sub3A_1324 = arith.subf %get3A_1323, %get3A_1319 : vector<16xf32>
        %mul3A_1325 = arith.mulf %broadcast_in_dim3A_1243, %sub3A_1324 : vector<16xf32>
        %add3A_1326 = arith.addf %get3A_1319, %mul3A_1325 : vector<16xf32>
        %add3A_1327 = arith.addf %add3A_1224, %add3A_1326 : vector<16xf32>
        %get3A_1328 = arith.index_cast %add3A_1240 : i32 to index
        %get3A_1329 = arith.constant 112 : index
        %get3A_1330 = tpu.vector_load %arg10[%get3A_1328, %get3A_1329] {strides = array<i32>} : memref<104x128xf32, #tpu.memory_space<vmem>>, vector<1x16xf32>,
        %get3A_1331 = vector.shape_cast %get3A_1330 : vector<1x16xf32> to vector<16xf32>
        %get3A_1332 = arith.index_cast %add3A_1240 : i32 to index
        %get3A_1333 = arith.constant 112 : index
        %get3A_1334 = tpu.vector_load %arg11[%get3A_1332, %get3A_1333] {strides = array<i32>} : memref<104x128xf32, #tpu.memory_space<vmem>>, vector<1x16xf32>,
        %get3A_1335 = vector.shape_cast %get3A_1334 : vector<1x16xf32> to vector<16xf32>
        %sub3A_1336 = arith.subf %get3A_1335, %get3A_1331 : vector<16xf32>
        %mul3A_1337 = arith.mulf %broadcast_in_dim3A_1243, %sub3A_1336 : vector<16xf32>
        %add3A_1338 = arith.addf %get3A_1331, %mul3A_1337 : vector<16xf32>
        %add3A_1339 = arith.addf %add3A_1236, %add3A_1338 : vector<16xf32>
        %mul3A_1340 = arith.constant 16 : i32
        %mul3A_1341 = arith.muli %scan3A_1119, %mul3A_1340 : i32
        %add3A_1342 = arith.constant 2 : i32
        %add3A_1343 = arith.addi %mul3A_1341, %add3A_1342 : i32
        %slice3A_1344 = vector.extract_strided_slice %get3A_1133 {offsets = [2], sizes = [1], strides = [1]} : vector<16xf32> to vector<1xf32>
        %squeeze3A_1345 = vector.extract %slice3A_1344[0] : f32 from vector<1xf32>
        %broadcast_in_dim3A_1346 = vector.broadcast %squeeze3A_1345 : f32 to vector<16xf32>
        %get3A_1347 = arith.index_cast %add3A_1343 : i32 to index
        %get3A_1348 = arith.constant 0 : index
        %get3A_1349 = tpu.vector_load %arg10[%get3A_1347, %get3A_1348] {strides = array<i32>} : memref<104x128xf32, #tpu.memory_space<vmem>>, vector<1x16xf32>,
        %get3A_1350 = vector.shape_cast %get3A_1349 : vector<1x16xf32> to vector<16xf32>
        %get3A_1351 = arith.index_cast %add3A_1343 : i32 to index
        %get3A_1352 = arith.constant 0 : index
        %get3A_1353 = tpu.vector_load %arg11[%get3A_1351, %get3A_1352] {strides = array<i32>} : memref<104x128xf32, #tpu.memory_space<vmem>>, vector<1x16xf32>,
        %get3A_1354 = vector.shape_cast %get3A_1353 : vector<1x16xf32> to vector<16xf32>
        %sub3A_1355 = arith.subf %get3A_1354, %get3A_1350 : vector<16xf32>
        %mul3A_1356 = arith.mulf %broadcast_in_dim3A_1346, %sub3A_1355 : vector<16xf32>
        %add3A_1357 = arith.addf %get3A_1350, %mul3A_1356 : vector<16xf32>
        %add3A_1358 = arith.addf %add3A_1255, %add3A_1357 : vector<16xf32>
        %get3A_1359 = arith.index_cast %add3A_1343 : i32 to index
        %get3A_1360 = arith.constant 16 : index
        %get3A_1361 = tpu.vector_load %arg10[%get3A_1359, %get3A_1360] {strides = array<i32>} : memref<104x128xf32, #tpu.memory_space<vmem>>, vector<1x16xf32>,
        %get3A_1362 = vector.shape_cast %get3A_1361 : vector<1x16xf32> to vector<16xf32>
        %get3A_1363 = arith.index_cast %add3A_1343 : i32 to index
        %get3A_1364 = arith.constant 16 : index
        %get3A_1365 = tpu.vector_load %arg11[%get3A_1363, %get3A_1364] {strides = array<i32>} : memref<104x128xf32, #tpu.memory_space<vmem>>, vector<1x16xf32>,
        %get3A_1366 = vector.shape_cast %get3A_1365 : vector<1x16xf32> to vector<16xf32>
        %sub3A_1367 = arith.subf %get3A_1366, %get3A_1362 : vector<16xf32>
        %mul3A_1368 = arith.mulf %broadcast_in_dim3A_1346, %sub3A_1367 : vector<16xf32>
        %add3A_1369 = arith.addf %get3A_1362, %mul3A_1368 : vector<16xf32>
        %add3A_1370 = arith.addf %add3A_1267, %add3A_1369 : vector<16xf32>
        %get3A_1371 = arith.index_cast %add3A_1343 : i32 to index
        %get3A_1372 = arith.constant 32 : index
        %get3A_1373 = tpu.vector_load %arg10[%get3A_1371, %get3A_1372] {strides = array<i32>} : memref<104x128xf32, #tpu.memory_space<vmem>>, vector<1x16xf32>,
        %get3A_1374 = vector.shape_cast %get3A_1373 : vector<1x16xf32> to vector<16xf32>
        %get3A_1375 = arith.index_cast %add3A_1343 : i32 to index
        %get3A_1376 = arith.constant 32 : index
        %get3A_1377 = tpu.vector_load %arg11[%get3A_1375, %get3A_1376] {strides = array<i32>} : memref<104x128xf32, #tpu.memory_space<vmem>>, vector<1x16xf32>,
        %get3A_1378 = vector.shape_cast %get3A_1377 : vector<1x16xf32> to vector<16xf32>
        %sub3A_1379 = arith.subf %get3A_1378, %get3A_1374 : vector<16xf32>
        %mul3A_1380 = arith.mulf %broadcast_in_dim3A_1346, %sub3A_1379 : vector<16xf32>
        %add3A_1381 = arith.addf %get3A_1374, %mul3A_1380 : vector<16xf32>
        %add3A_1382 = arith.addf %add3A_1279, %add3A_1381 : vector<16xf32>
        %get3A_1383 = arith.index_cast %add3A_1343 : i32 to index
        %get3A_1384 = arith.constant 48 : index
        %get3A_1385 = tpu.vector_load %arg10[%get3A_1383, %get3A_1384] {strides = array<i32>} : memref<104x128xf32, #tpu.memory_space<vmem>>, vector<1x16xf32>,
        %get3A_1386 = vector.shape_cast %get3A_1385 : vector<1x16xf32> to vector<16xf32>
        %get3A_1387 = arith.index_cast %add3A_1343 : i32 to index
        %get3A_1388 = arith.constant 48 : index
        %get3A_1389 = tpu.vector_load %arg11[%get3A_1387, %get3A_1388] {strides = array<i32>} : memref<104x128xf32, #tpu.memory_space<vmem>>, vector<1x16xf32>,
        %get3A_1390 = vector.shape_cast %get3A_1389 : vector<1x16xf32> to vector<16xf32>
        %sub3A_1391 = arith.subf %get3A_1390, %get3A_1386 : vector<16xf32>
        %mul3A_1392 = arith.mulf %broadcast_in_dim3A_1346, %sub3A_1391 : vector<16xf32>
        %add3A_1393 = arith.addf %get3A_1386, %mul3A_1392 : vector<16xf32>
        %add3A_1394 = arith.addf %add3A_1291, %add3A_1393 : vector<16xf32>
        %get3A_1395 = arith.index_cast %add3A_1343 : i32 to index
        %get3A_1396 = arith.constant 64 : index
        %get3A_1397 = tpu.vector_load %arg10[%get3A_1395, %get3A_1396] {strides = array<i32>} : memref<104x128xf32, #tpu.memory_space<vmem>>, vector<1x16xf32>,
        %get3A_1398 = vector.shape_cast %get3A_1397 : vector<1x16xf32> to vector<16xf32>
        %get3A_1399 = arith.index_cast %add3A_1343 : i32 to index
        %get3A_1400 = arith.constant 64 : index
        %get3A_1401 = tpu.vector_load %arg11[%get3A_1399, %get3A_1400] {strides = array<i32>} : memref<104x128xf32, #tpu.memory_space<vmem>>, vector<1x16xf32>,
        %get3A_1402 = vector.shape_cast %get3A_1401 : vector<1x16xf32> to vector<16xf32>
        %sub3A_1403 = arith.subf %get3A_1402, %get3A_1398 : vector<16xf32>
        %mul3A_1404 = arith.mulf %broadcast_in_dim3A_1346, %sub3A_1403 : vector<16xf32>
        %add3A_1405 = arith.addf %get3A_1398, %mul3A_1404 : vector<16xf32>
        %add3A_1406 = arith.addf %add3A_1303, %add3A_1405 : vector<16xf32>
        %get3A_1407 = arith.index_cast %add3A_1343 : i32 to index
        %get3A_1408 = arith.constant 80 : index
        %get3A_1409 = tpu.vector_load %arg10[%get3A_1407, %get3A_1408] {strides = array<i32>} : memref<104x128xf32, #tpu.memory_space<vmem>>, vector<1x16xf32>,
        %get3A_1410 = vector.shape_cast %get3A_1409 : vector<1x16xf32> to vector<16xf32>
        %get3A_1411 = arith.index_cast %add3A_1343 : i32 to index
        %get3A_1412 = arith.constant 80 : index
        %get3A_1413 = tpu.vector_load %arg11[%get3A_1411, %get3A_1412] {strides = array<i32>} : memref<104x128xf32, #tpu.memory_space<vmem>>, vector<1x16xf32>,
        %get3A_1414 = vector.shape_cast %get3A_1413 : vector<1x16xf32> to vector<16xf32>
        %sub3A_1415 = arith.subf %get3A_1414, %get3A_1410 : vector<16xf32>
        %mul3A_1416 = arith.mulf %broadcast_in_dim3A_1346, %sub3A_1415 : vector<16xf32>
        %add3A_1417 = arith.addf %get3A_1410, %mul3A_1416 : vector<16xf32>
        %add3A_1418 = arith.addf %add3A_1315, %add3A_1417 : vector<16xf32>
        %get3A_1419 = arith.index_cast %add3A_1343 : i32 to index
        %get3A_1420 = arith.constant 96 : index
        %get3A_1421 = tpu.vector_load %arg10[%get3A_1419, %get3A_1420] {strides = array<i32>} : memref<104x128xf32, #tpu.memory_space<vmem>>, vector<1x16xf32>,
        %get3A_1422 = vector.shape_cast %get3A_1421 : vector<1x16xf32> to vector<16xf32>
        %get3A_1423 = arith.index_cast %add3A_1343 : i32 to index
        %get3A_1424 = arith.constant 96 : index
        %get3A_1425 = tpu.vector_load %arg11[%get3A_1423, %get3A_1424] {strides = array<i32>} : memref<104x128xf32, #tpu.memory_space<vmem>>, vector<1x16xf32>,
        %get3A_1426 = vector.shape_cast %get3A_1425 : vector<1x16xf32> to vector<16xf32>
        %sub3A_1427 = arith.subf %get3A_1426, %get3A_1422 : vector<16xf32>
        %mul3A_1428 = arith.mulf %broadcast_in_dim3A_1346, %sub3A_1427 : vector<16xf32>
        %add3A_1429 = arith.addf %get3A_1422, %mul3A_1428 : vector<16xf32>
        %add3A_1430 = arith.addf %add3A_1327, %add3A_1429 : vector<16xf32>
        %get3A_1431 = arith.index_cast %add3A_1343 : i32 to index
        %get3A_1432 = arith.constant 112 : index
        %get3A_1433 = tpu.vector_load %arg10[%get3A_1431, %get3A_1432] {strides = array<i32>} : memref<104x128xf32, #tpu.memory_space<vmem>>, vector<1x16xf32>,
        %get3A_1434 = vector.shape_cast %get3A_1433 : vector<1x16xf32> to vector<16xf32>
        %get3A_1435 = arith.index_cast %add3A_1343 : i32 to index
        %get3A_1436 = arith.constant 112 : index
        %get3A_1437 = tpu.vector_load %arg11[%get3A_1435, %get3A_1436] {strides = array<i32>} : memref<104x128xf32, #tpu.memory_space<vmem>>, vector<1x16xf32>,
        %get3A_1438 = vector.shape_cast %get3A_1437 : vector<1x16xf32> to vector<16xf32>
        %sub3A_1439 = arith.subf %get3A_1438, %get3A_1434 : vector<16xf32>
        %mul3A_1440 = arith.mulf %broadcast_in_dim3A_1346, %sub3A_1439 : vector<16xf32>
        %add3A_1441 = arith.addf %get3A_1434, %mul3A_1440 : vector<16xf32>
        %add3A_1442 = arith.addf %add3A_1339, %add3A_1441 : vector<16xf32>
        %mul3A_1443 = arith.constant 16 : i32
        %mul3A_1444 = arith.muli %scan3A_1119, %mul3A_1443 : i32
        %add3A_1445 = arith.constant 3 : i32
        %add3A_1446 = arith.addi %mul3A_1444, %add3A_1445 : i32
        %slice3A_1447 = vector.extract_strided_slice %get3A_1133 {offsets = [3], sizes = [1], strides = [1]} : vector<16xf32> to vector<1xf32>
        %squeeze3A_1448 = vector.extract %slice3A_1447[0] : f32 from vector<1xf32>
        %broadcast_in_dim3A_1449 = vector.broadcast %squeeze3A_1448 : f32 to vector<16xf32>
        %get3A_1450 = arith.index_cast %add3A_1446 : i32 to index
        %get3A_1451 = arith.constant 0 : index
        %get3A_1452 = tpu.vector_load %arg10[%get3A_1450, %get3A_1451] {strides = array<i32>} : memref<104x128xf32, #tpu.memory_space<vmem>>, vector<1x16xf32>,
        %get3A_1453 = vector.shape_cast %get3A_1452 : vector<1x16xf32> to vector<16xf32>
        %get3A_1454 = arith.index_cast %add3A_1446 : i32 to index
        %get3A_1455 = arith.constant 0 : index
        %get3A_1456 = tpu.vector_load %arg11[%get3A_1454, %get3A_1455] {strides = array<i32>} : memref<104x128xf32, #tpu.memory_space<vmem>>, vector<1x16xf32>,
        %get3A_1457 = vector.shape_cast %get3A_1456 : vector<1x16xf32> to vector<16xf32>
        %sub3A_1458 = arith.subf %get3A_1457, %get3A_1453 : vector<16xf32>
        %mul3A_1459 = arith.mulf %broadcast_in_dim3A_1449, %sub3A_1458 : vector<16xf32>
        %add3A_1460 = arith.addf %get3A_1453, %mul3A_1459 : vector<16xf32>
        %add3A_1461 = arith.addf %add3A_1358, %add3A_1460 : vector<16xf32>
        %get3A_1462 = arith.index_cast %add3A_1446 : i32 to index
        %get3A_1463 = arith.constant 16 : index
        %get3A_1464 = tpu.vector_load %arg10[%get3A_1462, %get3A_1463] {strides = array<i32>} : memref<104x128xf32, #tpu.memory_space<vmem>>, vector<1x16xf32>,
        %get3A_1465 = vector.shape_cast %get3A_1464 : vector<1x16xf32> to vector<16xf32>
        %get3A_1466 = arith.index_cast %add3A_1446 : i32 to index
        %get3A_1467 = arith.constant 16 : index
        %get3A_1468 = tpu.vector_load %arg11[%get3A_1466, %get3A_1467] {strides = array<i32>} : memref<104x128xf32, #tpu.memory_space<vmem>>, vector<1x16xf32>,
        %get3A_1469 = vector.shape_cast %get3A_1468 : vector<1x16xf32> to vector<16xf32>
        %sub3A_1470 = arith.subf %get3A_1469, %get3A_1465 : vector<16xf32>
        %mul3A_1471 = arith.mulf %broadcast_in_dim3A_1449, %sub3A_1470 : vector<16xf32>
        %add3A_1472 = arith.addf %get3A_1465, %mul3A_1471 : vector<16xf32>
        %add3A_1473 = arith.addf %add3A_1370, %add3A_1472 : vector<16xf32>
        %get3A_1474 = arith.index_cast %add3A_1446 : i32 to index
        %get3A_1475 = arith.constant 32 : index
        %get3A_1476 = tpu.vector_load %arg10[%get3A_1474, %get3A_1475] {strides = array<i32>} : memref<104x128xf32, #tpu.memory_space<vmem>>, vector<1x16xf32>,
        %get3A_1477 = vector.shape_cast %get3A_1476 : vector<1x16xf32> to vector<16xf32>
        %get3A_1478 = arith.index_cast %add3A_1446 : i32 to index
        %get3A_1479 = arith.constant 32 : index
        %get3A_1480 = tpu.vector_load %arg11[%get3A_1478, %get3A_1479] {strides = array<i32>} : memref<104x128xf32, #tpu.memory_space<vmem>>, vector<1x16xf32>,
        %get3A_1481 = vector.shape_cast %get3A_1480 : vector<1x16xf32> to vector<16xf32>
        %sub3A_1482 = arith.subf %get3A_1481, %get3A_1477 : vector<16xf32>
        %mul3A_1483 = arith.mulf %broadcast_in_dim3A_1449, %sub3A_1482 : vector<16xf32>
        %add3A_1484 = arith.addf %get3A_1477, %mul3A_1483 : vector<16xf32>
        %add3A_1485 = arith.addf %add3A_1382, %add3A_1484 : vector<16xf32>
        %get3A_1486 = arith.index_cast %add3A_1446 : i32 to index
        %get3A_1487 = arith.constant 48 : index
        %get3A_1488 = tpu.vector_load %arg10[%get3A_1486, %get3A_1487] {strides = array<i32>} : memref<104x128xf32, #tpu.memory_space<vmem>>, vector<1x16xf32>,
        %get3A_1489 = vector.shape_cast %get3A_1488 : vector<1x16xf32> to vector<16xf32>
        %get3A_1490 = arith.index_cast %add3A_1446 : i32 to index
        %get3A_1491 = arith.constant 48 : index
        %get3A_1492 = tpu.vector_load %arg11[%get3A_1490, %get3A_1491] {strides = array<i32>} : memref<104x128xf32, #tpu.memory_space<vmem>>, vector<1x16xf32>,
        %get3A_1493 = vector.shape_cast %get3A_1492 : vector<1x16xf32> to vector<16xf32>
        %sub3A_1494 = arith.subf %get3A_1493, %get3A_1489 : vector<16xf32>
        %mul3A_1495 = arith.mulf %broadcast_in_dim3A_1449, %sub3A_1494 : vector<16xf32>
        %add3A_1496 = arith.addf %get3A_1489, %mul3A_1495 : vector<16xf32>
        %add3A_1497 = arith.addf %add3A_1394, %add3A_1496 : vector<16xf32>
        %get3A_1498 = arith.index_cast %add3A_1446 : i32 to index
        %get3A_1499 = arith.constant 64 : index
        %get3A_1500 = tpu.vector_load %arg10[%get3A_1498, %get3A_1499] {strides = array<i32>} : memref<104x128xf32, #tpu.memory_space<vmem>>, vector<1x16xf32>,
        %get3A_1501 = vector.shape_cast %get3A_1500 : vector<1x16xf32> to vector<16xf32>
        %get3A_1502 = arith.index_cast %add3A_1446 : i32 to index
        %get3A_1503 = arith.constant 64 : index
        %get3A_1504 = tpu.vector_load %arg11[%get3A_1502, %get3A_1503] {strides = array<i32>} : memref<104x128xf32, #tpu.memory_space<vmem>>, vector<1x16xf32>,
        %get3A_1505 = vector.shape_cast %get3A_1504 : vector<1x16xf32> to vector<16xf32>
        %sub3A_1506 = arith.subf %get3A_1505, %get3A_1501 : vector<16xf32>
        %mul3A_1507 = arith.mulf %broadcast_in_dim3A_1449, %sub3A_1506 : vector<16xf32>
        %add3A_1508 = arith.addf %get3A_1501, %mul3A_1507 : vector<16xf32>
        %add3A_1509 = arith.addf %add3A_1406, %add3A_1508 : vector<16xf32>
        %get3A_1510 = arith.index_cast %add3A_1446 : i32 to index
        %get3A_1511 = arith.constant 80 : index
        %get3A_1512 = tpu.vector_load %arg10[%get3A_1510, %get3A_1511] {strides = array<i32>} : memref<104x128xf32, #tpu.memory_space<vmem>>, vector<1x16xf32>,
        %get3A_1513 = vector.shape_cast %get3A_1512 : vector<1x16xf32> to vector<16xf32>
        %get3A_1514 = arith.index_cast %add3A_1446 : i32 to index
        %get3A_1515 = arith.constant 80 : index
        %get3A_1516 = tpu.vector_load %arg11[%get3A_1514, %get3A_1515] {strides = array<i32>} : memref<104x128xf32, #tpu.memory_space<vmem>>, vector<1x16xf32>,
        %get3A_1517 = vector.shape_cast %get3A_1516 : vector<1x16xf32> to vector<16xf32>
        %sub3A_1518 = arith.subf %get3A_1517, %get3A_1513 : vector<16xf32>
        %mul3A_1519 = arith.mulf %broadcast_in_dim3A_1449, %sub3A_1518 : vector<16xf32>
        %add3A_1520 = arith.addf %get3A_1513, %mul3A_1519 : vector<16xf32>
        %add3A_1521 = arith.addf %add3A_1418, %add3A_1520 : vector<16xf32>
        %get3A_1522 = arith.index_cast %add3A_1446 : i32 to index
        %get3A_1523 = arith.constant 96 : index
        %get3A_1524 = tpu.vector_load %arg10[%get3A_1522, %get3A_1523] {strides = array<i32>} : memref<104x128xf32, #tpu.memory_space<vmem>>, vector<1x16xf32>,
        %get3A_1525 = vector.shape_cast %get3A_1524 : vector<1x16xf32> to vector<16xf32>
        %get3A_1526 = arith.index_cast %add3A_1446 : i32 to index
        %get3A_1527 = arith.constant 96 : index
        %get3A_1528 = tpu.vector_load %arg11[%get3A_1526, %get3A_1527] {strides = array<i32>} : memref<104x128xf32, #tpu.memory_space<vmem>>, vector<1x16xf32>,
        %get3A_1529 = vector.shape_cast %get3A_1528 : vector<1x16xf32> to vector<16xf32>
        %sub3A_1530 = arith.subf %get3A_1529, %get3A_1525 : vector<16xf32>
        %mul3A_1531 = arith.mulf %broadcast_in_dim3A_1449, %sub3A_1530 : vector<16xf32>
        %add3A_1532 = arith.addf %get3A_1525, %mul3A_1531 : vector<16xf32>
        %add3A_1533 = arith.addf %add3A_1430, %add3A_1532 : vector<16xf32>
        %get3A_1534 = arith.index_cast %add3A_1446 : i32 to index
        %get3A_1535 = arith.constant 112 : index
        %get3A_1536 = tpu.vector_load %arg10[%get3A_1534, %get3A_1535] {strides = array<i32>} : memref<104x128xf32, #tpu.memory_space<vmem>>, vector<1x16xf32>,
        %get3A_1537 = vector.shape_cast %get3A_1536 : vector<1x16xf32> to vector<16xf32>
        %get3A_1538 = arith.index_cast %add3A_1446 : i32 to index
        %get3A_1539 = arith.constant 112 : index
        %get3A_1540 = tpu.vector_load %arg11[%get3A_1538, %get3A_1539] {strides = array<i32>} : memref<104x128xf32, #tpu.memory_space<vmem>>, vector<1x16xf32>,
        %get3A_1541 = vector.shape_cast %get3A_1540 : vector<1x16xf32> to vector<16xf32>
        %sub3A_1542 = arith.subf %get3A_1541, %get3A_1537 : vector<16xf32>
        %mul3A_1543 = arith.mulf %broadcast_in_dim3A_1449, %sub3A_1542 : vector<16xf32>
        %add3A_1544 = arith.addf %get3A_1537, %mul3A_1543 : vector<16xf32>
        %add3A_1545 = arith.addf %add3A_1442, %add3A_1544 : vector<16xf32>
        %mul3A_1546 = arith.constant 16 : i32
        %mul3A_1547 = arith.muli %scan3A_1119, %mul3A_1546 : i32
        %add3A_1548 = arith.constant 4 : i32
        %add3A_1549 = arith.addi %mul3A_1547, %add3A_1548 : i32
        %slice3A_1550 = vector.extract_strided_slice %get3A_1133 {offsets = [4], sizes = [1], strides = [1]} : vector<16xf32> to vector<1xf32>
        %squeeze3A_1551 = vector.extract %slice3A_1550[0] : f32 from vector<1xf32>
        %broadcast_in_dim3A_1552 = vector.broadcast %squeeze3A_1551 : f32 to vector<16xf32>
        %get3A_1553 = arith.index_cast %add3A_1549 : i32 to index
        %get3A_1554 = arith.constant 0 : index
        %get3A_1555 = tpu.vector_load %arg10[%get3A_1553, %get3A_1554] {strides = array<i32>} : memref<104x128xf32, #tpu.memory_space<vmem>>, vector<1x16xf32>,
        %get3A_1556 = vector.shape_cast %get3A_1555 : vector<1x16xf32> to vector<16xf32>
        %get3A_1557 = arith.index_cast %add3A_1549 : i32 to index
        %get3A_1558 = arith.constant 0 : index
        %get3A_1559 = tpu.vector_load %arg11[%get3A_1557, %get3A_1558] {strides = array<i32>} : memref<104x128xf32, #tpu.memory_space<vmem>>, vector<1x16xf32>,
        %get3A_1560 = vector.shape_cast %get3A_1559 : vector<1x16xf32> to vector<16xf32>
        %sub3A_1561 = arith.subf %get3A_1560, %get3A_1556 : vector<16xf32>
        %mul3A_1562 = arith.mulf %broadcast_in_dim3A_1552, %sub3A_1561 : vector<16xf32>
        %add3A_1563 = arith.addf %get3A_1556, %mul3A_1562 : vector<16xf32>
        %add3A_1564 = arith.addf %add3A_1461, %add3A_1563 : vector<16xf32>
        %get3A_1565 = arith.index_cast %add3A_1549 : i32 to index
        %get3A_1566 = arith.constant 16 : index
        %get3A_1567 = tpu.vector_load %arg10[%get3A_1565, %get3A_1566] {strides = array<i32>} : memref<104x128xf32, #tpu.memory_space<vmem>>, vector<1x16xf32>,
        %get3A_1568 = vector.shape_cast %get3A_1567 : vector<1x16xf32> to vector<16xf32>
        %get3A_1569 = arith.index_cast %add3A_1549 : i32 to index
        %get3A_1570 = arith.constant 16 : index
        %get3A_1571 = tpu.vector_load %arg11[%get3A_1569, %get3A_1570] {strides = array<i32>} : memref<104x128xf32, #tpu.memory_space<vmem>>, vector<1x16xf32>,
        %get3A_1572 = vector.shape_cast %get3A_1571 : vector<1x16xf32> to vector<16xf32>
        %sub3A_1573 = arith.subf %get3A_1572, %get3A_1568 : vector<16xf32>
        %mul3A_1574 = arith.mulf %broadcast_in_dim3A_1552, %sub3A_1573 : vector<16xf32>
        %add3A_1575 = arith.addf %get3A_1568, %mul3A_1574 : vector<16xf32>
        %add3A_1576 = arith.addf %add3A_1473, %add3A_1575 : vector<16xf32>
        %get3A_1577 = arith.index_cast %add3A_1549 : i32 to index
        %get3A_1578 = arith.constant 32 : index
        %get3A_1579 = tpu.vector_load %arg10[%get3A_1577, %get3A_1578] {strides = array<i32>} : memref<104x128xf32, #tpu.memory_space<vmem>>, vector<1x16xf32>,
        %get3A_1580 = vector.shape_cast %get3A_1579 : vector<1x16xf32> to vector<16xf32>
        %get3A_1581 = arith.index_cast %add3A_1549 : i32 to index
        %get3A_1582 = arith.constant 32 : index
        %get3A_1583 = tpu.vector_load %arg11[%get3A_1581, %get3A_1582] {strides = array<i32>} : memref<104x128xf32, #tpu.memory_space<vmem>>, vector<1x16xf32>,
        %get3A_1584 = vector.shape_cast %get3A_1583 : vector<1x16xf32> to vector<16xf32>
        %sub3A_1585 = arith.subf %get3A_1584, %get3A_1580 : vector<16xf32>
        %mul3A_1586 = arith.mulf %broadcast_in_dim3A_1552, %sub3A_1585 : vector<16xf32>
        %add3A_1587 = arith.addf %get3A_1580, %mul3A_1586 : vector<16xf32>
        %add3A_1588 = arith.addf %add3A_1485, %add3A_1587 : vector<16xf32>
        %get3A_1589 = arith.index_cast %add3A_1549 : i32 to index
        %get3A_1590 = arith.constant 48 : index
        %get3A_1591 = tpu.vector_load %arg10[%get3A_1589, %get3A_1590] {strides = array<i32>} : memref<104x128xf32, #tpu.memory_space<vmem>>, vector<1x16xf32>,
        %get3A_1592 = vector.shape_cast %get3A_1591 : vector<1x16xf32> to vector<16xf32>
        %get3A_1593 = arith.index_cast %add3A_1549 : i32 to index
        %get3A_1594 = arith.constant 48 : index
        %get3A_1595 = tpu.vector_load %arg11[%get3A_1593, %get3A_1594] {strides = array<i32>} : memref<104x128xf32, #tpu.memory_space<vmem>>, vector<1x16xf32>,
        %get3A_1596 = vector.shape_cast %get3A_1595 : vector<1x16xf32> to vector<16xf32>
        %sub3A_1597 = arith.subf %get3A_1596, %get3A_1592 : vector<16xf32>
        %mul3A_1598 = arith.mulf %broadcast_in_dim3A_1552, %sub3A_1597 : vector<16xf32>
        %add3A_1599 = arith.addf %get3A_1592, %mul3A_1598 : vector<16xf32>
        %add3A_1600 = arith.addf %add3A_1497, %add3A_1599 : vector<16xf32>
        %get3A_1601 = arith.index_cast %add3A_1549 : i32 to index
        %get3A_1602 = arith.constant 64 : index
        %get3A_1603 = tpu.vector_load %arg10[%get3A_1601, %get3A_1602] {strides = array<i32>} : memref<104x128xf32, #tpu.memory_space<vmem>>, vector<1x16xf32>,
        %get3A_1604 = vector.shape_cast %get3A_1603 : vector<1x16xf32> to vector<16xf32>
        %get3A_1605 = arith.index_cast %add3A_1549 : i32 to index
        %get3A_1606 = arith.constant 64 : index
        %get3A_1607 = tpu.vector_load %arg11[%get3A_1605, %get3A_1606] {strides = array<i32>} : memref<104x128xf32, #tpu.memory_space<vmem>>, vector<1x16xf32>,
        %get3A_1608 = vector.shape_cast %get3A_1607 : vector<1x16xf32> to vector<16xf32>
        %sub3A_1609 = arith.subf %get3A_1608, %get3A_1604 : vector<16xf32>
        %mul3A_1610 = arith.mulf %broadcast_in_dim3A_1552, %sub3A_1609 : vector<16xf32>
        %add3A_1611 = arith.addf %get3A_1604, %mul3A_1610 : vector<16xf32>
        %add3A_1612 = arith.addf %add3A_1509, %add3A_1611 : vector<16xf32>
        %get3A_1613 = arith.index_cast %add3A_1549 : i32 to index
        %get3A_1614 = arith.constant 80 : index
        %get3A_1615 = tpu.vector_load %arg10[%get3A_1613, %get3A_1614] {strides = array<i32>} : memref<104x128xf32, #tpu.memory_space<vmem>>, vector<1x16xf32>,
        %get3A_1616 = vector.shape_cast %get3A_1615 : vector<1x16xf32> to vector<16xf32>
        %get3A_1617 = arith.index_cast %add3A_1549 : i32 to index
        %get3A_1618 = arith.constant 80 : index
        %get3A_1619 = tpu.vector_load %arg11[%get3A_1617, %get3A_1618] {strides = array<i32>} : memref<104x128xf32, #tpu.memory_space<vmem>>, vector<1x16xf32>,
        %get3A_1620 = vector.shape_cast %get3A_1619 : vector<1x16xf32> to vector<16xf32>
        %sub3A_1621 = arith.subf %get3A_1620, %get3A_1616 : vector<16xf32>
        %mul3A_1622 = arith.mulf %broadcast_in_dim3A_1552, %sub3A_1621 : vector<16xf32>
        %add3A_1623 = arith.addf %get3A_1616, %mul3A_1622 : vector<16xf32>
        %add3A_1624 = arith.addf %add3A_1521, %add3A_1623 : vector<16xf32>
        %get3A_1625 = arith.index_cast %add3A_1549 : i32 to index
        %get3A_1626 = arith.constant 96 : index
        %get3A_1627 = tpu.vector_load %arg10[%get3A_1625, %get3A_1626] {strides = array<i32>} : memref<104x128xf32, #tpu.memory_space<vmem>>, vector<1x16xf32>,
        %get3A_1628 = vector.shape_cast %get3A_1627 : vector<1x16xf32> to vector<16xf32>
        %get3A_1629 = arith.index_cast %add3A_1549 : i32 to index
        %get3A_1630 = arith.constant 96 : index
        %get3A_1631 = tpu.vector_load %arg11[%get3A_1629, %get3A_1630] {strides = array<i32>} : memref<104x128xf32, #tpu.memory_space<vmem>>, vector<1x16xf32>,
        %get3A_1632 = vector.shape_cast %get3A_1631 : vector<1x16xf32> to vector<16xf32>
        %sub3A_1633 = arith.subf %get3A_1632, %get3A_1628 : vector<16xf32>
        %mul3A_1634 = arith.mulf %broadcast_in_dim3A_1552, %sub3A_1633 : vector<16xf32>
        %add3A_1635 = arith.addf %get3A_1628, %mul3A_1634 : vector<16xf32>
        %add3A_1636 = arith.addf %add3A_1533, %add3A_1635 : vector<16xf32>
        %get3A_1637 = arith.index_cast %add3A_1549 : i32 to index
        %get3A_1638 = arith.constant 112 : index
        %get3A_1639 = tpu.vector_load %arg10[%get3A_1637, %get3A_1638] {strides = array<i32>} : memref<104x128xf32, #tpu.memory_space<vmem>>, vector<1x16xf32>,
        %get3A_1640 = vector.shape_cast %get3A_1639 : vector<1x16xf32> to vector<16xf32>
        %get3A_1641 = arith.index_cast %add3A_1549 : i32 to index
        %get3A_1642 = arith.constant 112 : index
        %get3A_1643 = tpu.vector_load %arg11[%get3A_1641, %get3A_1642] {strides = array<i32>} : memref<104x128xf32, #tpu.memory_space<vmem>>, vector<1x16xf32>,
        %get3A_1644 = vector.shape_cast %get3A_1643 : vector<1x16xf32> to vector<16xf32>
        %sub3A_1645 = arith.subf %get3A_1644, %get3A_1640 : vector<16xf32>
        %mul3A_1646 = arith.mulf %broadcast_in_dim3A_1552, %sub3A_1645 : vector<16xf32>
        %add3A_1647 = arith.addf %get3A_1640, %mul3A_1646 : vector<16xf32>
        %add3A_1648 = arith.addf %add3A_1545, %add3A_1647 : vector<16xf32>
        %mul3A_1649 = arith.constant 16 : i32
        %mul3A_1650 = arith.muli %scan3A_1119, %mul3A_1649 : i32
        %add3A_1651 = arith.constant 5 : i32
        %add3A_1652 = arith.addi %mul3A_1650, %add3A_1651 : i32
        %slice3A_1653 = vector.extract_strided_slice %get3A_1133 {offsets = [5], sizes = [1], strides = [1]} : vector<16xf32> to vector<1xf32>
        %squeeze3A_1654 = vector.extract %slice3A_1653[0] : f32 from vector<1xf32>
        %broadcast_in_dim3A_1655 = vector.broadcast %squeeze3A_1654 : f32 to vector<16xf32>
        %get3A_1656 = arith.index_cast %add3A_1652 : i32 to index
        %get3A_1657 = arith.constant 0 : index
        %get3A_1658 = tpu.vector_load %arg10[%get3A_1656, %get3A_1657] {strides = array<i32>} : memref<104x128xf32, #tpu.memory_space<vmem>>, vector<1x16xf32>,
        %get3A_1659 = vector.shape_cast %get3A_1658 : vector<1x16xf32> to vector<16xf32>
        %get3A_1660 = arith.index_cast %add3A_1652 : i32 to index
        %get3A_1661 = arith.constant 0 : index
        %get3A_1662 = tpu.vector_load %arg11[%get3A_1660, %get3A_1661] {strides = array<i32>} : memref<104x128xf32, #tpu.memory_space<vmem>>, vector<1x16xf32>,
        %get3A_1663 = vector.shape_cast %get3A_1662 : vector<1x16xf32> to vector<16xf32>
        %sub3A_1664 = arith.subf %get3A_1663, %get3A_1659 : vector<16xf32>
        %mul3A_1665 = arith.mulf %broadcast_in_dim3A_1655, %sub3A_1664 : vector<16xf32>
        %add3A_1666 = arith.addf %get3A_1659, %mul3A_1665 : vector<16xf32>
        %add3A_1667 = arith.addf %add3A_1564, %add3A_1666 : vector<16xf32>
        %get3A_1668 = arith.index_cast %add3A_1652 : i32 to index
        %get3A_1669 = arith.constant 16 : index
        %get3A_1670 = tpu.vector_load %arg10[%get3A_1668, %get3A_1669] {strides = array<i32>} : memref<104x128xf32, #tpu.memory_space<vmem>>, vector<1x16xf32>,
        %get3A_1671 = vector.shape_cast %get3A_1670 : vector<1x16xf32> to vector<16xf32>
        %get3A_1672 = arith.index_cast %add3A_1652 : i32 to index
        %get3A_1673 = arith.constant 16 : index
        %get3A_1674 = tpu.vector_load %arg11[%get3A_1672, %get3A_1673] {strides = array<i32>} : memref<104x128xf32, #tpu.memory_space<vmem>>, vector<1x16xf32>,
        %get3A_1675 = vector.shape_cast %get3A_1674 : vector<1x16xf32> to vector<16xf32>
        %sub3A_1676 = arith.subf %get3A_1675, %get3A_1671 : vector<16xf32>
        %mul3A_1677 = arith.mulf %broadcast_in_dim3A_1655, %sub3A_1676 : vector<16xf32>
        %add3A_1678 = arith.addf %get3A_1671, %mul3A_1677 : vector<16xf32>
        %add3A_1679 = arith.addf %add3A_1576, %add3A_1678 : vector<16xf32>
        %get3A_1680 = arith.index_cast %add3A_1652 : i32 to index
        %get3A_1681 = arith.constant 32 : index
        %get3A_1682 = tpu.vector_load %arg10[%get3A_1680, %get3A_1681] {strides = array<i32>} : memref<104x128xf32, #tpu.memory_space<vmem>>, vector<1x16xf32>,
        %get3A_1683 = vector.shape_cast %get3A_1682 : vector<1x16xf32> to vector<16xf32>
        %get3A_1684 = arith.index_cast %add3A_1652 : i32 to index
        %get3A_1685 = arith.constant 32 : index
        %get3A_1686 = tpu.vector_load %arg11[%get3A_1684, %get3A_1685] {strides = array<i32>} : memref<104x128xf32, #tpu.memory_space<vmem>>, vector<1x16xf32>,
        %get3A_1687 = vector.shape_cast %get3A_1686 : vector<1x16xf32> to vector<16xf32>
        %sub3A_1688 = arith.subf %get3A_1687, %get3A_1683 : vector<16xf32>
        %mul3A_1689 = arith.mulf %broadcast_in_dim3A_1655, %sub3A_1688 : vector<16xf32>
        %add3A_1690 = arith.addf %get3A_1683, %mul3A_1689 : vector<16xf32>
        %add3A_1691 = arith.addf %add3A_1588, %add3A_1690 : vector<16xf32>
        %get3A_1692 = arith.index_cast %add3A_1652 : i32 to index
        %get3A_1693 = arith.constant 48 : index
        %get3A_1694 = tpu.vector_load %arg10[%get3A_1692, %get3A_1693] {strides = array<i32>} : memref<104x128xf32, #tpu.memory_space<vmem>>, vector<1x16xf32>,
        %get3A_1695 = vector.shape_cast %get3A_1694 : vector<1x16xf32> to vector<16xf32>
        %get3A_1696 = arith.index_cast %add3A_1652 : i32 to index
        %get3A_1697 = arith.constant 48 : index
        %get3A_1698 = tpu.vector_load %arg11[%get3A_1696, %get3A_1697] {strides = array<i32>} : memref<104x128xf32, #tpu.memory_space<vmem>>, vector<1x16xf32>,
        %get3A_1699 = vector.shape_cast %get3A_1698 : vector<1x16xf32> to vector<16xf32>
        %sub3A_1700 = arith.subf %get3A_1699, %get3A_1695 : vector<16xf32>
        %mul3A_1701 = arith.mulf %broadcast_in_dim3A_1655, %sub3A_1700 : vector<16xf32>
        %add3A_1702 = arith.addf %get3A_1695, %mul3A_1701 : vector<16xf32>
        %add3A_1703 = arith.addf %add3A_1600, %add3A_1702 : vector<16xf32>
        %get3A_1704 = arith.index_cast %add3A_1652 : i32 to index
        %get3A_1705 = arith.constant 64 : index
        %get3A_1706 = tpu.vector_load %arg10[%get3A_1704, %get3A_1705] {strides = array<i32>} : memref<104x128xf32, #tpu.memory_space<vmem>>, vector<1x16xf32>,
        %get3A_1707 = vector.shape_cast %get3A_1706 : vector<1x16xf32> to vector<16xf32>
        %get3A_1708 = arith.index_cast %add3A_1652 : i32 to index
        %get3A_1709 = arith.constant 64 : index
        %get3A_1710 = tpu.vector_load %arg11[%get3A_1708, %get3A_1709] {strides = array<i32>} : memref<104x128xf32, #tpu.memory_space<vmem>>, vector<1x16xf32>,
        %get3A_1711 = vector.shape_cast %get3A_1710 : vector<1x16xf32> to vector<16xf32>
        %sub3A_1712 = arith.subf %get3A_1711, %get3A_1707 : vector<16xf32>
        %mul3A_1713 = arith.mulf %broadcast_in_dim3A_1655, %sub3A_1712 : vector<16xf32>
        %add3A_1714 = arith.addf %get3A_1707, %mul3A_1713 : vector<16xf32>
        %add3A_1715 = arith.addf %add3A_1612, %add3A_1714 : vector<16xf32>
        %get3A_1716 = arith.index_cast %add3A_1652 : i32 to index
        %get3A_1717 = arith.constant 80 : index
        %get3A_1718 = tpu.vector_load %arg10[%get3A_1716, %get3A_1717] {strides = array<i32>} : memref<104x128xf32, #tpu.memory_space<vmem>>, vector<1x16xf32>,
        %get3A_1719 = vector.shape_cast %get3A_1718 : vector<1x16xf32> to vector<16xf32>
        %get3A_1720 = arith.index_cast %add3A_1652 : i32 to index
        %get3A_1721 = arith.constant 80 : index
        %get3A_1722 = tpu.vector_load %arg11[%get3A_1720, %get3A_1721] {strides = array<i32>} : memref<104x128xf32, #tpu.memory_space<vmem>>, vector<1x16xf32>,
        %get3A_1723 = vector.shape_cast %get3A_1722 : vector<1x16xf32> to vector<16xf32>
        %sub3A_1724 = arith.subf %get3A_1723, %get3A_1719 : vector<16xf32>
        %mul3A_1725 = arith.mulf %broadcast_in_dim3A_1655, %sub3A_1724 : vector<16xf32>
        %add3A_1726 = arith.addf %get3A_1719, %mul3A_1725 : vector<16xf32>
        %add3A_1727 = arith.addf %add3A_1624, %add3A_1726 : vector<16xf32>
        %get3A_1728 = arith.index_cast %add3A_1652 : i32 to index
        %get3A_1729 = arith.constant 96 : index
        %get3A_1730 = tpu.vector_load %arg10[%get3A_1728, %get3A_1729] {strides = array<i32>} : memref<104x128xf32, #tpu.memory_space<vmem>>, vector<1x16xf32>,
        %get3A_1731 = vector.shape_cast %get3A_1730 : vector<1x16xf32> to vector<16xf32>
        %get3A_1732 = arith.index_cast %add3A_1652 : i32 to index
        %get3A_1733 = arith.constant 96 : index
        %get3A_1734 = tpu.vector_load %arg11[%get3A_1732, %get3A_1733] {strides = array<i32>} : memref<104x128xf32, #tpu.memory_space<vmem>>, vector<1x16xf32>,
        %get3A_1735 = vector.shape_cast %get3A_1734 : vector<1x16xf32> to vector<16xf32>
        %sub3A_1736 = arith.subf %get3A_1735, %get3A_1731 : vector<16xf32>
        %mul3A_1737 = arith.mulf %broadcast_in_dim3A_1655, %sub3A_1736 : vector<16xf32>
        %add3A_1738 = arith.addf %get3A_1731, %mul3A_1737 : vector<16xf32>
        %add3A_1739 = arith.addf %add3A_1636, %add3A_1738 : vector<16xf32>
        %get3A_1740 = arith.index_cast %add3A_1652 : i32 to index
        %get3A_1741 = arith.constant 112 : index
        %get3A_1742 = tpu.vector_load %arg10[%get3A_1740, %get3A_1741] {strides = array<i32>} : memref<104x128xf32, #tpu.memory_space<vmem>>, vector<1x16xf32>,
        %get3A_1743 = vector.shape_cast %get3A_1742 : vector<1x16xf32> to vector<16xf32>
        %get3A_1744 = arith.index_cast %add3A_1652 : i32 to index
        %get3A_1745 = arith.constant 112 : index
        %get3A_1746 = tpu.vector_load %arg11[%get3A_1744, %get3A_1745] {strides = array<i32>} : memref<104x128xf32, #tpu.memory_space<vmem>>, vector<1x16xf32>,
        %get3A_1747 = vector.shape_cast %get3A_1746 : vector<1x16xf32> to vector<16xf32>
        %sub3A_1748 = arith.subf %get3A_1747, %get3A_1743 : vector<16xf32>
        %mul3A_1749 = arith.mulf %broadcast_in_dim3A_1655, %sub3A_1748 : vector<16xf32>
        %add3A_1750 = arith.addf %get3A_1743, %mul3A_1749 : vector<16xf32>
        %add3A_1751 = arith.addf %add3A_1648, %add3A_1750 : vector<16xf32>
        %mul3A_1752 = arith.constant 16 : i32
        %mul3A_1753 = arith.muli %scan3A_1119, %mul3A_1752 : i32
        %add3A_1754 = arith.constant 6 : i32
        %add3A_1755 = arith.addi %mul3A_1753, %add3A_1754 : i32
        %slice3A_1756 = vector.extract_strided_slice %get3A_1133 {offsets = [6], sizes = [1], strides = [1]} : vector<16xf32> to vector<1xf32>
        %squeeze3A_1757 = vector.extract %slice3A_1756[0] : f32 from vector<1xf32>
        %broadcast_in_dim3A_1758 = vector.broadcast %squeeze3A_1757 : f32 to vector<16xf32>
        %get3A_1759 = arith.index_cast %add3A_1755 : i32 to index
        %get3A_1760 = arith.constant 0 : index
        %get3A_1761 = tpu.vector_load %arg10[%get3A_1759, %get3A_1760] {strides = array<i32>} : memref<104x128xf32, #tpu.memory_space<vmem>>, vector<1x16xf32>,
        %get3A_1762 = vector.shape_cast %get3A_1761 : vector<1x16xf32> to vector<16xf32>
        %get3A_1763 = arith.index_cast %add3A_1755 : i32 to index
        %get3A_1764 = arith.constant 0 : index
        %get3A_1765 = tpu.vector_load %arg11[%get3A_1763, %get3A_1764] {strides = array<i32>} : memref<104x128xf32, #tpu.memory_space<vmem>>, vector<1x16xf32>,
        %get3A_1766 = vector.shape_cast %get3A_1765 : vector<1x16xf32> to vector<16xf32>
        %sub3A_1767 = arith.subf %get3A_1766, %get3A_1762 : vector<16xf32>
        %mul3A_1768 = arith.mulf %broadcast_in_dim3A_1758, %sub3A_1767 : vector<16xf32>
        %add3A_1769 = arith.addf %get3A_1762, %mul3A_1768 : vector<16xf32>
        %add3A_1770 = arith.addf %add3A_1667, %add3A_1769 : vector<16xf32>
        %get3A_1771 = arith.index_cast %add3A_1755 : i32 to index
        %get3A_1772 = arith.constant 16 : index
        %get3A_1773 = tpu.vector_load %arg10[%get3A_1771, %get3A_1772] {strides = array<i32>} : memref<104x128xf32, #tpu.memory_space<vmem>>, vector<1x16xf32>,
        %get3A_1774 = vector.shape_cast %get3A_1773 : vector<1x16xf32> to vector<16xf32>
        %get3A_1775 = arith.index_cast %add3A_1755 : i32 to index
        %get3A_1776 = arith.constant 16 : index
        %get3A_1777 = tpu.vector_load %arg11[%get3A_1775, %get3A_1776] {strides = array<i32>} : memref<104x128xf32, #tpu.memory_space<vmem>>, vector<1x16xf32>,
        %get3A_1778 = vector.shape_cast %get3A_1777 : vector<1x16xf32> to vector<16xf32>
        %sub3A_1779 = arith.subf %get3A_1778, %get3A_1774 : vector<16xf32>
        %mul3A_1780 = arith.mulf %broadcast_in_dim3A_1758, %sub3A_1779 : vector<16xf32>
        %add3A_1781 = arith.addf %get3A_1774, %mul3A_1780 : vector<16xf32>
        %add3A_1782 = arith.addf %add3A_1679, %add3A_1781 : vector<16xf32>
        %get3A_1783 = arith.index_cast %add3A_1755 : i32 to index
        %get3A_1784 = arith.constant 32 : index
        %get3A_1785 = tpu.vector_load %arg10[%get3A_1783, %get3A_1784] {strides = array<i32>} : memref<104x128xf32, #tpu.memory_space<vmem>>, vector<1x16xf32>,
        %get3A_1786 = vector.shape_cast %get3A_1785 : vector<1x16xf32> to vector<16xf32>
        %get3A_1787 = arith.index_cast %add3A_1755 : i32 to index
        %get3A_1788 = arith.constant 32 : index
        %get3A_1789 = tpu.vector_load %arg11[%get3A_1787, %get3A_1788] {strides = array<i32>} : memref<104x128xf32, #tpu.memory_space<vmem>>, vector<1x16xf32>,
        %get3A_1790 = vector.shape_cast %get3A_1789 : vector<1x16xf32> to vector<16xf32>
        %sub3A_1791 = arith.subf %get3A_1790, %get3A_1786 : vector<16xf32>
        %mul3A_1792 = arith.mulf %broadcast_in_dim3A_1758, %sub3A_1791 : vector<16xf32>
        %add3A_1793 = arith.addf %get3A_1786, %mul3A_1792 : vector<16xf32>
        %add3A_1794 = arith.addf %add3A_1691, %add3A_1793 : vector<16xf32>
        %get3A_1795 = arith.index_cast %add3A_1755 : i32 to index
        %get3A_1796 = arith.constant 48 : index
        %get3A_1797 = tpu.vector_load %arg10[%get3A_1795, %get3A_1796] {strides = array<i32>} : memref<104x128xf32, #tpu.memory_space<vmem>>, vector<1x16xf32>,
        %get3A_1798 = vector.shape_cast %get3A_1797 : vector<1x16xf32> to vector<16xf32>
        %get3A_1799 = arith.index_cast %add3A_1755 : i32 to index
        %get3A_1800 = arith.constant 48 : index
        %get3A_1801 = tpu.vector_load %arg11[%get3A_1799, %get3A_1800] {strides = array<i32>} : memref<104x128xf32, #tpu.memory_space<vmem>>, vector<1x16xf32>,
        %get3A_1802 = vector.shape_cast %get3A_1801 : vector<1x16xf32> to vector<16xf32>
        %sub3A_1803 = arith.subf %get3A_1802, %get3A_1798 : vector<16xf32>
        %mul3A_1804 = arith.mulf %broadcast_in_dim3A_1758, %sub3A_1803 : vector<16xf32>
        %add3A_1805 = arith.addf %get3A_1798, %mul3A_1804 : vector<16xf32>
        %add3A_1806 = arith.addf %add3A_1703, %add3A_1805 : vector<16xf32>
        %get3A_1807 = arith.index_cast %add3A_1755 : i32 to index
        %get3A_1808 = arith.constant 64 : index
        %get3A_1809 = tpu.vector_load %arg10[%get3A_1807, %get3A_1808] {strides = array<i32>} : memref<104x128xf32, #tpu.memory_space<vmem>>, vector<1x16xf32>,
        %get3A_1810 = vector.shape_cast %get3A_1809 : vector<1x16xf32> to vector<16xf32>
        %get3A_1811 = arith.index_cast %add3A_1755 : i32 to index
        %get3A_1812 = arith.constant 64 : index
        %get3A_1813 = tpu.vector_load %arg11[%get3A_1811, %get3A_1812] {strides = array<i32>} : memref<104x128xf32, #tpu.memory_space<vmem>>, vector<1x16xf32>,
        %get3A_1814 = vector.shape_cast %get3A_1813 : vector<1x16xf32> to vector<16xf32>
        %sub3A_1815 = arith.subf %get3A_1814, %get3A_1810 : vector<16xf32>
        %mul3A_1816 = arith.mulf %broadcast_in_dim3A_1758, %sub3A_1815 : vector<16xf32>
        %add3A_1817 = arith.addf %get3A_1810, %mul3A_1816 : vector<16xf32>
        %add3A_1818 = arith.addf %add3A_1715, %add3A_1817 : vector<16xf32>
        %get3A_1819 = arith.index_cast %add3A_1755 : i32 to index
        %get3A_1820 = arith.constant 80 : index
        %get3A_1821 = tpu.vector_load %arg10[%get3A_1819, %get3A_1820] {strides = array<i32>} : memref<104x128xf32, #tpu.memory_space<vmem>>, vector<1x16xf32>,
        %get3A_1822 = vector.shape_cast %get3A_1821 : vector<1x16xf32> to vector<16xf32>
        %get3A_1823 = arith.index_cast %add3A_1755 : i32 to index
        %get3A_1824 = arith.constant 80 : index
        %get3A_1825 = tpu.vector_load %arg11[%get3A_1823, %get3A_1824] {strides = array<i32>} : memref<104x128xf32, #tpu.memory_space<vmem>>, vector<1x16xf32>,
        %get3A_1826 = vector.shape_cast %get3A_1825 : vector<1x16xf32> to vector<16xf32>
        %sub3A_1827 = arith.subf %get3A_1826, %get3A_1822 : vector<16xf32>
        %mul3A_1828 = arith.mulf %broadcast_in_dim3A_1758, %sub3A_1827 : vector<16xf32>
        %add3A_1829 = arith.addf %get3A_1822, %mul3A_1828 : vector<16xf32>
        %add3A_1830 = arith.addf %add3A_1727, %add3A_1829 : vector<16xf32>
        %get3A_1831 = arith.index_cast %add3A_1755 : i32 to index
        %get3A_1832 = arith.constant 96 : index
        %get3A_1833 = tpu.vector_load %arg10[%get3A_1831, %get3A_1832] {strides = array<i32>} : memref<104x128xf32, #tpu.memory_space<vmem>>, vector<1x16xf32>,
        %get3A_1834 = vector.shape_cast %get3A_1833 : vector<1x16xf32> to vector<16xf32>
        %get3A_1835 = arith.index_cast %add3A_1755 : i32 to index
        %get3A_1836 = arith.constant 96 : index
        %get3A_1837 = tpu.vector_load %arg11[%get3A_1835, %get3A_1836] {strides = array<i32>} : memref<104x128xf32, #tpu.memory_space<vmem>>, vector<1x16xf32>,
        %get3A_1838 = vector.shape_cast %get3A_1837 : vector<1x16xf32> to vector<16xf32>
        %sub3A_1839 = arith.subf %get3A_1838, %get3A_1834 : vector<16xf32>
        %mul3A_1840 = arith.mulf %broadcast_in_dim3A_1758, %sub3A_1839 : vector<16xf32>
        %add3A_1841 = arith.addf %get3A_1834, %mul3A_1840 : vector<16xf32>
        %add3A_1842 = arith.addf %add3A_1739, %add3A_1841 : vector<16xf32>
        %get3A_1843 = arith.index_cast %add3A_1755 : i32 to index
        %get3A_1844 = arith.constant 112 : index
        %get3A_1845 = tpu.vector_load %arg10[%get3A_1843, %get3A_1844] {strides = array<i32>} : memref<104x128xf32, #tpu.memory_space<vmem>>, vector<1x16xf32>,
        %get3A_1846 = vector.shape_cast %get3A_1845 : vector<1x16xf32> to vector<16xf32>
        %get3A_1847 = arith.index_cast %add3A_1755 : i32 to index
        %get3A_1848 = arith.constant 112 : index
        %get3A_1849 = tpu.vector_load %arg11[%get3A_1847, %get3A_1848] {strides = array<i32>} : memref<104x128xf32, #tpu.memory_space<vmem>>, vector<1x16xf32>,
        %get3A_1850 = vector.shape_cast %get3A_1849 : vector<1x16xf32> to vector<16xf32>
        %sub3A_1851 = arith.subf %get3A_1850, %get3A_1846 : vector<16xf32>
        %mul3A_1852 = arith.mulf %broadcast_in_dim3A_1758, %sub3A_1851 : vector<16xf32>
        %add3A_1853 = arith.addf %get3A_1846, %mul3A_1852 : vector<16xf32>
        %add3A_1854 = arith.addf %add3A_1751, %add3A_1853 : vector<16xf32>
        %mul3A_1855 = arith.constant 16 : i32
        %mul3A_1856 = arith.muli %scan3A_1119, %mul3A_1855 : i32
        %add3A_1857 = arith.constant 7 : i32
        %add3A_1858 = arith.addi %mul3A_1856, %add3A_1857 : i32
        %slice3A_1859 = vector.extract_strided_slice %get3A_1133 {offsets = [7], sizes = [1], strides = [1]} : vector<16xf32> to vector<1xf32>
        %squeeze3A_1860 = vector.extract %slice3A_1859[0] : f32 from vector<1xf32>
        %broadcast_in_dim3A_1861 = vector.broadcast %squeeze3A_1860 : f32 to vector<16xf32>
        %get3A_1862 = arith.index_cast %add3A_1858 : i32 to index
        %get3A_1863 = arith.constant 0 : index
        %get3A_1864 = tpu.vector_load %arg10[%get3A_1862, %get3A_1863] {strides = array<i32>} : memref<104x128xf32, #tpu.memory_space<vmem>>, vector<1x16xf32>,
        %get3A_1865 = vector.shape_cast %get3A_1864 : vector<1x16xf32> to vector<16xf32>
        %get3A_1866 = arith.index_cast %add3A_1858 : i32 to index
        %get3A_1867 = arith.constant 0 : index
        %get3A_1868 = tpu.vector_load %arg11[%get3A_1866, %get3A_1867] {strides = array<i32>} : memref<104x128xf32, #tpu.memory_space<vmem>>, vector<1x16xf32>,
        %get3A_1869 = vector.shape_cast %get3A_1868 : vector<1x16xf32> to vector<16xf32>
        %sub3A_1870 = arith.subf %get3A_1869, %get3A_1865 : vector<16xf32>
        %mul3A_1871 = arith.mulf %broadcast_in_dim3A_1861, %sub3A_1870 : vector<16xf32>
        %add3A_1872 = arith.addf %get3A_1865, %mul3A_1871 : vector<16xf32>
        %add3A_1873 = arith.addf %add3A_1770, %add3A_1872 : vector<16xf32>
        %get3A_1874 = arith.index_cast %add3A_1858 : i32 to index
        %get3A_1875 = arith.constant 16 : index
        %get3A_1876 = tpu.vector_load %arg10[%get3A_1874, %get3A_1875] {strides = array<i32>} : memref<104x128xf32, #tpu.memory_space<vmem>>, vector<1x16xf32>,
        %get3A_1877 = vector.shape_cast %get3A_1876 : vector<1x16xf32> to vector<16xf32>
        %get3A_1878 = arith.index_cast %add3A_1858 : i32 to index
        %get3A_1879 = arith.constant 16 : index
        %get3A_1880 = tpu.vector_load %arg11[%get3A_1878, %get3A_1879] {strides = array<i32>} : memref<104x128xf32, #tpu.memory_space<vmem>>, vector<1x16xf32>,
        %get3A_1881 = vector.shape_cast %get3A_1880 : vector<1x16xf32> to vector<16xf32>
        %sub3A_1882 = arith.subf %get3A_1881, %get3A_1877 : vector<16xf32>
        %mul3A_1883 = arith.mulf %broadcast_in_dim3A_1861, %sub3A_1882 : vector<16xf32>
        %add3A_1884 = arith.addf %get3A_1877, %mul3A_1883 : vector<16xf32>
        %add3A_1885 = arith.addf %add3A_1782, %add3A_1884 : vector<16xf32>
        %get3A_1886 = arith.index_cast %add3A_1858 : i32 to index
        %get3A_1887 = arith.constant 32 : index
        %get3A_1888 = tpu.vector_load %arg10[%get3A_1886, %get3A_1887] {strides = array<i32>} : memref<104x128xf32, #tpu.memory_space<vmem>>, vector<1x16xf32>,
        %get3A_1889 = vector.shape_cast %get3A_1888 : vector<1x16xf32> to vector<16xf32>
        %get3A_1890 = arith.index_cast %add3A_1858 : i32 to index
        %get3A_1891 = arith.constant 32 : index
        %get3A_1892 = tpu.vector_load %arg11[%get3A_1890, %get3A_1891] {strides = array<i32>} : memref<104x128xf32, #tpu.memory_space<vmem>>, vector<1x16xf32>,
        %get3A_1893 = vector.shape_cast %get3A_1892 : vector<1x16xf32> to vector<16xf32>
        %sub3A_1894 = arith.subf %get3A_1893, %get3A_1889 : vector<16xf32>
        %mul3A_1895 = arith.mulf %broadcast_in_dim3A_1861, %sub3A_1894 : vector<16xf32>
        %add3A_1896 = arith.addf %get3A_1889, %mul3A_1895 : vector<16xf32>
        %add3A_1897 = arith.addf %add3A_1794, %add3A_1896 : vector<16xf32>
        %get3A_1898 = arith.index_cast %add3A_1858 : i32 to index
        %get3A_1899 = arith.constant 48 : index
        %get3A_1900 = tpu.vector_load %arg10[%get3A_1898, %get3A_1899] {strides = array<i32>} : memref<104x128xf32, #tpu.memory_space<vmem>>, vector<1x16xf32>,
        %get3A_1901 = vector.shape_cast %get3A_1900 : vector<1x16xf32> to vector<16xf32>
        %get3A_1902 = arith.index_cast %add3A_1858 : i32 to index
        %get3A_1903 = arith.constant 48 : index
        %get3A_1904 = tpu.vector_load %arg11[%get3A_1902, %get3A_1903] {strides = array<i32>} : memref<104x128xf32, #tpu.memory_space<vmem>>, vector<1x16xf32>,
        %get3A_1905 = vector.shape_cast %get3A_1904 : vector<1x16xf32> to vector<16xf32>
        %sub3A_1906 = arith.subf %get3A_1905, %get3A_1901 : vector<16xf32>
        %mul3A_1907 = arith.mulf %broadcast_in_dim3A_1861, %sub3A_1906 : vector<16xf32>
        %add3A_1908 = arith.addf %get3A_1901, %mul3A_1907 : vector<16xf32>
        %add3A_1909 = arith.addf %add3A_1806, %add3A_1908 : vector<16xf32>
        %get3A_1910 = arith.index_cast %add3A_1858 : i32 to index
        %get3A_1911 = arith.constant 64 : index
        %get3A_1912 = tpu.vector_load %arg10[%get3A_1910, %get3A_1911] {strides = array<i32>} : memref<104x128xf32, #tpu.memory_space<vmem>>, vector<1x16xf32>,
        %get3A_1913 = vector.shape_cast %get3A_1912 : vector<1x16xf32> to vector<16xf32>
        %get3A_1914 = arith.index_cast %add3A_1858 : i32 to index
        %get3A_1915 = arith.constant 64 : index
        %get3A_1916 = tpu.vector_load %arg11[%get3A_1914, %get3A_1915] {strides = array<i32>} : memref<104x128xf32, #tpu.memory_space<vmem>>, vector<1x16xf32>,
        %get3A_1917 = vector.shape_cast %get3A_1916 : vector<1x16xf32> to vector<16xf32>
        %sub3A_1918 = arith.subf %get3A_1917, %get3A_1913 : vector<16xf32>
        %mul3A_1919 = arith.mulf %broadcast_in_dim3A_1861, %sub3A_1918 : vector<16xf32>
        %add3A_1920 = arith.addf %get3A_1913, %mul3A_1919 : vector<16xf32>
        %add3A_1921 = arith.addf %add3A_1818, %add3A_1920 : vector<16xf32>
        %get3A_1922 = arith.index_cast %add3A_1858 : i32 to index
        %get3A_1923 = arith.constant 80 : index
        %get3A_1924 = tpu.vector_load %arg10[%get3A_1922, %get3A_1923] {strides = array<i32>} : memref<104x128xf32, #tpu.memory_space<vmem>>, vector<1x16xf32>,
        %get3A_1925 = vector.shape_cast %get3A_1924 : vector<1x16xf32> to vector<16xf32>
        %get3A_1926 = arith.index_cast %add3A_1858 : i32 to index
        %get3A_1927 = arith.constant 80 : index
        %get3A_1928 = tpu.vector_load %arg11[%get3A_1926, %get3A_1927] {strides = array<i32>} : memref<104x128xf32, #tpu.memory_space<vmem>>, vector<1x16xf32>,
        %get3A_1929 = vector.shape_cast %get3A_1928 : vector<1x16xf32> to vector<16xf32>
        %sub3A_1930 = arith.subf %get3A_1929, %get3A_1925 : vector<16xf32>
        %mul3A_1931 = arith.mulf %broadcast_in_dim3A_1861, %sub3A_1930 : vector<16xf32>
        %add3A_1932 = arith.addf %get3A_1925, %mul3A_1931 : vector<16xf32>
        %add3A_1933 = arith.addf %add3A_1830, %add3A_1932 : vector<16xf32>
        %get3A_1934 = arith.index_cast %add3A_1858 : i32 to index
        %get3A_1935 = arith.constant 96 : index
        %get3A_1936 = tpu.vector_load %arg10[%get3A_1934, %get3A_1935] {strides = array<i32>} : memref<104x128xf32, #tpu.memory_space<vmem>>, vector<1x16xf32>,
        %get3A_1937 = vector.shape_cast %get3A_1936 : vector<1x16xf32> to vector<16xf32>
        %get3A_1938 = arith.index_cast %add3A_1858 : i32 to index
        %get3A_1939 = arith.constant 96 : index
        %get3A_1940 = tpu.vector_load %arg11[%get3A_1938, %get3A_1939] {strides = array<i32>} : memref<104x128xf32, #tpu.memory_space<vmem>>, vector<1x16xf32>,
        %get3A_1941 = vector.shape_cast %get3A_1940 : vector<1x16xf32> to vector<16xf32>
        %sub3A_1942 = arith.subf %get3A_1941, %get3A_1937 : vector<16xf32>
        %mul3A_1943 = arith.mulf %broadcast_in_dim3A_1861, %sub3A_1942 : vector<16xf32>
        %add3A_1944 = arith.addf %get3A_1937, %mul3A_1943 : vector<16xf32>
        %add3A_1945 = arith.addf %add3A_1842, %add3A_1944 : vector<16xf32>
        %get3A_1946 = arith.index_cast %add3A_1858 : i32 to index
        %get3A_1947 = arith.constant 112 : index
        %get3A_1948 = tpu.vector_load %arg10[%get3A_1946, %get3A_1947] {strides = array<i32>} : memref<104x128xf32, #tpu.memory_space<vmem>>, vector<1x16xf32>,
        %get3A_1949 = vector.shape_cast %get3A_1948 : vector<1x16xf32> to vector<16xf32>
        %get3A_1950 = arith.index_cast %add3A_1858 : i32 to index
        %get3A_1951 = arith.constant 112 : index
        %get3A_1952 = tpu.vector_load %arg11[%get3A_1950, %get3A_1951] {strides = array<i32>} : memref<104x128xf32, #tpu.memory_space<vmem>>, vector<1x16xf32>,
        %get3A_1953 = vector.shape_cast %get3A_1952 : vector<1x16xf32> to vector<16xf32>
        %sub3A_1954 = arith.subf %get3A_1953, %get3A_1949 : vector<16xf32>
        %mul3A_1955 = arith.mulf %broadcast_in_dim3A_1861, %sub3A_1954 : vector<16xf32>
        %add3A_1956 = arith.addf %get3A_1949, %mul3A_1955 : vector<16xf32>
        %add3A_1957 = arith.addf %add3A_1854, %add3A_1956 : vector<16xf32>
        %mul3A_1958 = arith.constant 16 : i32
        %mul3A_1959 = arith.muli %scan3A_1119, %mul3A_1958 : i32
        %add3A_1960 = arith.constant 8 : i32
        %add3A_1961 = arith.addi %mul3A_1959, %add3A_1960 : i32
        %slice3A_1962 = vector.extract_strided_slice %get3A_1133 {offsets = [8], sizes = [1], strides = [1]} : vector<16xf32> to vector<1xf32>
        %squeeze3A_1963 = vector.extract %slice3A_1962[0] : f32 from vector<1xf32>
        %broadcast_in_dim3A_1964 = vector.broadcast %squeeze3A_1963 : f32 to vector<16xf32>
        %get3A_1965 = arith.index_cast %add3A_1961 : i32 to index
        %get3A_1966 = arith.constant 0 : index
        %get3A_1967 = tpu.vector_load %arg10[%get3A_1965, %get3A_1966] {strides = array<i32>} : memref<104x128xf32, #tpu.memory_space<vmem>>, vector<1x16xf32>,
        %get3A_1968 = vector.shape_cast %get3A_1967 : vector<1x16xf32> to vector<16xf32>
        %get3A_1969 = arith.index_cast %add3A_1961 : i32 to index
        %get3A_1970 = arith.constant 0 : index
        %get3A_1971 = tpu.vector_load %arg11[%get3A_1969, %get3A_1970] {strides = array<i32>} : memref<104x128xf32, #tpu.memory_space<vmem>>, vector<1x16xf32>,
        %get3A_1972 = vector.shape_cast %get3A_1971 : vector<1x16xf32> to vector<16xf32>
        %sub3A_1973 = arith.subf %get3A_1972, %get3A_1968 : vector<16xf32>
        %mul3A_1974 = arith.mulf %broadcast_in_dim3A_1964, %sub3A_1973 : vector<16xf32>
        %add3A_1975 = arith.addf %get3A_1968, %mul3A_1974 : vector<16xf32>
        %add3A_1976 = arith.addf %add3A_1873, %add3A_1975 : vector<16xf32>
        %get3A_1977 = arith.index_cast %add3A_1961 : i32 to index
        %get3A_1978 = arith.constant 16 : index
        %get3A_1979 = tpu.vector_load %arg10[%get3A_1977, %get3A_1978] {strides = array<i32>} : memref<104x128xf32, #tpu.memory_space<vmem>>, vector<1x16xf32>,
        %get3A_1980 = vector.shape_cast %get3A_1979 : vector<1x16xf32> to vector<16xf32>
        %get3A_1981 = arith.index_cast %add3A_1961 : i32 to index
        %get3A_1982 = arith.constant 16 : index
        %get3A_1983 = tpu.vector_load %arg11[%get3A_1981, %get3A_1982] {strides = array<i32>} : memref<104x128xf32, #tpu.memory_space<vmem>>, vector<1x16xf32>,
        %get3A_1984 = vector.shape_cast %get3A_1983 : vector<1x16xf32> to vector<16xf32>
        %sub3A_1985 = arith.subf %get3A_1984, %get3A_1980 : vector<16xf32>
        %mul3A_1986 = arith.mulf %broadcast_in_dim3A_1964, %sub3A_1985 : vector<16xf32>
        %add3A_1987 = arith.addf %get3A_1980, %mul3A_1986 : vector<16xf32>
        %add3A_1988 = arith.addf %add3A_1885, %add3A_1987 : vector<16xf32>
        %get3A_1989 = arith.index_cast %add3A_1961 : i32 to index
        %get3A_1990 = arith.constant 32 : index
        %get3A_1991 = tpu.vector_load %arg10[%get3A_1989, %get3A_1990] {strides = array<i32>} : memref<104x128xf32, #tpu.memory_space<vmem>>, vector<1x16xf32>,
        %get3A_1992 = vector.shape_cast %get3A_1991 : vector<1x16xf32> to vector<16xf32>
        %get3A_1993 = arith.index_cast %add3A_1961 : i32 to index
        %get3A_1994 = arith.constant 32 : index
        %get3A_1995 = tpu.vector_load %arg11[%get3A_1993, %get3A_1994] {strides = array<i32>} : memref<104x128xf32, #tpu.memory_space<vmem>>, vector<1x16xf32>,
        %get3A_1996 = vector.shape_cast %get3A_1995 : vector<1x16xf32> to vector<16xf32>
        %sub3A_1997 = arith.subf %get3A_1996, %get3A_1992 : vector<16xf32>
        %mul3A_1998 = arith.mulf %broadcast_in_dim3A_1964, %sub3A_1997 : vector<16xf32>
        %add3A_1999 = arith.addf %get3A_1992, %mul3A_1998 : vector<16xf32>
        %add3A_2000 = arith.addf %add3A_1897, %add3A_1999 : vector<16xf32>
        %get3A_2001 = arith.index_cast %add3A_1961 : i32 to index
        %get3A_2002 = arith.constant 48 : index
        %get3A_2003 = tpu.vector_load %arg10[%get3A_2001, %get3A_2002] {strides = array<i32>} : memref<104x128xf32, #tpu.memory_space<vmem>>, vector<1x16xf32>,
        %get3A_2004 = vector.shape_cast %get3A_2003 : vector<1x16xf32> to vector<16xf32>
        %get3A_2005 = arith.index_cast %add3A_1961 : i32 to index
        %get3A_2006 = arith.constant 48 : index
        %get3A_2007 = tpu.vector_load %arg11[%get3A_2005, %get3A_2006] {strides = array<i32>} : memref<104x128xf32, #tpu.memory_space<vmem>>, vector<1x16xf32>,
        %get3A_2008 = vector.shape_cast %get3A_2007 : vector<1x16xf32> to vector<16xf32>
        %sub3A_2009 = arith.subf %get3A_2008, %get3A_2004 : vector<16xf32>
        %mul3A_2010 = arith.mulf %broadcast_in_dim3A_1964, %sub3A_2009 : vector<16xf32>
        %add3A_2011 = arith.addf %get3A_2004, %mul3A_2010 : vector<16xf32>
        %add3A_2012 = arith.addf %add3A_1909, %add3A_2011 : vector<16xf32>
        %get3A_2013 = arith.index_cast %add3A_1961 : i32 to index
        %get3A_2014 = arith.constant 64 : index
        %get3A_2015 = tpu.vector_load %arg10[%get3A_2013, %get3A_2014] {strides = array<i32>} : memref<104x128xf32, #tpu.memory_space<vmem>>, vector<1x16xf32>,
        %get3A_2016 = vector.shape_cast %get3A_2015 : vector<1x16xf32> to vector<16xf32>
        %get3A_2017 = arith.index_cast %add3A_1961 : i32 to index
        %get3A_2018 = arith.constant 64 : index
        %get3A_2019 = tpu.vector_load %arg11[%get3A_2017, %get3A_2018] {strides = array<i32>} : memref<104x128xf32, #tpu.memory_space<vmem>>, vector<1x16xf32>,
        %get3A_2020 = vector.shape_cast %get3A_2019 : vector<1x16xf32> to vector<16xf32>
        %sub3A_2021 = arith.subf %get3A_2020, %get3A_2016 : vector<16xf32>
        %mul3A_2022 = arith.mulf %broadcast_in_dim3A_1964, %sub3A_2021 : vector<16xf32>
        %add3A_2023 = arith.addf %get3A_2016, %mul3A_2022 : vector<16xf32>
        %add3A_2024 = arith.addf %add3A_1921, %add3A_2023 : vector<16xf32>
        %get3A_2025 = arith.index_cast %add3A_1961 : i32 to index
        %get3A_2026 = arith.constant 80 : index
        %get3A_2027 = tpu.vector_load %arg10[%get3A_2025, %get3A_2026] {strides = array<i32>} : memref<104x128xf32, #tpu.memory_space<vmem>>, vector<1x16xf32>,
        %get3A_2028 = vector.shape_cast %get3A_2027 : vector<1x16xf32> to vector<16xf32>
        %get3A_2029 = arith.index_cast %add3A_1961 : i32 to index
        %get3A_2030 = arith.constant 80 : index
        %get3A_2031 = tpu.vector_load %arg11[%get3A_2029, %get3A_2030] {strides = array<i32>} : memref<104x128xf32, #tpu.memory_space<vmem>>, vector<1x16xf32>,
        %get3A_2032 = vector.shape_cast %get3A_2031 : vector<1x16xf32> to vector<16xf32>
        %sub3A_2033 = arith.subf %get3A_2032, %get3A_2028 : vector<16xf32>
        %mul3A_2034 = arith.mulf %broadcast_in_dim3A_1964, %sub3A_2033 : vector<16xf32>
        %add3A_2035 = arith.addf %get3A_2028, %mul3A_2034 : vector<16xf32>
        %add3A_2036 = arith.addf %add3A_1933, %add3A_2035 : vector<16xf32>
        %get3A_2037 = arith.index_cast %add3A_1961 : i32 to index
        %get3A_2038 = arith.constant 96 : index
        %get3A_2039 = tpu.vector_load %arg10[%get3A_2037, %get3A_2038] {strides = array<i32>} : memref<104x128xf32, #tpu.memory_space<vmem>>, vector<1x16xf32>,
        %get3A_2040 = vector.shape_cast %get3A_2039 : vector<1x16xf32> to vector<16xf32>
        %get3A_2041 = arith.index_cast %add3A_1961 : i32 to index
        %get3A_2042 = arith.constant 96 : index
        %get3A_2043 = tpu.vector_load %arg11[%get3A_2041, %get3A_2042] {strides = array<i32>} : memref<104x128xf32, #tpu.memory_space<vmem>>, vector<1x16xf32>,
        %get3A_2044 = vector.shape_cast %get3A_2043 : vector<1x16xf32> to vector<16xf32>
        %sub3A_2045 = arith.subf %get3A_2044, %get3A_2040 : vector<16xf32>
        %mul3A_2046 = arith.mulf %broadcast_in_dim3A_1964, %sub3A_2045 : vector<16xf32>
        %add3A_2047 = arith.addf %get3A_2040, %mul3A_2046 : vector<16xf32>
        %add3A_2048 = arith.addf %add3A_1945, %add3A_2047 : vector<16xf32>
        %get3A_2049 = arith.index_cast %add3A_1961 : i32 to index
        %get3A_2050 = arith.constant 112 : index
        %get3A_2051 = tpu.vector_load %arg10[%get3A_2049, %get3A_2050] {strides = array<i32>} : memref<104x128xf32, #tpu.memory_space<vmem>>, vector<1x16xf32>,
        %get3A_2052 = vector.shape_cast %get3A_2051 : vector<1x16xf32> to vector<16xf32>
        %get3A_2053 = arith.index_cast %add3A_1961 : i32 to index
        %get3A_2054 = arith.constant 112 : index
        %get3A_2055 = tpu.vector_load %arg11[%get3A_2053, %get3A_2054] {strides = array<i32>} : memref<104x128xf32, #tpu.memory_space<vmem>>, vector<1x16xf32>,
        %get3A_2056 = vector.shape_cast %get3A_2055 : vector<1x16xf32> to vector<16xf32>
        %sub3A_2057 = arith.subf %get3A_2056, %get3A_2052 : vector<16xf32>
        %mul3A_2058 = arith.mulf %broadcast_in_dim3A_1964, %sub3A_2057 : vector<16xf32>
        %add3A_2059 = arith.addf %get3A_2052, %mul3A_2058 : vector<16xf32>
        %add3A_2060 = arith.addf %add3A_1957, %add3A_2059 : vector<16xf32>
        %mul3A_2061 = arith.constant 16 : i32
        %mul3A_2062 = arith.muli %scan3A_1119, %mul3A_2061 : i32
        %add3A_2063 = arith.constant 9 : i32
        %add3A_2064 = arith.addi %mul3A_2062, %add3A_2063 : i32
        %slice3A_2065 = vector.extract_strided_slice %get3A_1133 {offsets = [9], sizes = [1], strides = [1]} : vector<16xf32> to vector<1xf32>
        %squeeze3A_2066 = vector.extract %slice3A_2065[0] : f32 from vector<1xf32>
        %broadcast_in_dim3A_2067 = vector.broadcast %squeeze3A_2066 : f32 to vector<16xf32>
        %get3A_2068 = arith.index_cast %add3A_2064 : i32 to index
        %get3A_2069 = arith.constant 0 : index
        %get3A_2070 = tpu.vector_load %arg10[%get3A_2068, %get3A_2069] {strides = array<i32>} : memref<104x128xf32, #tpu.memory_space<vmem>>, vector<1x16xf32>,
        %get3A_2071 = vector.shape_cast %get3A_2070 : vector<1x16xf32> to vector<16xf32>
        %get3A_2072 = arith.index_cast %add3A_2064 : i32 to index
        %get3A_2073 = arith.constant 0 : index
        %get3A_2074 = tpu.vector_load %arg11[%get3A_2072, %get3A_2073] {strides = array<i32>} : memref<104x128xf32, #tpu.memory_space<vmem>>, vector<1x16xf32>,
        %get3A_2075 = vector.shape_cast %get3A_2074 : vector<1x16xf32> to vector<16xf32>
        %sub3A_2076 = arith.subf %get3A_2075, %get3A_2071 : vector<16xf32>
        %mul3A_2077 = arith.mulf %broadcast_in_dim3A_2067, %sub3A_2076 : vector<16xf32>
        %add3A_2078 = arith.addf %get3A_2071, %mul3A_2077 : vector<16xf32>
        %add3A_2079 = arith.addf %add3A_1976, %add3A_2078 : vector<16xf32>
        %get3A_2080 = arith.index_cast %add3A_2064 : i32 to index
        %get3A_2081 = arith.constant 16 : index
        %get3A_2082 = tpu.vector_load %arg10[%get3A_2080, %get3A_2081] {strides = array<i32>} : memref<104x128xf32, #tpu.memory_space<vmem>>, vector<1x16xf32>,
        %get3A_2083 = vector.shape_cast %get3A_2082 : vector<1x16xf32> to vector<16xf32>
        %get3A_2084 = arith.index_cast %add3A_2064 : i32 to index
        %get3A_2085 = arith.constant 16 : index
        %get3A_2086 = tpu.vector_load %arg11[%get3A_2084, %get3A_2085] {strides = array<i32>} : memref<104x128xf32, #tpu.memory_space<vmem>>, vector<1x16xf32>,
        %get3A_2087 = vector.shape_cast %get3A_2086 : vector<1x16xf32> to vector<16xf32>
        %sub3A_2088 = arith.subf %get3A_2087, %get3A_2083 : vector<16xf32>
        %mul3A_2089 = arith.mulf %broadcast_in_dim3A_2067, %sub3A_2088 : vector<16xf32>
        %add3A_2090 = arith.addf %get3A_2083, %mul3A_2089 : vector<16xf32>
        %add3A_2091 = arith.addf %add3A_1988, %add3A_2090 : vector<16xf32>
        %get3A_2092 = arith.index_cast %add3A_2064 : i32 to index
        %get3A_2093 = arith.constant 32 : index
        %get3A_2094 = tpu.vector_load %arg10[%get3A_2092, %get3A_2093] {strides = array<i32>} : memref<104x128xf32, #tpu.memory_space<vmem>>, vector<1x16xf32>,
        %get3A_2095 = vector.shape_cast %get3A_2094 : vector<1x16xf32> to vector<16xf32>
        %get3A_2096 = arith.index_cast %add3A_2064 : i32 to index
        %get3A_2097 = arith.constant 32 : index
        %get3A_2098 = tpu.vector_load %arg11[%get3A_2096, %get3A_2097] {strides = array<i32>} : memref<104x128xf32, #tpu.memory_space<vmem>>, vector<1x16xf32>,
        %get3A_2099 = vector.shape_cast %get3A_2098 : vector<1x16xf32> to vector<16xf32>
        %sub3A_2100 = arith.subf %get3A_2099, %get3A_2095 : vector<16xf32>
        %mul3A_2101 = arith.mulf %broadcast_in_dim3A_2067, %sub3A_2100 : vector<16xf32>
        %add3A_2102 = arith.addf %get3A_2095, %mul3A_2101 : vector<16xf32>
        %add3A_2103 = arith.addf %add3A_2000, %add3A_2102 : vector<16xf32>
        %get3A_2104 = arith.index_cast %add3A_2064 : i32 to index
        %get3A_2105 = arith.constant 48 : index
        %get3A_2106 = tpu.vector_load %arg10[%get3A_2104, %get3A_2105] {strides = array<i32>} : memref<104x128xf32, #tpu.memory_space<vmem>>, vector<1x16xf32>,
        %get3A_2107 = vector.shape_cast %get3A_2106 : vector<1x16xf32> to vector<16xf32>
        %get3A_2108 = arith.index_cast %add3A_2064 : i32 to index
        %get3A_2109 = arith.constant 48 : index
        %get3A_2110 = tpu.vector_load %arg11[%get3A_2108, %get3A_2109] {strides = array<i32>} : memref<104x128xf32, #tpu.memory_space<vmem>>, vector<1x16xf32>,
        %get3A_2111 = vector.shape_cast %get3A_2110 : vector<1x16xf32> to vector<16xf32>
        %sub3A_2112 = arith.subf %get3A_2111, %get3A_2107 : vector<16xf32>
        %mul3A_2113 = arith.mulf %broadcast_in_dim3A_2067, %sub3A_2112 : vector<16xf32>
        %add3A_2114 = arith.addf %get3A_2107, %mul3A_2113 : vector<16xf32>
        %add3A_2115 = arith.addf %add3A_2012, %add3A_2114 : vector<16xf32>
        %get3A_2116 = arith.index_cast %add3A_2064 : i32 to index
        %get3A_2117 = arith.constant 64 : index
        %get3A_2118 = tpu.vector_load %arg10[%get3A_2116, %get3A_2117] {strides = array<i32>} : memref<104x128xf32, #tpu.memory_space<vmem>>, vector<1x16xf32>,
        %get3A_2119 = vector.shape_cast %get3A_2118 : vector<1x16xf32> to vector<16xf32>
        %get3A_2120 = arith.index_cast %add3A_2064 : i32 to index
        %get3A_2121 = arith.constant 64 : index
        %get3A_2122 = tpu.vector_load %arg11[%get3A_2120, %get3A_2121] {strides = array<i32>} : memref<104x128xf32, #tpu.memory_space<vmem>>, vector<1x16xf32>,
        %get3A_2123 = vector.shape_cast %get3A_2122 : vector<1x16xf32> to vector<16xf32>
        %sub3A_2124 = arith.subf %get3A_2123, %get3A_2119 : vector<16xf32>
        %mul3A_2125 = arith.mulf %broadcast_in_dim3A_2067, %sub3A_2124 : vector<16xf32>
        %add3A_2126 = arith.addf %get3A_2119, %mul3A_2125 : vector<16xf32>
        %add3A_2127 = arith.addf %add3A_2024, %add3A_2126 : vector<16xf32>
        %get3A_2128 = arith.index_cast %add3A_2064 : i32 to index
        %get3A_2129 = arith.constant 80 : index
        %get3A_2130 = tpu.vector_load %arg10[%get3A_2128, %get3A_2129] {strides = array<i32>} : memref<104x128xf32, #tpu.memory_space<vmem>>, vector<1x16xf32>,
        %get3A_2131 = vector.shape_cast %get3A_2130 : vector<1x16xf32> to vector<16xf32>
        %get3A_2132 = arith.index_cast %add3A_2064 : i32 to index
        %get3A_2133 = arith.constant 80 : index
        %get3A_2134 = tpu.vector_load %arg11[%get3A_2132, %get3A_2133] {strides = array<i32>} : memref<104x128xf32, #tpu.memory_space<vmem>>, vector<1x16xf32>,
        %get3A_2135 = vector.shape_cast %get3A_2134 : vector<1x16xf32> to vector<16xf32>
        %sub3A_2136 = arith.subf %get3A_2135, %get3A_2131 : vector<16xf32>
        %mul3A_2137 = arith.mulf %broadcast_in_dim3A_2067, %sub3A_2136 : vector<16xf32>
        %add3A_2138 = arith.addf %get3A_2131, %mul3A_2137 : vector<16xf32>
        %add3A_2139 = arith.addf %add3A_2036, %add3A_2138 : vector<16xf32>
        %get3A_2140 = arith.index_cast %add3A_2064 : i32 to index
        %get3A_2141 = arith.constant 96 : index
        %get3A_2142 = tpu.vector_load %arg10[%get3A_2140, %get3A_2141] {strides = array<i32>} : memref<104x128xf32, #tpu.memory_space<vmem>>, vector<1x16xf32>,
        %get3A_2143 = vector.shape_cast %get3A_2142 : vector<1x16xf32> to vector<16xf32>
        %get3A_2144 = arith.index_cast %add3A_2064 : i32 to index
        %get3A_2145 = arith.constant 96 : index
        %get3A_2146 = tpu.vector_load %arg11[%get3A_2144, %get3A_2145] {strides = array<i32>} : memref<104x128xf32, #tpu.memory_space<vmem>>, vector<1x16xf32>,
        %get3A_2147 = vector.shape_cast %get3A_2146 : vector<1x16xf32> to vector<16xf32>
        %sub3A_2148 = arith.subf %get3A_2147, %get3A_2143 : vector<16xf32>
        %mul3A_2149 = arith.mulf %broadcast_in_dim3A_2067, %sub3A_2148 : vector<16xf32>
        %add3A_2150 = arith.addf %get3A_2143, %mul3A_2149 : vector<16xf32>
        %add3A_2151 = arith.addf %add3A_2048, %add3A_2150 : vector<16xf32>
        %get3A_2152 = arith.index_cast %add3A_2064 : i32 to index
        %get3A_2153 = arith.constant 112 : index
        %get3A_2154 = tpu.vector_load %arg10[%get3A_2152, %get3A_2153] {strides = array<i32>} : memref<104x128xf32, #tpu.memory_space<vmem>>, vector<1x16xf32>,
        %get3A_2155 = vector.shape_cast %get3A_2154 : vector<1x16xf32> to vector<16xf32>
        %get3A_2156 = arith.index_cast %add3A_2064 : i32 to index
        %get3A_2157 = arith.constant 112 : index
        %get3A_2158 = tpu.vector_load %arg11[%get3A_2156, %get3A_2157] {strides = array<i32>} : memref<104x128xf32, #tpu.memory_space<vmem>>, vector<1x16xf32>,
        %get3A_2159 = vector.shape_cast %get3A_2158 : vector<1x16xf32> to vector<16xf32>
        %sub3A_2160 = arith.subf %get3A_2159, %get3A_2155 : vector<16xf32>
        %mul3A_2161 = arith.mulf %broadcast_in_dim3A_2067, %sub3A_2160 : vector<16xf32>
        %add3A_2162 = arith.addf %get3A_2155, %mul3A_2161 : vector<16xf32>
        %add3A_2163 = arith.addf %add3A_2060, %add3A_2162 : vector<16xf32>
        %mul3A_2164 = arith.constant 16 : i32
        %mul3A_2165 = arith.muli %scan3A_1119, %mul3A_2164 : i32
        %add3A_2166 = arith.constant 10 : i32
        %add3A_2167 = arith.addi %mul3A_2165, %add3A_2166 : i32
        %slice3A_2168 = vector.extract_strided_slice %get3A_1133 {offsets = [10], sizes = [1], strides = [1]} : vector<16xf32> to vector<1xf32>
        %squeeze3A_2169 = vector.extract %slice3A_2168[0] : f32 from vector<1xf32>
        %broadcast_in_dim3A_2170 = vector.broadcast %squeeze3A_2169 : f32 to vector<16xf32>
        %get3A_2171 = arith.index_cast %add3A_2167 : i32 to index
        %get3A_2172 = arith.constant 0 : index
        %get3A_2173 = tpu.vector_load %arg10[%get3A_2171, %get3A_2172] {strides = array<i32>} : memref<104x128xf32, #tpu.memory_space<vmem>>, vector<1x16xf32>,
        %get3A_2174 = vector.shape_cast %get3A_2173 : vector<1x16xf32> to vector<16xf32>
        %get3A_2175 = arith.index_cast %add3A_2167 : i32 to index
        %get3A_2176 = arith.constant 0 : index
        %get3A_2177 = tpu.vector_load %arg11[%get3A_2175, %get3A_2176] {strides = array<i32>} : memref<104x128xf32, #tpu.memory_space<vmem>>, vector<1x16xf32>,
        %get3A_2178 = vector.shape_cast %get3A_2177 : vector<1x16xf32> to vector<16xf32>
        %sub3A_2179 = arith.subf %get3A_2178, %get3A_2174 : vector<16xf32>
        %mul3A_2180 = arith.mulf %broadcast_in_dim3A_2170, %sub3A_2179 : vector<16xf32>
        %add3A_2181 = arith.addf %get3A_2174, %mul3A_2180 : vector<16xf32>
        %add3A_2182 = arith.addf %add3A_2079, %add3A_2181 : vector<16xf32>
        %get3A_2183 = arith.index_cast %add3A_2167 : i32 to index
        %get3A_2184 = arith.constant 16 : index
        %get3A_2185 = tpu.vector_load %arg10[%get3A_2183, %get3A_2184] {strides = array<i32>} : memref<104x128xf32, #tpu.memory_space<vmem>>, vector<1x16xf32>,
        %get3A_2186 = vector.shape_cast %get3A_2185 : vector<1x16xf32> to vector<16xf32>
        %get3A_2187 = arith.index_cast %add3A_2167 : i32 to index
        %get3A_2188 = arith.constant 16 : index
        %get3A_2189 = tpu.vector_load %arg11[%get3A_2187, %get3A_2188] {strides = array<i32>} : memref<104x128xf32, #tpu.memory_space<vmem>>, vector<1x16xf32>,
        %get3A_2190 = vector.shape_cast %get3A_2189 : vector<1x16xf32> to vector<16xf32>
        %sub3A_2191 = arith.subf %get3A_2190, %get3A_2186 : vector<16xf32>
        %mul3A_2192 = arith.mulf %broadcast_in_dim3A_2170, %sub3A_2191 : vector<16xf32>
        %add3A_2193 = arith.addf %get3A_2186, %mul3A_2192 : vector<16xf32>
        %add3A_2194 = arith.addf %add3A_2091, %add3A_2193 : vector<16xf32>
        %get3A_2195 = arith.index_cast %add3A_2167 : i32 to index
        %get3A_2196 = arith.constant 32 : index
        %get3A_2197 = tpu.vector_load %arg10[%get3A_2195, %get3A_2196] {strides = array<i32>} : memref<104x128xf32, #tpu.memory_space<vmem>>, vector<1x16xf32>,
        %get3A_2198 = vector.shape_cast %get3A_2197 : vector<1x16xf32> to vector<16xf32>
        %get3A_2199 = arith.index_cast %add3A_2167 : i32 to index
        %get3A_2200 = arith.constant 32 : index
        %get3A_2201 = tpu.vector_load %arg11[%get3A_2199, %get3A_2200] {strides = array<i32>} : memref<104x128xf32, #tpu.memory_space<vmem>>, vector<1x16xf32>,
        %get3A_2202 = vector.shape_cast %get3A_2201 : vector<1x16xf32> to vector<16xf32>
        %sub3A_2203 = arith.subf %get3A_2202, %get3A_2198 : vector<16xf32>
        %mul3A_2204 = arith.mulf %broadcast_in_dim3A_2170, %sub3A_2203 : vector<16xf32>
        %add3A_2205 = arith.addf %get3A_2198, %mul3A_2204 : vector<16xf32>
        %add3A_2206 = arith.addf %add3A_2103, %add3A_2205 : vector<16xf32>
        %get3A_2207 = arith.index_cast %add3A_2167 : i32 to index
        %get3A_2208 = arith.constant 48 : index
        %get3A_2209 = tpu.vector_load %arg10[%get3A_2207, %get3A_2208] {strides = array<i32>} : memref<104x128xf32, #tpu.memory_space<vmem>>, vector<1x16xf32>,
        %get3A_2210 = vector.shape_cast %get3A_2209 : vector<1x16xf32> to vector<16xf32>
        %get3A_2211 = arith.index_cast %add3A_2167 : i32 to index
        %get3A_2212 = arith.constant 48 : index
        %get3A_2213 = tpu.vector_load %arg11[%get3A_2211, %get3A_2212] {strides = array<i32>} : memref<104x128xf32, #tpu.memory_space<vmem>>, vector<1x16xf32>,
        %get3A_2214 = vector.shape_cast %get3A_2213 : vector<1x16xf32> to vector<16xf32>
        %sub3A_2215 = arith.subf %get3A_2214, %get3A_2210 : vector<16xf32>
        %mul3A_2216 = arith.mulf %broadcast_in_dim3A_2170, %sub3A_2215 : vector<16xf32>
        %add3A_2217 = arith.addf %get3A_2210, %mul3A_2216 : vector<16xf32>
        %add3A_2218 = arith.addf %add3A_2115, %add3A_2217 : vector<16xf32>
        %get3A_2219 = arith.index_cast %add3A_2167 : i32 to index
        %get3A_2220 = arith.constant 64 : index
        %get3A_2221 = tpu.vector_load %arg10[%get3A_2219, %get3A_2220] {strides = array<i32>} : memref<104x128xf32, #tpu.memory_space<vmem>>, vector<1x16xf32>,
        %get3A_2222 = vector.shape_cast %get3A_2221 : vector<1x16xf32> to vector<16xf32>
        %get3A_2223 = arith.index_cast %add3A_2167 : i32 to index
        %get3A_2224 = arith.constant 64 : index
        %get3A_2225 = tpu.vector_load %arg11[%get3A_2223, %get3A_2224] {strides = array<i32>} : memref<104x128xf32, #tpu.memory_space<vmem>>, vector<1x16xf32>,
        %get3A_2226 = vector.shape_cast %get3A_2225 : vector<1x16xf32> to vector<16xf32>
        %sub3A_2227 = arith.subf %get3A_2226, %get3A_2222 : vector<16xf32>
        %mul3A_2228 = arith.mulf %broadcast_in_dim3A_2170, %sub3A_2227 : vector<16xf32>
        %add3A_2229 = arith.addf %get3A_2222, %mul3A_2228 : vector<16xf32>
        %add3A_2230 = arith.addf %add3A_2127, %add3A_2229 : vector<16xf32>
        %get3A_2231 = arith.index_cast %add3A_2167 : i32 to index
        %get3A_2232 = arith.constant 80 : index
        %get3A_2233 = tpu.vector_load %arg10[%get3A_2231, %get3A_2232] {strides = array<i32>} : memref<104x128xf32, #tpu.memory_space<vmem>>, vector<1x16xf32>,
        %get3A_2234 = vector.shape_cast %get3A_2233 : vector<1x16xf32> to vector<16xf32>
        %get3A_2235 = arith.index_cast %add3A_2167 : i32 to index
        %get3A_2236 = arith.constant 80 : index
        %get3A_2237 = tpu.vector_load %arg11[%get3A_2235, %get3A_2236] {strides = array<i32>} : memref<104x128xf32, #tpu.memory_space<vmem>>, vector<1x16xf32>,
        %get3A_2238 = vector.shape_cast %get3A_2237 : vector<1x16xf32> to vector<16xf32>
        %sub3A_2239 = arith.subf %get3A_2238, %get3A_2234 : vector<16xf32>
        %mul3A_2240 = arith.mulf %broadcast_in_dim3A_2170, %sub3A_2239 : vector<16xf32>
        %add3A_2241 = arith.addf %get3A_2234, %mul3A_2240 : vector<16xf32>
        %add3A_2242 = arith.addf %add3A_2139, %add3A_2241 : vector<16xf32>
        %get3A_2243 = arith.index_cast %add3A_2167 : i32 to index
        %get3A_2244 = arith.constant 96 : index
        %get3A_2245 = tpu.vector_load %arg10[%get3A_2243, %get3A_2244] {strides = array<i32>} : memref<104x128xf32, #tpu.memory_space<vmem>>, vector<1x16xf32>,
        %get3A_2246 = vector.shape_cast %get3A_2245 : vector<1x16xf32> to vector<16xf32>
        %get3A_2247 = arith.index_cast %add3A_2167 : i32 to index
        %get3A_2248 = arith.constant 96 : index
        %get3A_2249 = tpu.vector_load %arg11[%get3A_2247, %get3A_2248] {strides = array<i32>} : memref<104x128xf32, #tpu.memory_space<vmem>>, vector<1x16xf32>,
        %get3A_2250 = vector.shape_cast %get3A_2249 : vector<1x16xf32> to vector<16xf32>
        %sub3A_2251 = arith.subf %get3A_2250, %get3A_2246 : vector<16xf32>
        %mul3A_2252 = arith.mulf %broadcast_in_dim3A_2170, %sub3A_2251 : vector<16xf32>
        %add3A_2253 = arith.addf %get3A_2246, %mul3A_2252 : vector<16xf32>
        %add3A_2254 = arith.addf %add3A_2151, %add3A_2253 : vector<16xf32>
        %get3A_2255 = arith.index_cast %add3A_2167 : i32 to index
        %get3A_2256 = arith.constant 112 : index
        %get3A_2257 = tpu.vector_load %arg10[%get3A_2255, %get3A_2256] {strides = array<i32>} : memref<104x128xf32, #tpu.memory_space<vmem>>, vector<1x16xf32>,
        %get3A_2258 = vector.shape_cast %get3A_2257 : vector<1x16xf32> to vector<16xf32>
        %get3A_2259 = arith.index_cast %add3A_2167 : i32 to index
        %get3A_2260 = arith.constant 112 : index
        %get3A_2261 = tpu.vector_load %arg11[%get3A_2259, %get3A_2260] {strides = array<i32>} : memref<104x128xf32, #tpu.memory_space<vmem>>, vector<1x16xf32>,
        %get3A_2262 = vector.shape_cast %get3A_2261 : vector<1x16xf32> to vector<16xf32>
        %sub3A_2263 = arith.subf %get3A_2262, %get3A_2258 : vector<16xf32>
        %mul3A_2264 = arith.mulf %broadcast_in_dim3A_2170, %sub3A_2263 : vector<16xf32>
        %add3A_2265 = arith.addf %get3A_2258, %mul3A_2264 : vector<16xf32>
        %add3A_2266 = arith.addf %add3A_2163, %add3A_2265 : vector<16xf32>
        %mul3A_2267 = arith.constant 16 : i32
        %mul3A_2268 = arith.muli %scan3A_1119, %mul3A_2267 : i32
        %add3A_2269 = arith.constant 11 : i32
        %add3A_2270 = arith.addi %mul3A_2268, %add3A_2269 : i32
        %slice3A_2271 = vector.extract_strided_slice %get3A_1133 {offsets = [11], sizes = [1], strides = [1]} : vector<16xf32> to vector<1xf32>
        %squeeze3A_2272 = vector.extract %slice3A_2271[0] : f32 from vector<1xf32>
        %broadcast_in_dim3A_2273 = vector.broadcast %squeeze3A_2272 : f32 to vector<16xf32>
        %get3A_2274 = arith.index_cast %add3A_2270 : i32 to index
        %get3A_2275 = arith.constant 0 : index
        %get3A_2276 = tpu.vector_load %arg10[%get3A_2274, %get3A_2275] {strides = array<i32>} : memref<104x128xf32, #tpu.memory_space<vmem>>, vector<1x16xf32>,
        %get3A_2277 = vector.shape_cast %get3A_2276 : vector<1x16xf32> to vector<16xf32>
        %get3A_2278 = arith.index_cast %add3A_2270 : i32 to index
        %get3A_2279 = arith.constant 0 : index
        %get3A_2280 = tpu.vector_load %arg11[%get3A_2278, %get3A_2279] {strides = array<i32>} : memref<104x128xf32, #tpu.memory_space<vmem>>, vector<1x16xf32>,
        %get3A_2281 = vector.shape_cast %get3A_2280 : vector<1x16xf32> to vector<16xf32>
        %sub3A_2282 = arith.subf %get3A_2281, %get3A_2277 : vector<16xf32>
        %mul3A_2283 = arith.mulf %broadcast_in_dim3A_2273, %sub3A_2282 : vector<16xf32>
        %add3A_2284 = arith.addf %get3A_2277, %mul3A_2283 : vector<16xf32>
        %add3A_2285 = arith.addf %add3A_2182, %add3A_2284 : vector<16xf32>
        %get3A_2286 = arith.index_cast %add3A_2270 : i32 to index
        %get3A_2287 = arith.constant 16 : index
        %get3A_2288 = tpu.vector_load %arg10[%get3A_2286, %get3A_2287] {strides = array<i32>} : memref<104x128xf32, #tpu.memory_space<vmem>>, vector<1x16xf32>,
        %get3A_2289 = vector.shape_cast %get3A_2288 : vector<1x16xf32> to vector<16xf32>
        %get3A_2290 = arith.index_cast %add3A_2270 : i32 to index
        %get3A_2291 = arith.constant 16 : index
        %get3A_2292 = tpu.vector_load %arg11[%get3A_2290, %get3A_2291] {strides = array<i32>} : memref<104x128xf32, #tpu.memory_space<vmem>>, vector<1x16xf32>,
        %get3A_2293 = vector.shape_cast %get3A_2292 : vector<1x16xf32> to vector<16xf32>
        %sub3A_2294 = arith.subf %get3A_2293, %get3A_2289 : vector<16xf32>
        %mul3A_2295 = arith.mulf %broadcast_in_dim3A_2273, %sub3A_2294 : vector<16xf32>
        %add3A_2296 = arith.addf %get3A_2289, %mul3A_2295 : vector<16xf32>
        %add3A_2297 = arith.addf %add3A_2194, %add3A_2296 : vector<16xf32>
        %get3A_2298 = arith.index_cast %add3A_2270 : i32 to index
        %get3A_2299 = arith.constant 32 : index
        %get3A_2300 = tpu.vector_load %arg10[%get3A_2298, %get3A_2299] {strides = array<i32>} : memref<104x128xf32, #tpu.memory_space<vmem>>, vector<1x16xf32>,
        %get3A_2301 = vector.shape_cast %get3A_2300 : vector<1x16xf32> to vector<16xf32>
        %get3A_2302 = arith.index_cast %add3A_2270 : i32 to index
        %get3A_2303 = arith.constant 32 : index
        %get3A_2304 = tpu.vector_load %arg11[%get3A_2302, %get3A_2303] {strides = array<i32>} : memref<104x128xf32, #tpu.memory_space<vmem>>, vector<1x16xf32>,
        %get3A_2305 = vector.shape_cast %get3A_2304 : vector<1x16xf32> to vector<16xf32>
        %sub3A_2306 = arith.subf %get3A_2305, %get3A_2301 : vector<16xf32>
        %mul3A_2307 = arith.mulf %broadcast_in_dim3A_2273, %sub3A_2306 : vector<16xf32>
        %add3A_2308 = arith.addf %get3A_2301, %mul3A_2307 : vector<16xf32>
        %add3A_2309 = arith.addf %add3A_2206, %add3A_2308 : vector<16xf32>
        %get3A_2310 = arith.index_cast %add3A_2270 : i32 to index
        %get3A_2311 = arith.constant 48 : index
        %get3A_2312 = tpu.vector_load %arg10[%get3A_2310, %get3A_2311] {strides = array<i32>} : memref<104x128xf32, #tpu.memory_space<vmem>>, vector<1x16xf32>,
        %get3A_2313 = vector.shape_cast %get3A_2312 : vector<1x16xf32> to vector<16xf32>
        %get3A_2314 = arith.index_cast %add3A_2270 : i32 to index
        %get3A_2315 = arith.constant 48 : index
        %get3A_2316 = tpu.vector_load %arg11[%get3A_2314, %get3A_2315] {strides = array<i32>} : memref<104x128xf32, #tpu.memory_space<vmem>>, vector<1x16xf32>,
        %get3A_2317 = vector.shape_cast %get3A_2316 : vector<1x16xf32> to vector<16xf32>
        %sub3A_2318 = arith.subf %get3A_2317, %get3A_2313 : vector<16xf32>
        %mul3A_2319 = arith.mulf %broadcast_in_dim3A_2273, %sub3A_2318 : vector<16xf32>
        %add3A_2320 = arith.addf %get3A_2313, %mul3A_2319 : vector<16xf32>
        %add3A_2321 = arith.addf %add3A_2218, %add3A_2320 : vector<16xf32>
        %get3A_2322 = arith.index_cast %add3A_2270 : i32 to index
        %get3A_2323 = arith.constant 64 : index
        %get3A_2324 = tpu.vector_load %arg10[%get3A_2322, %get3A_2323] {strides = array<i32>} : memref<104x128xf32, #tpu.memory_space<vmem>>, vector<1x16xf32>,
        %get3A_2325 = vector.shape_cast %get3A_2324 : vector<1x16xf32> to vector<16xf32>
        %get3A_2326 = arith.index_cast %add3A_2270 : i32 to index
        %get3A_2327 = arith.constant 64 : index
        %get3A_2328 = tpu.vector_load %arg11[%get3A_2326, %get3A_2327] {strides = array<i32>} : memref<104x128xf32, #tpu.memory_space<vmem>>, vector<1x16xf32>,
        %get3A_2329 = vector.shape_cast %get3A_2328 : vector<1x16xf32> to vector<16xf32>
        %sub3A_2330 = arith.subf %get3A_2329, %get3A_2325 : vector<16xf32>
        %mul3A_2331 = arith.mulf %broadcast_in_dim3A_2273, %sub3A_2330 : vector<16xf32>
        %add3A_2332 = arith.addf %get3A_2325, %mul3A_2331 : vector<16xf32>
        %add3A_2333 = arith.addf %add3A_2230, %add3A_2332 : vector<16xf32>
        %get3A_2334 = arith.index_cast %add3A_2270 : i32 to index
        %get3A_2335 = arith.constant 80 : index
        %get3A_2336 = tpu.vector_load %arg10[%get3A_2334, %get3A_2335] {strides = array<i32>} : memref<104x128xf32, #tpu.memory_space<vmem>>, vector<1x16xf32>,
        %get3A_2337 = vector.shape_cast %get3A_2336 : vector<1x16xf32> to vector<16xf32>
        %get3A_2338 = arith.index_cast %add3A_2270 : i32 to index
        %get3A_2339 = arith.constant 80 : index
        %get3A_2340 = tpu.vector_load %arg11[%get3A_2338, %get3A_2339] {strides = array<i32>} : memref<104x128xf32, #tpu.memory_space<vmem>>, vector<1x16xf32>,
        %get3A_2341 = vector.shape_cast %get3A_2340 : vector<1x16xf32> to vector<16xf32>
        %sub3A_2342 = arith.subf %get3A_2341, %get3A_2337 : vector<16xf32>
        %mul3A_2343 = arith.mulf %broadcast_in_dim3A_2273, %sub3A_2342 : vector<16xf32>
        %add3A_2344 = arith.addf %get3A_2337, %mul3A_2343 : vector<16xf32>
        %add3A_2345 = arith.addf %add3A_2242, %add3A_2344 : vector<16xf32>
        %get3A_2346 = arith.index_cast %add3A_2270 : i32 to index
        %get3A_2347 = arith.constant 96 : index
        %get3A_2348 = tpu.vector_load %arg10[%get3A_2346, %get3A_2347] {strides = array<i32>} : memref<104x128xf32, #tpu.memory_space<vmem>>, vector<1x16xf32>,
        %get3A_2349 = vector.shape_cast %get3A_2348 : vector<1x16xf32> to vector<16xf32>
        %get3A_2350 = arith.index_cast %add3A_2270 : i32 to index
        %get3A_2351 = arith.constant 96 : index
        %get3A_2352 = tpu.vector_load %arg11[%get3A_2350, %get3A_2351] {strides = array<i32>} : memref<104x128xf32, #tpu.memory_space<vmem>>, vector<1x16xf32>,
        %get3A_2353 = vector.shape_cast %get3A_2352 : vector<1x16xf32> to vector<16xf32>
        %sub3A_2354 = arith.subf %get3A_2353, %get3A_2349 : vector<16xf32>
        %mul3A_2355 = arith.mulf %broadcast_in_dim3A_2273, %sub3A_2354 : vector<16xf32>
        %add3A_2356 = arith.addf %get3A_2349, %mul3A_2355 : vector<16xf32>
        %add3A_2357 = arith.addf %add3A_2254, %add3A_2356 : vector<16xf32>
        %get3A_2358 = arith.index_cast %add3A_2270 : i32 to index
        %get3A_2359 = arith.constant 112 : index
        %get3A_2360 = tpu.vector_load %arg10[%get3A_2358, %get3A_2359] {strides = array<i32>} : memref<104x128xf32, #tpu.memory_space<vmem>>, vector<1x16xf32>,
        %get3A_2361 = vector.shape_cast %get3A_2360 : vector<1x16xf32> to vector<16xf32>
        %get3A_2362 = arith.index_cast %add3A_2270 : i32 to index
        %get3A_2363 = arith.constant 112 : index
        %get3A_2364 = tpu.vector_load %arg11[%get3A_2362, %get3A_2363] {strides = array<i32>} : memref<104x128xf32, #tpu.memory_space<vmem>>, vector<1x16xf32>,
        %get3A_2365 = vector.shape_cast %get3A_2364 : vector<1x16xf32> to vector<16xf32>
        %sub3A_2366 = arith.subf %get3A_2365, %get3A_2361 : vector<16xf32>
        %mul3A_2367 = arith.mulf %broadcast_in_dim3A_2273, %sub3A_2366 : vector<16xf32>
        %add3A_2368 = arith.addf %get3A_2361, %mul3A_2367 : vector<16xf32>
        %add3A_2369 = arith.addf %add3A_2266, %add3A_2368 : vector<16xf32>
        %mul3A_2370 = arith.constant 16 : i32
        %mul3A_2371 = arith.muli %scan3A_1119, %mul3A_2370 : i32
        %add3A_2372 = arith.constant 12 : i32
        %add3A_2373 = arith.addi %mul3A_2371, %add3A_2372 : i32
        %slice3A_2374 = vector.extract_strided_slice %get3A_1133 {offsets = [12], sizes = [1], strides = [1]} : vector<16xf32> to vector<1xf32>
        %squeeze3A_2375 = vector.extract %slice3A_2374[0] : f32 from vector<1xf32>
        %broadcast_in_dim3A_2376 = vector.broadcast %squeeze3A_2375 : f32 to vector<16xf32>
        %get3A_2377 = arith.index_cast %add3A_2373 : i32 to index
        %get3A_2378 = arith.constant 0 : index
        %get3A_2379 = tpu.vector_load %arg10[%get3A_2377, %get3A_2378] {strides = array<i32>} : memref<104x128xf32, #tpu.memory_space<vmem>>, vector<1x16xf32>,
        %get3A_2380 = vector.shape_cast %get3A_2379 : vector<1x16xf32> to vector<16xf32>
        %get3A_2381 = arith.index_cast %add3A_2373 : i32 to index
        %get3A_2382 = arith.constant 0 : index
        %get3A_2383 = tpu.vector_load %arg11[%get3A_2381, %get3A_2382] {strides = array<i32>} : memref<104x128xf32, #tpu.memory_space<vmem>>, vector<1x16xf32>,
        %get3A_2384 = vector.shape_cast %get3A_2383 : vector<1x16xf32> to vector<16xf32>
        %sub3A_2385 = arith.subf %get3A_2384, %get3A_2380 : vector<16xf32>
        %mul3A_2386 = arith.mulf %broadcast_in_dim3A_2376, %sub3A_2385 : vector<16xf32>
        %add3A_2387 = arith.addf %get3A_2380, %mul3A_2386 : vector<16xf32>
        %add3A_2388 = arith.addf %add3A_2285, %add3A_2387 : vector<16xf32>
        %get3A_2389 = arith.index_cast %add3A_2373 : i32 to index
        %get3A_2390 = arith.constant 16 : index
        %get3A_2391 = tpu.vector_load %arg10[%get3A_2389, %get3A_2390] {strides = array<i32>} : memref<104x128xf32, #tpu.memory_space<vmem>>, vector<1x16xf32>,
        %get3A_2392 = vector.shape_cast %get3A_2391 : vector<1x16xf32> to vector<16xf32>
        %get3A_2393 = arith.index_cast %add3A_2373 : i32 to index
        %get3A_2394 = arith.constant 16 : index
        %get3A_2395 = tpu.vector_load %arg11[%get3A_2393, %get3A_2394] {strides = array<i32>} : memref<104x128xf32, #tpu.memory_space<vmem>>, vector<1x16xf32>,
        %get3A_2396 = vector.shape_cast %get3A_2395 : vector<1x16xf32> to vector<16xf32>
        %sub3A_2397 = arith.subf %get3A_2396, %get3A_2392 : vector<16xf32>
        %mul3A_2398 = arith.mulf %broadcast_in_dim3A_2376, %sub3A_2397 : vector<16xf32>
        %add3A_2399 = arith.addf %get3A_2392, %mul3A_2398 : vector<16xf32>
        %add3A_2400 = arith.addf %add3A_2297, %add3A_2399 : vector<16xf32>
        %get3A_2401 = arith.index_cast %add3A_2373 : i32 to index
        %get3A_2402 = arith.constant 32 : index
        %get3A_2403 = tpu.vector_load %arg10[%get3A_2401, %get3A_2402] {strides = array<i32>} : memref<104x128xf32, #tpu.memory_space<vmem>>, vector<1x16xf32>,
        %get3A_2404 = vector.shape_cast %get3A_2403 : vector<1x16xf32> to vector<16xf32>
        %get3A_2405 = arith.index_cast %add3A_2373 : i32 to index
        %get3A_2406 = arith.constant 32 : index
        %get3A_2407 = tpu.vector_load %arg11[%get3A_2405, %get3A_2406] {strides = array<i32>} : memref<104x128xf32, #tpu.memory_space<vmem>>, vector<1x16xf32>,
        %get3A_2408 = vector.shape_cast %get3A_2407 : vector<1x16xf32> to vector<16xf32>
        %sub3A_2409 = arith.subf %get3A_2408, %get3A_2404 : vector<16xf32>
        %mul3A_2410 = arith.mulf %broadcast_in_dim3A_2376, %sub3A_2409 : vector<16xf32>
        %add3A_2411 = arith.addf %get3A_2404, %mul3A_2410 : vector<16xf32>
        %add3A_2412 = arith.addf %add3A_2309, %add3A_2411 : vector<16xf32>
        %get3A_2413 = arith.index_cast %add3A_2373 : i32 to index
        %get3A_2414 = arith.constant 48 : index
        %get3A_2415 = tpu.vector_load %arg10[%get3A_2413, %get3A_2414] {strides = array<i32>} : memref<104x128xf32, #tpu.memory_space<vmem>>, vector<1x16xf32>,
        %get3A_2416 = vector.shape_cast %get3A_2415 : vector<1x16xf32> to vector<16xf32>
        %get3A_2417 = arith.index_cast %add3A_2373 : i32 to index
        %get3A_2418 = arith.constant 48 : index
        %get3A_2419 = tpu.vector_load %arg11[%get3A_2417, %get3A_2418] {strides = array<i32>} : memref<104x128xf32, #tpu.memory_space<vmem>>, vector<1x16xf32>,
        %get3A_2420 = vector.shape_cast %get3A_2419 : vector<1x16xf32> to vector<16xf32>
        %sub3A_2421 = arith.subf %get3A_2420, %get3A_2416 : vector<16xf32>
        %mul3A_2422 = arith.mulf %broadcast_in_dim3A_2376, %sub3A_2421 : vector<16xf32>
        %add3A_2423 = arith.addf %get3A_2416, %mul3A_2422 : vector<16xf32>
        %add3A_2424 = arith.addf %add3A_2321, %add3A_2423 : vector<16xf32>
        %get3A_2425 = arith.index_cast %add3A_2373 : i32 to index
        %get3A_2426 = arith.constant 64 : index
        %get3A_2427 = tpu.vector_load %arg10[%get3A_2425, %get3A_2426] {strides = array<i32>} : memref<104x128xf32, #tpu.memory_space<vmem>>, vector<1x16xf32>,
        %get3A_2428 = vector.shape_cast %get3A_2427 : vector<1x16xf32> to vector<16xf32>
        %get3A_2429 = arith.index_cast %add3A_2373 : i32 to index
        %get3A_2430 = arith.constant 64 : index
        %get3A_2431 = tpu.vector_load %arg11[%get3A_2429, %get3A_2430] {strides = array<i32>} : memref<104x128xf32, #tpu.memory_space<vmem>>, vector<1x16xf32>,
        %get3A_2432 = vector.shape_cast %get3A_2431 : vector<1x16xf32> to vector<16xf32>
        %sub3A_2433 = arith.subf %get3A_2432, %get3A_2428 : vector<16xf32>
        %mul3A_2434 = arith.mulf %broadcast_in_dim3A_2376, %sub3A_2433 : vector<16xf32>
        %add3A_2435 = arith.addf %get3A_2428, %mul3A_2434 : vector<16xf32>
        %add3A_2436 = arith.addf %add3A_2333, %add3A_2435 : vector<16xf32>
        %get3A_2437 = arith.index_cast %add3A_2373 : i32 to index
        %get3A_2438 = arith.constant 80 : index
        %get3A_2439 = tpu.vector_load %arg10[%get3A_2437, %get3A_2438] {strides = array<i32>} : memref<104x128xf32, #tpu.memory_space<vmem>>, vector<1x16xf32>,
        %get3A_2440 = vector.shape_cast %get3A_2439 : vector<1x16xf32> to vector<16xf32>
        %get3A_2441 = arith.index_cast %add3A_2373 : i32 to index
        %get3A_2442 = arith.constant 80 : index
        %get3A_2443 = tpu.vector_load %arg11[%get3A_2441, %get3A_2442] {strides = array<i32>} : memref<104x128xf32, #tpu.memory_space<vmem>>, vector<1x16xf32>,
        %get3A_2444 = vector.shape_cast %get3A_2443 : vector<1x16xf32> to vector<16xf32>
        %sub3A_2445 = arith.subf %get3A_2444, %get3A_2440 : vector<16xf32>
        %mul3A_2446 = arith.mulf %broadcast_in_dim3A_2376, %sub3A_2445 : vector<16xf32>
        %add3A_2447 = arith.addf %get3A_2440, %mul3A_2446 : vector<16xf32>
        %add3A_2448 = arith.addf %add3A_2345, %add3A_2447 : vector<16xf32>
        %get3A_2449 = arith.index_cast %add3A_2373 : i32 to index
        %get3A_2450 = arith.constant 96 : index
        %get3A_2451 = tpu.vector_load %arg10[%get3A_2449, %get3A_2450] {strides = array<i32>} : memref<104x128xf32, #tpu.memory_space<vmem>>, vector<1x16xf32>,
        %get3A_2452 = vector.shape_cast %get3A_2451 : vector<1x16xf32> to vector<16xf32>
        %get3A_2453 = arith.index_cast %add3A_2373 : i32 to index
        %get3A_2454 = arith.constant 96 : index
        %get3A_2455 = tpu.vector_load %arg11[%get3A_2453, %get3A_2454] {strides = array<i32>} : memref<104x128xf32, #tpu.memory_space<vmem>>, vector<1x16xf32>,
        %get3A_2456 = vector.shape_cast %get3A_2455 : vector<1x16xf32> to vector<16xf32>
        %sub3A_2457 = arith.subf %get3A_2456, %get3A_2452 : vector<16xf32>
        %mul3A_2458 = arith.mulf %broadcast_in_dim3A_2376, %sub3A_2457 : vector<16xf32>
        %add3A_2459 = arith.addf %get3A_2452, %mul3A_2458 : vector<16xf32>
        %add3A_2460 = arith.addf %add3A_2357, %add3A_2459 : vector<16xf32>
        %get3A_2461 = arith.index_cast %add3A_2373 : i32 to index
        %get3A_2462 = arith.constant 112 : index
        %get3A_2463 = tpu.vector_load %arg10[%get3A_2461, %get3A_2462] {strides = array<i32>} : memref<104x128xf32, #tpu.memory_space<vmem>>, vector<1x16xf32>,
        %get3A_2464 = vector.shape_cast %get3A_2463 : vector<1x16xf32> to vector<16xf32>
        %get3A_2465 = arith.index_cast %add3A_2373 : i32 to index
        %get3A_2466 = arith.constant 112 : index
        %get3A_2467 = tpu.vector_load %arg11[%get3A_2465, %get3A_2466] {strides = array<i32>} : memref<104x128xf32, #tpu.memory_space<vmem>>, vector<1x16xf32>,
        %get3A_2468 = vector.shape_cast %get3A_2467 : vector<1x16xf32> to vector<16xf32>
        %sub3A_2469 = arith.subf %get3A_2468, %get3A_2464 : vector<16xf32>
        %mul3A_2470 = arith.mulf %broadcast_in_dim3A_2376, %sub3A_2469 : vector<16xf32>
        %add3A_2471 = arith.addf %get3A_2464, %mul3A_2470 : vector<16xf32>
        %add3A_2472 = arith.addf %add3A_2369, %add3A_2471 : vector<16xf32>
        %mul3A_2473 = arith.constant 16 : i32
        %mul3A_2474 = arith.muli %scan3A_1119, %mul3A_2473 : i32
        %add3A_2475 = arith.constant 13 : i32
        %add3A_2476 = arith.addi %mul3A_2474, %add3A_2475 : i32
        %slice3A_2477 = vector.extract_strided_slice %get3A_1133 {offsets = [13], sizes = [1], strides = [1]} : vector<16xf32> to vector<1xf32>
        %squeeze3A_2478 = vector.extract %slice3A_2477[0] : f32 from vector<1xf32>
        %broadcast_in_dim3A_2479 = vector.broadcast %squeeze3A_2478 : f32 to vector<16xf32>
        %get3A_2480 = arith.index_cast %add3A_2476 : i32 to index
        %get3A_2481 = arith.constant 0 : index
        %get3A_2482 = tpu.vector_load %arg10[%get3A_2480, %get3A_2481] {strides = array<i32>} : memref<104x128xf32, #tpu.memory_space<vmem>>, vector<1x16xf32>,
        %get3A_2483 = vector.shape_cast %get3A_2482 : vector<1x16xf32> to vector<16xf32>
        %get3A_2484 = arith.index_cast %add3A_2476 : i32 to index
        %get3A_2485 = arith.constant 0 : index
        %get3A_2486 = tpu.vector_load %arg11[%get3A_2484, %get3A_2485] {strides = array<i32>} : memref<104x128xf32, #tpu.memory_space<vmem>>, vector<1x16xf32>,
        %get3A_2487 = vector.shape_cast %get3A_2486 : vector<1x16xf32> to vector<16xf32>
        %sub3A_2488 = arith.subf %get3A_2487, %get3A_2483 : vector<16xf32>
        %mul3A_2489 = arith.mulf %broadcast_in_dim3A_2479, %sub3A_2488 : vector<16xf32>
        %add3A_2490 = arith.addf %get3A_2483, %mul3A_2489 : vector<16xf32>
        %add3A_2491 = arith.addf %add3A_2388, %add3A_2490 : vector<16xf32>
        %get3A_2492 = arith.index_cast %add3A_2476 : i32 to index
        %get3A_2493 = arith.constant 16 : index
        %get3A_2494 = tpu.vector_load %arg10[%get3A_2492, %get3A_2493] {strides = array<i32>} : memref<104x128xf32, #tpu.memory_space<vmem>>, vector<1x16xf32>,
        %get3A_2495 = vector.shape_cast %get3A_2494 : vector<1x16xf32> to vector<16xf32>
        %get3A_2496 = arith.index_cast %add3A_2476 : i32 to index
        %get3A_2497 = arith.constant 16 : index
        %get3A_2498 = tpu.vector_load %arg11[%get3A_2496, %get3A_2497] {strides = array<i32>} : memref<104x128xf32, #tpu.memory_space<vmem>>, vector<1x16xf32>,
        %get3A_2499 = vector.shape_cast %get3A_2498 : vector<1x16xf32> to vector<16xf32>
        %sub3A_2500 = arith.subf %get3A_2499, %get3A_2495 : vector<16xf32>
        %mul3A_2501 = arith.mulf %broadcast_in_dim3A_2479, %sub3A_2500 : vector<16xf32>
        %add3A_2502 = arith.addf %get3A_2495, %mul3A_2501 : vector<16xf32>
        %add3A_2503 = arith.addf %add3A_2400, %add3A_2502 : vector<16xf32>
        %get3A_2504 = arith.index_cast %add3A_2476 : i32 to index
        %get3A_2505 = arith.constant 32 : index
        %get3A_2506 = tpu.vector_load %arg10[%get3A_2504, %get3A_2505] {strides = array<i32>} : memref<104x128xf32, #tpu.memory_space<vmem>>, vector<1x16xf32>,
        %get3A_2507 = vector.shape_cast %get3A_2506 : vector<1x16xf32> to vector<16xf32>
        %get3A_2508 = arith.index_cast %add3A_2476 : i32 to index
        %get3A_2509 = arith.constant 32 : index
        %get3A_2510 = tpu.vector_load %arg11[%get3A_2508, %get3A_2509] {strides = array<i32>} : memref<104x128xf32, #tpu.memory_space<vmem>>, vector<1x16xf32>,
        %get3A_2511 = vector.shape_cast %get3A_2510 : vector<1x16xf32> to vector<16xf32>
        %sub3A_2512 = arith.subf %get3A_2511, %get3A_2507 : vector<16xf32>
        %mul3A_2513 = arith.mulf %broadcast_in_dim3A_2479, %sub3A_2512 : vector<16xf32>
        %add3A_2514 = arith.addf %get3A_2507, %mul3A_2513 : vector<16xf32>
        %add3A_2515 = arith.addf %add3A_2412, %add3A_2514 : vector<16xf32>
        %get3A_2516 = arith.index_cast %add3A_2476 : i32 to index
        %get3A_2517 = arith.constant 48 : index
        %get3A_2518 = tpu.vector_load %arg10[%get3A_2516, %get3A_2517] {strides = array<i32>} : memref<104x128xf32, #tpu.memory_space<vmem>>, vector<1x16xf32>,
        %get3A_2519 = vector.shape_cast %get3A_2518 : vector<1x16xf32> to vector<16xf32>
        %get3A_2520 = arith.index_cast %add3A_2476 : i32 to index
        %get3A_2521 = arith.constant 48 : index
        %get3A_2522 = tpu.vector_load %arg11[%get3A_2520, %get3A_2521] {strides = array<i32>} : memref<104x128xf32, #tpu.memory_space<vmem>>, vector<1x16xf32>,
        %get3A_2523 = vector.shape_cast %get3A_2522 : vector<1x16xf32> to vector<16xf32>
        %sub3A_2524 = arith.subf %get3A_2523, %get3A_2519 : vector<16xf32>
        %mul3A_2525 = arith.mulf %broadcast_in_dim3A_2479, %sub3A_2524 : vector<16xf32>
        %add3A_2526 = arith.addf %get3A_2519, %mul3A_2525 : vector<16xf32>
        %add3A_2527 = arith.addf %add3A_2424, %add3A_2526 : vector<16xf32>
        %get3A_2528 = arith.index_cast %add3A_2476 : i32 to index
        %get3A_2529 = arith.constant 64 : index
        %get3A_2530 = tpu.vector_load %arg10[%get3A_2528, %get3A_2529] {strides = array<i32>} : memref<104x128xf32, #tpu.memory_space<vmem>>, vector<1x16xf32>,
        %get3A_2531 = vector.shape_cast %get3A_2530 : vector<1x16xf32> to vector<16xf32>
        %get3A_2532 = arith.index_cast %add3A_2476 : i32 to index
        %get3A_2533 = arith.constant 64 : index
        %get3A_2534 = tpu.vector_load %arg11[%get3A_2532, %get3A_2533] {strides = array<i32>} : memref<104x128xf32, #tpu.memory_space<vmem>>, vector<1x16xf32>,
        %get3A_2535 = vector.shape_cast %get3A_2534 : vector<1x16xf32> to vector<16xf32>
        %sub3A_2536 = arith.subf %get3A_2535, %get3A_2531 : vector<16xf32>
        %mul3A_2537 = arith.mulf %broadcast_in_dim3A_2479, %sub3A_2536 : vector<16xf32>
        %add3A_2538 = arith.addf %get3A_2531, %mul3A_2537 : vector<16xf32>
        %add3A_2539 = arith.addf %add3A_2436, %add3A_2538 : vector<16xf32>
        %get3A_2540 = arith.index_cast %add3A_2476 : i32 to index
        %get3A_2541 = arith.constant 80 : index
        %get3A_2542 = tpu.vector_load %arg10[%get3A_2540, %get3A_2541] {strides = array<i32>} : memref<104x128xf32, #tpu.memory_space<vmem>>, vector<1x16xf32>,
        %get3A_2543 = vector.shape_cast %get3A_2542 : vector<1x16xf32> to vector<16xf32>
        %get3A_2544 = arith.index_cast %add3A_2476 : i32 to index
        %get3A_2545 = arith.constant 80 : index
        %get3A_2546 = tpu.vector_load %arg11[%get3A_2544, %get3A_2545] {strides = array<i32>} : memref<104x128xf32, #tpu.memory_space<vmem>>, vector<1x16xf32>,
        %get3A_2547 = vector.shape_cast %get3A_2546 : vector<1x16xf32> to vector<16xf32>
        %sub3A_2548 = arith.subf %get3A_2547, %get3A_2543 : vector<16xf32>
        %mul3A_2549 = arith.mulf %broadcast_in_dim3A_2479, %sub3A_2548 : vector<16xf32>
        %add3A_2550 = arith.addf %get3A_2543, %mul3A_2549 : vector<16xf32>
        %add3A_2551 = arith.addf %add3A_2448, %add3A_2550 : vector<16xf32>
        %get3A_2552 = arith.index_cast %add3A_2476 : i32 to index
        %get3A_2553 = arith.constant 96 : index
        %get3A_2554 = tpu.vector_load %arg10[%get3A_2552, %get3A_2553] {strides = array<i32>} : memref<104x128xf32, #tpu.memory_space<vmem>>, vector<1x16xf32>,
        %get3A_2555 = vector.shape_cast %get3A_2554 : vector<1x16xf32> to vector<16xf32>
        %get3A_2556 = arith.index_cast %add3A_2476 : i32 to index
        %get3A_2557 = arith.constant 96 : index
        %get3A_2558 = tpu.vector_load %arg11[%get3A_2556, %get3A_2557] {strides = array<i32>} : memref<104x128xf32, #tpu.memory_space<vmem>>, vector<1x16xf32>,
        %get3A_2559 = vector.shape_cast %get3A_2558 : vector<1x16xf32> to vector<16xf32>
        %sub3A_2560 = arith.subf %get3A_2559, %get3A_2555 : vector<16xf32>
        %mul3A_2561 = arith.mulf %broadcast_in_dim3A_2479, %sub3A_2560 : vector<16xf32>
        %add3A_2562 = arith.addf %get3A_2555, %mul3A_2561 : vector<16xf32>
        %add3A_2563 = arith.addf %add3A_2460, %add3A_2562 : vector<16xf32>
        %get3A_2564 = arith.index_cast %add3A_2476 : i32 to index
        %get3A_2565 = arith.constant 112 : index
        %get3A_2566 = tpu.vector_load %arg10[%get3A_2564, %get3A_2565] {strides = array<i32>} : memref<104x128xf32, #tpu.memory_space<vmem>>, vector<1x16xf32>,
        %get3A_2567 = vector.shape_cast %get3A_2566 : vector<1x16xf32> to vector<16xf32>
        %get3A_2568 = arith.index_cast %add3A_2476 : i32 to index
        %get3A_2569 = arith.constant 112 : index
        %get3A_2570 = tpu.vector_load %arg11[%get3A_2568, %get3A_2569] {strides = array<i32>} : memref<104x128xf32, #tpu.memory_space<vmem>>, vector<1x16xf32>,
        %get3A_2571 = vector.shape_cast %get3A_2570 : vector<1x16xf32> to vector<16xf32>
        %sub3A_2572 = arith.subf %get3A_2571, %get3A_2567 : vector<16xf32>
        %mul3A_2573 = arith.mulf %broadcast_in_dim3A_2479, %sub3A_2572 : vector<16xf32>
        %add3A_2574 = arith.addf %get3A_2567, %mul3A_2573 : vector<16xf32>
        %add3A_2575 = arith.addf %add3A_2472, %add3A_2574 : vector<16xf32>
        %mul3A_2576 = arith.constant 16 : i32
        %mul3A_2577 = arith.muli %scan3A_1119, %mul3A_2576 : i32
        %add3A_2578 = arith.constant 14 : i32
        %add3A_2579 = arith.addi %mul3A_2577, %add3A_2578 : i32
        %slice3A_2580 = vector.extract_strided_slice %get3A_1133 {offsets = [14], sizes = [1], strides = [1]} : vector<16xf32> to vector<1xf32>
        %squeeze3A_2581 = vector.extract %slice3A_2580[0] : f32 from vector<1xf32>
        %broadcast_in_dim3A_2582 = vector.broadcast %squeeze3A_2581 : f32 to vector<16xf32>
        %get3A_2583 = arith.index_cast %add3A_2579 : i32 to index
        %get3A_2584 = arith.constant 0 : index
        %get3A_2585 = tpu.vector_load %arg10[%get3A_2583, %get3A_2584] {strides = array<i32>} : memref<104x128xf32, #tpu.memory_space<vmem>>, vector<1x16xf32>,
        %get3A_2586 = vector.shape_cast %get3A_2585 : vector<1x16xf32> to vector<16xf32>
        %get3A_2587 = arith.index_cast %add3A_2579 : i32 to index
        %get3A_2588 = arith.constant 0 : index
        %get3A_2589 = tpu.vector_load %arg11[%get3A_2587, %get3A_2588] {strides = array<i32>} : memref<104x128xf32, #tpu.memory_space<vmem>>, vector<1x16xf32>,
        %get3A_2590 = vector.shape_cast %get3A_2589 : vector<1x16xf32> to vector<16xf32>
        %sub3A_2591 = arith.subf %get3A_2590, %get3A_2586 : vector<16xf32>
        %mul3A_2592 = arith.mulf %broadcast_in_dim3A_2582, %sub3A_2591 : vector<16xf32>
        %add3A_2593 = arith.addf %get3A_2586, %mul3A_2592 : vector<16xf32>
        %add3A_2594 = arith.addf %add3A_2491, %add3A_2593 : vector<16xf32>
        %get3A_2595 = arith.index_cast %add3A_2579 : i32 to index
        %get3A_2596 = arith.constant 16 : index
        %get3A_2597 = tpu.vector_load %arg10[%get3A_2595, %get3A_2596] {strides = array<i32>} : memref<104x128xf32, #tpu.memory_space<vmem>>, vector<1x16xf32>,
        %get3A_2598 = vector.shape_cast %get3A_2597 : vector<1x16xf32> to vector<16xf32>
        %get3A_2599 = arith.index_cast %add3A_2579 : i32 to index
        %get3A_2600 = arith.constant 16 : index
        %get3A_2601 = tpu.vector_load %arg11[%get3A_2599, %get3A_2600] {strides = array<i32>} : memref<104x128xf32, #tpu.memory_space<vmem>>, vector<1x16xf32>,
        %get3A_2602 = vector.shape_cast %get3A_2601 : vector<1x16xf32> to vector<16xf32>
        %sub3A_2603 = arith.subf %get3A_2602, %get3A_2598 : vector<16xf32>
        %mul3A_2604 = arith.mulf %broadcast_in_dim3A_2582, %sub3A_2603 : vector<16xf32>
        %add3A_2605 = arith.addf %get3A_2598, %mul3A_2604 : vector<16xf32>
        %add3A_2606 = arith.addf %add3A_2503, %add3A_2605 : vector<16xf32>
        %get3A_2607 = arith.index_cast %add3A_2579 : i32 to index
        %get3A_2608 = arith.constant 32 : index
        %get3A_2609 = tpu.vector_load %arg10[%get3A_2607, %get3A_2608] {strides = array<i32>} : memref<104x128xf32, #tpu.memory_space<vmem>>, vector<1x16xf32>,
        %get3A_2610 = vector.shape_cast %get3A_2609 : vector<1x16xf32> to vector<16xf32>
        %get3A_2611 = arith.index_cast %add3A_2579 : i32 to index
        %get3A_2612 = arith.constant 32 : index
        %get3A_2613 = tpu.vector_load %arg11[%get3A_2611, %get3A_2612] {strides = array<i32>} : memref<104x128xf32, #tpu.memory_space<vmem>>, vector<1x16xf32>,
        %get3A_2614 = vector.shape_cast %get3A_2613 : vector<1x16xf32> to vector<16xf32>
        %sub3A_2615 = arith.subf %get3A_2614, %get3A_2610 : vector<16xf32>
        %mul3A_2616 = arith.mulf %broadcast_in_dim3A_2582, %sub3A_2615 : vector<16xf32>
        %add3A_2617 = arith.addf %get3A_2610, %mul3A_2616 : vector<16xf32>
        %add3A_2618 = arith.addf %add3A_2515, %add3A_2617 : vector<16xf32>
        %get3A_2619 = arith.index_cast %add3A_2579 : i32 to index
        %get3A_2620 = arith.constant 48 : index
        %get3A_2621 = tpu.vector_load %arg10[%get3A_2619, %get3A_2620] {strides = array<i32>} : memref<104x128xf32, #tpu.memory_space<vmem>>, vector<1x16xf32>,
        %get3A_2622 = vector.shape_cast %get3A_2621 : vector<1x16xf32> to vector<16xf32>
        %get3A_2623 = arith.index_cast %add3A_2579 : i32 to index
        %get3A_2624 = arith.constant 48 : index
        %get3A_2625 = tpu.vector_load %arg11[%get3A_2623, %get3A_2624] {strides = array<i32>} : memref<104x128xf32, #tpu.memory_space<vmem>>, vector<1x16xf32>,
        %get3A_2626 = vector.shape_cast %get3A_2625 : vector<1x16xf32> to vector<16xf32>
        %sub3A_2627 = arith.subf %get3A_2626, %get3A_2622 : vector<16xf32>
        %mul3A_2628 = arith.mulf %broadcast_in_dim3A_2582, %sub3A_2627 : vector<16xf32>
        %add3A_2629 = arith.addf %get3A_2622, %mul3A_2628 : vector<16xf32>
        %add3A_2630 = arith.addf %add3A_2527, %add3A_2629 : vector<16xf32>
        %get3A_2631 = arith.index_cast %add3A_2579 : i32 to index
        %get3A_2632 = arith.constant 64 : index
        %get3A_2633 = tpu.vector_load %arg10[%get3A_2631, %get3A_2632] {strides = array<i32>} : memref<104x128xf32, #tpu.memory_space<vmem>>, vector<1x16xf32>,
        %get3A_2634 = vector.shape_cast %get3A_2633 : vector<1x16xf32> to vector<16xf32>
        %get3A_2635 = arith.index_cast %add3A_2579 : i32 to index
        %get3A_2636 = arith.constant 64 : index
        %get3A_2637 = tpu.vector_load %arg11[%get3A_2635, %get3A_2636] {strides = array<i32>} : memref<104x128xf32, #tpu.memory_space<vmem>>, vector<1x16xf32>,
        %get3A_2638 = vector.shape_cast %get3A_2637 : vector<1x16xf32> to vector<16xf32>
        %sub3A_2639 = arith.subf %get3A_2638, %get3A_2634 : vector<16xf32>
        %mul3A_2640 = arith.mulf %broadcast_in_dim3A_2582, %sub3A_2639 : vector<16xf32>
        %add3A_2641 = arith.addf %get3A_2634, %mul3A_2640 : vector<16xf32>
        %add3A_2642 = arith.addf %add3A_2539, %add3A_2641 : vector<16xf32>
        %get3A_2643 = arith.index_cast %add3A_2579 : i32 to index
        %get3A_2644 = arith.constant 80 : index
        %get3A_2645 = tpu.vector_load %arg10[%get3A_2643, %get3A_2644] {strides = array<i32>} : memref<104x128xf32, #tpu.memory_space<vmem>>, vector<1x16xf32>,
        %get3A_2646 = vector.shape_cast %get3A_2645 : vector<1x16xf32> to vector<16xf32>
        %get3A_2647 = arith.index_cast %add3A_2579 : i32 to index
        %get3A_2648 = arith.constant 80 : index
        %get3A_2649 = tpu.vector_load %arg11[%get3A_2647, %get3A_2648] {strides = array<i32>} : memref<104x128xf32, #tpu.memory_space<vmem>>, vector<1x16xf32>,
        %get3A_2650 = vector.shape_cast %get3A_2649 : vector<1x16xf32> to vector<16xf32>
        %sub3A_2651 = arith.subf %get3A_2650, %get3A_2646 : vector<16xf32>
        %mul3A_2652 = arith.mulf %broadcast_in_dim3A_2582, %sub3A_2651 : vector<16xf32>
        %add3A_2653 = arith.addf %get3A_2646, %mul3A_2652 : vector<16xf32>
        %add3A_2654 = arith.addf %add3A_2551, %add3A_2653 : vector<16xf32>
        %get3A_2655 = arith.index_cast %add3A_2579 : i32 to index
        %get3A_2656 = arith.constant 96 : index
        %get3A_2657 = tpu.vector_load %arg10[%get3A_2655, %get3A_2656] {strides = array<i32>} : memref<104x128xf32, #tpu.memory_space<vmem>>, vector<1x16xf32>,
        %get3A_2658 = vector.shape_cast %get3A_2657 : vector<1x16xf32> to vector<16xf32>
        %get3A_2659 = arith.index_cast %add3A_2579 : i32 to index
        %get3A_2660 = arith.constant 96 : index
        %get3A_2661 = tpu.vector_load %arg11[%get3A_2659, %get3A_2660] {strides = array<i32>} : memref<104x128xf32, #tpu.memory_space<vmem>>, vector<1x16xf32>,
        %get3A_2662 = vector.shape_cast %get3A_2661 : vector<1x16xf32> to vector<16xf32>
        %sub3A_2663 = arith.subf %get3A_2662, %get3A_2658 : vector<16xf32>
        %mul3A_2664 = arith.mulf %broadcast_in_dim3A_2582, %sub3A_2663 : vector<16xf32>
        %add3A_2665 = arith.addf %get3A_2658, %mul3A_2664 : vector<16xf32>
        %add3A_2666 = arith.addf %add3A_2563, %add3A_2665 : vector<16xf32>
        %get3A_2667 = arith.index_cast %add3A_2579 : i32 to index
        %get3A_2668 = arith.constant 112 : index
        %get3A_2669 = tpu.vector_load %arg10[%get3A_2667, %get3A_2668] {strides = array<i32>} : memref<104x128xf32, #tpu.memory_space<vmem>>, vector<1x16xf32>,
        %get3A_2670 = vector.shape_cast %get3A_2669 : vector<1x16xf32> to vector<16xf32>
        %get3A_2671 = arith.index_cast %add3A_2579 : i32 to index
        %get3A_2672 = arith.constant 112 : index
        %get3A_2673 = tpu.vector_load %arg11[%get3A_2671, %get3A_2672] {strides = array<i32>} : memref<104x128xf32, #tpu.memory_space<vmem>>, vector<1x16xf32>,
        %get3A_2674 = vector.shape_cast %get3A_2673 : vector<1x16xf32> to vector<16xf32>
        %sub3A_2675 = arith.subf %get3A_2674, %get3A_2670 : vector<16xf32>
        %mul3A_2676 = arith.mulf %broadcast_in_dim3A_2582, %sub3A_2675 : vector<16xf32>
        %add3A_2677 = arith.addf %get3A_2670, %mul3A_2676 : vector<16xf32>
        %add3A_2678 = arith.addf %add3A_2575, %add3A_2677 : vector<16xf32>
        %mul3A_2679 = arith.constant 16 : i32
        %mul3A_2680 = arith.muli %scan3A_1119, %mul3A_2679 : i32
        %add3A_2681 = arith.constant 15 : i32
        %add3A_2682 = arith.addi %mul3A_2680, %add3A_2681 : i32
        %slice3A_2683 = vector.extract_strided_slice %get3A_1133 {offsets = [15], sizes = [1], strides = [1]} : vector<16xf32> to vector<1xf32>
        %squeeze3A_2684 = vector.extract %slice3A_2683[0] : f32 from vector<1xf32>
        %broadcast_in_dim3A_2685 = vector.broadcast %squeeze3A_2684 : f32 to vector<16xf32>
        %get3A_2686 = arith.index_cast %add3A_2682 : i32 to index
        %get3A_2687 = arith.constant 0 : index
        %get3A_2688 = tpu.vector_load %arg10[%get3A_2686, %get3A_2687] {strides = array<i32>} : memref<104x128xf32, #tpu.memory_space<vmem>>, vector<1x16xf32>,
        %get3A_2689 = vector.shape_cast %get3A_2688 : vector<1x16xf32> to vector<16xf32>
        %get3A_2690 = arith.index_cast %add3A_2682 : i32 to index
        %get3A_2691 = arith.constant 0 : index
        %get3A_2692 = tpu.vector_load %arg11[%get3A_2690, %get3A_2691] {strides = array<i32>} : memref<104x128xf32, #tpu.memory_space<vmem>>, vector<1x16xf32>,
        %get3A_2693 = vector.shape_cast %get3A_2692 : vector<1x16xf32> to vector<16xf32>
        %sub3A_2694 = arith.subf %get3A_2693, %get3A_2689 : vector<16xf32>
        %mul3A_2695 = arith.mulf %broadcast_in_dim3A_2685, %sub3A_2694 : vector<16xf32>
        %add3A_2696 = arith.addf %get3A_2689, %mul3A_2695 : vector<16xf32>
        %add3A_2697 = arith.addf %add3A_2594, %add3A_2696 : vector<16xf32>
        %get3A_2698 = arith.index_cast %add3A_2682 : i32 to index
        %get3A_2699 = arith.constant 16 : index
        %get3A_2700 = tpu.vector_load %arg10[%get3A_2698, %get3A_2699] {strides = array<i32>} : memref<104x128xf32, #tpu.memory_space<vmem>>, vector<1x16xf32>,
        %get3A_2701 = vector.shape_cast %get3A_2700 : vector<1x16xf32> to vector<16xf32>
        %get3A_2702 = arith.index_cast %add3A_2682 : i32 to index
        %get3A_2703 = arith.constant 16 : index
        %get3A_2704 = tpu.vector_load %arg11[%get3A_2702, %get3A_2703] {strides = array<i32>} : memref<104x128xf32, #tpu.memory_space<vmem>>, vector<1x16xf32>,
        %get3A_2705 = vector.shape_cast %get3A_2704 : vector<1x16xf32> to vector<16xf32>
        %sub3A_2706 = arith.subf %get3A_2705, %get3A_2701 : vector<16xf32>
        %mul3A_2707 = arith.mulf %broadcast_in_dim3A_2685, %sub3A_2706 : vector<16xf32>
        %add3A_2708 = arith.addf %get3A_2701, %mul3A_2707 : vector<16xf32>
        %add3A_2709 = arith.addf %add3A_2606, %add3A_2708 : vector<16xf32>
        %get3A_2710 = arith.index_cast %add3A_2682 : i32 to index
        %get3A_2711 = arith.constant 32 : index
        %get3A_2712 = tpu.vector_load %arg10[%get3A_2710, %get3A_2711] {strides = array<i32>} : memref<104x128xf32, #tpu.memory_space<vmem>>, vector<1x16xf32>,
        %get3A_2713 = vector.shape_cast %get3A_2712 : vector<1x16xf32> to vector<16xf32>
        %get3A_2714 = arith.index_cast %add3A_2682 : i32 to index
        %get3A_2715 = arith.constant 32 : index
        %get3A_2716 = tpu.vector_load %arg11[%get3A_2714, %get3A_2715] {strides = array<i32>} : memref<104x128xf32, #tpu.memory_space<vmem>>, vector<1x16xf32>,
        %get3A_2717 = vector.shape_cast %get3A_2716 : vector<1x16xf32> to vector<16xf32>
        %sub3A_2718 = arith.subf %get3A_2717, %get3A_2713 : vector<16xf32>
        %mul3A_2719 = arith.mulf %broadcast_in_dim3A_2685, %sub3A_2718 : vector<16xf32>
        %add3A_2720 = arith.addf %get3A_2713, %mul3A_2719 : vector<16xf32>
        %add3A_2721 = arith.addf %add3A_2618, %add3A_2720 : vector<16xf32>
        %get3A_2722 = arith.index_cast %add3A_2682 : i32 to index
        %get3A_2723 = arith.constant 48 : index
        %get3A_2724 = tpu.vector_load %arg10[%get3A_2722, %get3A_2723] {strides = array<i32>} : memref<104x128xf32, #tpu.memory_space<vmem>>, vector<1x16xf32>,
        %get3A_2725 = vector.shape_cast %get3A_2724 : vector<1x16xf32> to vector<16xf32>
        %get3A_2726 = arith.index_cast %add3A_2682 : i32 to index
        %get3A_2727 = arith.constant 48 : index
        %get3A_2728 = tpu.vector_load %arg11[%get3A_2726, %get3A_2727] {strides = array<i32>} : memref<104x128xf32, #tpu.memory_space<vmem>>, vector<1x16xf32>,
        %get3A_2729 = vector.shape_cast %get3A_2728 : vector<1x16xf32> to vector<16xf32>
        %sub3A_2730 = arith.subf %get3A_2729, %get3A_2725 : vector<16xf32>
        %mul3A_2731 = arith.mulf %broadcast_in_dim3A_2685, %sub3A_2730 : vector<16xf32>
        %add3A_2732 = arith.addf %get3A_2725, %mul3A_2731 : vector<16xf32>
        %add3A_2733 = arith.addf %add3A_2630, %add3A_2732 : vector<16xf32>
        %get3A_2734 = arith.index_cast %add3A_2682 : i32 to index
        %get3A_2735 = arith.constant 64 : index
        %get3A_2736 = tpu.vector_load %arg10[%get3A_2734, %get3A_2735] {strides = array<i32>} : memref<104x128xf32, #tpu.memory_space<vmem>>, vector<1x16xf32>,
        %get3A_2737 = vector.shape_cast %get3A_2736 : vector<1x16xf32> to vector<16xf32>
        %get3A_2738 = arith.index_cast %add3A_2682 : i32 to index
        %get3A_2739 = arith.constant 64 : index
        %get3A_2740 = tpu.vector_load %arg11[%get3A_2738, %get3A_2739] {strides = array<i32>} : memref<104x128xf32, #tpu.memory_space<vmem>>, vector<1x16xf32>,
        %get3A_2741 = vector.shape_cast %get3A_2740 : vector<1x16xf32> to vector<16xf32>
        %sub3A_2742 = arith.subf %get3A_2741, %get3A_2737 : vector<16xf32>
        %mul3A_2743 = arith.mulf %broadcast_in_dim3A_2685, %sub3A_2742 : vector<16xf32>
        %add3A_2744 = arith.addf %get3A_2737, %mul3A_2743 : vector<16xf32>
        %add3A_2745 = arith.addf %add3A_2642, %add3A_2744 : vector<16xf32>
        %get3A_2746 = arith.index_cast %add3A_2682 : i32 to index
        %get3A_2747 = arith.constant 80 : index
        %get3A_2748 = tpu.vector_load %arg10[%get3A_2746, %get3A_2747] {strides = array<i32>} : memref<104x128xf32, #tpu.memory_space<vmem>>, vector<1x16xf32>,
        %get3A_2749 = vector.shape_cast %get3A_2748 : vector<1x16xf32> to vector<16xf32>
        %get3A_2750 = arith.index_cast %add3A_2682 : i32 to index
        %get3A_2751 = arith.constant 80 : index
        %get3A_2752 = tpu.vector_load %arg11[%get3A_2750, %get3A_2751] {strides = array<i32>} : memref<104x128xf32, #tpu.memory_space<vmem>>, vector<1x16xf32>,
        %get3A_2753 = vector.shape_cast %get3A_2752 : vector<1x16xf32> to vector<16xf32>
        %sub3A_2754 = arith.subf %get3A_2753, %get3A_2749 : vector<16xf32>
        %mul3A_2755 = arith.mulf %broadcast_in_dim3A_2685, %sub3A_2754 : vector<16xf32>
        %add3A_2756 = arith.addf %get3A_2749, %mul3A_2755 : vector<16xf32>
        %add3A_2757 = arith.addf %add3A_2654, %add3A_2756 : vector<16xf32>
        %get3A_2758 = arith.index_cast %add3A_2682 : i32 to index
        %get3A_2759 = arith.constant 96 : index
        %get3A_2760 = tpu.vector_load %arg10[%get3A_2758, %get3A_2759] {strides = array<i32>} : memref<104x128xf32, #tpu.memory_space<vmem>>, vector<1x16xf32>,
        %get3A_2761 = vector.shape_cast %get3A_2760 : vector<1x16xf32> to vector<16xf32>
        %get3A_2762 = arith.index_cast %add3A_2682 : i32 to index
        %get3A_2763 = arith.constant 96 : index
        %get3A_2764 = tpu.vector_load %arg11[%get3A_2762, %get3A_2763] {strides = array<i32>} : memref<104x128xf32, #tpu.memory_space<vmem>>, vector<1x16xf32>,
        %get3A_2765 = vector.shape_cast %get3A_2764 : vector<1x16xf32> to vector<16xf32>
        %sub3A_2766 = arith.subf %get3A_2765, %get3A_2761 : vector<16xf32>
        %mul3A_2767 = arith.mulf %broadcast_in_dim3A_2685, %sub3A_2766 : vector<16xf32>
        %add3A_2768 = arith.addf %get3A_2761, %mul3A_2767 : vector<16xf32>
        %add3A_2769 = arith.addf %add3A_2666, %add3A_2768 : vector<16xf32>
        %get3A_2770 = arith.index_cast %add3A_2682 : i32 to index
        %get3A_2771 = arith.constant 112 : index
        %get3A_2772 = tpu.vector_load %arg10[%get3A_2770, %get3A_2771] {strides = array<i32>} : memref<104x128xf32, #tpu.memory_space<vmem>>, vector<1x16xf32>,
        %get3A_2773 = vector.shape_cast %get3A_2772 : vector<1x16xf32> to vector<16xf32>
        %get3A_2774 = arith.index_cast %add3A_2682 : i32 to index
        %get3A_2775 = arith.constant 112 : index
        %get3A_2776 = tpu.vector_load %arg11[%get3A_2774, %get3A_2775] {strides = array<i32>} : memref<104x128xf32, #tpu.memory_space<vmem>>, vector<1x16xf32>,
        %get3A_2777 = vector.shape_cast %get3A_2776 : vector<1x16xf32> to vector<16xf32>
        %sub3A_2778 = arith.subf %get3A_2777, %get3A_2773 : vector<16xf32>
        %mul3A_2779 = arith.mulf %broadcast_in_dim3A_2685, %sub3A_2778 : vector<16xf32>
        %add3A_2780 = arith.addf %get3A_2773, %mul3A_2779 : vector<16xf32>
        %add3A_2781 = arith.addf %add3A_2678, %add3A_2780 : vector<16xf32>
        scf.yield %add3A_2697, %add3A_2709, %add3A_2721, %add3A_2733, %add3A_2745, %add3A_2757, %add3A_2769, %add3A_2781 : vector<16xf32>, vector<16xf32>, vector<16xf32>, vector<16xf32>, vector<16xf32>, vector<16xf32>, vector<16xf32>, vector<16xf32>
      }
      %scan3A_614 = arith.constant 6 : i32
      %get3A_615 = arith.index_cast %add3A_592 : i32 to index
      %get3A_616 = arith.constant 96 : index
      %get3A_617 = tpu.vector_load %arg7[%get3A_615, %get3A_616] {strides = array<i32>} : memref<128x112xf32, #tpu.memory_space<vmem>>, vector<1x16xf32>,
      %get3A_618 = vector.shape_cast %get3A_617 : vector<1x16xf32> to vector<16xf32>
      %slice3A_619 = vector.extract_strided_slice %get3A_618 {offsets = [0], sizes = [1], strides = [1]} : vector<16xf32> to vector<1xf32>
      %squeeze3A_620 = vector.extract %slice3A_619[0] : f32 from vector<1xf32>
      %broadcast_in_dim3A_621 = vector.broadcast %squeeze3A_620 : f32 to vector<16xf32>
      %get3A_622 = arith.constant 96 : i32
      %get3A_623 = arith.index_cast %get3A_622 : i32 to index
      %get3A_624 = arith.constant 0 : index
      %get3A_625 = tpu.vector_load %arg10[%get3A_623, %get3A_624] {strides = array<i32>} : memref<104x128xf32, #tpu.memory_space<vmem>>, vector<1x16xf32>,
      %get3A_626 = vector.shape_cast %get3A_625 : vector<1x16xf32> to vector<16xf32>
      %get3A_627 = arith.constant 96 : i32
      %get3A_628 = arith.index_cast %get3A_627 : i32 to index
      %get3A_629 = arith.constant 0 : index
      %get3A_630 = tpu.vector_load %arg11[%get3A_628, %get3A_629] {strides = array<i32>} : memref<104x128xf32, #tpu.memory_space<vmem>>, vector<1x16xf32>,
      %get3A_631 = vector.shape_cast %get3A_630 : vector<1x16xf32> to vector<16xf32>
      %sub3A_632 = arith.subf %get3A_631, %get3A_626 : vector<16xf32>
      %mul3A_633 = arith.mulf %broadcast_in_dim3A_621, %sub3A_632 : vector<16xf32>
      %add3A_634 = arith.addf %get3A_626, %mul3A_633 : vector<16xf32>
      %add3A_635 = arith.addf %scan3A_613#0, %add3A_634 : vector<16xf32>
      %get3A_636 = arith.constant 96 : i32
      %get3A_637 = arith.index_cast %get3A_636 : i32 to index
      %get3A_638 = arith.constant 16 : index
      %get3A_639 = tpu.vector_load %arg10[%get3A_637, %get3A_638] {strides = array<i32>} : memref<104x128xf32, #tpu.memory_space<vmem>>, vector<1x16xf32>,
      %get3A_640 = vector.shape_cast %get3A_639 : vector<1x16xf32> to vector<16xf32>
      %get3A_641 = arith.constant 96 : i32
      %get3A_642 = arith.index_cast %get3A_641 : i32 to index
      %get3A_643 = arith.constant 16 : index
      %get3A_644 = tpu.vector_load %arg11[%get3A_642, %get3A_643] {strides = array<i32>} : memref<104x128xf32, #tpu.memory_space<vmem>>, vector<1x16xf32>,
      %get3A_645 = vector.shape_cast %get3A_644 : vector<1x16xf32> to vector<16xf32>
      %sub3A_646 = arith.subf %get3A_645, %get3A_640 : vector<16xf32>
      %mul3A_647 = arith.mulf %broadcast_in_dim3A_621, %sub3A_646 : vector<16xf32>
      %add3A_648 = arith.addf %get3A_640, %mul3A_647 : vector<16xf32>
      %add3A_649 = arith.addf %scan3A_613#1, %add3A_648 : vector<16xf32>
      %get3A_650 = arith.constant 96 : i32
      %get3A_651 = arith.index_cast %get3A_650 : i32 to index
      %get3A_652 = arith.constant 32 : index
      %get3A_653 = tpu.vector_load %arg10[%get3A_651, %get3A_652] {strides = array<i32>} : memref<104x128xf32, #tpu.memory_space<vmem>>, vector<1x16xf32>,
      %get3A_654 = vector.shape_cast %get3A_653 : vector<1x16xf32> to vector<16xf32>
      %get3A_655 = arith.constant 96 : i32
      %get3A_656 = arith.index_cast %get3A_655 : i32 to index
      %get3A_657 = arith.constant 32 : index
      %get3A_658 = tpu.vector_load %arg11[%get3A_656, %get3A_657] {strides = array<i32>} : memref<104x128xf32, #tpu.memory_space<vmem>>, vector<1x16xf32>,
      %get3A_659 = vector.shape_cast %get3A_658 : vector<1x16xf32> to vector<16xf32>
      %sub3A_660 = arith.subf %get3A_659, %get3A_654 : vector<16xf32>
      %mul3A_661 = arith.mulf %broadcast_in_dim3A_621, %sub3A_660 : vector<16xf32>
      %add3A_662 = arith.addf %get3A_654, %mul3A_661 : vector<16xf32>
      %add3A_663 = arith.addf %scan3A_613#2, %add3A_662 : vector<16xf32>
      %get3A_664 = arith.constant 96 : i32
      %get3A_665 = arith.index_cast %get3A_664 : i32 to index
      %get3A_666 = arith.constant 48 : index
      %get3A_667 = tpu.vector_load %arg10[%get3A_665, %get3A_666] {strides = array<i32>} : memref<104x128xf32, #tpu.memory_space<vmem>>, vector<1x16xf32>,
      %get3A_668 = vector.shape_cast %get3A_667 : vector<1x16xf32> to vector<16xf32>
      %get3A_669 = arith.constant 96 : i32
      %get3A_670 = arith.index_cast %get3A_669 : i32 to index
      %get3A_671 = arith.constant 48 : index
      %get3A_672 = tpu.vector_load %arg11[%get3A_670, %get3A_671] {strides = array<i32>} : memref<104x128xf32, #tpu.memory_space<vmem>>, vector<1x16xf32>,
      %get3A_673 = vector.shape_cast %get3A_672 : vector<1x16xf32> to vector<16xf32>
      %sub3A_674 = arith.subf %get3A_673, %get3A_668 : vector<16xf32>
      %mul3A_675 = arith.mulf %broadcast_in_dim3A_621, %sub3A_674 : vector<16xf32>
      %add3A_676 = arith.addf %get3A_668, %mul3A_675 : vector<16xf32>
      %add3A_677 = arith.addf %scan3A_613#3, %add3A_676 : vector<16xf32>
      %get3A_678 = arith.constant 96 : i32
      %get3A_679 = arith.index_cast %get3A_678 : i32 to index
      %get3A_680 = arith.constant 64 : index
      %get3A_681 = tpu.vector_load %arg10[%get3A_679, %get3A_680] {strides = array<i32>} : memref<104x128xf32, #tpu.memory_space<vmem>>, vector<1x16xf32>,
      %get3A_682 = vector.shape_cast %get3A_681 : vector<1x16xf32> to vector<16xf32>
      %get3A_683 = arith.constant 96 : i32
      %get3A_684 = arith.index_cast %get3A_683 : i32 to index
      %get3A_685 = arith.constant 64 : index
      %get3A_686 = tpu.vector_load %arg11[%get3A_684, %get3A_685] {strides = array<i32>} : memref<104x128xf32, #tpu.memory_space<vmem>>, vector<1x16xf32>,
      %get3A_687 = vector.shape_cast %get3A_686 : vector<1x16xf32> to vector<16xf32>
      %sub3A_688 = arith.subf %get3A_687, %get3A_682 : vector<16xf32>
      %mul3A_689 = arith.mulf %broadcast_in_dim3A_621, %sub3A_688 : vector<16xf32>
      %add3A_690 = arith.addf %get3A_682, %mul3A_689 : vector<16xf32>
      %add3A_691 = arith.addf %scan3A_613#4, %add3A_690 : vector<16xf32>
      %get3A_692 = arith.constant 96 : i32
      %get3A_693 = arith.index_cast %get3A_692 : i32 to index
      %get3A_694 = arith.constant 80 : index
      %get3A_695 = tpu.vector_load %arg10[%get3A_693, %get3A_694] {strides = array<i32>} : memref<104x128xf32, #tpu.memory_space<vmem>>, vector<1x16xf32>,
      %get3A_696 = vector.shape_cast %get3A_695 : vector<1x16xf32> to vector<16xf32>
      %get3A_697 = arith.constant 96 : i32
      %get3A_698 = arith.index_cast %get3A_697 : i32 to index
      %get3A_699 = arith.constant 80 : index
      %get3A_700 = tpu.vector_load %arg11[%get3A_698, %get3A_699] {strides = array<i32>} : memref<104x128xf32, #tpu.memory_space<vmem>>, vector<1x16xf32>,
      %get3A_701 = vector.shape_cast %get3A_700 : vector<1x16xf32> to vector<16xf32>
      %sub3A_702 = arith.subf %get3A_701, %get3A_696 : vector<16xf32>
      %mul3A_703 = arith.mulf %broadcast_in_dim3A_621, %sub3A_702 : vector<16xf32>
      %add3A_704 = arith.addf %get3A_696, %mul3A_703 : vector<16xf32>
      %add3A_705 = arith.addf %scan3A_613#5, %add3A_704 : vector<16xf32>
      %get3A_706 = arith.constant 96 : i32
      %get3A_707 = arith.index_cast %get3A_706 : i32 to index
      %get3A_708 = arith.constant 96 : index
      %get3A_709 = tpu.vector_load %arg10[%get3A_707, %get3A_708] {strides = array<i32>} : memref<104x128xf32, #tpu.memory_space<vmem>>, vector<1x16xf32>,
      %get3A_710 = vector.shape_cast %get3A_709 : vector<1x16xf32> to vector<16xf32>
      %get3A_711 = arith.constant 96 : i32
      %get3A_712 = arith.index_cast %get3A_711 : i32 to index
      %get3A_713 = arith.constant 96 : index
      %get3A_714 = tpu.vector_load %arg11[%get3A_712, %get3A_713] {strides = array<i32>} : memref<104x128xf32, #tpu.memory_space<vmem>>, vector<1x16xf32>,
      %get3A_715 = vector.shape_cast %get3A_714 : vector<1x16xf32> to vector<16xf32>
      %sub3A_716 = arith.subf %get3A_715, %get3A_710 : vector<16xf32>
      %mul3A_717 = arith.mulf %broadcast_in_dim3A_621, %sub3A_716 : vector<16xf32>
      %add3A_718 = arith.addf %get3A_710, %mul3A_717 : vector<16xf32>
      %add3A_719 = arith.addf %scan3A_613#6, %add3A_718 : vector<16xf32>
      %get3A_720 = arith.constant 96 : i32
      %get3A_721 = arith.index_cast %get3A_720 : i32 to index
      %get3A_722 = arith.constant 112 : index
      %get3A_723 = tpu.vector_load %arg10[%get3A_721, %get3A_722] {strides = array<i32>} : memref<104x128xf32, #tpu.memory_space<vmem>>, vector<1x16xf32>,
      %get3A_724 = vector.shape_cast %get3A_723 : vector<1x16xf32> to vector<16xf32>
      %get3A_725 = arith.constant 96 : i32
      %get3A_726 = arith.index_cast %get3A_725 : i32 to index
      %get3A_727 = arith.constant 112 : index
      %get3A_728 = tpu.vector_load %arg11[%get3A_726, %get3A_727] {strides = array<i32>} : memref<104x128xf32, #tpu.memory_space<vmem>>, vector<1x16xf32>,
      %get3A_729 = vector.shape_cast %get3A_728 : vector<1x16xf32> to vector<16xf32>
      %sub3A_730 = arith.subf %get3A_729, %get3A_724 : vector<16xf32>
      %mul3A_731 = arith.mulf %broadcast_in_dim3A_621, %sub3A_730 : vector<16xf32>
      %add3A_732 = arith.addf %get3A_724, %mul3A_731 : vector<16xf32>
      %add3A_733 = arith.addf %scan3A_613#7, %add3A_732 : vector<16xf32>
      %slice3A_734 = vector.extract_strided_slice %get3A_618 {offsets = [1], sizes = [1], strides = [1]} : vector<16xf32> to vector<1xf32>
      %squeeze3A_735 = vector.extract %slice3A_734[0] : f32 from vector<1xf32>
      %broadcast_in_dim3A_736 = vector.broadcast %squeeze3A_735 : f32 to vector<16xf32>
      %get3A_737 = arith.constant 97 : i32
      %get3A_738 = arith.index_cast %get3A_737 : i32 to index
      %get3A_739 = arith.constant 0 : index
      %get3A_740 = tpu.vector_load %arg10[%get3A_738, %get3A_739] {strides = array<i32>} : memref<104x128xf32, #tpu.memory_space<vmem>>, vector<1x16xf32>,
      %get3A_741 = vector.shape_cast %get3A_740 : vector<1x16xf32> to vector<16xf32>
      %get3A_742 = arith.constant 97 : i32
      %get3A_743 = arith.index_cast %get3A_742 : i32 to index
      %get3A_744 = arith.constant 0 : index
      %get3A_745 = tpu.vector_load %arg11[%get3A_743, %get3A_744] {strides = array<i32>} : memref<104x128xf32, #tpu.memory_space<vmem>>, vector<1x16xf32>,
      %get3A_746 = vector.shape_cast %get3A_745 : vector<1x16xf32> to vector<16xf32>
      %sub3A_747 = arith.subf %get3A_746, %get3A_741 : vector<16xf32>
      %mul3A_748 = arith.mulf %broadcast_in_dim3A_736, %sub3A_747 : vector<16xf32>
      %add3A_749 = arith.addf %get3A_741, %mul3A_748 : vector<16xf32>
      %add3A_750 = arith.addf %add3A_635, %add3A_749 : vector<16xf32>
      %get3A_751 = arith.constant 97 : i32
      %get3A_752 = arith.index_cast %get3A_751 : i32 to index
      %get3A_753 = arith.constant 16 : index
      %get3A_754 = tpu.vector_load %arg10[%get3A_752, %get3A_753] {strides = array<i32>} : memref<104x128xf32, #tpu.memory_space<vmem>>, vector<1x16xf32>,
      %get3A_755 = vector.shape_cast %get3A_754 : vector<1x16xf32> to vector<16xf32>
      %get3A_756 = arith.constant 97 : i32
      %get3A_757 = arith.index_cast %get3A_756 : i32 to index
      %get3A_758 = arith.constant 16 : index
      %get3A_759 = tpu.vector_load %arg11[%get3A_757, %get3A_758] {strides = array<i32>} : memref<104x128xf32, #tpu.memory_space<vmem>>, vector<1x16xf32>,
      %get3A_760 = vector.shape_cast %get3A_759 : vector<1x16xf32> to vector<16xf32>
      %sub3A_761 = arith.subf %get3A_760, %get3A_755 : vector<16xf32>
      %mul3A_762 = arith.mulf %broadcast_in_dim3A_736, %sub3A_761 : vector<16xf32>
      %add3A_763 = arith.addf %get3A_755, %mul3A_762 : vector<16xf32>
      %add3A_764 = arith.addf %add3A_649, %add3A_763 : vector<16xf32>
      %get3A_765 = arith.constant 97 : i32
      %get3A_766 = arith.index_cast %get3A_765 : i32 to index
      %get3A_767 = arith.constant 32 : index
      %get3A_768 = tpu.vector_load %arg10[%get3A_766, %get3A_767] {strides = array<i32>} : memref<104x128xf32, #tpu.memory_space<vmem>>, vector<1x16xf32>,
      %get3A_769 = vector.shape_cast %get3A_768 : vector<1x16xf32> to vector<16xf32>
      %get3A_770 = arith.constant 97 : i32
      %get3A_771 = arith.index_cast %get3A_770 : i32 to index
      %get3A_772 = arith.constant 32 : index
      %get3A_773 = tpu.vector_load %arg11[%get3A_771, %get3A_772] {strides = array<i32>} : memref<104x128xf32, #tpu.memory_space<vmem>>, vector<1x16xf32>,
      %get3A_774 = vector.shape_cast %get3A_773 : vector<1x16xf32> to vector<16xf32>
      %sub3A_775 = arith.subf %get3A_774, %get3A_769 : vector<16xf32>
      %mul3A_776 = arith.mulf %broadcast_in_dim3A_736, %sub3A_775 : vector<16xf32>
      %add3A_777 = arith.addf %get3A_769, %mul3A_776 : vector<16xf32>
      %add3A_778 = arith.addf %add3A_663, %add3A_777 : vector<16xf32>
      %get3A_779 = arith.constant 97 : i32
      %get3A_780 = arith.index_cast %get3A_779 : i32 to index
      %get3A_781 = arith.constant 48 : index
      %get3A_782 = tpu.vector_load %arg10[%get3A_780, %get3A_781] {strides = array<i32>} : memref<104x128xf32, #tpu.memory_space<vmem>>, vector<1x16xf32>,
      %get3A_783 = vector.shape_cast %get3A_782 : vector<1x16xf32> to vector<16xf32>
      %get3A_784 = arith.constant 97 : i32
      %get3A_785 = arith.index_cast %get3A_784 : i32 to index
      %get3A_786 = arith.constant 48 : index
      %get3A_787 = tpu.vector_load %arg11[%get3A_785, %get3A_786] {strides = array<i32>} : memref<104x128xf32, #tpu.memory_space<vmem>>, vector<1x16xf32>,
      %get3A_788 = vector.shape_cast %get3A_787 : vector<1x16xf32> to vector<16xf32>
      %sub3A_789 = arith.subf %get3A_788, %get3A_783 : vector<16xf32>
      %mul3A_790 = arith.mulf %broadcast_in_dim3A_736, %sub3A_789 : vector<16xf32>
      %add3A_791 = arith.addf %get3A_783, %mul3A_790 : vector<16xf32>
      %add3A_792 = arith.addf %add3A_677, %add3A_791 : vector<16xf32>
      %get3A_793 = arith.constant 97 : i32
      %get3A_794 = arith.index_cast %get3A_793 : i32 to index
      %get3A_795 = arith.constant 64 : index
      %get3A_796 = tpu.vector_load %arg10[%get3A_794, %get3A_795] {strides = array<i32>} : memref<104x128xf32, #tpu.memory_space<vmem>>, vector<1x16xf32>,
      %get3A_797 = vector.shape_cast %get3A_796 : vector<1x16xf32> to vector<16xf32>
      %get3A_798 = arith.constant 97 : i32
      %get3A_799 = arith.index_cast %get3A_798 : i32 to index
      %get3A_800 = arith.constant 64 : index
      %get3A_801 = tpu.vector_load %arg11[%get3A_799, %get3A_800] {strides = array<i32>} : memref<104x128xf32, #tpu.memory_space<vmem>>, vector<1x16xf32>,
      %get3A_802 = vector.shape_cast %get3A_801 : vector<1x16xf32> to vector<16xf32>
      %sub3A_803 = arith.subf %get3A_802, %get3A_797 : vector<16xf32>
      %mul3A_804 = arith.mulf %broadcast_in_dim3A_736, %sub3A_803 : vector<16xf32>
      %add3A_805 = arith.addf %get3A_797, %mul3A_804 : vector<16xf32>
      %add3A_806 = arith.addf %add3A_691, %add3A_805 : vector<16xf32>
      %get3A_807 = arith.constant 97 : i32
      %get3A_808 = arith.index_cast %get3A_807 : i32 to index
      %get3A_809 = arith.constant 80 : index
      %get3A_810 = tpu.vector_load %arg10[%get3A_808, %get3A_809] {strides = array<i32>} : memref<104x128xf32, #tpu.memory_space<vmem>>, vector<1x16xf32>,
      %get3A_811 = vector.shape_cast %get3A_810 : vector<1x16xf32> to vector<16xf32>
      %get3A_812 = arith.constant 97 : i32
      %get3A_813 = arith.index_cast %get3A_812 : i32 to index
      %get3A_814 = arith.constant 80 : index
      %get3A_815 = tpu.vector_load %arg11[%get3A_813, %get3A_814] {strides = array<i32>} : memref<104x128xf32, #tpu.memory_space<vmem>>, vector<1x16xf32>,
      %get3A_816 = vector.shape_cast %get3A_815 : vector<1x16xf32> to vector<16xf32>
      %sub3A_817 = arith.subf %get3A_816, %get3A_811 : vector<16xf32>
      %mul3A_818 = arith.mulf %broadcast_in_dim3A_736, %sub3A_817 : vector<16xf32>
      %add3A_819 = arith.addf %get3A_811, %mul3A_818 : vector<16xf32>
      %add3A_820 = arith.addf %add3A_705, %add3A_819 : vector<16xf32>
      %get3A_821 = arith.constant 97 : i32
      %get3A_822 = arith.index_cast %get3A_821 : i32 to index
      %get3A_823 = arith.constant 96 : index
      %get3A_824 = tpu.vector_load %arg10[%get3A_822, %get3A_823] {strides = array<i32>} : memref<104x128xf32, #tpu.memory_space<vmem>>, vector<1x16xf32>,
      %get3A_825 = vector.shape_cast %get3A_824 : vector<1x16xf32> to vector<16xf32>
      %get3A_826 = arith.constant 97 : i32
      %get3A_827 = arith.index_cast %get3A_826 : i32 to index
      %get3A_828 = arith.constant 96 : index
      %get3A_829 = tpu.vector_load %arg11[%get3A_827, %get3A_828] {strides = array<i32>} : memref<104x128xf32, #tpu.memory_space<vmem>>, vector<1x16xf32>,
      %get3A_830 = vector.shape_cast %get3A_829 : vector<1x16xf32> to vector<16xf32>
      %sub3A_831 = arith.subf %get3A_830, %get3A_825 : vector<16xf32>
      %mul3A_832 = arith.mulf %broadcast_in_dim3A_736, %sub3A_831 : vector<16xf32>
      %add3A_833 = arith.addf %get3A_825, %mul3A_832 : vector<16xf32>
      %add3A_834 = arith.addf %add3A_719, %add3A_833 : vector<16xf32>
      %get3A_835 = arith.constant 97 : i32
      %get3A_836 = arith.index_cast %get3A_835 : i32 to index
      %get3A_837 = arith.constant 112 : index
      %get3A_838 = tpu.vector_load %arg10[%get3A_836, %get3A_837] {strides = array<i32>} : memref<104x128xf32, #tpu.memory_space<vmem>>, vector<1x16xf32>,
      %get3A_839 = vector.shape_cast %get3A_838 : vector<1x16xf32> to vector<16xf32>
      %get3A_840 = arith.constant 97 : i32
      %get3A_841 = arith.index_cast %get3A_840 : i32 to index
      %get3A_842 = arith.constant 112 : index
      %get3A_843 = tpu.vector_load %arg11[%get3A_841, %get3A_842] {strides = array<i32>} : memref<104x128xf32, #tpu.memory_space<vmem>>, vector<1x16xf32>,
      %get3A_844 = vector.shape_cast %get3A_843 : vector<1x16xf32> to vector<16xf32>
      %sub3A_845 = arith.subf %get3A_844, %get3A_839 : vector<16xf32>
      %mul3A_846 = arith.mulf %broadcast_in_dim3A_736, %sub3A_845 : vector<16xf32>
      %add3A_847 = arith.addf %get3A_839, %mul3A_846 : vector<16xf32>
      %add3A_848 = arith.addf %add3A_733, %add3A_847 : vector<16xf32>
      %slice3A_849 = vector.extract_strided_slice %get3A_618 {offsets = [2], sizes = [1], strides = [1]} : vector<16xf32> to vector<1xf32>
      %squeeze3A_850 = vector.extract %slice3A_849[0] : f32 from vector<1xf32>
      %broadcast_in_dim3A_851 = vector.broadcast %squeeze3A_850 : f32 to vector<16xf32>
      %get3A_852 = arith.constant 98 : i32
      %get3A_853 = arith.index_cast %get3A_852 : i32 to index
      %get3A_854 = arith.constant 0 : index
      %get3A_855 = tpu.vector_load %arg10[%get3A_853, %get3A_854] {strides = array<i32>} : memref<104x128xf32, #tpu.memory_space<vmem>>, vector<1x16xf32>,
      %get3A_856 = vector.shape_cast %get3A_855 : vector<1x16xf32> to vector<16xf32>
      %get3A_857 = arith.constant 98 : i32
      %get3A_858 = arith.index_cast %get3A_857 : i32 to index
      %get3A_859 = arith.constant 0 : index
      %get3A_860 = tpu.vector_load %arg11[%get3A_858, %get3A_859] {strides = array<i32>} : memref<104x128xf32, #tpu.memory_space<vmem>>, vector<1x16xf32>,
      %get3A_861 = vector.shape_cast %get3A_860 : vector<1x16xf32> to vector<16xf32>
      %sub3A_862 = arith.subf %get3A_861, %get3A_856 : vector<16xf32>
      %mul3A_863 = arith.mulf %broadcast_in_dim3A_851, %sub3A_862 : vector<16xf32>
      %add3A_864 = arith.addf %get3A_856, %mul3A_863 : vector<16xf32>
      %add3A_865 = arith.addf %add3A_750, %add3A_864 : vector<16xf32>
      %get3A_866 = arith.constant 98 : i32
      %get3A_867 = arith.index_cast %get3A_866 : i32 to index
      %get3A_868 = arith.constant 16 : index
      %get3A_869 = tpu.vector_load %arg10[%get3A_867, %get3A_868] {strides = array<i32>} : memref<104x128xf32, #tpu.memory_space<vmem>>, vector<1x16xf32>,
      %get3A_870 = vector.shape_cast %get3A_869 : vector<1x16xf32> to vector<16xf32>
      %get3A_871 = arith.constant 98 : i32
      %get3A_872 = arith.index_cast %get3A_871 : i32 to index
      %get3A_873 = arith.constant 16 : index
      %get3A_874 = tpu.vector_load %arg11[%get3A_872, %get3A_873] {strides = array<i32>} : memref<104x128xf32, #tpu.memory_space<vmem>>, vector<1x16xf32>,
      %get3A_875 = vector.shape_cast %get3A_874 : vector<1x16xf32> to vector<16xf32>
      %sub3A_876 = arith.subf %get3A_875, %get3A_870 : vector<16xf32>
      %mul3A_877 = arith.mulf %broadcast_in_dim3A_851, %sub3A_876 : vector<16xf32>
      %add3A_878 = arith.addf %get3A_870, %mul3A_877 : vector<16xf32>
      %add3A_879 = arith.addf %add3A_764, %add3A_878 : vector<16xf32>
      %get3A_880 = arith.constant 98 : i32
      %get3A_881 = arith.index_cast %get3A_880 : i32 to index
      %get3A_882 = arith.constant 32 : index
      %get3A_883 = tpu.vector_load %arg10[%get3A_881, %get3A_882] {strides = array<i32>} : memref<104x128xf32, #tpu.memory_space<vmem>>, vector<1x16xf32>,
      %get3A_884 = vector.shape_cast %get3A_883 : vector<1x16xf32> to vector<16xf32>
      %get3A_885 = arith.constant 98 : i32
      %get3A_886 = arith.index_cast %get3A_885 : i32 to index
      %get3A_887 = arith.constant 32 : index
      %get3A_888 = tpu.vector_load %arg11[%get3A_886, %get3A_887] {strides = array<i32>} : memref<104x128xf32, #tpu.memory_space<vmem>>, vector<1x16xf32>,
      %get3A_889 = vector.shape_cast %get3A_888 : vector<1x16xf32> to vector<16xf32>
      %sub3A_890 = arith.subf %get3A_889, %get3A_884 : vector<16xf32>
      %mul3A_891 = arith.mulf %broadcast_in_dim3A_851, %sub3A_890 : vector<16xf32>
      %add3A_892 = arith.addf %get3A_884, %mul3A_891 : vector<16xf32>
      %add3A_893 = arith.addf %add3A_778, %add3A_892 : vector<16xf32>
      %get3A_894 = arith.constant 98 : i32
      %get3A_895 = arith.index_cast %get3A_894 : i32 to index
      %get3A_896 = arith.constant 48 : index
      %get3A_897 = tpu.vector_load %arg10[%get3A_895, %get3A_896] {strides = array<i32>} : memref<104x128xf32, #tpu.memory_space<vmem>>, vector<1x16xf32>,
      %get3A_898 = vector.shape_cast %get3A_897 : vector<1x16xf32> to vector<16xf32>
      %get3A_899 = arith.constant 98 : i32
      %get3A_900 = arith.index_cast %get3A_899 : i32 to index
      %get3A_901 = arith.constant 48 : index
      %get3A_902 = tpu.vector_load %arg11[%get3A_900, %get3A_901] {strides = array<i32>} : memref<104x128xf32, #tpu.memory_space<vmem>>, vector<1x16xf32>,
      %get3A_903 = vector.shape_cast %get3A_902 : vector<1x16xf32> to vector<16xf32>
      %sub3A_904 = arith.subf %get3A_903, %get3A_898 : vector<16xf32>
      %mul3A_905 = arith.mulf %broadcast_in_dim3A_851, %sub3A_904 : vector<16xf32>
      %add3A_906 = arith.addf %get3A_898, %mul3A_905 : vector<16xf32>
      %add3A_907 = arith.addf %add3A_792, %add3A_906 : vector<16xf32>
      %get3A_908 = arith.constant 98 : i32
      %get3A_909 = arith.index_cast %get3A_908 : i32 to index
      %get3A_910 = arith.constant 64 : index
      %get3A_911 = tpu.vector_load %arg10[%get3A_909, %get3A_910] {strides = array<i32>} : memref<104x128xf32, #tpu.memory_space<vmem>>, vector<1x16xf32>,
      %get3A_912 = vector.shape_cast %get3A_911 : vector<1x16xf32> to vector<16xf32>
      %get3A_913 = arith.constant 98 : i32
      %get3A_914 = arith.index_cast %get3A_913 : i32 to index
      %get3A_915 = arith.constant 64 : index
      %get3A_916 = tpu.vector_load %arg11[%get3A_914, %get3A_915] {strides = array<i32>} : memref<104x128xf32, #tpu.memory_space<vmem>>, vector<1x16xf32>,
      %get3A_917 = vector.shape_cast %get3A_916 : vector<1x16xf32> to vector<16xf32>
      %sub3A_918 = arith.subf %get3A_917, %get3A_912 : vector<16xf32>
      %mul3A_919 = arith.mulf %broadcast_in_dim3A_851, %sub3A_918 : vector<16xf32>
      %add3A_920 = arith.addf %get3A_912, %mul3A_919 : vector<16xf32>
      %add3A_921 = arith.addf %add3A_806, %add3A_920 : vector<16xf32>
      %get3A_922 = arith.constant 98 : i32
      %get3A_923 = arith.index_cast %get3A_922 : i32 to index
      %get3A_924 = arith.constant 80 : index
      %get3A_925 = tpu.vector_load %arg10[%get3A_923, %get3A_924] {strides = array<i32>} : memref<104x128xf32, #tpu.memory_space<vmem>>, vector<1x16xf32>,
      %get3A_926 = vector.shape_cast %get3A_925 : vector<1x16xf32> to vector<16xf32>
      %get3A_927 = arith.constant 98 : i32
      %get3A_928 = arith.index_cast %get3A_927 : i32 to index
      %get3A_929 = arith.constant 80 : index
      %get3A_930 = tpu.vector_load %arg11[%get3A_928, %get3A_929] {strides = array<i32>} : memref<104x128xf32, #tpu.memory_space<vmem>>, vector<1x16xf32>,
      %get3A_931 = vector.shape_cast %get3A_930 : vector<1x16xf32> to vector<16xf32>
      %sub3A_932 = arith.subf %get3A_931, %get3A_926 : vector<16xf32>
      %mul3A_933 = arith.mulf %broadcast_in_dim3A_851, %sub3A_932 : vector<16xf32>
      %add3A_934 = arith.addf %get3A_926, %mul3A_933 : vector<16xf32>
      %add3A_935 = arith.addf %add3A_820, %add3A_934 : vector<16xf32>
      %get3A_936 = arith.constant 98 : i32
      %get3A_937 = arith.index_cast %get3A_936 : i32 to index
      %get3A_938 = arith.constant 96 : index
      %get3A_939 = tpu.vector_load %arg10[%get3A_937, %get3A_938] {strides = array<i32>} : memref<104x128xf32, #tpu.memory_space<vmem>>, vector<1x16xf32>,
      %get3A_940 = vector.shape_cast %get3A_939 : vector<1x16xf32> to vector<16xf32>
      %get3A_941 = arith.constant 98 : i32
      %get3A_942 = arith.index_cast %get3A_941 : i32 to index
      %get3A_943 = arith.constant 96 : index
      %get3A_944 = tpu.vector_load %arg11[%get3A_942, %get3A_943] {strides = array<i32>} : memref<104x128xf32, #tpu.memory_space<vmem>>, vector<1x16xf32>,
      %get3A_945 = vector.shape_cast %get3A_944 : vector<1x16xf32> to vector<16xf32>
      %sub3A_946 = arith.subf %get3A_945, %get3A_940 : vector<16xf32>
      %mul3A_947 = arith.mulf %broadcast_in_dim3A_851, %sub3A_946 : vector<16xf32>
      %add3A_948 = arith.addf %get3A_940, %mul3A_947 : vector<16xf32>
      %add3A_949 = arith.addf %add3A_834, %add3A_948 : vector<16xf32>
      %get3A_950 = arith.constant 98 : i32
      %get3A_951 = arith.index_cast %get3A_950 : i32 to index
      %get3A_952 = arith.constant 112 : index
      %get3A_953 = tpu.vector_load %arg10[%get3A_951, %get3A_952] {strides = array<i32>} : memref<104x128xf32, #tpu.memory_space<vmem>>, vector<1x16xf32>,
      %get3A_954 = vector.shape_cast %get3A_953 : vector<1x16xf32> to vector<16xf32>
      %get3A_955 = arith.constant 98 : i32
      %get3A_956 = arith.index_cast %get3A_955 : i32 to index
      %get3A_957 = arith.constant 112 : index
      %get3A_958 = tpu.vector_load %arg11[%get3A_956, %get3A_957] {strides = array<i32>} : memref<104x128xf32, #tpu.memory_space<vmem>>, vector<1x16xf32>,
      %get3A_959 = vector.shape_cast %get3A_958 : vector<1x16xf32> to vector<16xf32>
      %sub3A_960 = arith.subf %get3A_959, %get3A_954 : vector<16xf32>
      %mul3A_961 = arith.mulf %broadcast_in_dim3A_851, %sub3A_960 : vector<16xf32>
      %add3A_962 = arith.addf %get3A_954, %mul3A_961 : vector<16xf32>
      %add3A_963 = arith.addf %add3A_848, %add3A_962 : vector<16xf32>
      %slice3A_964 = vector.extract_strided_slice %get3A_618 {offsets = [3], sizes = [1], strides = [1]} : vector<16xf32> to vector<1xf32>
      %squeeze3A_965 = vector.extract %slice3A_964[0] : f32 from vector<1xf32>
      %broadcast_in_dim3A_966 = vector.broadcast %squeeze3A_965 : f32 to vector<16xf32>
      %get3A_967 = arith.constant 99 : i32
      %get3A_968 = arith.index_cast %get3A_967 : i32 to index
      %get3A_969 = arith.constant 0 : index
      %get3A_970 = tpu.vector_load %arg10[%get3A_968, %get3A_969] {strides = array<i32>} : memref<104x128xf32, #tpu.memory_space<vmem>>, vector<1x16xf32>,
      %get3A_971 = vector.shape_cast %get3A_970 : vector<1x16xf32> to vector<16xf32>
      %get3A_972 = arith.constant 99 : i32
      %get3A_973 = arith.index_cast %get3A_972 : i32 to index
      %get3A_974 = arith.constant 0 : index
      %get3A_975 = tpu.vector_load %arg11[%get3A_973, %get3A_974] {strides = array<i32>} : memref<104x128xf32, #tpu.memory_space<vmem>>, vector<1x16xf32>,
      %get3A_976 = vector.shape_cast %get3A_975 : vector<1x16xf32> to vector<16xf32>
      %sub3A_977 = arith.subf %get3A_976, %get3A_971 : vector<16xf32>
      %mul3A_978 = arith.mulf %broadcast_in_dim3A_966, %sub3A_977 : vector<16xf32>
      %add3A_979 = arith.addf %get3A_971, %mul3A_978 : vector<16xf32>
      %add3A_980 = arith.addf %add3A_865, %add3A_979 : vector<16xf32>
      %get3A_981 = arith.constant 99 : i32
      %get3A_982 = arith.index_cast %get3A_981 : i32 to index
      %get3A_983 = arith.constant 16 : index
      %get3A_984 = tpu.vector_load %arg10[%get3A_982, %get3A_983] {strides = array<i32>} : memref<104x128xf32, #tpu.memory_space<vmem>>, vector<1x16xf32>,
      %get3A_985 = vector.shape_cast %get3A_984 : vector<1x16xf32> to vector<16xf32>
      %get3A_986 = arith.constant 99 : i32
      %get3A_987 = arith.index_cast %get3A_986 : i32 to index
      %get3A_988 = arith.constant 16 : index
      %get3A_989 = tpu.vector_load %arg11[%get3A_987, %get3A_988] {strides = array<i32>} : memref<104x128xf32, #tpu.memory_space<vmem>>, vector<1x16xf32>,
      %get3A_990 = vector.shape_cast %get3A_989 : vector<1x16xf32> to vector<16xf32>
      %sub3A_991 = arith.subf %get3A_990, %get3A_985 : vector<16xf32>
      %mul3A_992 = arith.mulf %broadcast_in_dim3A_966, %sub3A_991 : vector<16xf32>
      %add3A_993 = arith.addf %get3A_985, %mul3A_992 : vector<16xf32>
      %add3A_994 = arith.addf %add3A_879, %add3A_993 : vector<16xf32>
      %get3A_995 = arith.constant 99 : i32
      %get3A_996 = arith.index_cast %get3A_995 : i32 to index
      %get3A_997 = arith.constant 32 : index
      %get3A_998 = tpu.vector_load %arg10[%get3A_996, %get3A_997] {strides = array<i32>} : memref<104x128xf32, #tpu.memory_space<vmem>>, vector<1x16xf32>,
      %get3A_999 = vector.shape_cast %get3A_998 : vector<1x16xf32> to vector<16xf32>
      %get3A_1000 = arith.constant 99 : i32
      %get3A_1001 = arith.index_cast %get3A_1000 : i32 to index
      %get3A_1002 = arith.constant 32 : index
      %get3A_1003 = tpu.vector_load %arg11[%get3A_1001, %get3A_1002] {strides = array<i32>} : memref<104x128xf32, #tpu.memory_space<vmem>>, vector<1x16xf32>,
      %get3A_1004 = vector.shape_cast %get3A_1003 : vector<1x16xf32> to vector<16xf32>
      %sub3A_1005 = arith.subf %get3A_1004, %get3A_999 : vector<16xf32>
      %mul3A_1006 = arith.mulf %broadcast_in_dim3A_966, %sub3A_1005 : vector<16xf32>
      %add3A_1007 = arith.addf %get3A_999, %mul3A_1006 : vector<16xf32>
      %add3A_1008 = arith.addf %add3A_893, %add3A_1007 : vector<16xf32>
      %get3A_1009 = arith.constant 99 : i32
      %get3A_1010 = arith.index_cast %get3A_1009 : i32 to index
      %get3A_1011 = arith.constant 48 : index
      %get3A_1012 = tpu.vector_load %arg10[%get3A_1010, %get3A_1011] {strides = array<i32>} : memref<104x128xf32, #tpu.memory_space<vmem>>, vector<1x16xf32>,
      %get3A_1013 = vector.shape_cast %get3A_1012 : vector<1x16xf32> to vector<16xf32>
      %get3A_1014 = arith.constant 99 : i32
      %get3A_1015 = arith.index_cast %get3A_1014 : i32 to index
      %get3A_1016 = arith.constant 48 : index
      %get3A_1017 = tpu.vector_load %arg11[%get3A_1015, %get3A_1016] {strides = array<i32>} : memref<104x128xf32, #tpu.memory_space<vmem>>, vector<1x16xf32>,
      %get3A_1018 = vector.shape_cast %get3A_1017 : vector<1x16xf32> to vector<16xf32>
      %sub3A_1019 = arith.subf %get3A_1018, %get3A_1013 : vector<16xf32>
      %mul3A_1020 = arith.mulf %broadcast_in_dim3A_966, %sub3A_1019 : vector<16xf32>
      %add3A_1021 = arith.addf %get3A_1013, %mul3A_1020 : vector<16xf32>
      %add3A_1022 = arith.addf %add3A_907, %add3A_1021 : vector<16xf32>
      %get3A_1023 = arith.constant 99 : i32
      %get3A_1024 = arith.index_cast %get3A_1023 : i32 to index
      %get3A_1025 = arith.constant 64 : index
      %get3A_1026 = tpu.vector_load %arg10[%get3A_1024, %get3A_1025] {strides = array<i32>} : memref<104x128xf32, #tpu.memory_space<vmem>>, vector<1x16xf32>,
      %get3A_1027 = vector.shape_cast %get3A_1026 : vector<1x16xf32> to vector<16xf32>
      %get3A_1028 = arith.constant 99 : i32
      %get3A_1029 = arith.index_cast %get3A_1028 : i32 to index
      %get3A_1030 = arith.constant 64 : index
      %get3A_1031 = tpu.vector_load %arg11[%get3A_1029, %get3A_1030] {strides = array<i32>} : memref<104x128xf32, #tpu.memory_space<vmem>>, vector<1x16xf32>,
      %get3A_1032 = vector.shape_cast %get3A_1031 : vector<1x16xf32> to vector<16xf32>
      %sub3A_1033 = arith.subf %get3A_1032, %get3A_1027 : vector<16xf32>
      %mul3A_1034 = arith.mulf %broadcast_in_dim3A_966, %sub3A_1033 : vector<16xf32>
      %add3A_1035 = arith.addf %get3A_1027, %mul3A_1034 : vector<16xf32>
      %add3A_1036 = arith.addf %add3A_921, %add3A_1035 : vector<16xf32>
      %get3A_1037 = arith.constant 99 : i32
      %get3A_1038 = arith.index_cast %get3A_1037 : i32 to index
      %get3A_1039 = arith.constant 80 : index
      %get3A_1040 = tpu.vector_load %arg10[%get3A_1038, %get3A_1039] {strides = array<i32>} : memref<104x128xf32, #tpu.memory_space<vmem>>, vector<1x16xf32>,
      %get3A_1041 = vector.shape_cast %get3A_1040 : vector<1x16xf32> to vector<16xf32>
      %get3A_1042 = arith.constant 99 : i32
      %get3A_1043 = arith.index_cast %get3A_1042 : i32 to index
      %get3A_1044 = arith.constant 80 : index
      %get3A_1045 = tpu.vector_load %arg11[%get3A_1043, %get3A_1044] {strides = array<i32>} : memref<104x128xf32, #tpu.memory_space<vmem>>, vector<1x16xf32>,
      %get3A_1046 = vector.shape_cast %get3A_1045 : vector<1x16xf32> to vector<16xf32>
      %sub3A_1047 = arith.subf %get3A_1046, %get3A_1041 : vector<16xf32>
      %mul3A_1048 = arith.mulf %broadcast_in_dim3A_966, %sub3A_1047 : vector<16xf32>
      %add3A_1049 = arith.addf %get3A_1041, %mul3A_1048 : vector<16xf32>
      %add3A_1050 = arith.addf %add3A_935, %add3A_1049 : vector<16xf32>
      %get3A_1051 = arith.constant 99 : i32
      %get3A_1052 = arith.index_cast %get3A_1051 : i32 to index
      %get3A_1053 = arith.constant 96 : index
      %get3A_1054 = tpu.vector_load %arg10[%get3A_1052, %get3A_1053] {strides = array<i32>} : memref<104x128xf32, #tpu.memory_space<vmem>>, vector<1x16xf32>,
      %get3A_1055 = vector.shape_cast %get3A_1054 : vector<1x16xf32> to vector<16xf32>
      %get3A_1056 = arith.constant 99 : i32
      %get3A_1057 = arith.index_cast %get3A_1056 : i32 to index
      %get3A_1058 = arith.constant 96 : index
      %get3A_1059 = tpu.vector_load %arg11[%get3A_1057, %get3A_1058] {strides = array<i32>} : memref<104x128xf32, #tpu.memory_space<vmem>>, vector<1x16xf32>,
      %get3A_1060 = vector.shape_cast %get3A_1059 : vector<1x16xf32> to vector<16xf32>
      %sub3A_1061 = arith.subf %get3A_1060, %get3A_1055 : vector<16xf32>
      %mul3A_1062 = arith.mulf %broadcast_in_dim3A_966, %sub3A_1061 : vector<16xf32>
      %add3A_1063 = arith.addf %get3A_1055, %mul3A_1062 : vector<16xf32>
      %add3A_1064 = arith.addf %add3A_949, %add3A_1063 : vector<16xf32>
      %get3A_1065 = arith.constant 99 : i32
      %get3A_1066 = arith.index_cast %get3A_1065 : i32 to index
      %get3A_1067 = arith.constant 112 : index
      %get3A_1068 = tpu.vector_load %arg10[%get3A_1066, %get3A_1067] {strides = array<i32>} : memref<104x128xf32, #tpu.memory_space<vmem>>, vector<1x16xf32>,
      %get3A_1069 = vector.shape_cast %get3A_1068 : vector<1x16xf32> to vector<16xf32>
      %get3A_1070 = arith.constant 99 : i32
      %get3A_1071 = arith.index_cast %get3A_1070 : i32 to index
      %get3A_1072 = arith.constant 112 : index
      %get3A_1073 = tpu.vector_load %arg11[%get3A_1071, %get3A_1072] {strides = array<i32>} : memref<104x128xf32, #tpu.memory_space<vmem>>, vector<1x16xf32>,
      %get3A_1074 = vector.shape_cast %get3A_1073 : vector<1x16xf32> to vector<16xf32>
      %sub3A_1075 = arith.subf %get3A_1074, %get3A_1069 : vector<16xf32>
      %mul3A_1076 = arith.mulf %broadcast_in_dim3A_966, %sub3A_1075 : vector<16xf32>
      %add3A_1077 = arith.addf %get3A_1069, %mul3A_1076 : vector<16xf32>
      %add3A_1078 = arith.addf %add3A_963, %add3A_1077 : vector<16xf32>
      %swap3A_1079 = arith.index_cast %add3A_592 : i32 to index
      %swap3A_1080 = arith.constant 0 : index
      %swap3A_1081 = tpu.vector_load %arg12[%swap3A_1079, %swap3A_1080] {strides = array<i32>} : memref<128x128xf32, #tpu.memory_space<vmem>>, vector<1x16xf32>,
      %swap3A_1082 = vector.shape_cast %swap3A_1081 : vector<1x16xf32> to vector<16xf32>
      %swap3A_1083 = vector.shape_cast %add3A_980 : vector<16xf32> to vector<1x16xf32>
      tpu.vector_store %arg12[%swap3A_1079, %swap3A_1080], %swap3A_1083 {strides = array<i32>} : memref<128x128xf32, #tpu.memory_space<vmem>>, vector<1x16xf32>,
      %swap3A_1084 = arith.index_cast %add3A_592 : i32 to index
      %swap3A_1085 = arith.constant 16 : index
      %swap3A_1086 = tpu.vector_load %arg12[%swap3A_1084, %swap3A_1085] {strides = array<i32>} : memref<128x128xf32, #tpu.memory_space<vmem>>, vector<1x16xf32>,
      %swap3A_1087 = vector.shape_cast %swap3A_1086 : vector<1x16xf32> to vector<16xf32>
      %swap3A_1088 = vector.shape_cast %add3A_994 : vector<16xf32> to vector<1x16xf32>
      tpu.vector_store %arg12[%swap3A_1084, %swap3A_1085], %swap3A_1088 {strides = array<i32>} : memref<128x128xf32, #tpu.memory_space<vmem>>, vector<1x16xf32>,
      %swap3A_1089 = arith.index_cast %add3A_592 : i32 to index
      %swap3A_1090 = arith.constant 32 : index
      %swap3A_1091 = tpu.vector_load %arg12[%swap3A_1089, %swap3A_1090] {strides = array<i32>} : memref<128x128xf32, #tpu.memory_space<vmem>>, vector<1x16xf32>,
      %swap3A_1092 = vector.shape_cast %swap3A_1091 : vector<1x16xf32> to vector<16xf32>
      %swap3A_1093 = vector.shape_cast %add3A_1008 : vector<16xf32> to vector<1x16xf32>
      tpu.vector_store %arg12[%swap3A_1089, %swap3A_1090], %swap3A_1093 {strides = array<i32>} : memref<128x128xf32, #tpu.memory_space<vmem>>, vector<1x16xf32>,
      %swap3A_1094 = arith.index_cast %add3A_592 : i32 to index
      %swap3A_1095 = arith.constant 48 : index
      %swap3A_1096 = tpu.vector_load %arg12[%swap3A_1094, %swap3A_1095] {strides = array<i32>} : memref<128x128xf32, #tpu.memory_space<vmem>>, vector<1x16xf32>,
      %swap3A_1097 = vector.shape_cast %swap3A_1096 : vector<1x16xf32> to vector<16xf32>
      %swap3A_1098 = vector.shape_cast %add3A_1022 : vector<16xf32> to vector<1x16xf32>
      tpu.vector_store %arg12[%swap3A_1094, %swap3A_1095], %swap3A_1098 {strides = array<i32>} : memref<128x128xf32, #tpu.memory_space<vmem>>, vector<1x16xf32>,
      %swap3A_1099 = arith.index_cast %add3A_592 : i32 to index
      %swap3A_1100 = arith.constant 64 : index
      %swap3A_1101 = tpu.vector_load %arg12[%swap3A_1099, %swap3A_1100] {strides = array<i32>} : memref<128x128xf32, #tpu.memory_space<vmem>>, vector<1x16xf32>,
      %swap3A_1102 = vector.shape_cast %swap3A_1101 : vector<1x16xf32> to vector<16xf32>
      %swap3A_1103 = vector.shape_cast %add3A_1036 : vector<16xf32> to vector<1x16xf32>
      tpu.vector_store %arg12[%swap3A_1099, %swap3A_1100], %swap3A_1103 {strides = array<i32>} : memref<128x128xf32, #tpu.memory_space<vmem>>, vector<1x16xf32>,
      %swap3A_1104 = arith.index_cast %add3A_592 : i32 to index
      %swap3A_1105 = arith.constant 80 : index
      %swap3A_1106 = tpu.vector_load %arg12[%swap3A_1104, %swap3A_1105] {strides = array<i32>} : memref<128x128xf32, #tpu.memory_space<vmem>>, vector<1x16xf32>,
      %swap3A_1107 = vector.shape_cast %swap3A_1106 : vector<1x16xf32> to vector<16xf32>
      %swap3A_1108 = vector.shape_cast %add3A_1050 : vector<16xf32> to vector<1x16xf32>
      tpu.vector_store %arg12[%swap3A_1104, %swap3A_1105], %swap3A_1108 {strides = array<i32>} : memref<128x128xf32, #tpu.memory_space<vmem>>, vector<1x16xf32>,
      %swap3A_1109 = arith.index_cast %add3A_592 : i32 to index
      %swap3A_1110 = arith.constant 96 : index
      %swap3A_1111 = tpu.vector_load %arg12[%swap3A_1109, %swap3A_1110] {strides = array<i32>} : memref<128x128xf32, #tpu.memory_space<vmem>>, vector<1x16xf32>,
      %swap3A_1112 = vector.shape_cast %swap3A_1111 : vector<1x16xf32> to vector<16xf32>
      %swap3A_1113 = vector.shape_cast %add3A_1064 : vector<16xf32> to vector<1x16xf32>
      tpu.vector_store %arg12[%swap3A_1109, %swap3A_1110], %swap3A_1113 {strides = array<i32>} : memref<128x128xf32, #tpu.memory_space<vmem>>, vector<1x16xf32>,
      %swap3A_1114 = arith.index_cast %add3A_592 : i32 to index
      %swap3A_1115 = arith.constant 112 : index
      %swap3A_1116 = tpu.vector_load %arg12[%swap3A_1114, %swap3A_1115] {strides = array<i32>} : memref<128x128xf32, #tpu.memory_space<vmem>>, vector<1x16xf32>,
      %swap3A_1117 = vector.shape_cast %swap3A_1116 : vector<1x16xf32> to vector<16xf32>
      %swap3A_1118 = vector.shape_cast %add3A_1078 : vector<16xf32> to vector<1x16xf32>
      tpu.vector_store %arg12[%swap3A_1114, %swap3A_1115], %swap3A_1118 {strides = array<i32>} : memref<128x128xf32, #tpu.memory_space<vmem>>, vector<1x16xf32>,
    }
    %scan3A_26 = arith.constant 64 : i32
    "tpu.region"() ({
      %run_scoped3A = tpu.sem_alloc : memref<!tpu.dma_semaphore, #tpu.memory_space<semaphore_mem>>
      %dma_start3A_27 = arith.constant 0 : i32
      %dma_start3A_28 = tpu.memref_slice %arg4[%mul3A_2, %dma_start3A_27] : memref<4096x128xf32, #tpu.memory_space<hbm>> -> memref<128x128xf32, #tpu.memory_space<hbm>>
      %dma_start3A_29 = arith.constant 0 : i32
      %dma_start3A_30 = tpu.memref_slice %arg4[%mul3A_2, %dma_start3A_29] : memref<4096x128xf32, #tpu.memory_space<hbm>> -> memref<128x128xf32, #tpu.memory_space<hbm>>
      tpu.enqueue_dma source(%arg12 : memref<128x128xf32, #tpu.memory_space<vmem>>) target(%dma_start3A_30 : memref<128x128xf32, #tpu.memory_space<hbm>>) target_semaphore(%run_scoped3A : memref<!tpu.dma_semaphore, #tpu.memory_space<semaphore_mem>>)
      %dma_wait3A = arith.constant 0 : i32
      %dma_wait3A_31 = tpu.memref_slice %arg4[%mul3A_2, %dma_wait3A] : memref<4096x128xf32, #tpu.memory_space<hbm>> -> memref<128x128xf32, #tpu.memory_space<hbm>>
      %dma_wait3A_32 = arith.constant 0 : i32
      %dma_wait3A_33 = tpu.memref_slice %arg4[%mul3A_2, %dma_wait3A_32] : memref<4096x128xf32, #tpu.memory_space<hbm>> -> memref<128x128xf32, #tpu.memory_space<hbm>>
      tpu.wait_dma2 semaphore(%run_scoped3A : memref<!tpu.dma_semaphore, #tpu.memory_space<semaphore_mem>>) src(%arg12 : memref<128x128xf32, #tpu.memory_space<vmem>>) dst(%dma_wait3A_33 : memref<128x128xf32, #tpu.memory_space<hbm>>)
      tpu.yield
    }) : () -> ()
    return
  }
}

</mosaic_0001>

<sc_bundles>
// kernel: kernel.3.cloned.1.call-start
scs
__scs_entry_jumppad:
0x0: {  	(pc) =	sbr.rel $0x88, $3  }
0x1: {  	(tag) =	ssettag $0x0;
	lr =	simm.s32 $0x1  }
0x2: {  	[smem:$0x3F9F] =	sst lr;
	_ =	strace $0xD0000000  }
0x3: {  	_ = 	snop  }
0x4: {  	_ = 	snop  }
0x5: {  	_ = 	snop  }
0x6: {  	_ = 	snop  }
0x7: {  	_ = 	snop  }
__scs_overlays_trampoline_lowered:
0x8: {  	[smem:$0x3FAE] =	sst s0  }
0x9: {  	[smem:$0x3FAF] =	sst s1  }
0xa: {  	[smem:$0x3FB0] =	sst s2  }
0xb: {  	[smem:$0x3FB1] =	sst s3  }
0xc: {  	[smem:$0x3FB2] =	sst s4  }
0xd: {  	[smem:$0x3FB3] =	sst s5  }
0xe: {  	[smem:$0x3FB4] =	sst s6  }
0xf: {  	[smem:$0x3FB5] =	sst s7  }
0x10: {  	[smem:$0x3FB6] =	sst s8  }
0x11: {  	[smem:$0x3FB7] =	sst s9;
	s0 =	simm.s32 @!p0 $0x0  }
0x12: {  	s1 =	sld [smem:$0x3F9D];
	s0 =	simm.s32 @p0 $0x1  }
0x13: {  	[smem:$0x3FB8] =	sst s0;
	s0 =	simm.s32 @!p1 $0x0  }
0x14: {  	s2 =	sld [smem:$0x3F9C];
	s0 =	simm.s32 @p1 $0x1  }
0x15: {  	[smem:$0x3FB9] =	sst s0;
	s0 =	simm.s32 @!p2 $0x0  }
0x16: {  	s3 =	sld [smem:$0x3FDB];
	s0 =	simm.s32 @p2 $0x1  }
0x17: {  	s4 =	simm.s32 $0x1BF5;
	[smem:$0x3FBB] =	sst s0  }
0x18: {  	s0 =	sld [smem:$0x3F9E];
	_ =	swait.ge [sflag:s4], $0x0  }
0x19: {  	s7 =	sld [smem:$0x3F9F]  }
0x1a: {  	s8 =	sadd.s32 $0xFFFFE003, lr  }
0x1b: {  	s9 =	sadd.s32 $0xFFFFFEF7, lr;
	s5 =	simm.s32 $0xFFFFFFFF;
	p2 =	slt.u32 s8, $0xFFFFF086  }
0x1c: {  	p1 =	slt.u32 s9, $0xF7A;
	s5 =	simm.s32 @!p2 $0x0  }
0x1d: {  	s5 =	simm.s32 @p1 $0x1;
	p0 =	seq.s32 s7, s2  }
0x1e: {  	s7 =	smul.u32 @!p0 $0xF7A, s2;
	p2 =	seq.s32 @!p0 s5, $0x0  }
0x1f: {  	s9 =	smul.u32 $0xF7A, s1;
	s8 =	simm.s32 @!p0 $0x1BF5;
	p2 =	por !p2, p0  }
0x20: {  	[sflag:s8] =	ssyncset.s32 @!p0 $0xFFFFF086;
	s6 =	sadd.s32 @!p0 s3, s7;
	s7 =	simm.s32 @!p0 $0x108  }
0x21: {  	s3 =	sadd.s32 s3, s9;
	s6 =	sadd.s32 @!p0 $0x88, s6;
	s7 =	simm.s32 @p2 $0x1082  }
0x22: {  	[simem:s7], [sflag:s8] =	dma.local @!p0 [hbm:s6], $0xF7A  }
0x23: {  	s9 =	sor.u32 $0xD0000000, s2;
	s6 =	simm.s32 $0x108;
	_ =	swait.ge @!p0 [sflag:s8], $0x0  }
0x24: {  	s3 =	sadd.s32 $0x88, s3;
	s6 =	simm.s32 @!p1 $0x1082;
	[sflag:s4] =	ssyncset.s32 $0xFFFFF086  }
0x25: {  	[simem:s6], [sflag:s4] =	dma.local [hbm:s3], $0xF7A  }
0x26: {  	[smem:$0x3F9F] =	sst s1;
	(tag) =	ssettag s2;
	_ =	strace s9  }
0x27: {  	s1 =	sld [smem:$0x3FAF]  }
0x28: {  	s2 =	sld [smem:$0x3FB0]  }
0x29: {  	s4 =	sld [smem:$0x3FB2]  }
0x2a: {  	p0 =	seq.s32 s5, $0x0;
	s5 =	sld [smem:$0x3FB3]  }
0x2b: {  	s6 =	sld [smem:$0x3FB4]  }
0x2c: {  	s7 =	sld [smem:$0x3FB5]  }
0x2d: {  	s3 =	simm.s32 $0x108;
	s8 =	sld [smem:$0x3FB6]  }
0x2e: {  	s3 =	simm.s32 @!p0 $0x1082;
	s9 =	sld [smem:$0x3FB7]  }
0x2f: {  	lr =	sadd.s32 s0, s3;
	s0 =	sld [smem:$0x3FAE]  }
0x30: {  	s3 =	sld [smem:$0x3FB1]  }
0x31: {  	[smem:$0x3FBA] =	sst s10  }
0x32: {  	s10 =	sld [smem:$0x3FB8];
	_ =	sdelay $0x3  }
0x33: {  	p0 =	seq.s32 s10, $0x1;
	s10 =	sld [smem:$0x3FBA];
	_ =	sdelay $0x3  }
0x34: {  	[smem:$0x3FBA] =	sst s10  }
0x35: {  	s10 =	sld [smem:$0x3FB9];
	_ =	sdelay $0x3  }
0x36: {  	p1 =	seq.s32 s10, $0x1;
	s10 =	sld [smem:$0x3FBA];
	_ =	sdelay $0x3  }
0x37: {  	[smem:$0x3FBA] =	sst s10  }
0x38: {  	s10 =	sld [smem:$0x3FBB]  }
0x39: {  	_ = 	snop;
	(pc) =	sbr.ind lr, $3  }
0x3a: {  	_ = 	snop  }
0x3b: {  	_ = 	snop  }
0x3c: {  	p2 =	seq.s32 s10, $0x1;
	s10 =	sld [smem:$0x3FBA]  }
0x3d: {  	_ =	shalt  }
0x3e: {  	_ =	shalt  }
0x3f: {  	_ =	shalt  }
0x40: {  	_ =	shalt  }
0x41: {  	_ =	shalt  }
0x42: {  	_ =	shalt  }
0x43: {  	_ =	shalt  }
0x44: {  	_ =	shalt  }
0x45: {  	_ =	shalt  }
0x46: {  	_ =	shalt  }
0x47: {  	_ =	shalt  }
0x48: {  	_ =	shalt  }
0x49: {  	_ =	shalt  }
0x4a: {  	_ =	shalt  }
0x4b: {  	_ =	shalt  }
0x4c: {  	_ =	shalt  }
0x4d: {  	_ =	shalt  }
0x4e: {  	_ =	shalt  }
0x4f: {  	_ =	shalt  }
0x50: {  	_ =	shalt  }
0x51: {  	_ =	shalt  }
0x52: {  	_ =	shalt  }
0x53: {  	_ =	shalt  }
0x54: {  	_ =	shalt  }
0x55: {  	_ =	shalt  }
0x56: {  	_ =	shalt  }
0x57: {  	_ =	shalt  }
0x58: {  	_ =	shalt  }
0x59: {  	_ =	shalt  }
0x5a: {  	_ =	shalt  }
0x5b: {  	_ =	shalt  }
0x5c: {  	_ =	shalt  }
0x5d: {  	_ =	shalt  }
0x5e: {  	_ =	shalt  }
0x5f: {  	_ =	shalt  }
0x60: {  	_ =	shalt  }
0x61: {  	_ =	shalt  }
0x62: {  	_ =	shalt  }
0x63: {  	_ =	shalt  }
0x64: {  	_ =	shalt  }
0x65: {  	_ =	shalt  }
0x66: {  	_ =	shalt  }
0x67: {  	_ =	shalt  }
0x68: {  	_ =	shalt  }
0x69: {  	_ =	shalt  }
0x6a: {  	_ =	shalt  }
0x6b: {  	_ =	shalt  }
0x6c: {  	_ =	shalt  }
0x6d: {  	_ =	shalt  }
0x6e: {  	_ =	shalt  }
0x6f: {  	_ =	shalt  }
0x70: {  	_ =	shalt  }
0x71: {  	_ =	shalt  }
0x72: {  	_ =	shalt  }
0x73: {  	_ =	shalt  }
0x74: {  	_ =	shalt  }
0x75: {  	_ =	shalt  }
0x76: {  	_ =	shalt  }
0x77: {  	_ =	shalt  }
0x78: {  	_ =	shalt  }
0x79: {  	_ =	shalt  }
0x7a: {  	_ =	shalt  }
0x7b: {  	_ =	shalt  }
0x7c: {  	_ =	shalt  }
0x7d: {  	_ =	shalt  }
0x7e: {  	_ =	shalt  }
0x7f: {  	_ =	shalt  }
0x80: {  	_ =	shalt  }
0x81: {  	_ =	shalt  }
0x82: {  	_ =	shalt  }
0x83: {  	_ =	shalt  }
0x84: {  	_ =	shalt  }
0x85: {  	_ =	shalt  }
0x86: {  	_ =	shalt  }
0x87: {  	_ =	shalt  }
.Lfunc_end0:
.L_simem_size_0:
called_computation_lowered:
.L_overlay_start_0:
0x88: {  	s2 =	sld [smem:$0x3FD9]  }
0x89: {  	s3 =	sld [smem:$0x3FFE];
	_ =	sdelay $0x1  }
0x8a: {  	s1 =	srdreg.scid  }
0x8b: {  	s0 =	sand.u32 $0x1, s1  }
0x8c: {  	s17 =	sshll.u32 s0, $0xA;
	s2 =	sadd.s32 s3, s2  }
0x8d: {  	s2 =	sadd.s32 s2, s17  }
0x8e: {  	[smem:$0x3FC6] =	sst s2  }
0x8f: {  	_ = 	snop  }
0x90: {  	s2 =	sld [smem:$0x3FC8]  }
0x91: {  	s18 =	sld [smem:$0x3FD0];
	(tm) =	ssettm $0x1  }
0x92: {  	s4 =	sld [smem:$0x3FFB];
	_ =	sdelay $0x3  }
0x93: {  	_ =	strace s4  }
0x94: {  	s4 =	sld [smem:$0x3FFC];
	_ =	sdelay $0x3  }
0x95: {  	_ =	strace s4  }
0x96: {  	s4 =	sld [smem:$0x3FFD];
	_ =	sdelay $0x3  }
0x97: {  	_ =	strace s4  }
0x98: {  	_ =	strace $0x8FFFFFFF  }
0x99: {  	s19 =	sld [smem:$0x3FDB];
	_ =	sdelay $0x1  }
0x9a: {  	s5 =	simm.s32 $_scs_section_size  }
0x9b: {  	s6 =	simm.s32 $_size__tile_overlayer_lowered;
	s7 =	simm.s32 $_tile_overlayer_lowered  }
0x9c: {  	s22 =	simm.s32 $0x1BFF;
	s21 =	sshll.u32 s7, $0x1;
	s4 =	sadd.s32 s5, s19  }
0x9d: {  	s8 =	simm.s32 $0x0;
	s20 =	sshll.u32 s6, $0x1;
	s6 =	sadd.s32 s21, s4  }
0x9e: {  	[timem:s8], [sflag:s22] =	dma.local [hbm:s6], s20  }
0x9f: {  	_ =	swait.ge [sflag:s22], s20  }
0xa0: {  	s5 =	ssub.s32 $0x0, s20;
	[sflag:s22] =	ssyncset.done $0x0  }
0xa1: {  	[sflag:s22] =	ssyncadd.s32 s5;
	_ =	sdelay $0x1  }
0xa2: {  	s23 =	simm.s32 $0x1B8B  }
0xa3: {  	_ =	swait.ge [sflag:s23], $0x1  }
0xa4: {  	[sflag:s23] =	ssyncset.done $0x0  }
0xa5: {  	s25 =	simm.s32 $0x1B8E;
	s24 =	sld [smem:$0x3FFE];
	[sflag:s23] =	ssyncadd.s32 $0xFFFFFFFF  }
0xa6: {  	s26 =	simm.s32 $execute0_lowered;
	[smem:$0x3FD2] =	sst s25  }
0xa7: {  	s6 =	sshll.u32 s26, $0x1;
	_ =	strace $0x80000046;
	[dreg:$0x1] =	wrdreg $0xFFFFFFFF  }
0xa8: {  	s28 =	simm.s32 $_size_execute0_lowered;
	s4 =	sadd.s32 s4, s6;
	[dreg:$0x0] =	wrdreg $0x0  }
0xa9: {  	s6 =	sshll.u32 s28, $0x1;
	[dreg:$0x2] =	wrdreg s4  }
0xaa: {  	[dreg:$0x3] =	wrdreg s6  }
0xab: {  	[dreg:$0x4] =	wrdreg $0xC0  }
0xac: {  	_ =	task [dreg:s8], $0x5FFFF  }
0xad: {  	[dreg:$0x1] =	wrdreg $0xFFFFFFFF  }
0xae: {  	[dreg:$0x0] =	wrdreg $0x60  }
0xaf: {  	[dreg:$0x2] =	wrdreg s24  }
0xb0: {  	[dreg:$0x3] =	wrdreg s2  }
0xb1: {  	[dreg:$0x4] =	wrdreg s18  }
0xb2: {  	[dreg:$0x5] =	wrdreg $0x9  }
0xb3: {  	_ =	task.clear_ibuf [dreg:s8], $0x6FFFF;
	_ =	strace $0x90000046  }
0xb4: {  	s29 =	simm.s32 $0x9;
	_ =	strace $0x80000048  }
0xb5: {  	_ =	swait.ge [sflag:s29], $0x1  }
0xb6: {  	[sflag:s29] =	ssyncadd.s32 $0xFFFFFFFF  }
0xb7: {  	_ =	strace $0x90000048  }
0xb8: {  	_ =	sfence  }
0xb9: {  	s30 =	sld [smem:$0x0];
	_ =	sdelay $0x2  }
0xba: {  	s31 =	sshll.u32 s1, $0xD;
	s1 =	sshrl.u32 s1, $0x2  }
0xbb: {  	s3 =	sand.u32 $0x4000, s31;
	s1 =	sadd.s32 s1, s30  }
0xbc: {  	s0 =	sor.u32 s3, s0;
	s1 =	sshll.u32 s1, $0x11  }
0xbd: {  	s0 =	sor.u32 s1, s0  }
0xbe: {  	s0 =	sadd.s32 $0x8F2B, s0  }
0xbf: {  	[sflag:s0] =	ssyncadd.remote.s32 $0x1  }
0xc0: {  	_ =	sfence.sel $0xFFFF  }
0xc1: {  	[dreg:$0x0] =	wrdreg $0xFFFFFFFF;
	(pc) =	sbr.abs _section_cstart, $3  }
0xc2: {  	[dreg:$0x1] =	wrdreg $0xFFFFFFFF  }
0xc3: {  	_ =	task.clear_ibuf [dreg:s8], $0x2FFFF;
	_ =	strace $0x9FFFFFFF  }
0xc4: {  	(tm) =	ssettm $0x7FFFFFFF  }
0xc5: {  	_ =	shalt  }
tec
execute0_lowered:
.L_overlay_start_1:
0x0: {  	(tag) =	ssettag $0x1  }
0x1: {  	s4 =	rddreg [dreg:$0x0]  }
0x2: {  	s2 =	rddreg [dreg:$0x1];
	s3 =	srdreg.scid;
	v0 =	vlaneseq.u32  }
0x3: {  	s5 =	rddreg [dreg:$0x2];
	s6 =	sand.u32 $0x1, s3;
	s3 =	simm.s32 $0x0;
	v4 =	vmul.u32 $0x3E8, v0  }
0x4: {  	[smem:$0x7FF] =	sst s3  }
0x5: {  	s0 =	rddreg [dreg:$0x3];
	_ =	strace $0x80000047;
	v5 =	vor.u32 $0x1, v4;
	[tilespmem:$0x1FF30] =	vst v4  }
0x6: {  	v6 =	vadd.s32 $0x3E80, v4;
	[tilespmem:$0x1FF40] =	vst v5  }
0x7: {  	v7 =	vadd.s32 $0x3E81, v4;
	[tilespmem:$0x1FF50] =	vst v6  }
0x8: {  	v8 =	vadd.s32 $0x7D00, v4;
	[tilespmem:$0x1FF60] =	vst v7  }
0x9: {  	s1 =	stileid.u32;
	v9 =	vadd.s32 $0x7D01, v4;
	[tilespmem:$0x1FF70] =	vst v8  }
0xa: {  	s9 =	simm.s32 $0x68;
	s10 =	simm.s32 $0xC000;
	s11 =	simm.s32 $0x4000;
	v10 =	vadd.s32 $0xBB80, v4;
	[tilespmem:$0x1FF80] =	vst v9  }
0xb: {  	s12 =	simm.s32 $0xF400;
	s13 =	simm.s32 $0x12800;
	s14 =	simm.s32 $0x15C00;
	v11 =	vadd.s32 $0xBB81, v4;
	[tilespmem:$0x1FF90] =	vst v10  }
0xc: {  	s15 =	simm.s32 $0x1;
	s16 =	simm.s32 $0x2;
	s17 =	simm.s32 $0x3;
	v12 =	vadd.s32 $0xFA00, v4;
	[tilespmem:$0x1FFA0] =	vst v11  }
0xd: {  	s18 =	simm.s32 $0x4;
	s19 =	simm.s32 $0x19000;
	s20 =	simm.s32 $0x0;
	v23 =	vadd.s32 $0xFA01, v4;
	[tilespmem:$0x1FFB0] =	vst v12  }
0xe: {  	s7 =	sshll.u32 s1, $0xC;
	s8 =	sshll.u32 s6, $0xB;
	s6 =	ssub.s32 $0x2, s6;
	v24 =	vadd.s32 $0x13880, v4;
	[tilespmem:$0x1FFC0] =	vst v23  }
0xf: {  	s7 =	sor.u32 s8, s7;
	s31 =	sshrl.u32 s6, $0x1;
	s8 =	simm.s32 $0x5;
	v25 =	vadd.s32 $0x13881, v4;
	[tilespmem:$0x1FFD0] =	vst v24  }
0x10: {  	v26 =	vadd.s32 $0x17700, v4;
	s4 =	sadd.s32 s7, s4;
	s6 =	ssub.s32 s6, s31;
	s5 =	sadd.s32 s5, s7;
	[tilespmem:$0x1FFE0] =	vst v25  }
0x11: {  	vm0 =	vmmov $0xf;
	s7 =	simm.s32 $0x8000;
	[tilespmem:$0x1FFF0] =	vst v26;
	s4 =	sadd.s32 $0x400, s4;
	s6 =	smax.u32 s6, $0x1  }
.LBB2_1:
0x12: {  	[tilespmem:s7], [sflag:$0x5] =	stream.linear.gather [hbm4b:s4+s3], $0x4000, $0x38;
	[tilespmem:$0x1D000] =	vst v63  }
0x13: {  	_ =	swait.ge [sflag:s8], $0x4000  }
0x14: {  	[sflag:s8] =	ssyncset.done $0x0  }
0x15: {  	s21 =	simm.s32 $0x0;
	[sflag:s8] =	ssyncadd.s32 $0xFFFFC000  }
0x16: {  	v0 =	vld [tilespmem:s21+$0x8010]  }
0x17: {  	v1 =	vld [tilespmem:s21+$0x8050]  }
0x18: {  	v3 =	vld [tilespmem:s21+$0x8060]  }
0x19: {  	v15 =	vld [tilespmem:s21+$0x8030]  }
0x1a: {  	v2 =	vld [tilespmem:s21+$0x8020];
	_ =	sdelay $0x1  }
0x1b: {  	v0 =	vadd.f32 $5.000000000e+02, v0  }
0x1c: {  	v1 =	vadd.f32 $5.000000000e+02, v1  }
0x1d: {  	v3 =	vadd.f32 $5.000000000e+02, v3;
	v21 =	vadd.f32 $5.000000000e+02, v15;
	v0 =	vmax.f32 v0, $0.0e+00  }
0x1e: {  	v13 =	vmin.f32 v0, $9.989998770e+02;
	v0 =	vmax.f32 v1, $0.0e+00;
	v1 =	vadd.f32 $5.000000000e+02, v2  }
0x1f: {  	v16 =	vmax.f32 v3, $0.0e+00;
	v14 =	vmin.f32 v0, $9.989998770e+02;
	v0 =	vtrunc.f32 v13  }
0x20: {  	v2 =	vtrunc.f32 v14;
	v17 =	vcvt.f32.s32 v0;
	v1 =	vmax.f32 v1, $0.0e+00  }
0x21: {  	v0 =	vcvt.f32.s32 v2;
	v2 =	vmin.f32 v1, $9.989998770e+02;
	v1 =	vmin.f32 v16, $9.989998770e+02  }
0x22: {  	v3 =	vld [tilespmem:s21+$0x8040];
	v18 =	vcvt.s32.f32 v17;
	v19 =	vadd.s32 v7, v17;
	v16 =	vtrunc.f32 v2  }
0x23: {  	v17 =	vadd.s32 v6, v17;
	v20 =	vcvt.s32.f32 v0;
	[tilespmem:s21+$0x4010] =	vst v19;
	v19 =	vadd.s32 v24, v0  }
0x24: {  	v15 =	vcvt.f32.s32 v16;
	v18 =	vsub.f32 v13, v18;
	v13 =	vld [tilespmem:s21+$0x8000];
	[tilespmem:s21+$0x50] =	vst v19;
	v19 =	vtrunc.f32 v1  }
0x25: {  	[tilespmem:s21+$0x10] =	vst v17;
	v16 =	vsub.f32 v14, v20;
	v14 =	vcvt.f32.s32 v19  }
0x26: {  	s22 =	simm.s32 $0x200;
	v17 =	vadd.s32 v9, v15;
	v19 =	vmax.f32 v21, $0.0e+00;
	[tilespmem:s21+$0x8010] =	vst v18;
	v18 =	vcvt.s32.f32 v15  }
.LBB2_2:
0x27: {  	s23 =	sshra.s32 s22, $0x2;
	p0 =	sne.s32 s22, $0xFE00;
	s22 =	sadd.s32 $0x200, s22;
	v15 =	vadd.s32 v8, v15;
	v3 =	vadd.f32 $5.000000000e+02, v3;
	[tilespmem:s21+$0x8050] =	vst v16;
	v16 =	vcvt.s32.f32 v14  }
0x28: {  	v14 =	vadd.s32 v26, v14;
	v20 =	vld [tilespmem:s23+$0x8010];
	v2 =	vsub.f32 v2, v18;
	[tilespmem:s21+$0x20] =	vst v15;
	v15 =	vmin.f32 v19, $9.989998770e+02  }
0x29: {  	v13 =	vadd.f32 $5.000000000e+02, v13;
	[tilespmem:s21+$0x4020] =	vst v17;
	v17 =	vtrunc.f32 v15;
	v1 =	vsub.f32 v1, v16  }
0x2a: {  	v0 =	vadd.s32 v25, v0;
	v16 =	vld [tilespmem:s23+$0x8050];
	[tilespmem:s21+$0x8020] =	vst v2;
	v2 =	vmax.f32 v3, $0.0e+00;
	v3 =	vnsel vm0, $0x0, v14  }
0x2b: {  	v14 =	vcvt.f32.s32 v17;
	v13 =	vmax.f32 v13, $0.0e+00;
	v2 =	vmin.f32 v2, $9.989998770e+02;
	[tilespmem:s21+$0x60] =	vst v3  }
0x2c: {  	v13 =	vmin.f32 v13, $9.989998770e+02;
	v17 =	vtrunc.f32 v2;
	[tilespmem:s21+$0x4050] =	vst v0;
	v0 =	vadd.s32 $0x1, v3  }
0x2d: {  	v19 =	vcvt.s32.f32 v14;
	v3 =	vadd.f32 $5.000000000e+02, v20;
	v18 =	vtrunc.f32 v13;
	[tilespmem:s21+$0x4060] =	vst v0  }
0x2e: {  	v20 =	vadd.s32 v10, v14;
	v17 =	vcvt.f32.s32 v17;
	v0 =	vld [tilespmem:s23+$0x8020];
	v18 =	vcvt.f32.s32 v18;
	[tilespmem:s21+$0x8060] =	vst v1  }
0x2f: {  	v15 =	vsub.f32 v15, v19;
	v1 =	vmax.f32 v3, $0.0e+00;
	v3 =	vadd.f32 $5.000000000e+02, v16;
	v16 =	vld [tilespmem:s23+$0x8060];
	[tilespmem:s21+$0x30] =	vst v20  }
0x30: {  	v19 =	vmin.f32 v1, $9.989998770e+02;
	v1 =	vcvt.s32.f32 v18;
	v20 =	vadd.s32 v4, v18  }
0x31: {  	v18 =	vadd.s32 v5, v18;
	v3 =	vmax.f32 v3, $0.0e+00;
	[tilespmem:s21+$0x8030] =	vst v15;
	v15 =	vcvt.s32.f32 v17  }
0x32: {  	v21 =	vld [tilespmem:s23+$0x8030];
	v22 =	vmin.f32 v3, $9.989998770e+02;
	v13 =	vsub.f32 v13, v1;
	[tilespmem:s21+$0x0] =	vst v20;
	v1 =	vadd.s32 v11, v14  }
0x33: {  	v14 =	vadd.s32 v12, v17;
	v3 =	vtrunc.f32 v22;
	[tilespmem:s21+$0x4000] =	vst v18;
	v2 =	vsub.f32 v2, v15  }
0x34: {  	v15 =	vtrunc.f32 v19;
	v0 =	vadd.f32 $5.000000000e+02, v0;
	v16 =	vadd.f32 $5.000000000e+02, v16;
	[tilespmem:s21+$0x4030] =	vst v1  }
0x35: {  	v18 =	vcvt.f32.s32 v15;
	v1 =	vadd.s32 v23, v17;
	[tilespmem:s21+$0x8040] =	vst v2  }
0x36: {  	v2 =	vmax.f32 v0, $0.0e+00;
	v0 =	vcvt.f32.s32 v3;
	v15 =	vmax.f32 v16, $0.0e+00;
	[tilespmem:s21+$0x4040] =	vst v1  }
0x37: {  	v16 =	vcvt.s32.f32 v18;
	v2 =	vmin.f32 v2, $9.989998770e+02;
	v20 =	vadd.f32 $5.000000000e+02, v21;
	v3 =	vld [tilespmem:s23+$0x8040];
	[tilespmem:s21+$0x40] =	vst v14  }
.Ltmp0:
0x38: {  	v14 =	vadd.s32 v7, v18;
	v17 =	vcvt.s32.f32 v0;
	v1 =	vmin.f32 v15, $9.989998770e+02;
	[tilespmem:s21+$0x8000] =	vst v13;
	s21 =	smov.u32 s23;
	(pc) =	sbr.rel @p0 .LBB2_2-.Ltmp0, $4  }
0x39: {  	v21 =	vadd.s32 v24, v0;
	v19 =	vsub.f32 v19, v16;
	[tilespmem:s21+$0x4010] =	vst v14;
	v14 =	vtrunc.f32 v2  }
0x3a: {  	v16 =	vsub.f32 v22, v17;
	v13 =	vld [tilespmem:s21+$0x8000];
	v15 =	vcvt.f32.s32 v14;
	[tilespmem:s21+$0x50] =	vst v21;
	v14 =	vtrunc.f32 v1  }
0x3b: {  	v17 =	vadd.s32 v6, v18;
	[tilespmem:s21+$0x8010] =	vst v19;
	v14 =	vcvt.f32.s32 v14  }
0x3c: {  	v19 =	vmax.f32 v20, $0.0e+00;
	[tilespmem:s21+$0x10] =	vst v17;
	v18 =	vcvt.s32.f32 v15;
	v17 =	vadd.s32 v9, v15  }
0x3d: {  	[tilespmem:s21+$0x8050] =	vst v16  }
0x3e: {  	v15 =	vadd.s32 v8, v15;
	v3 =	vadd.f32 $5.000000000e+02, v3;
	v45 =	vcvt.s32.f32 v14;
	[tilespmem:s21+$0x4020] =	vst v17  }
0x3f: {  	v46 =	vmin.f32 v19, $9.989998770e+02;
	v47 =	vadd.s32 v26, v14;
	v0 =	vadd.s32 v25, v0;
	[tilespmem:s21+$0x20] =	vst v15  }
0x40: {  	v2 =	vsub.f32 v2, v18;
	v48 =	vtrunc.f32 v46;
	v49 =	vnsel vm0, $0x0, v47;
	[tilespmem:s21+$0x4050] =	vst v0  }
0x41: {  	v13 =	vadd.f32 $5.000000000e+02, v13;
	v50 =	vcvt.f32.s32 v48;
	[tilespmem:s21+$0x60] =	vst v49  }
0x42: {  	v1 =	vsub.f32 v1, v45;
	v3 =	vmax.f32 v3, $0.0e+00;
	v51 =	vadd.s32 $0x1, v49;
	[tilespmem:s21+$0x8020] =	vst v2  }
0x43: {  	v3 =	vmin.f32 v3, $9.989998770e+02;
	[tilespmem:s21+$0x4060] =	vst v51;
	v13 =	vmax.f32 v13, $0.0e+00;
	v53 =	vcvt.s32.f32 v50  }
0x44: {  	v54 =	vtrunc.f32 v3;
	v56 =	vadd.s32 v10, v50;
	[tilespmem:s21+$0x8060] =	vst v1;
	v61 =	vadd.s32 v11, v50  }
0x45: {  	v13 =	vmin.f32 v13, $9.989998770e+02;
	v17 =	vcvt.f32.s32 v54;
	[tilespmem:s21+$0x30] =	vst v56;
	v57 =	vsub.f32 v46, v53  }
0x46: {  	[tilespmem:s21+$0x4030] =	vst v61;
	v52 =	vtrunc.f32 v13  }
0x47: {  	v55 =	vcvt.f32.s32 v52;
	v62 =	vadd.s32 v23, v17;
	[tilespmem:s21+$0x8030] =	vst v57  }
0x48: {  	v59 =	vcvt.s32.f32 v17;
	v63 =	vadd.s32 v12, v17;
	[tilespmem:s21+$0x4040] =	vst v62  }
0x49: {  	[tilespmem:s21+$0x40] =	vst v63;
	v58 =	vadd.s32 v4, v55;
	v0 =	vcvt.s32.f32 v55  }
0x4a: {  	v60 =	vadd.s32 v5, v55;
	v1 =	vsub.f32 v3, v59;
	[tilespmem:s21+$0x0] =	vst v58  }
0x4b: {  	[tilespmem:s21+$0x4000] =	vst v60;
	v0 =	vsub.f32 v13, v0  }
0x4c: {  	[tilespmem:s21+$0x8040] =	vst v1  }
0x4d: {  	[tilespmem:s21+$0x8000] =	vst v0;
	s21 =	simm.s32 $0x0  }
0x4e: {  	[tilespmem:s10], [sflag:$0x1] =	stream.indirect.gather [hbm4b:s2+s9], $0x80, s21, s9, $0xb8;
	[tilespmem:$0x1D000] =	vst v63  }
0x4f: {  	_ = 	snop  }
0x50: {  	[tilespmem:s12], [sflag:$0x2] =	stream.indirect.gather [hbm4b:s2+s9], $0x80, s11, s9, $0xb8;
	[tilespmem:$0x1D000] =	vst v63  }
.LBB2_4:
0x51: {  	s22 =	sshll.u32 s21, $0x8  }
0x52: {  	s23 =	sor.u32 $0x80, s22  }
0x53: {  	[tilespmem:s13], [sflag:$0x3] =	stream.indirect.gather [hbm4b:s2+s9], $0x80, s23, s9, $0xb8;
	[tilespmem:$0x1D000] =	vst v63  }
0x54: {  	s24 =	sadd.s32 $0x4080, s22  }
0x55: {  	[tilespmem:s14], [sflag:$0x4] =	stream.indirect.gather [hbm4b:s2+s9], $0x80, s24, s9, $0xb8;
	[tilespmem:$0x1D000] =	vst v63  }
0x56: {  	_ =	swait.ge [sflag:s15], $0x3400  }
0x57: {  	[sflag:s15] =	ssyncset.done $0x0  }
0x58: {  	s31 =	sand.u32 $0x3FFFFF00, s22;
	[sflag:s15] =	ssyncadd.s32 $0xFFFFCC00  }
0x59: {  	v60 =	vimm.f32 $0.0e+00;
	v16 =	vimm.f32 $0.0e+00;
	v17 =	vimm.f32 $0.0e+00;
	s24 =	sadd.s32 $0x8000, s31;
	_ =	swait.ge [sflag:s16], $0x3400  }
0x5a: {  	v21 =	vimm.f32 $0.0e+00;
	v22 =	vimm.f32 $0.0e+00;
	v0 =	vmov s24;
	[sflag:s16] =	ssyncset.done $0x0  }
0x5b: {  	v28 =	vimm.f32 $0.0e+00;
	v19 =	vimm.f32 $0.0e+00;
	v24 =	vimm.f32 $0.0e+00;
	s24 =	simm.s32 $0x0;
	[tilespmem:$0x1FF20] =	vst v0;
	[sflag:s16] =	ssyncadd.s32 $0xFFFFCC00  }
.LBB2_5:
0x5c: {  	v0 =	vld [tilespmem:$0x1FF20];
	s31 =	sshll.u32 s24, $0xB  }
0x5d: {  	v1 =	vld [tilespmem:s31+$0xC000]  }
0x5e: {  	v18 =	vld [tilespmem:s31+$0xF400]  }
0x5f: {  	v25 =	vld [tilespmem:s31+$0xC010]  }
0x60: {  	v29 =	vld [tilespmem:s31+$0xF410]  }
0x61: {  	v30 =	vld [tilespmem:s31+$0xC020]  }
0x62: {  	v32 =	vld [tilespmem:s31+$0xF420]  }
0x63: {  	v37 =	vld [tilespmem:s31+$0xC030]  }
0x64: {  	v39 =	vld [tilespmem:s31+$0xF430]  }
0x65: {  	v40 =	vld [tilespmem:s31+$0xC040]  }
0x66: {  	v41 =	vld [tilespmem:s31+$0xF440]  }
0x67: {  	v46 =	vld [tilespmem:s31+$0xC050]  }
0x68: {  	v44 =	vld [tilespmem:s31+$0xF450]  }
0x69: {  	v51 =	vld [tilespmem:s31+$0xC060]  }
0x6a: {  	v48 =	vld [tilespmem:s31+$0xF460]  }
0x6b: {  	v53 =	vld [tilespmem:s31+$0xC070]  }
0x6c: {  	v54 =	vld [tilespmem:s31+$0xF470]  }
0x6d: {  	v55 =	vld [tilespmem:s31+$0xC080]  }
0x6e: {  	v56 =	vld [tilespmem:s31+$0xF480]  }
0x6f: {  	v58 =	vld [tilespmem:s31+$0xC090]  }
0x70: {  	v61 =	vld [tilespmem:s31+$0xF490]  }
0x71: {  	v63 =	vld [tilespmem:s31+$0xC0A0]  }
0x72: {  	v4 =	vld [tilespmem:s31+$0xF4A0]  }
0x73: {  	v5 =	vld [tilespmem:s31+$0xC0B0]  }
0x74: {  	v6 =	vld [tilespmem:s31+$0xF4B0]  }
0x75: {  	v7 =	vld [tilespmem:s31+$0xC0C0]  }
0x76: {  	v8 =	vld [tilespmem:s31+$0xF4C0]  }
0x77: {  	v9 =	vld [tilespmem:s31+$0xC0D0]  }
0x78: {  	v10 =	vld [tilespmem:s31+$0xF4D0]  }
0x79: {  	v11 =	vld [tilespmem:s31+$0xC0E0]  }
0x7a: {  	v12 =	vld [tilespmem:s31+$0xF4E0]  }
0x7b: {  	v13 =	vld [tilespmem:s31+$0xC0F0]  }
0x7c: {  	v3 =	vld [tilespmem:s31+$0xF4F0]  }
0x7d: {  	v15 =	vld [tilespmem:s31+$0xC100]  }
0x7e: {  	v34 =	vld [tilespmem:s31+$0xF500]  }
0x7f: {  	v43 =	vld [tilespmem:s31+$0xF510]  }
0x80: {  	v31 =	vld [tilespmem:s31+$0xC120]  }
0x81: {  	v47 =	vld [tilespmem:s31+$0xF520]  }
0x82: {  	v2 =	vld [tilespmem:s31+$0xC130]  }
0x83: {  	v45 =	vld [tilespmem:s31+$0xF530]  }
0x84: {  	v42 =	vld [tilespmem:s31+$0xC140]  }
0x85: {  	v50 =	vld [tilespmem:s31+$0xF540]  }
0x86: {  	v52 =	vld [tilespmem:s31+$0xC150]  }
0x87: {  	v62 =	vld [tilespmem:s31+$0xF550]  }
0x88: {  	v20 =	vld [tilespmem:s31+$0xF570]  }
0x89: {  	v49 =	vld [tilespmem:s31+$0xC160]  }
0x8a: {  	v57 =	vld [tilespmem:s31+$0xF560]  }
0x8b: {  	v33 =	vld [tilespmem:s31+$0xC170]  }
0x8c: {  	v35 =	vld [tilespmem:s31+$0xC180]  }
0x8d: {  	s25 =	sshll.u32 s24, $0x4;
	[tilespmem:$0x1FE90] =	vst v20;
	v20 =	vld [tilespmem:s31+$0xF580]  }
0x8e: {  	s25 =	sand.u32 $0x3FFFFFF0, s25;
	v23 =	vld [tilespmem:s31+$0xF5C0]  }
0x8f: {  	v14 =	vld.idx.msk [tilespmem:v0+s25+$0x0 ss:$0x1], $0xffff  }
0x90: {  	v36 =	vld [tilespmem:s31+$0xC190]  }
0x91: {  	v27 =	vld [tilespmem:s31+$0xC1A0]  }
0x92: {  	[tilespmem:$0x1FEA0] =	vst v20;
	v20 =	vld [tilespmem:s31+$0xF590]  }
0x93: {  	v26 =	vld [tilespmem:s31+$0xC1B0]  }
0x94: {  	v18 =	vsub.f32 v18, v1;
	[tilespmem:$0x1FEE0] =	vst v23;
	v23 =	vld [tilespmem:s31+$0xC1D0];
	v38 =	vbroadcast v14, $0x0  }
0x95: {  	v29 =	vsub.f32 v29, v25;
	v59 =	vsub.f32 v39, v37;
	v39 =	vld [tilespmem:s31+$0xF5F0]  }
0x96: {  	v32 =	vsub.f32 v32, v30;
	v0 =	vld [tilespmem:s31+$0xC110];
	v18 =	vmul.f32 v18, v38  }
0x97: {  	v29 =	vmul.f32 v29, v38;
	[tilespmem:$0x1FEB0] =	vst v20;
	v20 =	vld [tilespmem:s31+$0xF5A0]  }
0x98: {  	v32 =	vmul.f32 v32, v38;
	v1 =	vadd.f32 v18, v1;
	v18 =	vld [tilespmem:s31+$0xF5D0]  }
0x99: {  	v41 =	vsub.f32 v41, v40;
	v29 =	vadd.f32 v29, v25;
	v25 =	vld [tilespmem:s31+$0xC200]  }
0x9a: {  	v30 =	vadd.f32 v32, v30;
	v32 =	vmul.f32 v59, v38;
	v59 =	vsub.f32 v44, v46;
	v44 =	vld [tilespmem:s31+$0xF600]  }
0x9b: {  	v41 =	vmul.f32 v41, v38;
	v1 =	vadd.f32 v1, v24;
	v24 =	vld [tilespmem:s31+$0xF5E0]  }
0x9c: {  	v19 =	vadd.f32 v29, v19;
	v29 =	vadd.f32 v32, v37;
	v32 =	vmul.f32 v59, v38;
	v59 =	vld [tilespmem:s31+$0xC210]  }
0x9d: {  	v54 =	vsub.f32 v54, v53;
	v37 =	vsub.f32 v48, v51;
	v48 =	vld [tilespmem:s31+$0xF610]  }
0x9e: {  	v28 =	vadd.f32 v30, v28;
	v30 =	vadd.f32 v41, v40;
	[tilespmem:$0x1FEC0] =	vst v20;
	v20 =	vld [tilespmem:s31+$0xF5B0]  }
0x9f: {  	v54 =	vmul.f32 v54, v38;
	v41 =	vadd.f32 v29, v22;
	v29 =	vadd.f32 v32, v46;
	v22 =	vld [tilespmem:s31+$0xC220]  }
0xa0: {  	v30 =	vadd.f32 v30, v21;
	[tilespmem:$0x1FEF0] =	vst v18;
	v18 =	vld [tilespmem:s31+$0xC1E0]  }
0xa1: {  	v21 =	vmul.f32 v37, v38;
	v32 =	vadd.f32 v54, v53;
	v37 =	vadd.f32 v29, v17;
	v29 =	vld [tilespmem:s31+$0xC230]  }
0xa2: {  	v17 =	vsub.f32 v56, v55;
	v56 =	vld [tilespmem:s31+$0xF630]  }
0xa3: {  	v21 =	vadd.f32 v21, v51;
	v53 =	vadd.f32 v32, v60;
	v60 =	vld [tilespmem:s31+$0xF640]  }
0xa4: {  	v51 =	vsub.f32 v61, v58;
	v61 =	vsub.f32 v6, v5;
	v6 =	vld [tilespmem:s31+$0xF650]  }
0xa5: {  	v38 =	vbroadcast v14, $0x1;
	v32 =	vld [tilespmem:s31+$0xC260]  }
0xa6: {  	v4 =	vsub.f32 v4, v63;
	[tilespmem:$0x1FF00] =	vst v24;
	v24 =	vld [tilespmem:s31+$0xC1F0]  }
0xa7: {  	[tilespmem:$0x1FF10] =	vst v48;
	v48 =	vld [tilespmem:s31+$0xF620];
	v40 =	vmul.f32 v17, v38  }
0xa8: {  	v8 =	vsub.f32 v8, v7;
	v4 =	vmul.f32 v4, v38;
	v17 =	vld [tilespmem:s31+$0xC240]  }
0xa9: {  	v46 =	vadd.f32 v21, v16;
	v16 =	vld [tilespmem:s31+$0xC250];
	v21 =	vadd.f32 v40, v55;
	v55 =	vmul.f32 v51, v38  }
0xaa: {  	v8 =	vmul.f32 v8, v38;
	[tilespmem:$0x1FED0] =	vst v20;
	v20 =	vld [tilespmem:s31+$0xC1C0]  }
0xab: {  	v4 =	vadd.f32 v4, v63;
	v51 =	vadd.f32 v55, v58;
	v55 =	vmul.f32 v61, v38;
	v61 =	vld [tilespmem:s31+$0xF660]  }
0xac: {  	v40 =	vsub.f32 v12, v11;
	v54 =	vadd.f32 v21, v1;
	v21 =	vld [tilespmem:s31+$0xC270]  }
0xad: {  	v58 =	vadd.f32 v8, v7;
	v7 =	vld [tilespmem:s31+$0xF690];
	v1 =	vadd.f32 v55, v5  }
0xae: {  	v63 =	vsub.f32 v10, v9;
	v8 =	vmul.f32 v40, v38;
	v40 =	vld [tilespmem:s31+$0xC2B0];
	v19 =	vadd.f32 v51, v19  }
0xaf: {  	v55 =	vld [tilespmem:s31+$0xF670];
	v10 =	vadd.f32 v1, v41;
	v41 =	vsub.f32 v3, v13  }
0xb0: {  	v51 =	vadd.f32 v4, v28;
	v28 =	vld [tilespmem:s31+$0xC280];
	v3 =	vadd.f32 v58, v30;
	v58 =	vmul.f32 v63, v38  }
0xb1: {  	v34 =	vsub.f32 v34, v15;
	v5 =	vld [tilespmem:s31+$0xF680];
	v1 =	vmul.f32 v41, v38;
	v38 =	vbroadcast v14, $0x2  }
0xb2: {  	v4 =	vld [tilespmem:s31+$0xC290]  }
0xb3: {  	v8 =	vadd.f32 v8, v11;
	v30 =	vld [tilespmem:s31+$0xC2A0];
	v9 =	vadd.f32 v58, v9;
	v63 =	vmul.f32 v34, v38  }
0xb4: {  	v58 =	vld [tilespmem:s31+$0xF6A0];
	v1 =	vadd.f32 v1, v13;
	v34 =	vsub.f32 v43, v0  }
0xb5: {  	v41 =	vld [tilespmem:s31+$0xC2D0];
	v11 =	vadd.f32 v63, v15;
	v15 =	vsub.f32 v47, v31  }
0xb6: {  	v9 =	vadd.f32 v9, v37;
	v37 =	vld [tilespmem:s31+$0xC2C0];
	v13 =	vadd.f32 v1, v53  }
0xb7: {  	v12 =	vmul.f32 v34, v38;
	v1 =	vld [tilespmem:s31+$0xF6B0];
	v53 =	vsub.f32 v50, v42;
	v15 =	vmul.f32 v15, v38  }
0xb8: {  	v47 =	vsub.f32 v45, v2;
	v63 =	vld [tilespmem:s31+$0xF6C0]  }
0xb9: {  	v0 =	vadd.f32 v12, v0;
	v12 =	vmul.f32 v53, v38;
	v53 =	vld [tilespmem:$0x1FEB0];
	v15 =	vadd.f32 v15, v31  }
0xba: {  	v45 =	vsub.f32 v62, v52;
	v62 =	vld [tilespmem:s31+$0xF6E0]  }
0xbb: {  	v8 =	vadd.f32 v8, v46;
	v34 =	vmul.f32 v47, v38;
	v15 =	vadd.f32 v15, v51;
	v51 =	vld [tilespmem:$0x1FE90]  }
0xbc: {  	v47 =	vsub.f32 v57, v49;
	v57 =	vld [tilespmem:s31+$0xF700];
	v19 =	vadd.f32 v0, v19  }
0xbd: {  	v0 =	vld [tilespmem:s31+$0xF6D0];
	v2 =	vadd.f32 v34, v2;
	v12 =	vadd.f32 v12, v42  }
0xbe: {  	v46 =	vmul.f32 v45, v38;
	v50 =	vmul.f32 v47, v38;
	v47 =	vsub.f32 v53, v36;
	v53 =	vld [tilespmem:$0x1FEC0]  }
0xbf: {  	v31 =	vld [tilespmem:s31+$0xC2E0];
	v2 =	vadd.f32 v2, v10;
	v10 =	vadd.f32 v12, v3  }
0xc0: {  	v12 =	vadd.f32 v46, v52;
	v52 =	vld [tilespmem:$0x1FEA0];
	v43 =	vsub.f32 v51, v33  }
0xc1: {  	v45 =	vbroadcast v14, $0x3;
	v42 =	vld [tilespmem:s31+$0xC2F0]  }
0xc2: {  	v11 =	vadd.f32 v11, v54;
	v3 =	vld [tilespmem:s31+$0xF6F0];
	v34 =	vadd.f32 v50, v49;
	v54 =	vmul.f32 v43, v38  }
0xc3: {  	v49 =	vld [tilespmem:s31+$0xC310];
	v9 =	vadd.f32 v12, v9;
	v47 =	vmul.f32 v47, v45;
	v43 =	vsub.f32 v53, v27  }
0xc4: {  	v8 =	vadd.f32 v34, v8;
	v53 =	vld [tilespmem:$0x1FED0];
	v12 =	vadd.f32 v54, v33  }
0xc5: {  	v50 =	vld [tilespmem:s31+$0xF710];
	v46 =	vsub.f32 v52, v35;
	v34 =	vadd.f32 v47, v36;
	v51 =	vmul.f32 v43, v45  }
0xc6: {  	v52 =	vld [tilespmem:s31+$0xC300];
	v12 =	vadd.f32 v12, v13  }
0xc7: {  	v46 =	vmul.f32 v46, v45;
	v13 =	vadd.f32 v34, v19;
	v19 =	vadd.f32 v51, v27;
	v27 =	vld [tilespmem:$0x1FEE0]  }
0xc8: {  	v47 =	vld [tilespmem:s31+$0xF720]  }
0xc9: {  	v36 =	vld [tilespmem:s31+$0xF730];
	v54 =	vadd.f32 v46, v35;
	v38 =	vsub.f32 v53, v26  }
0xca: {  	v35 =	vld [tilespmem:s31+$0xC320]  }
0xcb: {  	v33 =	vld [tilespmem:s31+$0xC330];
	v11 =	vadd.f32 v54, v11;
	v54 =	vmul.f32 v38, v45  }
0xcc: {  	v46 =	vsub.f32 v27, v20;
	v27 =	vld [tilespmem:$0x1FEF0]  }
0xcd: {  	v15 =	vadd.f32 v19, v15;
	v19 =	vadd.f32 v54, v26;
	v26 =	vld [tilespmem:$0x1FF00]  }
0xce: {  	v34 =	vld [tilespmem:s31+$0xF740]  }
0xcf: {  	v38 =	vmul.f32 v46, v45;
	v2 =	vadd.f32 v19, v2;
	v19 =	vsub.f32 v39, v24;
	v39 =	vld [tilespmem:s31+$0xF750]  }
0xd0: {  	v46 =	vld [tilespmem:s31+$0xF760]  }
0xd1: {  	v38 =	vadd.f32 v38, v20;
	v20 =	vld [tilespmem:s31+$0xC360];
	v19 =	vmul.f32 v19, v45;
	v51 =	vsub.f32 v27, v23  }
0xd2: {  	v27 =	vld [tilespmem:s31+$0xC340];
	v53 =	vsub.f32 v26, v18  }
0xd3: {  	v44 =	vsub.f32 v44, v25;
	v26 =	vld [tilespmem:s31+$0xC350];
	v19 =	vadd.f32 v19, v24;
	v43 =	vmul.f32 v51, v45  }
0xd4: {  	v10 =	vadd.f32 v38, v10;
	v38 =	vld [tilespmem:s31+$0xF780];
	v54 =	vmul.f32 v53, v45;
	v45 =	vbroadcast v14, $0x4  }
0xd5: {  	v12 =	vadd.f32 v19, v12;
	v19 =	vld [tilespmem:s31+$0xC3A0]  }
0xd6: {  	v48 =	vsub.f32 v48, v22;
	v24 =	vmul.f32 v44, v45;
	v44 =	vld [tilespmem:s31+$0xF770]  }
0xd7: {  	v23 =	vadd.f32 v43, v23;
	v43 =	vadd.f32 v54, v18;
	v18 =	vld [tilespmem:$0x1FF10]  }
0xd8: {  	v54 =	vld [tilespmem:s31+$0xF830]  }
0xd9: {  	v48 =	vmul.f32 v48, v45;
	v9 =	vadd.f32 v23, v9;
	v23 =	vld [tilespmem:s31+$0xC370]  }
0xda: {  	v53 =	vsub.f32 v56, v29;
	v25 =	vadd.f32 v24, v25;
	v24 =	vld [tilespmem:s31+$0xC390]  }
0xdb: {  	v60 =	vsub.f32 v60, v17;
	v22 =	vadd.f32 v48, v22;
	v48 =	vld [tilespmem:s31+$0xF7B0]  }
0xdc: {  	v11 =	vadd.f32 v25, v11;
	v25 =	vmul.f32 v53, v45;
	v53 =	vld [tilespmem:s31+$0xF7A0];
	v51 =	vsub.f32 v18, v59  }
0xdd: {  	v6 =	vsub.f32 v6, v16;
	v15 =	vadd.f32 v22, v15;
	v22 =	vld [tilespmem:s31+$0xC3C0]  }
0xde: {  	v61 =	vsub.f32 v61, v32;
	v5 =	vsub.f32 v5, v28;
	v18 =	vld [tilespmem:s31+$0xC380];
	v56 =	vmul.f32 v51, v45  }
0xdf: {  	v7 =	vsub.f32 v7, v4;
	v29 =	vadd.f32 v25, v29;
	v25 =	vld [tilespmem:s31+$0xC3B0]  }
0xe0: {  	v8 =	vadd.f32 v43, v8;
	v51 =	vld [tilespmem:s31+$0xF790];
	v43 =	vadd.f32 v56, v59;
	v56 =	vmul.f32 v60, v45  }
0xe1: {  	v59 =	vmul.f32 v6, v45;
	v60 =	vmul.f32 v61, v45;
	v61 =	vsub.f32 v55, v21;
	v55 =	vld [tilespmem:s31+$0xF7C0]  }
0xe2: {  	v13 =	vadd.f32 v43, v13;
	v43 =	vadd.f32 v56, v17;
	v17 =	vld [tilespmem:s31+$0xC3D0]  }
0xe3: {  	v29 =	vadd.f32 v29, v2;
	v2 =	vadd.f32 v59, v16;
	v16 =	vmul.f32 v61, v45;
	v45 =	vld [tilespmem:s31+$0xF7D0]  }
0xe4: {  	v1 =	vsub.f32 v1, v40;
	v63 =	vsub.f32 v63, v37;
	v56 =	vld [tilespmem:s31+$0xF800]  }
0xe5: {  	v6 =	vadd.f32 v60, v32;
	v32 =	vbroadcast v14, $0x5;
	v9 =	vadd.f32 v2, v9;
	v2 =	vld [tilespmem:s31+$0xC3E0]  }
0xe6: {  	v0 =	vsub.f32 v0, v41;
	v10 =	vadd.f32 v43, v10;
	v43 =	vld [tilespmem:s31+$0xF7E0]  }
0xe7: {  	v3 =	vsub.f32 v3, v42;
	v59 =	vadd.f32 v16, v21;
	v5 =	vmul.f32 v5, v32;
	v16 =	vld [tilespmem:s31+$0xC3F0]  }
0xe8: {  	v36 =	vsub.f32 v36, v33;
	v21 =	vsub.f32 v58, v30;
	v61 =	vmul.f32 v1, v32;
	v1 =	vld [tilespmem:s31+$0xC410]  }
0xe9: {  	v7 =	vmul.f32 v7, v32;
	v0 =	vmul.f32 v0, v32;
	v5 =	vadd.f32 v5, v28;
	v28 =	vld [tilespmem:s31+$0xF7F0]  }
0xea: {  	v34 =	vsub.f32 v34, v27;
	v3 =	vmul.f32 v3, v32;
	v60 =	vmul.f32 v21, v32;
	v21 =	vld [tilespmem:s31+$0xC400]  }
0xeb: {  	v6 =	vadd.f32 v6, v8;
	v0 =	vadd.f32 v0, v41;
	v41 =	vld [tilespmem:s31+$0xF840]  }
0xec: {  	v4 =	vadd.f32 v7, v4;
	v3 =	vadd.f32 v3, v42;
	v42 =	vld [tilespmem:s31+$0xC470]  }
0xed: {  	v8 =	vadd.f32 v59, v12;
	v60 =	vadd.f32 v60, v30;
	v30 =	vld [tilespmem:s31+$0xF810]  }
0xee: {  	v5 =	vadd.f32 v5, v11;
	v4 =	vadd.f32 v4, v13;
	v13 =	vld [tilespmem:s31+$0xC420]  }
0xef: {  	v11 =	vadd.f32 v61, v40;
	v61 =	vmul.f32 v63, v32;
	v3 =	vadd.f32 v3, v8;
	v8 =	vld [tilespmem:s31+$0xC460]  }
0xf0: {  	v63 =	vsub.f32 v57, v52;
	v7 =	vadd.f32 v60, v15;
	v15 =	vld [tilespmem:s31+$0xF820]  }
0xf1: {  	v40 =	vbroadcast v14, $0x6;
	v11 =	vadd.f32 v11, v29;
	v12 =	vadd.f32 v61, v37;
	v37 =	vld [tilespmem:s31+$0xC430]  }
0xf2: {  	v29 =	vsub.f32 v62, v31;
	v60 =	vsub.f32 v47, v35;
	v47 =	vld [tilespmem:s31+$0xF850]  }
0xf3: {  	v59 =	vsub.f32 v50, v49;
	v58 =	vmul.f32 v63, v40;
	v63 =	vsub.f32 v39, v26;
	v39 =	vld [tilespmem:s31+$0xF870]  }
0xf4: {  	v0 =	vadd.f32 v0, v9;
	v10 =	vadd.f32 v12, v10;
	v57 =	vmul.f32 v29, v32;
	v29 =	vld [tilespmem:s31+$0xC440]  }
0xf5: {  	v34 =	vmul.f32 v34, v40;
	v9 =	vadd.f32 v58, v52;
	v52 =	vsub.f32 v46, v20;
	v46 =	vld [tilespmem:s31+$0xF880]  }
0xf6: {  	v32 =	vmul.f32 v59, v40;
	v62 =	vmul.f32 v60, v40;
	v60 =	vsub.f32 v51, v24;
	v51 =	vld [tilespmem:s31+$0xF9A0]  }
0xf7: {  	v27 =	vadd.f32 v34, v27;
	v12 =	vadd.f32 v57, v31;
	v31 =	vld [tilespmem:s31+$0xC450]  }
0xf8: {  	v59 =	vsub.f32 v38, v18;
	v61 =	vadd.f32 v32, v49;
	v32 =	vld [tilespmem:s31+$0xF860]  }
0xf9: {  	v5 =	vadd.f32 v9, v5;
	v49 =	vmul.f32 v36, v40;
	v36 =	vld [tilespmem:s31+$0xC480];
	v57 =	vsub.f32 v44, v23  }
0xfa: {  	v10 =	vadd.f32 v27, v10;
	v27 =	vbroadcast v14, $0x7;
	v44 =	vld [tilespmem:s31+$0xF8B0];
	v6 =	vadd.f32 v12, v6  }
0xfb: {  	v50 =	vmul.f32 v63, v40;
	v12 =	vadd.f32 v62, v35;
	v9 =	vadd.f32 v49, v33;
	v33 =	vld [tilespmem:s31+$0xC490]  }
0xfc: {  	v35 =	vld [tilespmem:s31+$0xF890];
	v34 =	vmul.f32 v59, v27  }
0xfd: {  	v49 =	vld [tilespmem:s31+$0xC4C0];
	v7 =	vadd.f32 v12, v7;
	v12 =	vadd.f32 v50, v26;
	v26 =	vmul.f32 v52, v40  }
0xfe: {  	v9 =	vadd.f32 v9, v11;
	v11 =	vld [tilespmem:s31+$0xC4A0]  }
0xff: {  	v18 =	vadd.f32 v34, v18;
	v34 =	vld [tilespmem:s31+$0xC4D0];
	v58 =	vadd.f32 v26, v20;
	v20 =	vmul.f32 v57, v40  }
0x100: {  	v63 =	vsub.f32 v56, v21;
	v56 =	vsub.f32 v32, v8;
	v32 =	vld [tilespmem:s31+$0xC550]  }
0x101: {  	v26 =	vld [tilespmem:s31+$0xF8A0];
	v20 =	vadd.f32 v20, v23;
	v23 =	vsub.f32 v53, v19  }
0x102: {  	v48 =	vsub.f32 v48, v25;
	v38 =	vmul.f32 v60, v27;
	v40 =	vld [tilespmem:s31+$0xC4B0]  }
0x103: {  	v4 =	vadd.f32 v61, v4;
	v3 =	vadd.f32 v20, v3;
	v61 =	vmul.f32 v23, v27;
	v20 =	vld [tilespmem:s31+$0xF8C0]  }
0x104: {  	v0 =	vadd.f32 v12, v0;
	v23 =	vadd.f32 v38, v24;
	v24 =	vmul.f32 v48, v27;
	v38 =	vld [tilespmem:s31+$0xF8D0]  }
0x105: {  	v48 =	vld [tilespmem:s31+$0xF900];
	v12 =	vadd.f32 v61, v19;
	v19 =	vsub.f32 v55, v22  }
0x106: {  	v24 =	vadd.f32 v24, v25;
	v25 =	vsub.f32 v45, v17;
	v45 =	vld [tilespmem:s31+$0xC4E0]  }
0x107: {  	v15 =	vsub.f32 v15, v13;
	v4 =	vadd.f32 v23, v4;
	v23 =	vld [tilespmem:s31+$0xC4F0]  }
0x108: {  	v5 =	vadd.f32 v18, v5;
	v18 =	vmul.f32 v19, v27;
	v19 =	vld [tilespmem:s31+$0xF8E0];
	v62 =	vmul.f32 v25, v27  }
0x109: {  	v7 =	vadd.f32 v12, v7;
	v9 =	vadd.f32 v24, v9;
	v24 =	vld [tilespmem:s31+$0xF8F0]  }
0x10a: {  	v25 =	vld [tilespmem:s31+$0xC500];
	v12 =	vadd.f32 v62, v17;
	v17 =	vsub.f32 v28, v16  }
0x10b: {  	v18 =	vadd.f32 v18, v22;
	v22 =	vsub.f32 v43, v2;
	v62 =	vld [tilespmem:s31+$0xF970]  }
0x10c: {  	v59 =	vsub.f32 v46, v36;
	v28 =	vbroadcast v14, $0x8;
	v52 =	vmul.f32 v17, v27;
	v17 =	vld [tilespmem:s31+$0xC510]  }
0x10d: {  	v6 =	vadd.f32 v58, v6;
	v22 =	vmul.f32 v22, v27;
	v10 =	vadd.f32 v18, v10;
	v27 =	vld [tilespmem:s31+$0xF910]  }
0x10e: {  	v0 =	vadd.f32 v12, v0;
	v18 =	vmul.f32 v63, v28;
	v12 =	vadd.f32 v52, v16;
	v16 =	vld [tilespmem:s31+$0xC520]  }
0x10f: {  	v2 =	vadd.f32 v22, v2;
	v22 =	vsub.f32 v30, v1;
	v30 =	vld [tilespmem:s31+$0xF920]  }
0x110: {  	v26 =	vsub.f32 v26, v11;
	v18 =	vadd.f32 v18, v21;
	v52 =	vld [tilespmem:s31+$0xC5B0]  }
0x111: {  	v20 =	vsub.f32 v20, v49;
	v3 =	vadd.f32 v12, v3;
	v12 =	vld [tilespmem:s31+$0xC530]  }
0x112: {  	v43 =	vsub.f32 v44, v40;
	v53 =	vmul.f32 v15, v28;
	v5 =	vadd.f32 v18, v5;
	v18 =	vld [tilespmem:s31+$0xF930]  }
0x113: {  	v21 =	vmul.f32 v22, v28;
	v22 =	vsub.f32 v54, v37;
	v54 =	vsub.f32 v41, v29;
	v41 =	vld [tilespmem:s31+$0xF960]  }
0x114: {  	v2 =	vadd.f32 v2, v6;
	v6 =	vadd.f32 v53, v13;
	v13 =	vmul.f32 v56, v28;
	v53 =	vld [tilespmem:s31+$0xF9B0]  }
0x115: {  	v1 =	vadd.f32 v21, v1;
	v15 =	vmul.f32 v22, v28;
	v21 =	vld [tilespmem:s31+$0xC540];
	v22 =	vsub.f32 v47, v31  }
0x116: {  	v19 =	vsub.f32 v19, v45;
	v55 =	vmul.f32 v54, v28;
	v8 =	vadd.f32 v13, v8;
	v47 =	vld [tilespmem:s31+$0xC5A0]  }
0x117: {  	v15 =	vadd.f32 v15, v37;
	v37 =	vld [tilespmem:s31+$0xF940];
	v1 =	vadd.f32 v1, v4;
	v58 =	vmul.f32 v22, v28  }
0x118: {  	v4 =	vadd.f32 v55, v29;
	v22 =	vsub.f32 v39, v42;
	v29 =	vld [tilespmem:s31+$0xC560]  }
0x119: {  	v55 =	vld [tilespmem:s31+$0xC5C0];
	v57 =	vadd.f32 v15, v9;
	v9 =	vadd.f32 v58, v31  }
0x11a: {  	v15 =	vld [tilespmem:s31+$0xF950];
	v31 =	vbroadcast v14, $0x9;
	v60 =	vmul.f32 v22, v28;
	v22 =	vsub.f32 v35, v33  }
0x11b: {  	v24 =	vsub.f32 v24, v23;
	v6 =	vadd.f32 v6, v7;
	v28 =	vld [tilespmem:s31+$0xC570]  }
0x11c: {  	v30 =	vsub.f32 v30, v16;
	v2 =	vadd.f32 v8, v2;
	v39 =	vmul.f32 v22, v31;
	v22 =	vld [tilespmem:s31+$0xC580]  }
0x11d: {  	v61 =	vmul.f32 v59, v31;
	v63 =	vadd.f32 v60, v42;
	v42 =	vld [tilespmem:s31+$0xF980];
	v44 =	vmul.f32 v26, v31  }
0x11e: {  	v0 =	vadd.f32 v9, v0;
	v26 =	vld [tilespmem:s31+$0xF990];
	v54 =	vmul.f32 v19, v31;
	v19 =	vmul.f32 v24, v31  }
0x11f: {  	v50 =	vmul.f32 v20, v31;
	v20 =	vsub.f32 v38, v34;
	v9 =	vadd.f32 v61, v36;
	v36 =	vld [tilespmem:s31+$0xC590]  }
0x120: {  	v19 =	vadd.f32 v19, v23;
	v23 =	vsub.f32 v27, v17;
	v27 =	vld [tilespmem:s31+$0xF9D0]  }
0x121: {  	v18 =	vsub.f32 v18, v12;
	v4 =	vadd.f32 v4, v10;
	v46 =	vmul.f32 v43, v31;
	v61 =	vld [tilespmem:s31+$0xFA00]  }
0x122: {  	v13 =	vadd.f32 v39, v33;
	v3 =	vadd.f32 v63, v3;
	v20 =	vmul.f32 v20, v31;
	v63 =	vld [tilespmem:s31+$0xFA20]  }
0x123: {  	v24 =	vbroadcast v14, $0xA;
	v8 =	vadd.f32 v44, v11;
	v31 =	vsub.f32 v48, v25;
	v48 =	vld [tilespmem:s31+$0xFA70]  }
0x124: {  	v11 =	vadd.f32 v50, v49;
	v56 =	vadd.f32 v20, v34;
	v20 =	vld [tilespmem:s31+$0xF9C0]  }
0x125: {  	v15 =	vsub.f32 v15, v32;
	v10 =	vsub.f32 v62, v28;
	v58 =	vmul.f32 v31, v24;
	v31 =	vld [tilespmem:s31+$0xC5E0]  }
0x126: {  	v18 =	vmul.f32 v18, v24;
	v5 =	vadd.f32 v9, v5;
	v3 =	vadd.f32 v19, v3;
	v19 =	vld [tilespmem:s31+$0xF9E0]  }
0x127: {  	v1 =	vadd.f32 v13, v1;
	v59 =	vmul.f32 v23, v24;
	v23 =	vmul.f32 v30, v24;
	v30 =	vld [tilespmem:s31+$0xF9F0]  }
0x128: {  	v9 =	vadd.f32 v46, v40;
	v12 =	vadd.f32 v18, v12;
	v18 =	vld [tilespmem:s31+$0xFA10]  }
0x129: {  	v6 =	vadd.f32 v8, v6;
	v4 =	vadd.f32 v11, v4;
	v46 =	vld [tilespmem:s31+$0xC670]  }
0x12a: {  	v8 =	vadd.f32 v54, v45;
	v34 =	vld [tilespmem:s31+$0xFB00];
	v35 =	vsub.f32 v42, v22  }
0x12b: {  	v7 =	vadd.f32 v9, v57;
	v57 =	vld [tilespmem:s31+$0xC5D0];
	v0 =	vadd.f32 v56, v0  }
0x12c: {  	v15 =	vmul.f32 v15, v24;
	v2 =	vadd.f32 v8, v2;
	v11 =	vadd.f32 v58, v25;
	v25 =	vld [tilespmem:s31+$0xC5F0]  }
0x12d: {  	v8 =	vadd.f32 v59, v17;
	v16 =	vadd.f32 v23, v16;
	v23 =	vld [tilespmem:s31+$0xC600]  }
0x12e: {  	v17 =	vsub.f32 v37, v21;
	v58 =	vld [tilespmem:s31+$0xFAC0];
	v15 =	vadd.f32 v15, v32  }
0x12f: {  	v62 =	vbroadcast v14, $0xB;
	v37 =	vld [tilespmem:s31+$0xC730];
	v5 =	vadd.f32 v11, v5;
	v1 =	vadd.f32 v8, v1  }
0x130: {  	v32 =	vld [tilespmem:s31+$0xC6F0];
	v60 =	vmul.f32 v17, v24;
	v6 =	vadd.f32 v16, v6;
	v17 =	vsub.f32 v41, v29  }
0x131: {  	v40 =	vmul.f32 v10, v24;
	v16 =	vld [tilespmem:s31+$0xC610];
	v7 =	vadd.f32 v12, v7;
	v0 =	vadd.f32 v15, v0  }
0x132: {  	v41 =	vld [tilespmem:s31+$0xC630];
	v15 =	vmul.f32 v35, v62;
	v20 =	vsub.f32 v20, v55;
	v19 =	vsub.f32 v19, v31  }
0x133: {  	v8 =	vadd.f32 v60, v21;
	v21 =	vld [tilespmem:s31+$0xC620];
	v17 =	vmul.f32 v17, v24;
	v24 =	vsub.f32 v26, v36  }
0x134: {  	v26 =	vld [tilespmem:s31+$0xC640];
	v15 =	vadd.f32 v15, v22;
	v22 =	vsub.f32 v51, v47  }
0x135: {  	v45 =	vsub.f32 v27, v57;
	v27 =	vld [tilespmem:s31+$0xFA60];
	v20 =	vmul.f32 v20, v62;
	v11 =	vsub.f32 v61, v23  }
0x136: {  	v49 =	vmul.f32 v19, v62;
	v19 =	vld [tilespmem:s31+$0xC680];
	v4 =	vadd.f32 v8, v4;
	v42 =	vadd.f32 v17, v29  }
0x137: {  	v17 =	vld [tilespmem:s31+$0xFA30];
	v8 =	vadd.f32 v40, v28;
	v43 =	vmul.f32 v24, v62;
	v24 =	vsub.f32 v53, v52  }
0x138: {  	v28 =	vld [tilespmem:s31+$0xFA40];
	v5 =	vadd.f32 v15, v5;
	v9 =	vadd.f32 v20, v55  }
0x139: {  	v29 =	vld [tilespmem:s31+$0xC650];
	v44 =	vmul.f32 v22, v62;
	v20 =	vsub.f32 v30, v25;
	v13 =	vadd.f32 v49, v31  }
0x13a: {  	v40 =	vld [tilespmem:s31+$0xFB40];
	v30 =	vbroadcast v14, $0xC;
	v18 =	vsub.f32 v18, v16;
	v2 =	vadd.f32 v42, v2  }
0x13b: {  	v15 =	vld [tilespmem:s31+$0xFA50];
	v3 =	vadd.f32 v8, v3;
	v12 =	vadd.f32 v43, v36;
	v22 =	vmul.f32 v24, v62  }
0x13c: {  	v31 =	vld [tilespmem:s31+$0xC690];
	v8 =	vadd.f32 v44, v47;
	v47 =	vmul.f32 v45, v62;
	v4 =	vadd.f32 v9, v4  }
0x13d: {  	v49 =	vld [tilespmem:s31+$0xFBB0];
	v53 =	vmul.f32 v18, v30;
	v18 =	vsub.f32 v63, v21;
	v22 =	vadd.f32 v22, v52  }
0x13e: {  	v24 =	vld [tilespmem:s31+$0xC660];
	v50 =	vmul.f32 v20, v62;
	v1 =	vadd.f32 v12, v1;
	v2 =	vadd.f32 v13, v2  }
0x13f: {  	v43 =	vld [tilespmem:s31+$0xFB70];
	v12 =	vsub.f32 v48, v46;
	v6 =	vadd.f32 v8, v6  }
0x140: {  	v20 =	vld [tilespmem:s31+$0xFA90];
	v8 =	vadd.f32 v47, v57;
	v9 =	vadd.f32 v50, v25  }
0x141: {  	v51 =	vmul.f32 v11, v30;
	v45 =	vld [tilespmem:s31+$0xFB80];
	v17 =	vsub.f32 v17, v41;
	v54 =	vadd.f32 v53, v16  }
0x142: {  	v52 =	vld [tilespmem:s31+$0xC6A0];
	v55 =	vmul.f32 v18, v30;
	v7 =	vadd.f32 v22, v7;
	v15 =	vsub.f32 v15, v29  }
0x143: {  	v25 =	vld [tilespmem:s31+$0xFAA0];
	v12 =	vmul.f32 v12, v30;
	v0 =	vadd.f32 v8, v0;
	v8 =	vadd.f32 v51, v23  }
0x144: {  	v16 =	vld [tilespmem:s31+$0xFAB0];
	v3 =	vadd.f32 v9, v3;
	v56 =	vmul.f32 v17, v30;
	v17 =	vsub.f32 v28, v26  }
0x145: {  	v18 =	vld [tilespmem:s31+$0xC6C0];
	v1 =	vadd.f32 v54, v1;
	v57 =	vadd.f32 v55, v21  }
0x146: {  	v50 =	vld [tilespmem:s31+$0xFBC0];
	v21 =	vsub.f32 v27, v24;
	v12 =	vadd.f32 v12, v46  }
0x147: {  	v22 =	vld [tilespmem:s31+$0xFA80];
	v61 =	vmul.f32 v15, v30;
	v20 =	vsub.f32 v20, v31;
	v5 =	vadd.f32 v8, v5  }
0x148: {  	v23 =	vld [tilespmem:s31+$0xC6B0];
	v8 =	vadd.f32 v56, v41;
	v59 =	vmul.f32 v17, v30;
	v6 =	vadd.f32 v57, v6  }
0x149: {  	v28 =	vld [tilespmem:s31+$0xC700];
	v62 =	vmul.f32 v21, v30;
	v63 =	vadd.f32 v61, v29;
	v3 =	vadd.f32 v12, v3  }
0x14a: {  	v15 =	vld [tilespmem:s31+$0xC6E0];
	v13 =	vsub.f32 v58, v18;
	v60 =	vadd.f32 v59, v26  }
0x14b: {  	v21 =	vld [tilespmem:s31+$0xFAE0];
	v7 =	vadd.f32 v8, v7;
	v8 =	vadd.f32 v62, v24  }
0x14c: {  	v27 =	vld [tilespmem:s31+$0xFAD0];
	v26 =	vbroadcast v14, $0xD;
	v22 =	vsub.f32 v22, v19;
	v0 =	vadd.f32 v63, v0  }
0x14d: {  	v24 =	vld [tilespmem:s31+$0xFAF0];
	v16 =	vsub.f32 v16, v23;
	v4 =	vadd.f32 v60, v4  }
0x14e: {  	v46 =	vld [tilespmem:s31+$0xC7A0];
	v2 =	vadd.f32 v8, v2;
	v35 =	vmul.f32 v22, v26;
	v36 =	vmul.f32 v20, v26  }
0x14f: {  	v17 =	vld [tilespmem:s31+$0xC6D0];
	v22 =	vsub.f32 v25, v52;
	v13 =	vmul.f32 v13, v26;
	v8 =	vsub.f32 v34, v28  }
0x150: {  	v20 =	vld [tilespmem:s31+$0xC710];
	v16 =	vmul.f32 v16, v26;
	v21 =	vsub.f32 v21, v15;
	v9 =	vadd.f32 v35, v19  }
0x151: {  	v25 =	vld [tilespmem:s31+$0xFB10];
	v12 =	vadd.f32 v36, v31;
	v39 =	vadd.f32 v13, v18  }
0x152: {  	v29 =	vld [tilespmem:s31+$0xFB20];
	v22 =	vmul.f32 v22, v26;
	v38 =	vadd.f32 v16, v23;
	v42 =	vsub.f32 v24, v32  }
0x153: {  	v19 =	vld [tilespmem:s31+$0xC720];
	v5 =	vadd.f32 v9, v5;
	v1 =	vadd.f32 v12, v1  }
0x154: {  	v16 =	vld [tilespmem:s31+$0xFB30];
	v18 =	vmul.f32 v21, v26;
	v11 =	vadd.f32 v22, v52;
	v22 =	vsub.f32 v27, v17  }
0x155: {  	v23 =	vld [tilespmem:s31+$0xC740];
	v4 =	vadd.f32 v39, v4;
	v7 =	vadd.f32 v38, v7  }
0x156: {  	v27 =	vld [tilespmem:s31+$0xC770];
	v15 =	vadd.f32 v18, v15;
	v18 =	vbroadcast v14, $0xE;
	v25 =	vsub.f32 v25, v20  }
0x157: {  	v21 =	vld [tilespmem:s31+$0xC750];
	v6 =	vadd.f32 v11, v6;
	v41 =	vmul.f32 v22, v26;
	v11 =	vmul.f32 v42, v26  }
0x158: {  	v24 =	vld [tilespmem:s31+$0xFB60];
	v26 =	vsub.f32 v29, v19;
	v2 =	vadd.f32 v15, v2  }
0x159: {  	v22 =	vld [tilespmem:s31+$0xFB50];
	v8 =	vmul.f32 v8, v18;
	v12 =	vadd.f32 v41, v17;
	v10 =	vadd.f32 v11, v32  }
0x15a: {  	v52 =	vld [tilespmem:s31+$0xC7E0];
	v44 =	vmul.f32 v25, v18;
	v16 =	vsub.f32 v16, v37;
	v13 =	vsub.f32 v40, v23  }
0x15b: {  	v17 =	vld [tilespmem:s31+$0xC760];
	v15 =	vmul.f32 v26, v18;
	v8 =	vadd.f32 v8, v28;
	v11 =	vsub.f32 v43, v27  }
0x15c: {  	v25 =	vld [tilespmem:s31+$0xC780];
	v0 =	vadd.f32 v12, v0;
	v3 =	vadd.f32 v10, v3  }
0x15d: {  	v12 =	vadd.f32 v44, v20;
	v20 =	vld [tilespmem:s31+$0xFB90];
	v47 =	vmul.f32 v16, v18;
	v15 =	vadd.f32 v15, v19  }
0x15e: {  	v13 =	vmul.f32 v13, v18;
	v19 =	vld [tilespmem:s31+$0xC790];
	v5 =	vadd.f32 v8, v5;
	v16 =	vsub.f32 v22, v21  }
0x15f: {  	v26 =	vld [tilespmem:s31+$0xC7B0];
	v11 =	vmul.f32 v11, v18;
	v1 =	vadd.f32 v12, v1;
	v9 =	vadd.f32 v47, v37  }
0x160: {  	v48 =	vadd.f32 v13, v23;
	v23 =	vld [tilespmem:s31+$0xC7C0];
	v22 =	vsub.f32 v24, v17;
	v16 =	vmul.f32 v16, v18  }
0x161: {  	v14 =	vbroadcast v14, $0xF;
	v10 =	vsub.f32 v45, v25;
	v6 =	vadd.f32 v15, v6;
	v15 =	vld [tilespmem:s31+$0xFBA0]  }
0x162: {  	v11 =	vadd.f32 v11, v27;
	v22 =	vmul.f32 v22, v18;
	v51 =	vadd.f32 v16, v21;
	v21 =	vld [tilespmem:s31+$0xC7F0]  }
0x163: {  	v7 =	vadd.f32 v9, v7;
	v10 =	vmul.f32 v10, v14;
	v18 =	vsub.f32 v20, v19;
	v20 =	vld [tilespmem:s31+$0xFBD0]  }
0x164: {  	v4 =	vadd.f32 v48, v4;
	v16 =	vadd.f32 v22, v17;
	v17 =	vld [tilespmem:s31+$0xC7D0]  }
0x165: {  	v13 =	vsub.f32 v49, v26;
	v10 =	vadd.f32 v10, v25;
	v22 =	vld [tilespmem:s31+$0xFBF0]  }
0x166: {  	v15 =	vsub.f32 v15, v46;
	v2 =	vadd.f32 v16, v2;
	v16 =	vmul.f32 v18, v14;
	v18 =	vld [tilespmem:s31+$0xFBE0]  }
0x167: {  	v3 =	vadd.f32 v11, v3;
	v13 =	vmul.f32 v13, v14;
	v0 =	vadd.f32 v51, v0  }
0x168: {  	v56 =	vsub.f32 v50, v23;
	v24 =	vadd.f32 v10, v5;
	v53 =	vmul.f32 v15, v14  }
0x169: {  	v55 =	vadd.f32 v13, v26;
	v16 =	vadd.f32 v16, v19  }
0x16a: {  	v54 =	vadd.f32 v53, v46;
	v57 =	vsub.f32 v20, v17  }
0x16b: {  	v60 =	vmul.f32 v56, v14;
	v59 =	vsub.f32 v22, v21;
	v58 =	vsub.f32 v18, v52  }
0x16c: {  	p0 =	sne.s32 s24, $0x5;
	v22 =	vadd.f32 v55, v7;
	v19 =	vadd.f32 v16, v1;
	v61 =	vmul.f32 v57, v14  }
.Ltmp1:
0x16d: {  	v1 =	vadd.f32 v60, v23;
	v63 =	vmul.f32 v59, v14;
	v62 =	vmul.f32 v58, v14;
	(pc) =	sbr.rel @p0 .LBB2_5-.Ltmp1, $4  }
0x16e: {  	v28 =	vadd.f32 v54, v6;
	v6 =	vadd.f32 v61, v17  }
0x16f: {  	v7 =	vadd.f32 v63, v21;
	v5 =	vadd.f32 v62, v52  }
0x170: {  	v21 =	vadd.f32 v1, v4;
	v17 =	vadd.f32 v6, v0  }
0x171: {  	s24 =	sadd.s32 $0x1, s24;
	v60 =	vadd.f32 v7, v3;
	v16 =	vadd.f32 v5, v2  }
0x172: {  	v13 =	vld [tilespmem:s22+$0x8060]  }
0x173: {  	v0 =	vld [tilespmem:$0xF000]  }
0x174: {  	v1 =	vld [tilespmem:$0x12400]  }
0x175: {  	v2 =	vld [tilespmem:$0xF010]  }
0x176: {  	v3 =	vld [tilespmem:$0x12410]  }
0x177: {  	v4 =	vld [tilespmem:$0xF020]  }
0x178: {  	v5 =	vld [tilespmem:$0x12420]  }
0x179: {  	v6 =	vld [tilespmem:$0xF030]  }
0x17a: {  	v7 =	vld [tilespmem:$0x12430]  }
0x17b: {  	v8 =	vld [tilespmem:$0xF040]  }
0x17c: {  	v9 =	vld [tilespmem:$0x12440]  }
0x17d: {  	v10 =	vld [tilespmem:$0xF050]  }
0x17e: {  	v11 =	vld [tilespmem:$0x12450]  }
0x17f: {  	v12 =	vld [tilespmem:$0xF060]  }
0x180: {  	v14 =	vld [tilespmem:$0x12460]  }
0x181: {  	v15 =	vld [tilespmem:$0xF070]  }
0x182: {  	v18 =	vld [tilespmem:$0x12470]  }
0x183: {  	v20 =	vld [tilespmem:$0xF080]  }
0x184: {  	v23 =	vld [tilespmem:$0x12480]  }
0x185: {  	v25 =	vld [tilespmem:$0xF090]  }
0x186: {  	v26 =	vld [tilespmem:$0x12490]  }
0x187: {  	v29 =	vld [tilespmem:$0xF0A0]  }
0x188: {  	v30 =	vld [tilespmem:$0x124A0]  }
0x189: {  	v31 =	vld [tilespmem:$0xF0B0]  }
0x18a: {  	v51 =	vld [tilespmem:$0xF0D0]  }
0x18b: {  	v54 =	vld [tilespmem:$0x124D0];
	v1 =	vsub.f32 v1, v0;
	v3 =	vsub.f32 v3, v2  }
0x18c: {  	v32 =	vld [tilespmem:$0x124B0];
	v27 =	vbroadcast v13, $0x0;
	v5 =	vsub.f32 v5, v4;
	v7 =	vsub.f32 v7, v6  }
0x18d: {  	v49 =	vld [tilespmem:$0xF0C0];
	v9 =	vsub.f32 v9, v8;
	v57 =	vsub.f32 v11, v10  }
0x18e: {  	v33 =	vld [tilespmem:$0x124C0];
	v58 =	vsub.f32 v14, v12;
	v18 =	vsub.f32 v18, v15;
	v1 =	vmul.f32 v1, v27  }
0x18f: {  	v56 =	vld [tilespmem:$0x124E0];
	v23 =	vsub.f32 v23, v20;
	v47 =	vmul.f32 v3, v27;
	v48 =	vmul.f32 v5, v27  }
0x190: {  	v59 =	vld [tilespmem:$0xF0F0];
	v52 =	vmul.f32 v7, v27;
	v53 =	vmul.f32 v9, v27;
	v9 =	vsub.f32 v54, v51  }
0x191: {  	v62 =	vld [tilespmem:$0xF110];
	v11 =	vmul.f32 v58, v27;
	v0 =	vadd.f32 v1, v0;
	v1 =	vadd.f32 v47, v2  }
0x192: {  	v38 =	vld [tilespmem:$0xF190];
	v18 =	vmul.f32 v18, v27;
	v50 =	vadd.f32 v48, v4;
	v4 =	vadd.f32 v52, v6  }
0x193: {  	v40 =	vld [tilespmem:$0xF1A0];
	v55 =	vadd.f32 v53, v8;
	v61 =	vadd.f32 v11, v12  }
0x194: {  	v43 =	vld [tilespmem:$0x125A0];
	v63 =	vadd.f32 v18, v15;
	v18 =	vsub.f32 v26, v25  }
0x195: {  	v8 =	vmul.f32 v57, v27;
	v27 =	vld [tilespmem:$0x12500];
	v26 =	vsub.f32 v32, v31;
	v0 =	vadd.f32 v0, v24  }
0x196: {  	v1 =	vadd.f32 v1, v19;
	v2 =	vadd.f32 v50, v28;
	v19 =	vld [tilespmem:$0xF0E0];
	v24 =	vbroadcast v13, $0x1  }
0x197: {  	v4 =	vadd.f32 v4, v22;
	v22 =	vld [tilespmem:$0x124F0];
	v8 =	vadd.f32 v8, v10  }
0x198: {  	v6 =	vadd.f32 v55, v21;
	v21 =	vld [tilespmem:$0xF100];
	v10 =	vadd.f32 v61, v16;
	v15 =	vmul.f32 v23, v24  }
0x199: {  	v16 =	vld [tilespmem:$0xF120];
	v12 =	vadd.f32 v63, v60;
	v8 =	vadd.f32 v8, v17;
	v17 =	vmul.f32 v18, v24  }
0x19a: {  	v28 =	vld [tilespmem:$0xF130];
	v9 =	vmul.f32 v9, v24;
	v15 =	vadd.f32 v15, v20;
	v20 =	vsub.f32 v30, v29  }
0x19b: {  	v18 =	vld [tilespmem:$0x12520];
	v17 =	vadd.f32 v17, v25;
	v25 =	vsub.f32 v33, v49  }
0x19c: {  	v23 =	vld [tilespmem:$0x12510];
	v3 =	vadd.f32 v9, v51;
	v7 =	vsub.f32 v56, v19  }
0x19d: {  	v30 =	vld [tilespmem:$0x12530];
	v34 =	vsub.f32 v22, v59;
	v22 =	vsub.f32 v27, v21  }
0x19e: {  	v33 =	vld [tilespmem:$0x12560];
	v0 =	vadd.f32 v15, v0;
	v15 =	vmul.f32 v20, v24;
	v20 =	vmul.f32 v26, v24  }
0x19f: {  	v27 =	vld [tilespmem:$0xF170];
	v1 =	vadd.f32 v17, v1;
	v17 =	vmul.f32 v25, v24;
	v3 =	vadd.f32 v3, v8  }
0x1a0: {  	v26 =	vld [tilespmem:$0xF140];
	v35 =	vmul.f32 v34, v24;
	v18 =	vsub.f32 v18, v16;
	v15 =	vadd.f32 v15, v29  }
0x1a1: {  	v20 =	vadd.f32 v20, v31;
	v29 =	vld [tilespmem:$0xF150];
	v5 =	vadd.f32 v17, v49  }
0x1a2: {  	v32 =	vmul.f32 v7, v24;
	v17 =	vld [tilespmem:$0x12550];
	v8 =	vadd.f32 v35, v59;
	v2 =	vadd.f32 v15, v2  }
0x1a3: {  	v25 =	vld [tilespmem:$0x12540];
	v4 =	vadd.f32 v20, v4;
	v5 =	vadd.f32 v5, v6  }
0x1a4: {  	v15 =	vld [tilespmem:$0xF160];
	v20 =	vbroadcast v13, $0x2;
	v6 =	vadd.f32 v32, v19;
	v19 =	vsub.f32 v23, v62  }
0x1a5: {  	v23 =	vld [tilespmem:$0x12570];
	v13 =	vbroadcast v13, $0x3;
	v8 =	vadd.f32 v8, v12;
	v12 =	vsub.f32 v43, v40  }
0x1a6: {  	v44 =	vld [tilespmem:$0x125C0];
	v36 =	vmul.f32 v22, v20;
	v6 =	vadd.f32 v6, v10;
	v37 =	vmul.f32 v19, v20  }
0x1a7: {  	v24 =	vld [tilespmem:$0x125B0];
	v39 =	vmul.f32 v18, v20;
	v18 =	vsub.f32 v30, v28;
	v17 =	vsub.f32 v17, v29  }
0x1a8: {  	v22 =	vld [tilespmem:$0xF180];
	v50 =	vmul.f32 v12, v13;
	v9 =	vadd.f32 v36, v21;
	v10 =	vadd.f32 v37, v62  }
0x1a9: {  	v19 =	vld [tilespmem:$0x12580];
	v41 =	vadd.f32 v39, v16;
	v42 =	vmul.f32 v18, v20;
	v16 =	vsub.f32 v25, v26  }
0x1aa: {  	v21 =	vld [tilespmem:$0x12590];
	v7 =	vsub.f32 v33, v15;
	v17 =	vmul.f32 v17, v20;
	v23 =	vsub.f32 v23, v27  }
0x1ab: {  	v18 =	vld [tilespmem:$0xF1B0];
	v0 =	vadd.f32 v9, v0;
	v1 =	vadd.f32 v10, v1;
	v16 =	vmul.f32 v16, v20  }
0x1ac: {  	v25 =	vld [tilespmem:$0xF1C0];
	v11 =	vadd.f32 v42, v28;
	v2 =	vadd.f32 v41, v2;
	v7 =	vmul.f32 v7, v20  }
0x1ad: {  	v45 =	vadd.f32 v16, v26;
	v16 =	vadd.f32 v17, v29;
	v17 =	vmul.f32 v23, v20;
	v20 =	vld [tilespmem:$0xF1D0]  }
0x1ae: {  	v9 =	vadd.f32 v50, v40;
	v4 =	vadd.f32 v11, v4;
	v23 =	vld [tilespmem:$0xF1E0]  }
0x1af: {  	v7 =	vadd.f32 v7, v15;
	v15 =	vsub.f32 v19, v22;
	v19 =	vld [tilespmem:$0x125D0]  }
0x1b0: {  	v17 =	vadd.f32 v17, v27;
	v3 =	vadd.f32 v16, v3;
	v16 =	vld [tilespmem:$0xF1F0]  }
0x1b1: {  	v2 =	vadd.f32 v9, v2;
	v21 =	vsub.f32 v21, v38;
	v46 =	vmul.f32 v15, v13;
	v15 =	vld [tilespmem:$0x125E0]  }
0x1b2: {  	v10 =	vsub.f32 v44, v25;
	v47 =	vadd.f32 v17, v8;
	v17 =	vld [tilespmem:$0x125F0]  }
0x1b3: {  	v49 =	vsub.f32 v24, v18;
	v5 =	vadd.f32 v45, v5;
	v48 =	vmul.f32 v21, v13  }
0x1b4: {  	v6 =	vadd.f32 v7, v6;
	v10 =	vmul.f32 v10, v13;
	v11 =	vadd.f32 v46, v22  }
0x1b5: {  	v8 =	vadd.f32 v48, v38;
	v52 =	vsub.f32 v19, v20  }
0x1b6: {  	v51 =	vmul.f32 v49, v13;
	v55 =	vadd.f32 v10, v25;
	v53 =	vsub.f32 v15, v23  }
0x1b7: {  	v0 =	vadd.f32 v11, v0;
	v12 =	vmul.f32 v52, v13;
	v54 =	vsub.f32 v17, v16  }
0x1b8: {  	[tilespmem:s22+$0x19020] =	vst v2;
	v1 =	vadd.f32 v8, v1;
	v8 =	vadd.f32 v51, v18;
	v56 =	vmul.f32 v53, v13  }
0x1b9: {  	v59 =	vadd.f32 v55, v5;
	[tilespmem:s22+$0x19000] =	vst v0;
	v57 =	vadd.f32 v12, v20;
	v58 =	vmul.f32 v54, v13  }
0x1ba: {  	v4 =	vadd.f32 v8, v4;
	[tilespmem:s22+$0x19010] =	vst v1;
	v0 =	vadd.f32 v56, v23  }
0x1bb: {  	[tilespmem:s22+$0x19040] =	vst v59;
	v60 =	vadd.f32 v57, v3;
	v61 =	vadd.f32 v58, v16  }
0x1bc: {  	[tilespmem:s22+$0x19030] =	vst v4;
	v0 =	vadd.f32 v0, v6  }
0x1bd: {  	[tilespmem:s22+$0x19050] =	vst v60;
	v62 =	vadd.f32 v61, v47  }
0x1be: {  	p0 =	seq.s32 s21, $0x3F;
	[tilespmem:s22+$0x19060] =	vst v0  }
0x1bf: {  	s24 =	sadd.s32 @!p0 $0x100, s22;
	s25 =	simm.s32 @!p0 $0x68;
	s26 =	simm.s32 @!p0 $0xC000;
	[tilespmem:s22+$0x19070] =	vst v62  }
0x1c0: {  	[tilespmem:s26], [sflag:$0x1] =	stream.indirect.gather @!p0 [hbm4b:s2+s25], $0x80, s24, s25, $0xb8;
	[tilespmem:$0x1D000] =	vst v63  }
0x1c1: {  	s24 =	sadd.s32 @!p0 $0x4100, s22;
	s26 =	simm.s32 @!p0 $0xF400  }
0x1c2: {  	[tilespmem:s26], [sflag:$0x2] =	stream.indirect.gather @!p0 [hbm4b:s2+s25], $0x80, s24, s25, $0xb8;
	[tilespmem:$0x1D000] =	vst v63  }
0x1c3: {  	_ =	swait.ge [sflag:s17], $0x3400  }
0x1c4: {  	[sflag:s17] =	ssyncset.done $0x0  }
0x1c5: {  	s31 =	sadd.s32 $0x8000, s23;
	[sflag:s17] =	ssyncadd.s32 $0xFFFFCC00  }
0x1c6: {  	v63 =	vmov s31;
	v28 =	vimm.f32 $0.0e+00;
	v24 =	vimm.f32 $0.0e+00;
	_ =	swait.ge [sflag:s18], $0x3400  }
0x1c7: {  	v21 =	vimm.f32 $0.0e+00;
	v22 =	vimm.f32 $0.0e+00;
	v19 =	vimm.f32 $0.0e+00;
	[sflag:s18] =	ssyncset.done $0x0  }
0x1c8: {  	v17 =	vimm.f32 $0.0e+00;
	v16 =	vimm.f32 $0.0e+00;
	v62 =	vimm.f32 $0.0e+00;
	s24 =	simm.s32 $0x0;
	[tilespmem:$0x1FE80] =	vst v63;
	[sflag:s18] =	ssyncadd.s32 $0xFFFFCC00  }
.LBB2_7:
0x1c9: {  	v0 =	vld [tilespmem:$0x1FE80];
	s31 =	sshll.u32 s24, $0xB  }
0x1ca: {  	v2 =	vld [tilespmem:s31+$0x12800]  }
0x1cb: {  	v4 =	vld [tilespmem:s31+$0x15C00]  }
0x1cc: {  	v5 =	vld [tilespmem:s31+$0x12810]  }
0x1cd: {  	v6 =	vld [tilespmem:s31+$0x15C10]  }
0x1ce: {  	v7 =	vld [tilespmem:s31+$0x12820]  }
0x1cf: {  	v8 =	vld [tilespmem:s31+$0x15C20]  }
0x1d0: {  	v9 =	vld [tilespmem:s31+$0x12830]  }
0x1d1: {  	v10 =	vld [tilespmem:s31+$0x15C30]  }
0x1d2: {  	v11 =	vld [tilespmem:s31+$0x12840]  }
0x1d3: {  	v12 =	vld [tilespmem:s31+$0x15C40]  }
0x1d4: {  	v29 =	vld [tilespmem:s31+$0x12850]  }
0x1d5: {  	v25 =	vld [tilespmem:s31+$0x15C50]  }
0x1d6: {  	v30 =	vld [tilespmem:s31+$0x12860]  }
0x1d7: {  	v32 =	vld [tilespmem:s31+$0x15C60]  }
0x1d8: {  	v37 =	vld [tilespmem:s31+$0x12870]  }
0x1d9: {  	v39 =	vld [tilespmem:s31+$0x15C70]  }
0x1da: {  	v40 =	vld [tilespmem:s31+$0x12880]  }
0x1db: {  	v41 =	vld [tilespmem:s31+$0x15C80]  }
0x1dc: {  	v51 =	vld [tilespmem:s31+$0x12890]  }
0x1dd: {  	v46 =	vld [tilespmem:s31+$0x15C90]  }
0x1de: {  	v54 =	vld [tilespmem:s31+$0x128A0]  }
0x1df: {  	v15 =	vld [tilespmem:s31+$0x15D50]  }
0x1e0: {  	v53 =	vld [tilespmem:s31+$0x15CA0]  }
0x1e1: {  	v55 =	vld [tilespmem:s31+$0x128B0]  }
0x1e2: {  	v58 =	vld [tilespmem:s31+$0x15CB0]  }
0x1e3: {  	v63 =	vld [tilespmem:s31+$0x128C0]  }
0x1e4: {  	[tilespmem:$0x1FE10] =	vst v15;
	v15 =	vld [tilespmem:s31+$0x15D60]  }
0x1e5: {  	v61 =	vld [tilespmem:s31+$0x15CC0]  }
0x1e6: {  	v13 =	vld [tilespmem:s31+$0x128D0]  }
0x1e7: {  	v34 =	vld [tilespmem:s31+$0x15CD0]  }
0x1e8: {  	v38 =	vld [tilespmem:s31+$0x128E0]  }
0x1e9: {  	[tilespmem:$0x1FE20] =	vst v15;
	v15 =	vld [tilespmem:s31+$0x15D70]  }
0x1ea: {  	v43 =	vld [tilespmem:s31+$0x15CE0]  }
0x1eb: {  	v44 =	vld [tilespmem:s31+$0x128F0]  }
0x1ec: {  	v45 =	vld [tilespmem:s31+$0x15CF0]  }
0x1ed: {  	v48 =	vld [tilespmem:s31+$0x12900]  }
0x1ee: {  	[tilespmem:$0x1FE30] =	vst v15;
	v15 =	vld [tilespmem:s31+$0x15D80]  }
0x1ef: {  	v56 =	vld [tilespmem:s31+$0x15D00]  }
0x1f0: {  	v3 =	vld [tilespmem:s31+$0x15D10]  }
0x1f1: {  	v1 =	vld [tilespmem:s31+$0x12920]  }
0x1f2: {  	v50 =	vld [tilespmem:s31+$0x15D20]  }
0x1f3: {  	[tilespmem:$0x1FE40] =	vst v15;
	v15 =	vld [tilespmem:s31+$0x15D90]  }
0x1f4: {  	v31 =	vld [tilespmem:s31+$0x12930]  }
0x1f5: {  	s25 =	sshll.u32 s24, $0x4;
	v47 =	vld [tilespmem:s31+$0x15D30]  }
0x1f6: {  	s25 =	sand.u32 $0x3FFFFFF0, s25;
	v42 =	vld [tilespmem:s31+$0x12940]  }
0x1f7: {  	v14 =	vld.idx.msk [tilespmem:v0+s25+$0x0 ss:$0x1], $0xffff  }
0x1f8: {  	[tilespmem:$0x1FE50] =	vst v15;
	v15 =	vld [tilespmem:s31+$0x15DA0]  }
0x1f9: {  	v57 =	vld [tilespmem:s31+$0x15D40]  }
0x1fa: {  	v52 =	vld [tilespmem:s31+$0x12950]  }
0x1fb: {  	v49 =	vld [tilespmem:s31+$0x12960]  }
0x1fc: {  	v33 =	vld [tilespmem:s31+$0x12970]  }
0x1fd: {  	v35 =	vld [tilespmem:s31+$0x12980];
	v18 =	vsub.f32 v4, v2;
	[tilespmem:$0x1FE60] =	vst v15;
	v15 =	vbroadcast v14, $0x0  }
0x1fe: {  	v36 =	vld [tilespmem:s31+$0x12990]  }
0x1ff: {  	v23 =	vld [tilespmem:s31+$0x15DC0];
	v18 =	vmul.f32 v18, v15  }
0x200: {  	v27 =	vld [tilespmem:s31+$0x129A0];
	v6 =	vsub.f32 v6, v5  }
0x201: {  	v26 =	vld [tilespmem:s31+$0x129B0];
	v60 =	vsub.f32 v8, v7;
	v2 =	vadd.f32 v18, v2  }
0x202: {  	v20 =	vld [tilespmem:s31+$0x129C0];
	v10 =	vsub.f32 v10, v9;
	v6 =	vmul.f32 v6, v15  }
0x203: {  	v4 =	vld [tilespmem:s31+$0x15DB0];
	v59 =	vsub.f32 v12, v11;
	v2 =	vadd.f32 v2, v24;
	v24 =	vmul.f32 v60, v15  }
0x204: {  	[tilespmem:$0x1FE70] =	vst v23;
	v23 =	vld [tilespmem:s31+$0x129D0];
	v10 =	vmul.f32 v10, v15;
	v5 =	vadd.f32 v6, v5  }
0x205: {  	v8 =	vld [tilespmem:s31+$0x15DD0];
	v6 =	vadd.f32 v24, v7;
	v24 =	vmul.f32 v59, v15;
	v59 =	vsub.f32 v25, v29  }
0x206: {  	v12 =	vld [tilespmem:s31+$0x129F0];
	v9 =	vadd.f32 v10, v9  }
0x207: {  	v0 =	vld [tilespmem:s31+$0x12910];
	v5 =	vadd.f32 v5, v19;
	v10 =	vadd.f32 v24, v11;
	v11 =	vmul.f32 v59, v15  }
0x208: {  	v18 =	vld [tilespmem:s31+$0x129E0];
	v24 =	vsub.f32 v32, v30;
	v32 =	vsub.f32 v39, v37  }
0x209: {  	v60 =	vld [tilespmem:s31+$0x15DE0];
	v59 =	vadd.f32 v9, v22;
	v11 =	vadd.f32 v11, v29  }
0x20a: {  	v19 =	vld [tilespmem:s31+$0x12A10];
	v9 =	vadd.f32 v10, v21;
	v10 =	vmul.f32 v24, v15;
	v15 =	vmul.f32 v32, v15  }
0x20b: {  	v7 =	vld [tilespmem:s31+$0x15DF0];
	v11 =	vadd.f32 v11, v17;
	v17 =	vsub.f32 v41, v40;
	v41 =	vbroadcast v14, $0x1  }
0x20c: {  	v25 =	vld [tilespmem:s31+$0x12A00];
	v28 =	vadd.f32 v6, v28;
	v32 =	vsub.f32 v46, v51  }
0x20d: {  	v6 =	vld [tilespmem:s31+$0x15E00];
	v21 =	vadd.f32 v10, v30;
	v15 =	vadd.f32 v15, v37;
	v30 =	vmul.f32 v17, v41  }
0x20e: {  	v53 =	vsub.f32 v53, v54;
	v58 =	vsub.f32 v58, v55;
	v39 =	vld [tilespmem:s31+$0x15E10]  }
0x20f: {  	v22 =	vld [tilespmem:s31+$0x12A20];
	v62 =	vadd.f32 v15, v62;
	v15 =	vadd.f32 v30, v40;
	v30 =	vmul.f32 v32, v41  }
0x210: {  	v61 =	vsub.f32 v61, v63;
	v24 =	vld [tilespmem:s31+$0x15E20];
	v21 =	vadd.f32 v21, v16;
	v32 =	vmul.f32 v53, v41  }
0x211: {  	v29 =	vld [tilespmem:s31+$0x12A30];
	v37 =	vmul.f32 v58, v41;
	v40 =	vsub.f32 v56, v48;
	v30 =	vadd.f32 v30, v51  }
0x212: {  	v46 =	vld [tilespmem:s31+$0x15E40];
	v51 =	vadd.f32 v32, v54;
	v54 =	vadd.f32 v15, v2;
	v15 =	vmul.f32 v61, v41  }
0x213: {  	v10 =	vld [tilespmem:s31+$0x15E30];
	v2 =	vadd.f32 v37, v55;
	v58 =	vadd.f32 v30, v5  }
0x214: {  	v17 =	vld [tilespmem:s31+$0x12A40];
	v15 =	vadd.f32 v15, v63;
	v63 =	vsub.f32 v45, v44  }
0x215: {  	v16 =	vld [tilespmem:s31+$0x12A50];
	v30 =	vsub.f32 v34, v13;
	v34 =	vsub.f32 v43, v38  }
0x216: {  	v53 =	vld [tilespmem:s31+$0x15E50];
	v59 =	vadd.f32 v2, v59;
	v2 =	vmul.f32 v63, v41;
	v63 =	vbroadcast v14, $0x2  }
0x217: {  	v56 =	vld [tilespmem:s31+$0x15E90];
	v37 =	vmul.f32 v30, v41  }
0x218: {  	v32 =	vld [tilespmem:s31+$0x12A60];
	v30 =	vmul.f32 v34, v41;
	v34 =	vmul.f32 v40, v63  }
0x219: {  	v61 =	vld [tilespmem:s31+$0x15E60]  }
0x21a: {  	v55 =	vld [tilespmem:s31+$0x15E70];
	v34 =	vadd.f32 v34, v48  }
0x21b: {  	v5 =	vld [tilespmem:s31+$0x12A70]  }
0x21c: {  	v34 =	vadd.f32 v34, v54;
	v54 =	vld [tilespmem:$0x1FE10]  }
0x21d: {  	v3 =	vsub.f32 v3, v0;
	v51 =	vadd.f32 v51, v28;
	v28 =	vld [tilespmem:s31+$0x12A80]  }
0x21e: {  	v43 =	vld [tilespmem:s31+$0x15E80]  }
0x21f: {  	v57 =	vsub.f32 v57, v42;
	v45 =	vadd.f32 v15, v9;
	v15 =	vld [tilespmem:s31+$0x12A90];
	v3 =	vmul.f32 v3, v63  }
0x220: {  	v9 =	vld [tilespmem:s31+$0x15EA0];
	v48 =	vsub.f32 v50, v1;
	v50 =	vsub.f32 v47, v31  }
0x221: {  	v0 =	vadd.f32 v3, v0;
	v3 =	vmul.f32 v57, v63;
	v57 =	vsub.f32 v54, v52;
	v54 =	vld [tilespmem:$0x1FE20]  }
0x222: {  	v41 =	vadd.f32 v30, v38;
	v30 =	vld [tilespmem:s31+$0x12AA0];
	v2 =	vadd.f32 v2, v44;
	v44 =	vmul.f32 v50, v63  }
0x223: {  	v13 =	vadd.f32 v37, v13;
	v40 =	vld [tilespmem:s31+$0x12AB0]  }
0x224: {  	v37 =	vld [tilespmem:s31+$0x12AC0];
	v38 =	vadd.f32 v2, v62;
	v44 =	vadd.f32 v44, v31  }
0x225: {  	v2 =	vld [tilespmem:s31+$0x15EB0];
	v62 =	vmul.f32 v48, v63;
	v48 =	vadd.f32 v0, v58;
	v58 =	vmul.f32 v57, v63  }
0x226: {  	v44 =	vadd.f32 v44, v59;
	v59 =	vld [tilespmem:$0x1FE40];
	v57 =	vsub.f32 v54, v49  }
0x227: {  	v47 =	vadd.f32 v58, v52;
	v58 =	vld [tilespmem:$0x1FE30]  }
0x228: {  	v50 =	vmul.f32 v57, v63;
	v57 =	vld [tilespmem:$0x1FE50]  }
0x229: {  	v13 =	vadd.f32 v13, v11;
	v11 =	vld [tilespmem:s31+$0x15EC0]  }
0x22a: {  	v21 =	vadd.f32 v41, v21;
	v41 =	vld [tilespmem:s31+$0x12AD0];
	v1 =	vadd.f32 v62, v1  }
0x22b: {  	v0 =	vld [tilespmem:s31+$0x15ED0];
	v3 =	vadd.f32 v3, v42  }
0x22c: {  	v42 =	vld [tilespmem:s31+$0x12AF0];
	v1 =	vadd.f32 v1, v51;
	v51 =	vsub.f32 v58, v33  }
0x22d: {  	v31 =	vld [tilespmem:s31+$0x12AE0];
	v54 =	vbroadcast v14, $0x3;
	v58 =	vsub.f32 v59, v35;
	v59 =	vsub.f32 v57, v36  }
0x22e: {  	v62 =	vld [tilespmem:s31+$0x15EE0];
	v13 =	vadd.f32 v47, v13;
	v47 =	vmul.f32 v51, v63  }
0x22f: {  	v4 =	vsub.f32 v4, v26;
	v51 =	vmul.f32 v58, v54;
	v58 =	vmul.f32 v59, v54;
	v59 =	vld [tilespmem:$0x1FE60]  }
0x230: {  	v8 =	vsub.f32 v8, v23;
	v45 =	vadd.f32 v3, v45;
	v3 =	vld [tilespmem:s31+$0x15EF0]  }
0x231: {  	v7 =	vsub.f32 v7, v12;
	v52 =	vld [tilespmem:s31+$0x12B00];
	v4 =	vmul.f32 v4, v54  }
0x232: {  	v8 =	vmul.f32 v8, v54;
	v50 =	vadd.f32 v50, v49;
	v49 =	vld [tilespmem:s31+$0x12B10]  }
0x233: {  	v7 =	vmul.f32 v7, v54;
	v4 =	vadd.f32 v4, v26;
	v26 =	vld [tilespmem:s31+$0x12B50]  }
0x234: {  	v8 =	vadd.f32 v8, v23;
	v23 =	vld [tilespmem:s31+$0x12B70];
	v63 =	vsub.f32 v59, v27  }
0x235: {  	v7 =	vadd.f32 v7, v12;
	v12 =	vld [tilespmem:s31+$0x15F70]  }
0x236: {  	v21 =	vadd.f32 v50, v21;
	v50 =	vld [tilespmem:s31+$0x15F10];
	v63 =	vmul.f32 v63, v54  }
0x237: {  	v4 =	vadd.f32 v4, v44;
	v44 =	vld [tilespmem:s31+$0x15F50]  }
0x238: {  	v63 =	vadd.f32 v63, v27;
	v27 =	vld [tilespmem:$0x1FE70]  }
0x239: {  	v57 =	vld [tilespmem:s31+$0x15F00]  }
0x23a: {  	v51 =	vadd.f32 v51, v35;
	v35 =	vld [tilespmem:s31+$0x12B20];
	v36 =	vadd.f32 v58, v36  }
0x23b: {  	v33 =	vadd.f32 v47, v33;
	v47 =	vld [tilespmem:s31+$0x15F20]  }
0x23c: {  	v51 =	vadd.f32 v51, v34;
	v34 =	vld [tilespmem:s31+$0x15F40];
	v48 =	vadd.f32 v36, v48  }
0x23d: {  	v36 =	vld [tilespmem:s31+$0x15F30];
	v59 =	vadd.f32 v33, v38;
	v58 =	vsub.f32 v27, v20  }
0x23e: {  	v33 =	vld [tilespmem:s31+$0x12B30];
	v1 =	vadd.f32 v63, v1;
	v63 =	vsub.f32 v60, v18  }
0x23f: {  	v60 =	vld [tilespmem:s31+$0x15F60];
	v38 =	vmul.f32 v58, v54  }
0x240: {  	v6 =	vsub.f32 v6, v25;
	v27 =	vld [tilespmem:s31+$0x12B40];
	v58 =	vmul.f32 v63, v54;
	v54 =	vbroadcast v14, $0x4  }
0x241: {  	v24 =	vsub.f32 v24, v22;
	v38 =	vadd.f32 v38, v20;
	v20 =	vld [tilespmem:s31+$0x12B60]  }
0x242: {  	v10 =	vsub.f32 v10, v29;
	v58 =	vadd.f32 v58, v18;
	v6 =	vmul.f32 v6, v54;
	v18 =	vld [tilespmem:s31+$0x12B80]  }
0x243: {  	v39 =	vsub.f32 v39, v19;
	v45 =	vadd.f32 v38, v45;
	v38 =	vld [tilespmem:s31+$0x15F80]  }
0x244: {  	v10 =	vmul.f32 v10, v54;
	v6 =	vadd.f32 v6, v25;
	v25 =	vmul.f32 v24, v54;
	v24 =	vld [tilespmem:s31+$0x12B90]  }
0x245: {  	v8 =	vadd.f32 v8, v13;
	v13 =	vadd.f32 v58, v21;
	v21 =	vmul.f32 v39, v54;
	v39 =	vld [tilespmem:s31+$0x15F90]  }
0x246: {  	v10 =	vadd.f32 v10, v29;
	v29 =	vsub.f32 v46, v17;
	v46 =	vld [tilespmem:s31+$0x15FA0]  }
0x247: {  	v21 =	vadd.f32 v21, v19;
	v19 =	vld [tilespmem:s31+$0x12BA0]  }
0x248: {  	v22 =	vadd.f32 v25, v22;
	v25 =	vld [tilespmem:s31+$0x12BB0]  }
0x249: {  	v7 =	vadd.f32 v7, v59;
	v59 =	vmul.f32 v29, v54;
	v29 =	vld [tilespmem:s31+$0x15FB0]  }
0x24a: {  	v6 =	vadd.f32 v6, v51;
	v51 =	vsub.f32 v53, v16;
	v53 =	vld [tilespmem:s31+$0x15FC0]  }
0x24b: {  	v63 =	vsub.f32 v61, v32;
	v58 =	vadd.f32 v22, v1;
	v22 =	vld [tilespmem:s31+$0x12BC0]  }
0x24c: {  	v43 =	vsub.f32 v43, v28;
	v61 =	vmul.f32 v51, v54;
	v1 =	vadd.f32 v59, v17;
	v17 =	vld [tilespmem:s31+$0x12BD0]  }
0x24d: {  	v4 =	vadd.f32 v10, v4;
	v48 =	vadd.f32 v21, v48;
	v21 =	vmul.f32 v63, v54;
	v51 =	vld [tilespmem:s31+$0x15FD0]  }
0x24e: {  	v63 =	vsub.f32 v55, v5;
	v55 =	vld [tilespmem:s31+$0x16030];
	v10 =	vadd.f32 v61, v16  }
0x24f: {  	v16 =	vadd.f32 v21, v32;
	v32 =	vbroadcast v14, $0x5;
	v45 =	vadd.f32 v1, v45;
	v1 =	vld [tilespmem:s31+$0x12BE0]  }
0x250: {  	v9 =	vsub.f32 v9, v30;
	v2 =	vsub.f32 v2, v40;
	v21 =	vmul.f32 v63, v54;
	v54 =	vld [tilespmem:s31+$0x16000]  }
0x251: {  	v11 =	vsub.f32 v11, v37;
	v0 =	vsub.f32 v0, v41;
	v59 =	vmul.f32 v43, v32;
	v43 =	vld [tilespmem:s31+$0x15FE0]  }
0x252: {  	v8 =	vadd.f32 v10, v8;
	v10 =	vadd.f32 v16, v13;
	v16 =	vld [tilespmem:s31+$0x12BF0]  }
0x253: {  	v3 =	vsub.f32 v3, v42;
	v5 =	vadd.f32 v21, v5;
	v63 =	vmul.f32 v2, v32;
	v2 =	vld [tilespmem:s31+$0x12C10]  }
0x254: {  	v21 =	vsub.f32 v56, v15;
	v56 =	vsub.f32 v47, v35;
	v47 =	vld [tilespmem:s31+$0x16050]  }
0x255: {  	v12 =	vsub.f32 v12, v23;
	v9 =	vmul.f32 v9, v32;
	v13 =	vadd.f32 v59, v28;
	v28 =	vld [tilespmem:s31+$0x15FF0]  }
0x256: {  	v36 =	vsub.f32 v36, v33;
	v3 =	vmul.f32 v3, v32;
	v61 =	vmul.f32 v21, v32;
	v21 =	vld [tilespmem:s31+$0x12C00]  }
0x257: {  	v34 =	vsub.f32 v34, v27;
	v9 =	vadd.f32 v9, v30;
	v30 =	vld [tilespmem:s31+$0x12C20]  }
0x258: {  	v5 =	vadd.f32 v5, v7;
	v3 =	vadd.f32 v3, v42;
	v42 =	vld [tilespmem:s31+$0x16060]  }
0x259: {  	v11 =	vmul.f32 v11, v32;
	v59 =	vsub.f32 v62, v31;
	v7 =	vadd.f32 v61, v15;
	v15 =	vld [tilespmem:s31+$0x16010]  }
0x25a: {  	v6 =	vadd.f32 v13, v6;
	v13 =	vadd.f32 v63, v40;
	v40 =	vld [tilespmem:s31+$0x12C30]  }
0x25b: {  	v0 =	vmul.f32 v0, v32;
	v11 =	vadd.f32 v11, v37;
	v37 =	vmul.f32 v59, v32;
	v32 =	vld [tilespmem:s31+$0x12C40]  }
0x25c: {  	v60 =	vsub.f32 v60, v20;
	v3 =	vadd.f32 v3, v5;
	v5 =	vld [tilespmem:s31+$0x12C60]  }
0x25d: {  	v0 =	vadd.f32 v0, v41;
	v41 =	vbroadcast v14, $0x6;
	v11 =	vadd.f32 v11, v45;
	v45 =	vld [tilespmem:s31+$0x12C70]  }
0x25e: {  	v9 =	vadd.f32 v9, v58;
	v58 =	vsub.f32 v44, v26;
	v44 =	vld [tilespmem:s31+$0x16070]  }
0x25f: {  	v29 =	vsub.f32 v29, v25;
	v61 =	vsub.f32 v57, v52;
	v59 =	vmul.f32 v36, v41;
	v36 =	vld [tilespmem:s31+$0x12C80]  }
0x260: {  	v0 =	vadd.f32 v0, v8;
	v4 =	vadd.f32 v13, v4;
	v13 =	vld [tilespmem:s31+$0x16020]  }
0x261: {  	v34 =	vmul.f32 v34, v41;
	v12 =	vmul.f32 v12, v41;
	v7 =	vadd.f32 v7, v48;
	v48 =	vld [tilespmem:s31+$0x16040]  }
0x262: {  	v63 =	vsub.f32 v50, v49;
	v62 =	vmul.f32 v61, v41;
	v31 =	vadd.f32 v37, v31;
	v37 =	vld [tilespmem:s31+$0x12C50]  }
0x263: {  	v61 =	vld [tilespmem:s31+$0x16080];
	v27 =	vadd.f32 v34, v27;
	v12 =	vadd.f32 v12, v23  }
0x264: {  	v34 =	vld [tilespmem:s31+$0x16090];
	v23 =	vsub.f32 v46, v19;
	v8 =	vadd.f32 v62, v52  }
0x265: {  	v46 =	vld [tilespmem:s31+$0x16100];
	v52 =	vmul.f32 v63, v41;
	v10 =	vadd.f32 v31, v10;
	v31 =	vmul.f32 v56, v41  }
0x266: {  	v62 =	vadd.f32 v27, v11;
	v11 =	vld [tilespmem:s31+$0x12CA0];
	v27 =	vbroadcast v14, $0x7;
	v63 =	vsub.f32 v39, v24  }
0x267: {  	v39 =	vld [tilespmem:s31+$0x160B0];
	v3 =	vadd.f32 v12, v3;
	v31 =	vadd.f32 v31, v35  }
0x268: {  	v6 =	vadd.f32 v8, v6;
	v8 =	vadd.f32 v59, v33;
	v33 =	vld [tilespmem:s31+$0x12C90];
	v35 =	vmul.f32 v63, v27  }
0x269: {  	v57 =	vadd.f32 v52, v49;
	v50 =	vmul.f32 v23, v27;
	v63 =	vld [tilespmem:s31+$0x16170];
	v9 =	vadd.f32 v31, v9  }
0x26a: {  	v31 =	vmul.f32 v58, v41;
	v23 =	vadd.f32 v35, v24;
	v24 =	vmul.f32 v29, v27;
	v29 =	vld [tilespmem:s31+$0x12CD0]  }
0x26b: {  	v15 =	vsub.f32 v15, v2;
	v7 =	vadd.f32 v57, v7;
	v35 =	vld [tilespmem:s31+$0x12CE0]  }
0x26c: {  	v4 =	vadd.f32 v8, v4;
	v26 =	vadd.f32 v31, v26;
	v31 =	vmul.f32 v60, v41;
	v41 =	vld [tilespmem:s31+$0x12CC0]  }
0x26d: {  	v24 =	vadd.f32 v24, v25;
	v7 =	vadd.f32 v23, v7;
	v23 =	vld [tilespmem:s31+$0x12CF0]  }
0x26e: {  	v25 =	vsub.f32 v51, v17;
	v0 =	vadd.f32 v26, v0;
	v26 =	vld [tilespmem:s31+$0x160A0]  }
0x26f: {  	v20 =	vadd.f32 v31, v20;
	v31 =	vsub.f32 v38, v18;
	v38 =	vld [tilespmem:s31+$0x12CB0]  }
0x270: {  	v12 =	vadd.f32 v50, v19;
	v4 =	vadd.f32 v24, v4;
	v24 =	vld [tilespmem:s31+$0x160F0]  }
0x271: {  	v13 =	vsub.f32 v13, v30;
	v61 =	vsub.f32 v61, v36;
	v52 =	vmul.f32 v25, v27;
	v25 =	vld [tilespmem:s31+$0x12D00]  }
0x272: {  	v9 =	vadd.f32 v12, v9;
	v31 =	vmul.f32 v31, v27;
	v10 =	vadd.f32 v20, v10;
	v20 =	vld [tilespmem:s31+$0x160C0]  }
0x273: {  	v12 =	vadd.f32 v52, v17;
	v17 =	vsub.f32 v28, v16;
	v52 =	vld [tilespmem:s31+$0x12DB0]  }
0x274: {  	v19 =	vsub.f32 v53, v22;
	v28 =	vbroadcast v14, $0x8;
	v18 =	vadd.f32 v31, v18;
	v31 =	vld [tilespmem:s31+$0x160D0]  }
0x275: {  	v53 =	vsub.f32 v54, v21;
	v0 =	vadd.f32 v12, v0;
	v54 =	vmul.f32 v17, v27;
	v17 =	vld [tilespmem:s31+$0x12D10]  }
0x276: {  	v15 =	vmul.f32 v15, v28;
	v6 =	vadd.f32 v18, v6;
	v18 =	vmul.f32 v19, v27;
	v19 =	vld [tilespmem:s31+$0x160E0]  }
0x277: {  	v60 =	vbroadcast v14, $0x9;
	v26 =	vsub.f32 v26, v11;
	v12 =	vadd.f32 v54, v16;
	v16 =	vld [tilespmem:s31+$0x12D20]  }
0x278: {  	v2 =	vadd.f32 v15, v2;
	v15 =	vld [tilespmem:s31+$0x16130];
	v20 =	vsub.f32 v20, v41  }
0x279: {  	v49 =	vmul.f32 v26, v60;
	v26 =	vld [tilespmem:s31+$0x16190];
	v18 =	vadd.f32 v18, v22;
	v22 =	vsub.f32 v43, v1  }
0x27a: {  	v56 =	vmul.f32 v13, v28;
	v24 =	vsub.f32 v24, v23;
	v3 =	vadd.f32 v12, v3;
	v12 =	vld [tilespmem:s31+$0x12D30]  }
0x27b: {  	v51 =	vmul.f32 v20, v60;
	v20 =	vsub.f32 v31, v29;
	v31 =	vld [tilespmem:s31+$0x161A0];
	v22 =	vmul.f32 v22, v27  }
0x27c: {  	v2 =	vadd.f32 v2, v7;
	v8 =	vadd.f32 v18, v62;
	v18 =	vmul.f32 v53, v28;
	v27 =	vld [tilespmem:s31+$0x16120]  }
0x27d: {  	v62 =	vmul.f32 v61, v60;
	v53 =	vld [tilespmem:s31+$0x161B0];
	v19 =	vsub.f32 v19, v35;
	v1 =	vadd.f32 v22, v1  }
0x27e: {  	v61 =	vld [tilespmem:s31+$0x16200];
	v20 =	vmul.f32 v20, v60;
	v18 =	vadd.f32 v18, v21;
	v21 =	vsub.f32 v55, v40  }
0x27f: {  	v22 =	vld [tilespmem:s31+$0x16110];
	v54 =	vmul.f32 v19, v60;
	v15 =	vsub.f32 v15, v12;
	v1 =	vadd.f32 v1, v10  }
0x280: {  	v55 =	vld [tilespmem:s31+$0x12DC0];
	v19 =	vmul.f32 v24, v60;
	v6 =	vadd.f32 v18, v6;
	v10 =	vadd.f32 v56, v30  }
0x281: {  	v57 =	vmul.f32 v21, v28;
	v18 =	vsub.f32 v48, v32;
	v21 =	vld [tilespmem:s31+$0x12D40];
	v30 =	vsub.f32 v47, v37  }
0x282: {  	v24 =	vbroadcast v14, $0xA;
	v47 =	vsub.f32 v39, v38;
	v48 =	vld [tilespmem:s31+$0x12D90];
	v56 =	vadd.f32 v20, v29  }
0x283: {  	v20 =	vld [tilespmem:s31+$0x161C0];
	v29 =	vsub.f32 v46, v25;
	v19 =	vadd.f32 v19, v23  }
0x284: {  	v23 =	vld [tilespmem:s31+$0x161D0];
	v27 =	vsub.f32 v27, v16;
	v15 =	vmul.f32 v15, v24;
	v13 =	vadd.f32 v57, v40  }
0x285: {  	v40 =	vld [tilespmem:s31+$0x16140];
	v58 =	vmul.f32 v18, v28;
	v18 =	vsub.f32 v42, v5;
	v9 =	vadd.f32 v10, v9  }
0x286: {  	v42 =	vld [tilespmem:s31+$0x12D50];
	v59 =	vmul.f32 v30, v28;
	v30 =	vsub.f32 v44, v45;
	v22 =	vsub.f32 v22, v17  }
0x287: {  	v44 =	vld [tilespmem:s31+$0x16160];
	v50 =	vmul.f32 v47, v60;
	v12 =	vadd.f32 v15, v12;
	v4 =	vadd.f32 v13, v4  }
0x288: {  	v57 =	vld [tilespmem:s31+$0x12DD0];
	v7 =	vadd.f32 v58, v32;
	v18 =	vmul.f32 v18, v28;
	v10 =	vadd.f32 v59, v37  }
0x289: {  	v47 =	vld [tilespmem:s31+$0x16250];
	v59 =	vmul.f32 v22, v24;
	v22 =	vmul.f32 v27, v24;
	v20 =	vsub.f32 v20, v55  }
0x28a: {  	v15 =	vld [tilespmem:s31+$0x12E10];
	v5 =	vadd.f32 v18, v5;
	v18 =	vmul.f32 v30, v28;
	v28 =	vsub.f32 v34, v33  }
0x28b: {  	v13 =	vld [tilespmem:s31+$0x16150];
	v7 =	vadd.f32 v7, v8;
	v0 =	vadd.f32 v10, v0  }
0x28c: {  	v32 =	vld [tilespmem:s31+$0x12D60];
	v8 =	vadd.f32 v62, v36;
	v16 =	vadd.f32 v22, v16  }
0x28d: {  	v58 =	vmul.f32 v29, v24;
	v29 =	vld [tilespmem:s31+$0x12DE0];
	v1 =	vadd.f32 v5, v1;
	v43 =	vadd.f32 v18, v45  }
0x28e: {  	v27 =	vld [tilespmem:s31+$0x161F0];
	v6 =	vadd.f32 v8, v6;
	v5 =	vadd.f32 v49, v11  }
0x28f: {  	v30 =	vld [tilespmem:s31+$0x12D70];
	v18 =	vmul.f32 v28, v60;
	v8 =	vadd.f32 v50, v38;
	v11 =	vadd.f32 v51, v41  }
0x290: {  	v62 =	vbroadcast v14, $0xB;
	v36 =	vld [tilespmem:s31+$0x12F30];
	v0 =	vadd.f32 v56, v0;
	v13 =	vsub.f32 v13, v42  }
0x291: {  	v22 =	vld [tilespmem:s31+$0x12E00];
	v18 =	vadd.f32 v18, v33;
	v3 =	vadd.f32 v43, v3  }
0x292: {  	v28 =	vld [tilespmem:s31+$0x12D80];
	v20 =	vmul.f32 v20, v62;
	v5 =	vadd.f32 v5, v9;
	v4 =	vadd.f32 v8, v4  }
0x293: {  	v45 =	vld [tilespmem:s31+$0x16180];
	v7 =	vadd.f32 v11, v7;
	v8 =	vadd.f32 v54, v35  }
0x294: {  	v50 =	vld [tilespmem:s31+$0x16270];
	v11 =	vadd.f32 v58, v25;
	v9 =	vadd.f32 v20, v55  }
0x295: {  	v25 =	vld [tilespmem:s31+$0x12DF0];
	v10 =	vsub.f32 v63, v30;
	v2 =	vadd.f32 v18, v2  }
0x296: {  	v33 =	vld [tilespmem:s31+$0x16300];
	v1 =	vadd.f32 v8, v1;
	v3 =	vadd.f32 v19, v3  }
0x297: {  	v63 =	vld [tilespmem:s31+$0x16220];
	v8 =	vadd.f32 v59, v17;
	v17 =	vsub.f32 v40, v21  }
0x298: {  	v13 =	vmul.f32 v13, v24;
	v18 =	vld [tilespmem:s31+$0x12DA0];
	v6 =	vadd.f32 v11, v6;
	v5 =	vadd.f32 v16, v5  }
0x299: {  	v19 =	vld [tilespmem:s31+$0x161E0];
	v16 =	vsub.f32 v44, v32;
	v4 =	vadd.f32 v12, v4  }
0x29a: {  	v11 =	vsub.f32 v61, v22;
	v13 =	vadd.f32 v13, v42;
	v42 =	vld [tilespmem:s31+$0x12E30]  }
0x29b: {  	v34 =	vsub.f32 v45, v28;
	v41 =	vmul.f32 v10, v24;
	v60 =	vmul.f32 v17, v24;
	v17 =	vld [tilespmem:s31+$0x16210]  }
0x29c: {  	v2 =	vadd.f32 v8, v2;
	v16 =	vmul.f32 v16, v24;
	v24 =	vsub.f32 v26, v48;
	v26 =	vld [tilespmem:s31+$0x12E40]  }
0x29d: {  	v0 =	vadd.f32 v13, v0;
	v44 =	vmul.f32 v34, v62;
	v8 =	vadd.f32 v60, v21;
	v21 =	vld [tilespmem:s31+$0x12E20]  }
0x29e: {  	v20 =	vsub.f32 v27, v25;
	v43 =	vadd.f32 v16, v32;
	v16 =	vld [tilespmem:s31+$0x16230]  }
0x29f: {  	v45 =	vmul.f32 v24, v62;
	v24 =	vsub.f32 v53, v52;
	v53 =	vld [tilespmem:s31+$0x12EA0];
	v13 =	vadd.f32 v44, v28  }
0x2a0: {  	v60 =	vld [tilespmem:s31+$0x12EE0];
	v28 =	vsub.f32 v31, v18;
	v19 =	vsub.f32 v19, v29  }
0x2a1: {  	v31 =	vld [tilespmem:s31+$0x12E50];
	v51 =	vmul.f32 v20, v62;
	v7 =	vadd.f32 v8, v7;
	v8 =	vadd.f32 v41, v30  }
0x2a2: {  	v20 =	vld [tilespmem:s31+$0x16290];
	v1 =	vadd.f32 v43, v1;
	v12 =	vadd.f32 v45, v48;
	v24 =	vmul.f32 v24, v62  }
0x2a3: {  	v44 =	vld [tilespmem:s31+$0x16380];
	v6 =	vadd.f32 v13, v6;
	v17 =	vsub.f32 v17, v15  }
0x2a4: {  	v30 =	vld [tilespmem:s31+$0x16240];
	v46 =	vmul.f32 v28, v62;
	v3 =	vadd.f32 v8, v3;
	v24 =	vadd.f32 v24, v52  }
0x2a5: {  	v48 =	vld [tilespmem:s31+$0x12E70];
	v2 =	vadd.f32 v12, v2;
	v7 =	vadd.f32 v9, v7  }
0x2a6: {  	v27 =	vbroadcast v14, $0xC;
	v41 =	vld [tilespmem:s31+$0x16370];
	v9 =	vadd.f32 v51, v25;
	v8 =	vadd.f32 v46, v18  }
0x2a7: {  	v45 =	vld [tilespmem:s31+$0x12FA0];
	v18 =	vsub.f32 v23, v57;
	v16 =	vsub.f32 v16, v42  }
0x2a8: {  	v28 =	vld [tilespmem:s31+$0x12E60];
	v17 =	vmul.f32 v17, v27;
	v4 =	vadd.f32 v24, v4;
	v3 =	vadd.f32 v9, v3  }
0x2a9: {  	v25 =	vld [tilespmem:s31+$0x162A0];
	v13 =	vsub.f32 v47, v31;
	v5 =	vadd.f32 v8, v5;
	v49 =	vmul.f32 v18, v62  }
0x2aa: {  	v23 =	vld [tilespmem:s31+$0x16260];
	v18 =	vmul.f32 v19, v62;
	v54 =	vadd.f32 v17, v15;
	v55 =	vmul.f32 v16, v27  }
0x2ab: {  	v24 =	vld [tilespmem:s31+$0x16280];
	v16 =	vsub.f32 v30, v26;
	v12 =	vsub.f32 v50, v48;
	v59 =	vmul.f32 v13, v27  }
0x2ac: {  	v52 =	vmul.f32 v11, v27;
	v19 =	vld [tilespmem:s31+$0x12E80];
	v8 =	vadd.f32 v49, v57;
	v18 =	vadd.f32 v18, v29  }
0x2ad: {  	v17 =	vld [tilespmem:s31+$0x162B0];
	v2 =	vadd.f32 v54, v2;
	v57 =	vmul.f32 v16, v27;
	v62 =	vadd.f32 v59, v31  }
0x2ae: {  	v29 =	vld [tilespmem:s31+$0x12E90];
	v12 =	vmul.f32 v12, v27;
	v0 =	vadd.f32 v8, v0;
	v1 =	vadd.f32 v18, v1  }
0x2af: {  	v18 =	vsub.f32 v63, v21;
	v8 =	vadd.f32 v52, v22;
	v22 =	vld [tilespmem:s31+$0x12EB0]  }
0x2b0: {  	v58 =	vadd.f32 v57, v26;
	v63 =	vld [tilespmem:s31+$0x12EF0];
	v12 =	vadd.f32 v12, v48  }
0x2b1: {  	v26 =	vld [tilespmem:s31+$0x162F0];
	v24 =	vsub.f32 v24, v19;
	v15 =	vmul.f32 v18, v27;
	v6 =	vadd.f32 v8, v6  }
0x2b2: {  	v50 =	vld [tilespmem:s31+$0x163C0];
	v8 =	vadd.f32 v55, v42;
	v7 =	vadd.f32 v58, v7  }
0x2b3: {  	v18 =	vld [tilespmem:s31+$0x12EC0];
	v56 =	vadd.f32 v15, v21;
	v21 =	vsub.f32 v23, v28  }
0x2b4: {  	v0 =	vadd.f32 v62, v0;
	v3 =	vadd.f32 v12, v3;
	v15 =	vld [tilespmem:s31+$0x162C0]  }
0x2b5: {  	v16 =	vld [tilespmem:s31+$0x12ED0];
	v20 =	vsub.f32 v20, v29;
	v4 =	vadd.f32 v8, v4;
	v61 =	vmul.f32 v21, v27  }
0x2b6: {  	v23 =	vld [tilespmem:s31+$0x162D0];
	v17 =	vsub.f32 v17, v22;
	v40 =	vsub.f32 v26, v63;
	v27 =	vbroadcast v14, $0xD  }
0x2b7: {  	v5 =	vadd.f32 v56, v5;
	v21 =	vld [tilespmem:s31+$0x162E0];
	v8 =	vadd.f32 v61, v28  }
0x2b8: {  	v28 =	vld [tilespmem:s31+$0x12F00];
	v34 =	vmul.f32 v24, v27;
	v35 =	vmul.f32 v20, v27;
	v24 =	vsub.f32 v25, v53  }
0x2b9: {  	v20 =	vld [tilespmem:s31+$0x12F10];
	v17 =	vmul.f32 v17, v27;
	v15 =	vsub.f32 v15, v18;
	v1 =	vadd.f32 v8, v1  }
0x2ba: {  	v25 =	vld [tilespmem:s31+$0x16310];
	v9 =	vadd.f32 v34, v19;
	v12 =	vadd.f32 v35, v29  }
0x2bb: {  	v19 =	vld [tilespmem:s31+$0x12F20];
	v24 =	vmul.f32 v24, v27;
	v37 =	vadd.f32 v17, v22;
	v22 =	vsub.f32 v23, v16  }
0x2bc: {  	v29 =	vld [tilespmem:s31+$0x16320];
	v15 =	vmul.f32 v15, v27;
	v21 =	vsub.f32 v21, v60;
	v6 =	vadd.f32 v9, v6  }
0x2bd: {  	v17 =	vld [tilespmem:s31+$0x16330];
	v2 =	vadd.f32 v12, v2;
	v11 =	vadd.f32 v24, v53  }
0x2be: {  	v23 =	vld [tilespmem:s31+$0x12F40];
	v4 =	vadd.f32 v37, v4;
	v39 =	vmul.f32 v22, v27;
	v38 =	vadd.f32 v15, v18  }
0x2bf: {  	v22 =	vld [tilespmem:s31+$0x16350];
	v18 =	vmul.f32 v21, v27;
	v8 =	vsub.f32 v33, v28;
	v25 =	vsub.f32 v25, v20  }
0x2c0: {  	v15 =	vld [tilespmem:s31+$0x16340];
	v5 =	vadd.f32 v11, v5;
	v12 =	vadd.f32 v39, v16  }
0x2c1: {  	v21 =	vld [tilespmem:s31+$0x12F50];
	v11 =	vmul.f32 v40, v27;
	v7 =	vadd.f32 v38, v7;
	v13 =	vadd.f32 v18, v60  }
0x2c2: {  	v24 =	vld [tilespmem:s31+$0x16360];
	v18 =	vbroadcast v14, $0xE;
	v26 =	vsub.f32 v29, v19;
	v17 =	vsub.f32 v17, v36  }
0x2c3: {  	v16 =	vld [tilespmem:s31+$0x12F60];
	v0 =	vadd.f32 v12, v0;
	v10 =	vadd.f32 v11, v63  }
0x2c4: {  	v27 =	vld [tilespmem:s31+$0x12F70];
	v8 =	vmul.f32 v8, v18;
	v1 =	vadd.f32 v13, v1;
	v42 =	vmul.f32 v25, v18  }
0x2c5: {  	v49 =	vld [tilespmem:s31+$0x163B0];
	v43 =	vmul.f32 v26, v18;
	v3 =	vadd.f32 v10, v3;
	v15 =	vsub.f32 v15, v23  }
0x2c6: {  	v52 =	vld [tilespmem:s31+$0x12FE0];
	v46 =	vmul.f32 v17, v18;
	v17 =	vsub.f32 v22, v21;
	v8 =	vadd.f32 v8, v28  }
0x2c7: {  	v25 =	vld [tilespmem:s31+$0x12F80];
	v12 =	vadd.f32 v42, v20;
	v13 =	vadd.f32 v43, v19  }
0x2c8: {  	v26 =	vld [tilespmem:s31+$0x12FB0];
	v22 =	vsub.f32 v24, v16;
	v9 =	vadd.f32 v46, v36  }
0x2c9: {  	v19 =	vld [tilespmem:s31+$0x12F90];
	v11 =	vsub.f32 v41, v27;
	v47 =	vmul.f32 v15, v18;
	v6 =	vadd.f32 v8, v6  }
0x2ca: {  	v20 =	vld [tilespmem:s31+$0x16390];
	v17 =	vmul.f32 v17, v18;
	v2 =	vadd.f32 v12, v2;
	v5 =	vadd.f32 v13, v5  }
0x2cb: {  	v15 =	vld [tilespmem:s31+$0x163A0];
	v22 =	vmul.f32 v22, v18;
	v4 =	vadd.f32 v9, v4;
	v48 =	vadd.f32 v47, v23  }
0x2cc: {  	v11 =	vmul.f32 v11, v18;
	v23 =	vld [tilespmem:s31+$0x12FC0];
	v51 =	vadd.f32 v17, v21;
	v10 =	vsub.f32 v44, v25  }
0x2cd: {  	v17 =	vld [tilespmem:s31+$0x12FD0];
	v13 =	vsub.f32 v49, v26;
	v16 =	vadd.f32 v22, v16  }
0x2ce: {  	v14 =	vbroadcast v14, $0xF;
	v21 =	vld [tilespmem:s31+$0x12FF0];
	v11 =	vadd.f32 v11, v27;
	v7 =	vadd.f32 v48, v7  }
0x2cf: {  	v22 =	vld [tilespmem:s31+$0x163F0];
	v18 =	vsub.f32 v20, v19;
	v0 =	vadd.f32 v51, v0  }
0x2d0: {  	v20 =	vld [tilespmem:s31+$0x163D0];
	v10 =	vmul.f32 v10, v14;
	v13 =	vmul.f32 v13, v14;
	v1 =	vadd.f32 v16, v1  }
0x2d1: {  	v15 =	vsub.f32 v15, v45;
	v3 =	vadd.f32 v11, v3;
	v16 =	vmul.f32 v18, v14;
	v18 =	vld [tilespmem:s31+$0x163E0]  }
0x2d2: {  	v10 =	vadd.f32 v10, v25;
	v55 =	vadd.f32 v13, v26  }
0x2d3: {  	v56 =	vsub.f32 v50, v23;
	v16 =	vadd.f32 v16, v19  }
0x2d4: {  	v53 =	vmul.f32 v15, v14;
	v24 =	vadd.f32 v10, v6;
	v59 =	vsub.f32 v22, v21  }
0x2d5: {  	v22 =	vadd.f32 v55, v4;
	v57 =	vsub.f32 v20, v17  }
0x2d6: {  	v54 =	vadd.f32 v53, v45;
	v58 =	vsub.f32 v18, v52  }
0x2d7: {  	p0 =	sne.s32 s24, $0x5;
	v60 =	vmul.f32 v56, v14;
	v19 =	vadd.f32 v16, v2;
	v61 =	vmul.f32 v57, v14  }
.Ltmp2:
0x2d8: {  	v63 =	vmul.f32 v59, v14;
	v28 =	vadd.f32 v54, v5;
	v62 =	vmul.f32 v58, v14;
	(pc) =	sbr.rel @p0 .LBB2_7-.Ltmp2, $4  }
0x2d9: {  	v2 =	vadd.f32 v60, v23;
	v5 =	vadd.f32 v61, v17  }
0x2da: {  	v6 =	vadd.f32 v63, v21;
	v4 =	vadd.f32 v62, v52  }
0x2db: {  	v21 =	vadd.f32 v2, v7;
	v17 =	vadd.f32 v5, v0  }
0x2dc: {  	s24 =	sadd.s32 $0x1, s24;
	v62 =	vadd.f32 v6, v3;
	v16 =	vadd.f32 v4, v1  }
0x2dd: {  	v13 =	vld [tilespmem:s22+$0x80E0]  }
0x2de: {  	v0 =	vld [tilespmem:$0x15800]  }
0x2df: {  	v1 =	vld [tilespmem:$0x18C00]  }
0x2e0: {  	v2 =	vld [tilespmem:$0x15810]  }
0x2e1: {  	v3 =	vld [tilespmem:$0x18C10]  }
0x2e2: {  	v4 =	vld [tilespmem:$0x15820]  }
0x2e3: {  	v5 =	vld [tilespmem:$0x18C20]  }
0x2e4: {  	v6 =	vld [tilespmem:$0x15830]  }
0x2e5: {  	v7 =	vld [tilespmem:$0x18C30]  }
0x2e6: {  	v8 =	vld [tilespmem:$0x15840]  }
0x2e7: {  	v9 =	vld [tilespmem:$0x18C40]  }
0x2e8: {  	v10 =	vld [tilespmem:$0x15850]  }
0x2e9: {  	v11 =	vld [tilespmem:$0x18C50]  }
0x2ea: {  	v12 =	vld [tilespmem:$0x15860]  }
0x2eb: {  	v14 =	vld [tilespmem:$0x18C60]  }
0x2ec: {  	v15 =	vld [tilespmem:$0x15870]  }
0x2ed: {  	v18 =	vld [tilespmem:$0x18C70]  }
0x2ee: {  	v20 =	vld [tilespmem:$0x15880]  }
0x2ef: {  	v23 =	vld [tilespmem:$0x18C80]  }
0x2f0: {  	v25 =	vld [tilespmem:$0x15890]  }
0x2f1: {  	v26 =	vld [tilespmem:$0x18C90]  }
0x2f2: {  	v29 =	vld [tilespmem:$0x158A0]  }
0x2f3: {  	v30 =	vld [tilespmem:$0x18CA0]  }
0x2f4: {  	v31 =	vld [tilespmem:$0x158B0]  }
0x2f5: {  	v32 =	vld [tilespmem:$0x18CB0]  }
0x2f6: {  	v43 =	vld [tilespmem:$0x158C0]  }
0x2f7: {  	v33 =	vld [tilespmem:$0x18CC0];
	v1 =	vsub.f32 v1, v0;
	v3 =	vsub.f32 v3, v2  }
0x2f8: {  	v47 =	vld [tilespmem:$0x18CD0];
	v5 =	vsub.f32 v5, v4;
	v7 =	vsub.f32 v7, v6  }
0x2f9: {  	v49 =	vld [tilespmem:$0x18CE0];
	v27 =	vbroadcast v13, $0x0;
	v9 =	vsub.f32 v9, v8;
	v50 =	vsub.f32 v11, v10  }
0x2fa: {  	v52 =	vld [tilespmem:$0x18CF0];
	v51 =	vsub.f32 v14, v12;
	v18 =	vsub.f32 v18, v15  }
0x2fb: {  	v54 =	vld [tilespmem:$0x18D00];
	v53 =	vbroadcast v13, $0x1;
	v23 =	vsub.f32 v23, v20;
	v1 =	vmul.f32 v1, v27  }
0x2fc: {  	v59 =	vld [tilespmem:$0x18D10];
	v58 =	vsub.f32 v26, v25;
	v41 =	vmul.f32 v3, v27;
	v42 =	vmul.f32 v5, v27  }
0x2fd: {  	v61 =	vld [tilespmem:$0x18D20];
	v63 =	vsub.f32 v32, v31;
	v45 =	vmul.f32 v7, v27;
	v46 =	vmul.f32 v9, v27  }
0x2fe: {  	v34 =	vld [tilespmem:$0x15930];
	v35 =	vsub.f32 v33, v43;
	v11 =	vmul.f32 v51, v27;
	v18 =	vmul.f32 v18, v27  }
0x2ff: {  	v36 =	vld [tilespmem:$0x18D30];
	v57 =	vmul.f32 v23, v53;
	v0 =	vadd.f32 v1, v0;
	v1 =	vadd.f32 v41, v2  }
0x300: {  	v39 =	vld [tilespmem:$0x15940];
	v38 =	vmul.f32 v63, v53;
	v44 =	vadd.f32 v42, v4;
	v4 =	vadd.f32 v45, v6  }
0x301: {  	v14 =	vld [tilespmem:$0x158F0];
	v40 =	vmul.f32 v35, v53;
	v48 =	vadd.f32 v46, v8;
	v55 =	vadd.f32 v11, v12  }
0x302: {  	v3 =	vld [tilespmem:$0x158D0];
	v56 =	vadd.f32 v18, v15;
	v15 =	vadd.f32 v57, v20  }
0x303: {  	v11 =	vld [tilespmem:$0x15910];
	v20 =	vadd.f32 v38, v31;
	v5 =	vadd.f32 v40, v43  }
0x304: {  	v8 =	vmul.f32 v50, v27;
	v41 =	vld [tilespmem:$0x18D40];
	v0 =	vadd.f32 v0, v24;
	v1 =	vadd.f32 v1, v19  }
0x305: {  	v42 =	vld [tilespmem:$0x15950];
	v2 =	vadd.f32 v44, v28;
	v4 =	vadd.f32 v4, v22  }
0x306: {  	v43 =	vld [tilespmem:$0x18D50];
	v6 =	vadd.f32 v48, v21;
	v8 =	vadd.f32 v8, v10  }
0x307: {  	v50 =	vld [tilespmem:$0x15970];
	v10 =	vadd.f32 v55, v16;
	v12 =	vadd.f32 v56, v62  }
0x308: {  	v60 =	vmul.f32 v58, v53;
	v57 =	vld [tilespmem:$0x18D80];
	v62 =	vsub.f32 v30, v29;
	v9 =	vsub.f32 v47, v3  }
0x309: {  	v19 =	vld [tilespmem:$0x158E0];
	v47 =	vsub.f32 v52, v14;
	v8 =	vadd.f32 v8, v17  }
0x30a: {  	v21 =	vld [tilespmem:$0x15900];
	v17 =	vadd.f32 v60, v25;
	v0 =	vadd.f32 v15, v0  }
0x30b: {  	v16 =	vld [tilespmem:$0x15920];
	v4 =	vadd.f32 v20, v4;
	v5 =	vadd.f32 v5, v6  }
0x30c: {  	v55 =	vld [tilespmem:$0x15980];
	v37 =	vmul.f32 v62, v53;
	v60 =	vsub.f32 v36, v34;
	v51 =	vsub.f32 v59, v11  }
0x30d: {  	v52 =	vld [tilespmem:$0x18D70];
	v9 =	vmul.f32 v9, v53;
	v32 =	vsub.f32 v41, v39;
	v1 =	vadd.f32 v17, v1  }
0x30e: {  	v46 =	vld [tilespmem:$0x18D60];
	v15 =	vadd.f32 v37, v29;
	v17 =	vsub.f32 v43, v42  }
0x30f: {  	v44 =	vld [tilespmem:$0x15960];
	v7 =	vsub.f32 v49, v19;
	v3 =	vadd.f32 v9, v3  }
0x310: {  	v48 =	vbroadcast v13, $0x2;
	v49 =	vsub.f32 v54, v21;
	v18 =	vsub.f32 v61, v16  }
0x311: {  	v58 =	vld [tilespmem:$0x15990];
	v41 =	vsub.f32 v57, v55;
	v2 =	vadd.f32 v15, v2  }
0x312: {  	v61 =	vld [tilespmem:$0x18D90];
	v17 =	vmul.f32 v17, v48;
	v23 =	vsub.f32 v52, v50;
	v45 =	vmul.f32 v7, v53  }
0x313: {  	v33 =	vld [tilespmem:$0x159B0];
	v3 =	vadd.f32 v3, v8;
	v53 =	vmul.f32 v47, v53;
	v54 =	vmul.f32 v49, v48  }
0x314: {  	v35 =	vld [tilespmem:$0x159C0];
	v59 =	vmul.f32 v18, v48;
	v7 =	vsub.f32 v46, v44;
	v38 =	vadd.f32 v17, v42  }
0x315: {  	v31 =	vld [tilespmem:$0x18DA0];
	v6 =	vadd.f32 v45, v19;
	v8 =	vadd.f32 v53, v14  }
0x316: {  	v40 =	vld [tilespmem:$0x159D0];
	v56 =	vmul.f32 v51, v48;
	v9 =	vadd.f32 v54, v21;
	v63 =	vadd.f32 v59, v16  }
0x317: {  	v62 =	vld [tilespmem:$0x159A0];
	v30 =	vmul.f32 v60, v48;
	v21 =	vsub.f32 v61, v58;
	v3 =	vadd.f32 v38, v3  }
0x318: {  	v36 =	vld [tilespmem:$0x18DC0];
	v16 =	vmul.f32 v32, v48;
	v6 =	vadd.f32 v6, v10;
	v10 =	vadd.f32 v56, v11  }
0x319: {  	v43 =	vld [tilespmem:$0x159E0];
	v7 =	vmul.f32 v7, v48;
	v8 =	vadd.f32 v8, v12;
	v0 =	vadd.f32 v9, v0  }
0x31a: {  	v13 =	vbroadcast v13, $0x3;
	v42 =	vld [tilespmem:$0x18DD0];
	v11 =	vadd.f32 v30, v34;
	v2 =	vadd.f32 v63, v2  }
0x31b: {  	v45 =	vld [tilespmem:$0x18DE0];
	v37 =	vadd.f32 v16, v39;
	v39 =	vmul.f32 v23, v48;
	v7 =	vadd.f32 v7, v44  }
0x31c: {  	v49 =	vld [tilespmem:$0x18DF0];
	v12 =	vsub.f32 v31, v62;
	v1 =	vadd.f32 v10, v1  }
0x31d: {  	v34 =	vld [tilespmem:$0x18DB0];
	v44 =	vmul.f32 v41, v13;
	v4 =	vadd.f32 v11, v4;
	v17 =	vadd.f32 v39, v50  }
0x31e: {  	v48 =	vld [tilespmem:$0x159F0];
	v5 =	vadd.f32 v37, v5;
	v6 =	vadd.f32 v7, v6  }
0x31f: {  	v47 =	vmul.f32 v21, v13;
	v11 =	vadd.f32 v44, v55;
	v10 =	vsub.f32 v36, v35  }
0x320: {  	v51 =	vmul.f32 v12, v13;
	v53 =	vsub.f32 v42, v40;
	v54 =	vsub.f32 v45, v43  }
0x321: {  	v46 =	vadd.f32 v17, v8;
	v8 =	vadd.f32 v47, v58  }
0x322: {  	v0 =	vadd.f32 v11, v0;
	v9 =	vadd.f32 v51, v62;
	v10 =	vmul.f32 v10, v13  }
0x323: {  	v12 =	vmul.f32 v53, v13;
	v50 =	vsub.f32 v34, v33;
	v55 =	vsub.f32 v49, v48  }
0x324: {  	v57 =	vmul.f32 v54, v13;
	v1 =	vadd.f32 v8, v1;
	v56 =	vadd.f32 v10, v35  }
0x325: {  	v2 =	vadd.f32 v9, v2;
	[tilespmem:s23+$0x19000] =	vst v0;
	v58 =	vadd.f32 v12, v40;
	v52 =	vmul.f32 v50, v13  }
0x326: {  	s21 =	sadd.s32 $0x1, s21;
	v59 =	vmul.f32 v55, v13;
	v0 =	vadd.f32 v57, v43;
	[tilespmem:s22+$0x19090] =	vst v1;
	v60 =	vadd.f32 v56, v5  }
0x327: {  	p0 =	sne.s32 s21, $0x40;
	[tilespmem:s22+$0x190A0] =	vst v2;
	v61 =	vadd.f32 v58, v3;
	v8 =	vadd.f32 v52, v33  }
.Ltmp3:
0x328: {  	v62 =	vadd.f32 v59, v48;
	v0 =	vadd.f32 v0, v6;
	[tilespmem:s22+$0x190C0] =	vst v60;
	(pc) =	sbr.rel @p0 .LBB2_4-.Ltmp3, $4  }
0x329: {  	[tilespmem:s22+$0x190D0] =	vst v61;
	v4 =	vadd.f32 v8, v4  }
0x32a: {  	v63 =	vadd.f32 v62, v46;
	[tilespmem:s22+$0x190E0] =	vst v0  }
0x32b: {  	[tilespmem:s22+$0x190B0] =	vst v4  }
0x32c: {  	[tilespmem:s22+$0x190F0] =	vst v63  }
0x32d: {  	[hbm4b:s5+s3] =	stream.linear.scatter [tilespmem:s19], [sflag:$0x5], $0x4000, $0x38;
	[tilespmem:$0x1D000] =	vst v63  }
0x32e: {  	_ =	swait.ge [sflag:s8], $0x4000  }
0x32f: {  	v4 =	vld [tilespmem:$0x1FF30]  }
0x330: {  	v5 =	vld [tilespmem:$0x1FF40]  }
0x331: {  	v6 =	vld [tilespmem:$0x1FF50]  }
0x332: {  	v7 =	vld [tilespmem:$0x1FF60]  }
0x333: {  	v8 =	vld [tilespmem:$0x1FF70]  }
0x334: {  	v9 =	vld [tilespmem:$0x1FF80]  }
0x335: {  	s20 =	sadd.s32 $0x1, s20;
	v10 =	vld [tilespmem:$0x1FF90]  }
0x336: {  	p0 =	sne.s32 s20, s6;
	v11 =	vld [tilespmem:$0x1FFA0]  }
.Ltmp4:
0x337: {  	v12 =	vld [tilespmem:$0x1FFB0];
	(pc) =	sbr.rel @p0 .LBB2_1-.Ltmp4, $4  }
0x338: {  	v26 =	vld [tilespmem:$0x1FFF0]  }
0x339: {  	v23 =	vld [tilespmem:$0x1FFC0]  }
0x33a: {  	[sflag:s8] =	ssyncset.done $0x0;
	v25 =	vld [tilespmem:$0x1FFE0]  }
0x33b: {  	v24 =	vld [tilespmem:$0x1FFD0];
	[sflag:s8] =	ssyncadd.s32 $0xFFFFC000  }
0x33c: {  	_ =	sfence.sel $0x180000  }
0x33d: {  	[bflag:$0x0] =	sbarrier.arrive $0xFFFF  }
0x33e: {  	p0 =	sne.s32 s1, $0x0;
	_ =	strace $0x90000047  }
0x33f: {  	s0 =	sadd.s32 @!p0 $0x100000, s0;
	[bflag:$0x2] =	sbarrier.arrive $0xFFFF  }
0x340: {  	[sflag:s0] =	ssyncadd.tile.s32 @!p0 $0x1;
	_ =	shalt  }
.Lfunc_end2:
_tile_overlayer_lowered:
.L_overlay_start_2:
0x341: {  	(tag) =	ssettag $0x2  }
0x342: {  	s0 =	rddreg [dreg:$0x0];
	s2 =	stileid.u32  }
0x343: {  	s1 =	rddreg [dreg:$0x1];
	p0 =	sne.s32 s2, $0x0  }
0x344: {  	s3 =	rddreg [dreg:$0x2];
	[bflag:$0x3] =	sbarrier.arrive $0xFFFF;
	s2 =	simm.s32 @!p0 $0x1C05  }
0x345: {  	[timem:s3], [sflag:s2] =	dma.local @!p0 [hbm:s0], s1  }
0x346: {  	s0 =	simm.s32 @!p0 $0x5  }
0x347: {  	_ =	swait.ge @!p0 [sflag:s0], s1  }
0x348: {  	s1 =	ssub.s32 @!p0 $0x0, s1;
	[sflag:s0] =	ssyncset.done @!p0 $0x0  }
0x349: {  	[sflag:s0] =	ssyncadd.s32 @!p0 s1  }
0x34a: {  	[bflag:$0x3] =	sbarrier.arrive $0xFFFF  }
0x34b: {  	_ =	shalt  }

</sc_bundles>
